<compile_context>
chip_gen: v7x
topology: tpu7x:2x2x1
jax: 0.10.2.dev20260603
libtpu: 0.0.44.dev20260713+nightly
codegen_flags: <defaults>
</compile_context>

<pallas_src>
import functools

import jax
import jax.numpy as jnp
from jax import lax
from jax.experimental import pallas as pl
from jax.experimental.pallas import tpu as pltpu
from jax.experimental.pallas import tpu_sc as plsc

N = 10000
E = 320000
F = 128
HALF = 64
NEG = 0.2

NC = 2
NS = 16
L = 16

EPT = E // (NC * NS)
C = 80
NCH = EPT // C



BR = 1024


def _prep_body(x_ref, w_ref, al_ref, ar_ref, f_ref, el_ref, er_ref):
    feat = jnp.dot(x_ref[...], w_ref[...], preferred_element_type=jnp.float32)
    f_ref[...] = feat
    el_ref[...] = jnp.dot(feat, al_ref[...], preferred_element_type=jnp.float32)
    er_ref[...] = jnp.dot(feat, ar_ref[...], preferred_element_type=jnp.float32)


def _prep(x, W, al, ar):
    grid = (N + BR - 1) // BR
    return pl.pallas_call(
        _prep_body,
        grid=(grid,),
        in_specs=[
            pl.BlockSpec((BR, F), lambda r: (r, 0)),
            pl.BlockSpec((F, F), lambda r: (0, 0)),
            pl.BlockSpec((F, 1), lambda r: (0, 0)),
            pl.BlockSpec((F, 1), lambda r: (0, 0)),
        ],
        out_specs=[
            pl.BlockSpec((BR, F), lambda r: (r, 0)),
            pl.BlockSpec((BR, 1), lambda r: (r, 0)),
            pl.BlockSpec((BR, 1), lambda r: (r, 0)),
        ],
        out_shape=[
            jax.ShapeDtypeStruct((N, F), jnp.float32),
            jax.ShapeDtypeStruct((N, 1), jnp.float32),
            jax.ShapeDtypeStruct((N, 1), jnp.float32),
        ],
    )(x, W, al, ar)



def _edge_body(f_hbm, el_hbm, er_hbm, src_hbm, dst_hbm,
               out_hbm, esum_hbm,
               srcb0_v, srcb1_v, dstb0_v, dstb1_v, elb0_v, elb1_v,
               erb0_v, erb1_v, wb_v, rows0_v, rows1_v, sbuf_v, zb2_v,
               zb1_v, acc_sp, esum_sp, sem0, sem1):
    c = lax.axis_index("c")
    s = lax.axis_index("s")
    srcb = (srcb0_v, srcb1_v)
    dstb = (dstb0_v, dstb1_v)
    elb = (elb0_v, elb1_v)
    erb = (erb0_v, erb1_v)
    rows = (rows0_v, rows1_v)
    sems = (sem0, sem1)

    def _zb2(i, _):
        r = i // 8
        k = lax.rem(i, 8)
        zb2_v[r, pl.ds(k * L, L)] = jnp.zeros((L,), jnp.float32)
        return 0
    lax.fori_loop(0, 80 * 8, _zb2, 0)

    def _zb1(i, _):
        zb1_v[pl.ds(i * L, L)] = jnp.zeros((L,), jnp.float32)
        return 0
    lax.fori_loop(0, 1024 // L, _zb1, 0)

    @pl.when(s == 0)
    def _():
        for q in range(N // 80):
            pltpu.sync_copy(zb2_v, acc_sp.at[pl.ds(q * 80, 80)])

    @pl.when(s == 0)
    def _():
        for q in range(9):
            pltpu.sync_copy(zb1_v, esum_sp.at[pl.ds(q * 1024, 1024)])
        pltpu.sync_copy(zb1_v.at[pl.ds(0, N - 9 * 1024)],
                        esum_sp.at[pl.ds(9 * 1024, N - 9 * 1024)])

    plsc.subcore_barrier()

    ebase = (c * NS + s) * EPT

    def _prime(b, j):
        pltpu.async_copy(src_hbm.at[pl.ds(ebase + j * C, C)], srcb[b], sems[b])
        pltpu.async_copy(dst_hbm.at[pl.ds(ebase + j * C, C)], dstb[b], sems[b])
        pltpu.make_async_copy(src_hbm.at[pl.ds(ebase + j * C, C)],
                              srcb[b], sems[b]).wait()
        pltpu.make_async_copy(dst_hbm.at[pl.ds(ebase + j * C, C)],
                              dstb[b], sems[b]).wait()
        pltpu.async_copy(el_hbm.at[srcb[b]], elb[b], sems[b])
        pltpu.async_copy(er_hbm.at[dstb[b]], erb[b], sems[b])
        pltpu.async_copy(f_hbm.at[srcb[b]], rows[b], sems[b])

    def _process(b):
        pltpu.make_async_copy(el_hbm.at[srcb[b]], elb[b], sems[b]).wait()
        pltpu.make_async_copy(er_hbm.at[dstb[b]], erb[b], sems[b]).wait()
        pltpu.make_async_copy(f_hbm.at[srcb[b]], rows[b], sems[b]).wait()

        def _w(i, _):
            e = elb[b][pl.ds(i * L, L)] + erb[b][pl.ds(i * L, L)]
            e = jnp.where(e >= 0.0, e, e * NEG)
            wb_v[pl.ds(i * L, L)] = jnp.exp(e)
            return 0
        lax.fori_loop(0, C // L, _w, 0)

        pltpu.sync_copy(wb_v, esum_sp.at[dstb[b]], add=True)

        def _row(r, _):
            wsp = plsc.load_gather(wb_v, [jnp.full((L,), r, jnp.int32)])
            for k in range(F // L):
                sbuf_v[r, pl.ds(k * L, L)] = rows[b][r, pl.ds(k * L, L)] * wsp
            return 0
        lax.fori_loop(0, C, _row, 0)

        pltpu.sync_copy(sbuf_v, acc_sp.at[dstb[b]], add=True)

    _prime(0, jnp.int32(0))

    def _pair_body(t, _):
        ja = 2 * t
        jb = ja + 1

        @pl.when(jb < NCH)
        def _():
            _prime(1, jb)
        _process(0)

        @pl.when(ja + 2 < NCH)
        def _():
            _prime(0, ja + 2)

        @pl.when(jb < NCH)
        def _():
            _process(1)
        return 0
    lax.fori_loop(0, (NCH + 1) // 2, _pair_body, 0)

    plsc.subcore_barrier()

    @pl.when(jnp.logical_and(c == 0, s == 0))
    def _():
        pltpu.sync_copy(acc_sp, out_hbm.at[0])
        pltpu.sync_copy(esum_sp, esum_hbm.at[0])

    @pl.when(jnp.logical_and(c == 1, s == 0))
    def _():
        pltpu.sync_copy(acc_sp, out_hbm.at[1])
        pltpu.sync_copy(esum_sp, esum_hbm.at[1])


_edge_call = functools.partial(
    pl.kernel,
    out_type=(
        jax.ShapeDtypeStruct((NC, N, F), jnp.float32),
        jax.ShapeDtypeStruct((NC, N), jnp.float32),
    ),
    mesh=plsc.VectorSubcoreMesh(
        core_axis_name="c", subcore_axis_name="s",
        num_cores=NC, num_subcores=NS),
    compiler_params=pltpu.CompilerParams(needs_layout_passes=False),
    scratch_types=[
        pltpu.VMEM((C,), jnp.int32),
        pltpu.VMEM((C,), jnp.int32),
        pltpu.VMEM((C,), jnp.int32),
        pltpu.VMEM((C,), jnp.int32),
        pltpu.VMEM((C,), jnp.float32),
        pltpu.VMEM((C,), jnp.float32),
        pltpu.VMEM((C,), jnp.float32),
        pltpu.VMEM((C,), jnp.float32),
        pltpu.VMEM((C,), jnp.float32),
        pltpu.VMEM((C, F), jnp.float32),
        pltpu.VMEM((C, F), jnp.float32),
        pltpu.VMEM((C, F), jnp.float32),
        pltpu.VMEM((80, F), jnp.float32),
        pltpu.VMEM((1024,), jnp.float32),
        pltpu.VMEM_SHARED((N, F), jnp.float32),
        pltpu.VMEM_SHARED((N,), jnp.float32),
        pltpu.SemaphoreType.DMA,
        pltpu.SemaphoreType.DMA,
    ],
)(_edge_body)



def _comb_body(u_ref, es_ref, b_ref, o_ref):
    u = u_ref[...]
    es = jnp.maximum(es_ref[0] + es_ref[1], 1e-16)
    o_ref[...] = (u[0] + u[1]) / es + b_ref[...]


def _comb(rstU, esum3, bias2):
    grid = ((N + BR - 1) // BR,)
    return pl.pallas_call(
        _comb_body,
        grid=grid,
        in_specs=[
            pl.BlockSpec((NC, BR, F), lambda r: (0, r, 0)),
            pl.BlockSpec((NC, BR, 1), lambda r: (0, r, 0)),
            pl.BlockSpec((1, F), lambda r: (0, 0)),
        ],
        out_specs=pl.BlockSpec((BR, F), lambda r: (r, 0)),
        out_shape=jax.ShapeDtypeStruct((N, F), jnp.float32),
    )(rstU, esum3, bias2)



def kernel(x, edge_index, W, attn_l, attn_r, bias):
    al = attn_l.reshape(F, 1)
    ar = attn_r.reshape(F, 1)
    feat, el, er = _prep(x, W, al, ar)
    src = edge_index[0]
    dst = edge_index[1]
    rstU, esum = _edge_call(feat, el.reshape(N), er.reshape(N), src, dst)
    return _comb(rstU, esum.reshape(NC, N, 1), bias.reshape(1, F))

# --- scband reference (transcript-rebuilt; emitter-appended) ---
"""Pipeline reference for scband-gatconv-dgl-32126355374977 (READ-ONLY COPY).

The authoritative reference and input builder live on the scoring server;
editing this copy changes nothing except your own understanding.
"""

import jax, jax.numpy as jnp
import numpy as np

N = 10000
E = 320000
IN = 128
H = 1
OUT = 128
NEG_SLOPE = 0.2


def setup_inputs(seed: int = 0) -> dict:
    key = jax.random.key(seed)
    k1, k2, k3, k4, k5, k6 = jax.random.split(key, 6)
    x = jax.random.normal(k1, (N, IN), dtype=jnp.float32)
    edge_index = jax.random.randint(k2, (2, E), 0, N, dtype=jnp.int32)
    W = jax.random.normal(k3, (IN, H * OUT), dtype=jnp.float32) * (1.0 / np.sqrt(IN))
    attn_l = jax.random.normal(k4, (H, OUT), dtype=jnp.float32) * 0.1
    attn_r = jax.random.normal(k5, (H, OUT), dtype=jnp.float32) * 0.1
    bias = jax.random.normal(k6, (H * OUT,), dtype=jnp.float32) * 0.01
    return {"x": x, "edge_index": edge_index, "W": W, "attn_l": attn_l, "attn_r": attn_r, "bias": bias}


def reference(x, edge_index, W, attn_l, attn_r, bias):
    # DGL GATConv with allow_zero_in_degree=True, followed by mean over heads
    src = edge_index[0]
    dst = edge_index[1]
    feat = (x @ W).reshape(N, H, OUT)                       # [N,H,OUT]
    el = jnp.sum(feat * attn_l[None, :, :], axis=-1)        # [N,H]
    er = jnp.sum(feat * attn_r[None, :, :], axis=-1)        # [N,H]
    e = jax.nn.leaky_relu(el[src] + er[dst], negative_slope=NEG_SLOPE)  # [E,H]
    # edge softmax over destination nodes
    emax = jax.ops.segment_max(e, dst, num_segments=N)      # [N,H]
    emax = jnp.where(jnp.isfinite(emax), emax, 0.0)
    e_exp = jnp.exp(e - emax[dst])                          # [E,H]
    esum = jax.ops.segment_sum(e_exp, dst, num_segments=N)  # [N,H]
    a = e_exp / jnp.maximum(esum[dst], 1e-16)               # [E,H]
    msg = feat[src] * a[:, :, None]                         # [E,H,OUT]
    rst = jax.ops.segment_sum(msg, dst, num_segments=N)     # [N,H,OUT]
    rst = rst + bias.reshape(1, H, OUT)
    return rst.mean(axis=1)                                 # [N,OUT]

if __name__ == "__main__":
    import jax
    _d = setup_inputs()
    print(jax.jit(kernel)(*tuple(_d.values())))

</pallas_src>

<mosaic_0001>
#map = affine_map<(d0, d1) -> (0, 0)>
#map1 = affine_map<(d0, d1) -> (0)>
#map2 = affine_map<(d0, d1) -> (0, 0, 0)>
module attributes {stable_mosaic.version = 14 : i64} {
  func.func @_edge_body(%arg0: i32, %arg1: i32, %arg2: memref<10000x128xf32, #tpu.memory_space<hbm>>, %arg3: memref<10000xf32, #tpu.memory_space<hbm>>, %arg4: memref<10000xf32, #tpu.memory_space<hbm>>, %arg5: memref<320000xi32, #tpu.memory_space<hbm>>, %arg6: memref<320000xi32, #tpu.memory_space<hbm>>, %arg7: memref<2x10000x128xf32, #tpu.memory_space<hbm>>, %arg8: memref<2x10000xf32, #tpu.memory_space<hbm>>, %arg9: memref<80xi32, #tpu.memory_space<vmem>>, %arg10: memref<80xi32, #tpu.memory_space<vmem>>, %arg11: memref<80xi32, #tpu.memory_space<vmem>>, %arg12: memref<80xi32, #tpu.memory_space<vmem>>, %arg13: memref<80xf32, #tpu.memory_space<vmem>>, %arg14: memref<80xf32, #tpu.memory_space<vmem>>, %arg15: memref<80xf32, #tpu.memory_space<vmem>>, %arg16: memref<80xf32, #tpu.memory_space<vmem>>, %arg17: memref<80xf32, #tpu.memory_space<vmem>>, %arg18: memref<80x128xf32, #tpu.memory_space<vmem>>, %arg19: memref<80x128xf32, #tpu.memory_space<vmem>>, %arg20: memref<80x128xf32, #tpu.memory_space<vmem>>, %arg21: memref<80x128xf32, #tpu.memory_space<vmem>>, %arg22: memref<1024xf32, #tpu.memory_space<vmem>>, %arg23: memref<10000x128xf32, #tpu.memory_space<vmem_shared>>, %arg24: memref<10000xf32, #tpu.memory_space<vmem_shared>>, %arg25: memref<!tpu.dma_semaphore, #tpu.memory_space<semaphore_mem>>, %arg26: memref<!tpu.dma_semaphore, #tpu.memory_space<semaphore_mem>>) attributes {dimension_semantics = [#tpu.dimension_semantics<core_parallel>, #tpu.dimension_semantics<subcore_parallel>], iteration_bounds = array<i64: 2, 16>, scalar_prefetch = 0 : i64, scratch_operands = 18 : i64, tpu.core_type = #tpu.core_type<sc_vector_subcore>, window_params = [{transform_indices = #map}, {transform_indices = #map1}, {transform_indices = #map1}, {transform_indices = #map1}, {transform_indices = #map1}, {transform_indices = #map2}, {transform_indices = #map}]} {
    %scan3A = arith.constant 0 : i32
    %scan3A_0 = arith.constant 0 : i32
    %scan3A_1 = arith.constant 640 : i32
    %scan3A_2 = arith.addi %scan3A_0, %scan3A_1 : i32
    %scan3A_3 = arith.constant 1 : i32
    %scan3A_4 = scf.for %scan3A_75 = %scan3A_0 to %scan3A_2 step %scan3A_3 iter_args(%scan3A_76 = %scan3A) -> (i32)  : i32 {
      %jit3A = arith.constant 8 : i32
      %div3A = arith.divsi %scan3A_75, %jit3A : i32
      %sign3A = arith.constant 0 : i32
      %sign3A_77 = arith.cmpi sgt, %scan3A_75, %sign3A : i32
      %sign3A_78 = arith.extui %sign3A_77 : i1 to i32
      %sign3A_79 = arith.constant 0 : i32
      %sign3A_80 = arith.cmpi slt, %scan3A_75, %sign3A_79 : i32
      %sign3A_81 = arith.extui %sign3A_80 : i1 to i32
      %sign3A_82 = arith.subi %sign3A_78, %sign3A_81 : i32
      %sign3A_83 = arith.constant 0 : i32
      %sign3A_84 = arith.cmpi sgt, %jit3A, %sign3A_83 : i32
      %sign3A_85 = arith.extui %sign3A_84 : i1 to i32
      %sign3A_86 = arith.constant 0 : i32
      %sign3A_87 = arith.cmpi slt, %jit3A, %sign3A_86 : i32
      %sign3A_88 = arith.extui %sign3A_87 : i1 to i32
      %sign3A_89 = arith.subi %sign3A_85, %sign3A_88 : i32
      %ne3A = arith.cmpi ne, %sign3A_82, %sign3A_89 : i32
      %rem3A = arith.remsi %scan3A_75, %jit3A : i32
      %ne3A_90 = arith.constant 0 : i32
      %ne3A_91 = arith.cmpi ne, %rem3A, %ne3A_90 : i32
      %and3A_92 = arith.andi %ne3A, %ne3A_91 : i1
      %sub3A = arith.constant 1 : i32
      %sub3A_93 = arith.subi %div3A, %sub3A : i32
      %select_n3A = arith.select %and3A_92, %sub3A_93, %div3A : i32
      %rem3A_94 = arith.constant 8 : i32
      %rem3A_95 = arith.remsi %scan3A_75, %rem3A_94 : i32
      %broadcast_in_dim3A = arith.constant 0.000000e+00 : f32
      %broadcast_in_dim3A_96 = vector.broadcast %broadcast_in_dim3A : f32 to vector<16xf32>
      %mul3A_97 = arith.constant 16 : i32
      %mul3A_98 = arith.muli %rem3A_95, %mul3A_97 : i32
      %swap3A = arith.index_cast %select_n3A : i32 to index
      %swap3A_99 = arith.index_cast %mul3A_98 : i32 to index
      %swap3A_100 = tpu.vector_load %arg21[%swap3A, %swap3A_99] {strides = array<i32>} : memref<80x128xf32, #tpu.memory_space<vmem>>, vector<16xf32>,
      tpu.vector_store %arg21[%swap3A, %swap3A_99], %broadcast_in_dim3A_96 {strides = array<i32>} : memref<80x128xf32, #tpu.memory_space<vmem>>, vector<16xf32>,
      %scan3A_101 = arith.constant 0 : i32
      scf.yield %scan3A_101 : i32
    }
    %scan3A_5 = arith.constant 640 : i32
    %scan3A_6 = arith.constant 0 : i32
    %scan3A_7 = arith.constant 0 : i32
    %scan3A_8 = arith.constant 64 : i32
    %scan3A_9 = arith.addi %scan3A_7, %scan3A_8 : i32
    %scan3A_10 = arith.constant 1 : i32
    %scan3A_11 = scf.for %scan3A_75 = %scan3A_7 to %scan3A_9 step %scan3A_10 iter_args(%scan3A_76 = %scan3A_6) -> (i32)  : i32 {
      %broadcast_in_dim3A = arith.constant 0.000000e+00 : f32
      %broadcast_in_dim3A_77 = vector.broadcast %broadcast_in_dim3A : f32 to vector<16xf32>
      %mul3A_78 = arith.constant 16 : i32
      %mul3A_79 = arith.muli %scan3A_75, %mul3A_78 : i32
      %swap3A = arith.index_cast %mul3A_79 : i32 to index
      %swap3A_80 = tpu.vector_load %arg22[%swap3A] {strides = array<i32>} : memref<1024xf32, #tpu.memory_space<vmem>>, vector<16xf32>,
      tpu.vector_store %arg22[%swap3A], %broadcast_in_dim3A_77 {strides = array<i32>} : memref<1024xf32, #tpu.memory_space<vmem>>, vector<16xf32>,
      %scan3A_81 = arith.constant 0 : i32
      scf.yield %scan3A_81 : i32
    }
    %scan3A_12 = arith.constant 64 : i32
    %eq3A = arith.constant 0 : i32
    %eq3A_13 = arith.cmpi eq, %arg1, %eq3A : i32
    %convert_element_type3A = arith.extui %eq3A_13 : i1 to i32
    %cond3A = arith.constant 0 : i32
    %cond3A_14 = arith.cmpi ne, %convert_element_type3A, %cond3A : i32
    scf.if %cond3A_14 {
      "tpu.region"() ({
        %run_scoped3A = tpu.sem_alloc : memref<!tpu.dma_semaphore, #tpu.memory_space<semaphore_mem>>
        %dma_start3A_75 = arith.constant 0 : i32
        %dma_start3A_76 = arith.constant 0 : i32
        %dma_start3A_77 = tpu.memref_slice %arg23[%dma_start3A_75, %dma_start3A_76] : memref<10000x128xf32, #tpu.memory_space<vmem_shared>> -> memref<80x128xf32, #tpu.memory_space<vmem_shared>>
        %dma_start3A_78 = arith.constant 0 : i32
        %dma_start3A_79 = arith.constant 0 : i32
        %dma_start3A_80 = tpu.memref_slice %arg23[%dma_start3A_78, %dma_start3A_79] : memref<10000x128xf32, #tpu.memory_space<vmem_shared>> -> memref<80x128xf32, #tpu.memory_space<vmem_shared>>
        tpu.enqueue_dma source(%arg21 : memref<80x128xf32, #tpu.memory_space<vmem>>) target(%dma_start3A_80 : memref<80x128xf32, #tpu.memory_space<vmem_shared>>) target_semaphore(%run_scoped3A : memref<!tpu.dma_semaphore, #tpu.memory_space<semaphore_mem>>)
        %dma_wait3A_81 = arith.constant 0 : i32
        %dma_wait3A_82 = arith.constant 0 : i32
        %dma_wait3A_83 = tpu.memref_slice %arg23[%dma_wait3A_81, %dma_wait3A_82] : memref<10000x128xf32, #tpu.memory_space<vmem_shared>> -> memref<80x128xf32, #tpu.memory_space<vmem_shared>>
        %dma_wait3A_84 = arith.constant 0 : i32
        %dma_wait3A_85 = arith.constant 0 : i32
        %dma_wait3A_86 = tpu.memref_slice %arg23[%dma_wait3A_84, %dma_wait3A_85] : memref<10000x128xf32, #tpu.memory_space<vmem_shared>> -> memref<80x128xf32, #tpu.memory_space<vmem_shared>>
        tpu.wait_dma2 semaphore(%run_scoped3A : memref<!tpu.dma_semaphore, #tpu.memory_space<semaphore_mem>>) src(%arg21 : memref<80x128xf32, #tpu.memory_space<vmem>>) dst(%dma_wait3A_86 : memref<80x128xf32, #tpu.memory_space<vmem_shared>>)
        tpu.yield
      }) : () -> ()
      "tpu.region"() ({
        %run_scoped3A = tpu.sem_alloc : memref<!tpu.dma_semaphore, #tpu.memory_space<semaphore_mem>>
        %dma_start3A_75 = arith.constant 80 : i32
        %dma_start3A_76 = arith.constant 0 : i32
        %dma_start3A_77 = tpu.memref_slice %arg23[%dma_start3A_75, %dma_start3A_76] : memref<10000x128xf32, #tpu.memory_space<vmem_shared>> -> memref<80x128xf32, #tpu.memory_space<vmem_shared>>
        %dma_start3A_78 = arith.constant 80 : i32
        %dma_start3A_79 = arith.constant 0 : i32
        %dma_start3A_80 = tpu.memref_slice %arg23[%dma_start3A_78, %dma_start3A_79] : memref<10000x128xf32, #tpu.memory_space<vmem_shared>> -> memref<80x128xf32, #tpu.memory_space<vmem_shared>>
        tpu.enqueue_dma source(%arg21 : memref<80x128xf32, #tpu.memory_space<vmem>>) target(%dma_start3A_80 : memref<80x128xf32, #tpu.memory_space<vmem_shared>>) target_semaphore(%run_scoped3A : memref<!tpu.dma_semaphore, #tpu.memory_space<semaphore_mem>>)
        %dma_wait3A_81 = arith.constant 80 : i32
        %dma_wait3A_82 = arith.constant 0 : i32
        %dma_wait3A_83 = tpu.memref_slice %arg23[%dma_wait3A_81, %dma_wait3A_82] : memref<10000x128xf32, #tpu.memory_space<vmem_shared>> -> memref<80x128xf32, #tpu.memory_space<vmem_shared>>
        %dma_wait3A_84 = arith.constant 80 : i32
        %dma_wait3A_85 = arith.constant 0 : i32
        %dma_wait3A_86 = tpu.memref_slice %arg23[%dma_wait3A_84, %dma_wait3A_85] : memref<10000x128xf32, #tpu.memory_space<vmem_shared>> -> memref<80x128xf32, #tpu.memory_space<vmem_shared>>
        tpu.wait_dma2 semaphore(%run_scoped3A : memref<!tpu.dma_semaphore, #tpu.memory_space<semaphore_mem>>) src(%arg21 : memref<80x128xf32, #tpu.memory_space<vmem>>) dst(%dma_wait3A_86 : memref<80x128xf32, #tpu.memory_space<vmem_shared>>)
        tpu.yield
      }) : () -> ()
      "tpu.region"() ({
        %run_scoped3A = tpu.sem_alloc : memref<!tpu.dma_semaphore, #tpu.memory_space<semaphore_mem>>
        %dma_start3A_75 = arith.constant 160 : i32
        %dma_start3A_76 = arith.constant 0 : i32
        %dma_start3A_77 = tpu.memref_slice %arg23[%dma_start3A_75, %dma_start3A_76] : memref<10000x128xf32, #tpu.memory_space<vmem_shared>> -> memref<80x128xf32, #tpu.memory_space<vmem_shared>>
        %dma_start3A_78 = arith.constant 160 : i32
        %dma_start3A_79 = arith.constant 0 : i32
        %dma_start3A_80 = tpu.memref_slice %arg23[%dma_start3A_78, %dma_start3A_79] : memref<10000x128xf32, #tpu.memory_space<vmem_shared>> -> memref<80x128xf32, #tpu.memory_space<vmem_shared>>
        tpu.enqueue_dma source(%arg21 : memref<80x128xf32, #tpu.memory_space<vmem>>) target(%dma_start3A_80 : memref<80x128xf32, #tpu.memory_space<vmem_shared>>) target_semaphore(%run_scoped3A : memref<!tpu.dma_semaphore, #tpu.memory_space<semaphore_mem>>)
        %dma_wait3A_81 = arith.constant 160 : i32
        %dma_wait3A_82 = arith.constant 0 : i32
        %dma_wait3A_83 = tpu.memref_slice %arg23[%dma_wait3A_81, %dma_wait3A_82] : memref<10000x128xf32, #tpu.memory_space<vmem_shared>> -> memref<80x128xf32, #tpu.memory_space<vmem_shared>>
        %dma_wait3A_84 = arith.constant 160 : i32
        %dma_wait3A_85 = arith.constant 0 : i32
        %dma_wait3A_86 = tpu.memref_slice %arg23[%dma_wait3A_84, %dma_wait3A_85] : memref<10000x128xf32, #tpu.memory_space<vmem_shared>> -> memref<80x128xf32, #tpu.memory_space<vmem_shared>>
        tpu.wait_dma2 semaphore(%run_scoped3A : memref<!tpu.dma_semaphore, #tpu.memory_space<semaphore_mem>>) src(%arg21 : memref<80x128xf32, #tpu.memory_space<vmem>>) dst(%dma_wait3A_86 : memref<80x128xf32, #tpu.memory_space<vmem_shared>>)
        tpu.yield
      }) : () -> ()
      "tpu.region"() ({
        %run_scoped3A = tpu.sem_alloc : memref<!tpu.dma_semaphore, #tpu.memory_space<semaphore_mem>>
        %dma_start3A_75 = arith.constant 240 : i32
        %dma_start3A_76 = arith.constant 0 : i32
        %dma_start3A_77 = tpu.memref_slice %arg23[%dma_start3A_75, %dma_start3A_76] : memref<10000x128xf32, #tpu.memory_space<vmem_shared>> -> memref<80x128xf32, #tpu.memory_space<vmem_shared>>
        %dma_start3A_78 = arith.constant 240 : i32
        %dma_start3A_79 = arith.constant 0 : i32
        %dma_start3A_80 = tpu.memref_slice %arg23[%dma_start3A_78, %dma_start3A_79] : memref<10000x128xf32, #tpu.memory_space<vmem_shared>> -> memref<80x128xf32, #tpu.memory_space<vmem_shared>>
        tpu.enqueue_dma source(%arg21 : memref<80x128xf32, #tpu.memory_space<vmem>>) target(%dma_start3A_80 : memref<80x128xf32, #tpu.memory_space<vmem_shared>>) target_semaphore(%run_scoped3A : memref<!tpu.dma_semaphore, #tpu.memory_space<semaphore_mem>>)
        %dma_wait3A_81 = arith.constant 240 : i32
        %dma_wait3A_82 = arith.constant 0 : i32
        %dma_wait3A_83 = tpu.memref_slice %arg23[%dma_wait3A_81, %dma_wait3A_82] : memref<10000x128xf32, #tpu.memory_space<vmem_shared>> -> memref<80x128xf32, #tpu.memory_space<vmem_shared>>
        %dma_wait3A_84 = arith.constant 240 : i32
        %dma_wait3A_85 = arith.constant 0 : i32
        %dma_wait3A_86 = tpu.memref_slice %arg23[%dma_wait3A_84, %dma_wait3A_85] : memref<10000x128xf32, #tpu.memory_space<vmem_shared>> -> memref<80x128xf32, #tpu.memory_space<vmem_shared>>
        tpu.wait_dma2 semaphore(%run_scoped3A : memref<!tpu.dma_semaphore, #tpu.memory_space<semaphore_mem>>) src(%arg21 : memref<80x128xf32, #tpu.memory_space<vmem>>) dst(%dma_wait3A_86 : memref<80x128xf32, #tpu.memory_space<vmem_shared>>)
        tpu.yield
      }) : () -> ()
      "tpu.region"() ({
        %run_scoped3A = tpu.sem_alloc : memref<!tpu.dma_semaphore, #tpu.memory_space<semaphore_mem>>
        %dma_start3A_75 = arith.constant 320 : i32
        %dma_start3A_76 = arith.constant 0 : i32
        %dma_start3A_77 = tpu.memref_slice %arg23[%dma_start3A_75, %dma_start3A_76] : memref<10000x128xf32, #tpu.memory_space<vmem_shared>> -> memref<80x128xf32, #tpu.memory_space<vmem_shared>>
        %dma_start3A_78 = arith.constant 320 : i32
        %dma_start3A_79 = arith.constant 0 : i32
        %dma_start3A_80 = tpu.memref_slice %arg23[%dma_start3A_78, %dma_start3A_79] : memref<10000x128xf32, #tpu.memory_space<vmem_shared>> -> memref<80x128xf32, #tpu.memory_space<vmem_shared>>
        tpu.enqueue_dma source(%arg21 : memref<80x128xf32, #tpu.memory_space<vmem>>) target(%dma_start3A_80 : memref<80x128xf32, #tpu.memory_space<vmem_shared>>) target_semaphore(%run_scoped3A : memref<!tpu.dma_semaphore, #tpu.memory_space<semaphore_mem>>)
        %dma_wait3A_81 = arith.constant 320 : i32
        %dma_wait3A_82 = arith.constant 0 : i32
        %dma_wait3A_83 = tpu.memref_slice %arg23[%dma_wait3A_81, %dma_wait3A_82] : memref<10000x128xf32, #tpu.memory_space<vmem_shared>> -> memref<80x128xf32, #tpu.memory_space<vmem_shared>>
        %dma_wait3A_84 = arith.constant 320 : i32
        %dma_wait3A_85 = arith.constant 0 : i32
        %dma_wait3A_86 = tpu.memref_slice %arg23[%dma_wait3A_84, %dma_wait3A_85] : memref<10000x128xf32, #tpu.memory_space<vmem_shared>> -> memref<80x128xf32, #tpu.memory_space<vmem_shared>>
        tpu.wait_dma2 semaphore(%run_scoped3A : memref<!tpu.dma_semaphore, #tpu.memory_space<semaphore_mem>>) src(%arg21 : memref<80x128xf32, #tpu.memory_space<vmem>>) dst(%dma_wait3A_86 : memref<80x128xf32, #tpu.memory_space<vmem_shared>>)
        tpu.yield
      }) : () -> ()
      "tpu.region"() ({
        %run_scoped3A = tpu.sem_alloc : memref<!tpu.dma_semaphore, #tpu.memory_space<semaphore_mem>>
        %dma_start3A_75 = arith.constant 400 : i32
        %dma_start3A_76 = arith.constant 0 : i32
        %dma_start3A_77 = tpu.memref_slice %arg23[%dma_start3A_75, %dma_start3A_76] : memref<10000x128xf32, #tpu.memory_space<vmem_shared>> -> memref<80x128xf32, #tpu.memory_space<vmem_shared>>
        %dma_start3A_78 = arith.constant 400 : i32
        %dma_start3A_79 = arith.constant 0 : i32
        %dma_start3A_80 = tpu.memref_slice %arg23[%dma_start3A_78, %dma_start3A_79] : memref<10000x128xf32, #tpu.memory_space<vmem_shared>> -> memref<80x128xf32, #tpu.memory_space<vmem_shared>>
        tpu.enqueue_dma source(%arg21 : memref<80x128xf32, #tpu.memory_space<vmem>>) target(%dma_start3A_80 : memref<80x128xf32, #tpu.memory_space<vmem_shared>>) target_semaphore(%run_scoped3A : memref<!tpu.dma_semaphore, #tpu.memory_space<semaphore_mem>>)
        %dma_wait3A_81 = arith.constant 400 : i32
        %dma_wait3A_82 = arith.constant 0 : i32
        %dma_wait3A_83 = tpu.memref_slice %arg23[%dma_wait3A_81, %dma_wait3A_82] : memref<10000x128xf32, #tpu.memory_space<vmem_shared>> -> memref<80x128xf32, #tpu.memory_space<vmem_shared>>
        %dma_wait3A_84 = arith.constant 400 : i32
        %dma_wait3A_85 = arith.constant 0 : i32
        %dma_wait3A_86 = tpu.memref_slice %arg23[%dma_wait3A_84, %dma_wait3A_85] : memref<10000x128xf32, #tpu.memory_space<vmem_shared>> -> memref<80x128xf32, #tpu.memory_space<vmem_shared>>
        tpu.wait_dma2 semaphore(%run_scoped3A : memref<!tpu.dma_semaphore, #tpu.memory_space<semaphore_mem>>) src(%arg21 : memref<80x128xf32, #tpu.memory_space<vmem>>) dst(%dma_wait3A_86 : memref<80x128xf32, #tpu.memory_space<vmem_shared>>)
        tpu.yield
      }) : () -> ()
      "tpu.region"() ({
        %run_scoped3A = tpu.sem_alloc : memref<!tpu.dma_semaphore, #tpu.memory_space<semaphore_mem>>
        %dma_start3A_75 = arith.constant 480 : i32
        %dma_start3A_76 = arith.constant 0 : i32
        %dma_start3A_77 = tpu.memref_slice %arg23[%dma_start3A_75, %dma_start3A_76] : memref<10000x128xf32, #tpu.memory_space<vmem_shared>> -> memref<80x128xf32, #tpu.memory_space<vmem_shared>>
        %dma_start3A_78 = arith.constant 480 : i32
        %dma_start3A_79 = arith.constant 0 : i32
        %dma_start3A_80 = tpu.memref_slice %arg23[%dma_start3A_78, %dma_start3A_79] : memref<10000x128xf32, #tpu.memory_space<vmem_shared>> -> memref<80x128xf32, #tpu.memory_space<vmem_shared>>
        tpu.enqueue_dma source(%arg21 : memref<80x128xf32, #tpu.memory_space<vmem>>) target(%dma_start3A_80 : memref<80x128xf32, #tpu.memory_space<vmem_shared>>) target_semaphore(%run_scoped3A : memref<!tpu.dma_semaphore, #tpu.memory_space<semaphore_mem>>)
        %dma_wait3A_81 = arith.constant 480 : i32
        %dma_wait3A_82 = arith.constant 0 : i32
        %dma_wait3A_83 = tpu.memref_slice %arg23[%dma_wait3A_81, %dma_wait3A_82] : memref<10000x128xf32, #tpu.memory_space<vmem_shared>> -> memref<80x128xf32, #tpu.memory_space<vmem_shared>>
        %dma_wait3A_84 = arith.constant 480 : i32
        %dma_wait3A_85 = arith.constant 0 : i32
        %dma_wait3A_86 = tpu.memref_slice %arg23[%dma_wait3A_84, %dma_wait3A_85] : memref<10000x128xf32, #tpu.memory_space<vmem_shared>> -> memref<80x128xf32, #tpu.memory_space<vmem_shared>>
        tpu.wait_dma2 semaphore(%run_scoped3A : memref<!tpu.dma_semaphore, #tpu.memory_space<semaphore_mem>>) src(%arg21 : memref<80x128xf32, #tpu.memory_space<vmem>>) dst(%dma_wait3A_86 : memref<80x128xf32, #tpu.memory_space<vmem_shared>>)
        tpu.yield
      }) : () -> ()
      "tpu.region"() ({
        %run_scoped3A = tpu.sem_alloc : memref<!tpu.dma_semaphore, #tpu.memory_space<semaphore_mem>>
        %dma_start3A_75 = arith.constant 560 : i32
        %dma_start3A_76 = arith.constant 0 : i32
        %dma_start3A_77 = tpu.memref_slice %arg23[%dma_start3A_75, %dma_start3A_76] : memref<10000x128xf32, #tpu.memory_space<vmem_shared>> -> memref<80x128xf32, #tpu.memory_space<vmem_shared>>
        %dma_start3A_78 = arith.constant 560 : i32
        %dma_start3A_79 = arith.constant 0 : i32
        %dma_start3A_80 = tpu.memref_slice %arg23[%dma_start3A_78, %dma_start3A_79] : memref<10000x128xf32, #tpu.memory_space<vmem_shared>> -> memref<80x128xf32, #tpu.memory_space<vmem_shared>>
        tpu.enqueue_dma source(%arg21 : memref<80x128xf32, #tpu.memory_space<vmem>>) target(%dma_start3A_80 : memref<80x128xf32, #tpu.memory_space<vmem_shared>>) target_semaphore(%run_scoped3A : memref<!tpu.dma_semaphore, #tpu.memory_space<semaphore_mem>>)
        %dma_wait3A_81 = arith.constant 560 : i32
        %dma_wait3A_82 = arith.constant 0 : i32
        %dma_wait3A_83 = tpu.memref_slice %arg23[%dma_wait3A_81, %dma_wait3A_82] : memref<10000x128xf32, #tpu.memory_space<vmem_shared>> -> memref<80x128xf32, #tpu.memory_space<vmem_shared>>
        %dma_wait3A_84 = arith.constant 560 : i32
        %dma_wait3A_85 = arith.constant 0 : i32
        %dma_wait3A_86 = tpu.memref_slice %arg23[%dma_wait3A_84, %dma_wait3A_85] : memref<10000x128xf32, #tpu.memory_space<vmem_shared>> -> memref<80x128xf32, #tpu.memory_space<vmem_shared>>
        tpu.wait_dma2 semaphore(%run_scoped3A : memref<!tpu.dma_semaphore, #tpu.memory_space<semaphore_mem>>) src(%arg21 : memref<80x128xf32, #tpu.memory_space<vmem>>) dst(%dma_wait3A_86 : memref<80x128xf32, #tpu.memory_space<vmem_shared>>)
        tpu.yield
      }) : () -> ()
      "tpu.region"() ({
        %run_scoped3A = tpu.sem_alloc : memref<!tpu.dma_semaphore, #tpu.memory_space<semaphore_mem>>
        %dma_start3A_75 = arith.constant 640 : i32
        %dma_start3A_76 = arith.constant 0 : i32
        %dma_start3A_77 = tpu.memref_slice %arg23[%dma_start3A_75, %dma_start3A_76] : memref<10000x128xf32, #tpu.memory_space<vmem_shared>> -> memref<80x128xf32, #tpu.memory_space<vmem_shared>>
        %dma_start3A_78 = arith.constant 640 : i32
        %dma_start3A_79 = arith.constant 0 : i32
        %dma_start3A_80 = tpu.memref_slice %arg23[%dma_start3A_78, %dma_start3A_79] : memref<10000x128xf32, #tpu.memory_space<vmem_shared>> -> memref<80x128xf32, #tpu.memory_space<vmem_shared>>
        tpu.enqueue_dma source(%arg21 : memref<80x128xf32, #tpu.memory_space<vmem>>) target(%dma_start3A_80 : memref<80x128xf32, #tpu.memory_space<vmem_shared>>) target_semaphore(%run_scoped3A : memref<!tpu.dma_semaphore, #tpu.memory_space<semaphore_mem>>)
        %dma_wait3A_81 = arith.constant 640 : i32
        %dma_wait3A_82 = arith.constant 0 : i32
        %dma_wait3A_83 = tpu.memref_slice %arg23[%dma_wait3A_81, %dma_wait3A_82] : memref<10000x128xf32, #tpu.memory_space<vmem_shared>> -> memref<80x128xf32, #tpu.memory_space<vmem_shared>>
        %dma_wait3A_84 = arith.constant 640 : i32
        %dma_wait3A_85 = arith.constant 0 : i32
        %dma_wait3A_86 = tpu.memref_slice %arg23[%dma_wait3A_84, %dma_wait3A_85] : memref<10000x128xf32, #tpu.memory_space<vmem_shared>> -> memref<80x128xf32, #tpu.memory_space<vmem_shared>>
        tpu.wait_dma2 semaphore(%run_scoped3A : memref<!tpu.dma_semaphore, #tpu.memory_space<semaphore_mem>>) src(%arg21 : memref<80x128xf32, #tpu.memory_space<vmem>>) dst(%dma_wait3A_86 : memref<80x128xf32, #tpu.memory_space<vmem_shared>>)
        tpu.yield
      }) : () -> ()
      "tpu.region"() ({
        %run_scoped3A = tpu.sem_alloc : memref<!tpu.dma_semaphore, #tpu.memory_space<semaphore_mem>>
        %dma_start3A_75 = arith.constant 720 : i32
        %dma_start3A_76 = arith.constant 0 : i32
        %dma_start3A_77 = tpu.memref_slice %arg23[%dma_start3A_75, %dma_start3A_76] : memref<10000x128xf32, #tpu.memory_space<vmem_shared>> -> memref<80x128xf32, #tpu.memory_space<vmem_shared>>
        %dma_start3A_78 = arith.constant 720 : i32
        %dma_start3A_79 = arith.constant 0 : i32
        %dma_start3A_80 = tpu.memref_slice %arg23[%dma_start3A_78, %dma_start3A_79] : memref<10000x128xf32, #tpu.memory_space<vmem_shared>> -> memref<80x128xf32, #tpu.memory_space<vmem_shared>>
        tpu.enqueue_dma source(%arg21 : memref<80x128xf32, #tpu.memory_space<vmem>>) target(%dma_start3A_80 : memref<80x128xf32, #tpu.memory_space<vmem_shared>>) target_semaphore(%run_scoped3A : memref<!tpu.dma_semaphore, #tpu.memory_space<semaphore_mem>>)
        %dma_wait3A_81 = arith.constant 720 : i32
        %dma_wait3A_82 = arith.constant 0 : i32
        %dma_wait3A_83 = tpu.memref_slice %arg23[%dma_wait3A_81, %dma_wait3A_82] : memref<10000x128xf32, #tpu.memory_space<vmem_shared>> -> memref<80x128xf32, #tpu.memory_space<vmem_shared>>
        %dma_wait3A_84 = arith.constant 720 : i32
        %dma_wait3A_85 = arith.constant 0 : i32
        %dma_wait3A_86 = tpu.memref_slice %arg23[%dma_wait3A_84, %dma_wait3A_85] : memref<10000x128xf32, #tpu.memory_space<vmem_shared>> -> memref<80x128xf32, #tpu.memory_space<vmem_shared>>
        tpu.wait_dma2 semaphore(%run_scoped3A : memref<!tpu.dma_semaphore, #tpu.memory_space<semaphore_mem>>) src(%arg21 : memref<80x128xf32, #tpu.memory_space<vmem>>) dst(%dma_wait3A_86 : memref<80x128xf32, #tpu.memory_space<vmem_shared>>)
        tpu.yield
      }) : () -> ()
      "tpu.region"() ({
        %run_scoped3A = tpu.sem_alloc : memref<!tpu.dma_semaphore, #tpu.memory_space<semaphore_mem>>
        %dma_start3A_75 = arith.constant 800 : i32
        %dma_start3A_76 = arith.constant 0 : i32
        %dma_start3A_77 = tpu.memref_slice %arg23[%dma_start3A_75, %dma_start3A_76] : memref<10000x128xf32, #tpu.memory_space<vmem_shared>> -> memref<80x128xf32, #tpu.memory_space<vmem_shared>>
        %dma_start3A_78 = arith.constant 800 : i32
        %dma_start3A_79 = arith.constant 0 : i32
        %dma_start3A_80 = tpu.memref_slice %arg23[%dma_start3A_78, %dma_start3A_79] : memref<10000x128xf32, #tpu.memory_space<vmem_shared>> -> memref<80x128xf32, #tpu.memory_space<vmem_shared>>
        tpu.enqueue_dma source(%arg21 : memref<80x128xf32, #tpu.memory_space<vmem>>) target(%dma_start3A_80 : memref<80x128xf32, #tpu.memory_space<vmem_shared>>) target_semaphore(%run_scoped3A : memref<!tpu.dma_semaphore, #tpu.memory_space<semaphore_mem>>)
        %dma_wait3A_81 = arith.constant 800 : i32
        %dma_wait3A_82 = arith.constant 0 : i32
        %dma_wait3A_83 = tpu.memref_slice %arg23[%dma_wait3A_81, %dma_wait3A_82] : memref<10000x128xf32, #tpu.memory_space<vmem_shared>> -> memref<80x128xf32, #tpu.memory_space<vmem_shared>>
        %dma_wait3A_84 = arith.constant 800 : i32
        %dma_wait3A_85 = arith.constant 0 : i32
        %dma_wait3A_86 = tpu.memref_slice %arg23[%dma_wait3A_84, %dma_wait3A_85] : memref<10000x128xf32, #tpu.memory_space<vmem_shared>> -> memref<80x128xf32, #tpu.memory_space<vmem_shared>>
        tpu.wait_dma2 semaphore(%run_scoped3A : memref<!tpu.dma_semaphore, #tpu.memory_space<semaphore_mem>>) src(%arg21 : memref<80x128xf32, #tpu.memory_space<vmem>>) dst(%dma_wait3A_86 : memref<80x128xf32, #tpu.memory_space<vmem_shared>>)
        tpu.yield
      }) : () -> ()
      "tpu.region"() ({
        %run_scoped3A = tpu.sem_alloc : memref<!tpu.dma_semaphore, #tpu.memory_space<semaphore_mem>>
        %dma_start3A_75 = arith.constant 880 : i32
        %dma_start3A_76 = arith.constant 0 : i32
        %dma_start3A_77 = tpu.memref_slice %arg23[%dma_start3A_75, %dma_start3A_76] : memref<10000x128xf32, #tpu.memory_space<vmem_shared>> -> memref<80x128xf32, #tpu.memory_space<vmem_shared>>
        %dma_start3A_78 = arith.constant 880 : i32
        %dma_start3A_79 = arith.constant 0 : i32
        %dma_start3A_80 = tpu.memref_slice %arg23[%dma_start3A_78, %dma_start3A_79] : memref<10000x128xf32, #tpu.memory_space<vmem_shared>> -> memref<80x128xf32, #tpu.memory_space<vmem_shared>>
        tpu.enqueue_dma source(%arg21 : memref<80x128xf32, #tpu.memory_space<vmem>>) target(%dma_start3A_80 : memref<80x128xf32, #tpu.memory_space<vmem_shared>>) target_semaphore(%run_scoped3A : memref<!tpu.dma_semaphore, #tpu.memory_space<semaphore_mem>>)
        %dma_wait3A_81 = arith.constant 880 : i32
        %dma_wait3A_82 = arith.constant 0 : i32
        %dma_wait3A_83 = tpu.memref_slice %arg23[%dma_wait3A_81, %dma_wait3A_82] : memref<10000x128xf32, #tpu.memory_space<vmem_shared>> -> memref<80x128xf32, #tpu.memory_space<vmem_shared>>
        %dma_wait3A_84 = arith.constant 880 : i32
        %dma_wait3A_85 = arith.constant 0 : i32
        %dma_wait3A_86 = tpu.memref_slice %arg23[%dma_wait3A_84, %dma_wait3A_85] : memref<10000x128xf32, #tpu.memory_space<vmem_shared>> -> memref<80x128xf32, #tpu.memory_space<vmem_shared>>
        tpu.wait_dma2 semaphore(%run_scoped3A : memref<!tpu.dma_semaphore, #tpu.memory_space<semaphore_mem>>) src(%arg21 : memref<80x128xf32, #tpu.memory_space<vmem>>) dst(%dma_wait3A_86 : memref<80x128xf32, #tpu.memory_space<vmem_shared>>)
        tpu.yield
      }) : () -> ()
      "tpu.region"() ({
        %run_scoped3A = tpu.sem_alloc : memref<!tpu.dma_semaphore, #tpu.memory_space<semaphore_mem>>
        %dma_start3A_75 = arith.constant 960 : i32
        %dma_start3A_76 = arith.constant 0 : i32
        %dma_start3A_77 = tpu.memref_slice %arg23[%dma_start3A_75, %dma_start3A_76] : memref<10000x128xf32, #tpu.memory_space<vmem_shared>> -> memref<80x128xf32, #tpu.memory_space<vmem_shared>>
        %dma_start3A_78 = arith.constant 960 : i32
        %dma_start3A_79 = arith.constant 0 : i32
        %dma_start3A_80 = tpu.memref_slice %arg23[%dma_start3A_78, %dma_start3A_79] : memref<10000x128xf32, #tpu.memory_space<vmem_shared>> -> memref<80x128xf32, #tpu.memory_space<vmem_shared>>
        tpu.enqueue_dma source(%arg21 : memref<80x128xf32, #tpu.memory_space<vmem>>) target(%dma_start3A_80 : memref<80x128xf32, #tpu.memory_space<vmem_shared>>) target_semaphore(%run_scoped3A : memref<!tpu.dma_semaphore, #tpu.memory_space<semaphore_mem>>)
        %dma_wait3A_81 = arith.constant 960 : i32
        %dma_wait3A_82 = arith.constant 0 : i32
        %dma_wait3A_83 = tpu.memref_slice %arg23[%dma_wait3A_81, %dma_wait3A_82] : memref<10000x128xf32, #tpu.memory_space<vmem_shared>> -> memref<80x128xf32, #tpu.memory_space<vmem_shared>>
        %dma_wait3A_84 = arith.constant 960 : i32
        %dma_wait3A_85 = arith.constant 0 : i32
        %dma_wait3A_86 = tpu.memref_slice %arg23[%dma_wait3A_84, %dma_wait3A_85] : memref<10000x128xf32, #tpu.memory_space<vmem_shared>> -> memref<80x128xf32, #tpu.memory_space<vmem_shared>>
        tpu.wait_dma2 semaphore(%run_scoped3A : memref<!tpu.dma_semaphore, #tpu.memory_space<semaphore_mem>>) src(%arg21 : memref<80x128xf32, #tpu.memory_space<vmem>>) dst(%dma_wait3A_86 : memref<80x128xf32, #tpu.memory_space<vmem_shared>>)
        tpu.yield
      }) : () -> ()
      "tpu.region"() ({
        %run_scoped3A = tpu.sem_alloc : memref<!tpu.dma_semaphore, #tpu.memory_space<semaphore_mem>>
        %dma_start3A_75 = arith.constant 1040 : i32
        %dma_start3A_76 = arith.constant 0 : i32
        %dma_start3A_77 = tpu.memref_slice %arg23[%dma_start3A_75, %dma_start3A_76] : memref<10000x128xf32, #tpu.memory_space<vmem_shared>> -> memref<80x128xf32, #tpu.memory_space<vmem_shared>>
        %dma_start3A_78 = arith.constant 1040 : i32
        %dma_start3A_79 = arith.constant 0 : i32
        %dma_start3A_80 = tpu.memref_slice %arg23[%dma_start3A_78, %dma_start3A_79] : memref<10000x128xf32, #tpu.memory_space<vmem_shared>> -> memref<80x128xf32, #tpu.memory_space<vmem_shared>>
        tpu.enqueue_dma source(%arg21 : memref<80x128xf32, #tpu.memory_space<vmem>>) target(%dma_start3A_80 : memref<80x128xf32, #tpu.memory_space<vmem_shared>>) target_semaphore(%run_scoped3A : memref<!tpu.dma_semaphore, #tpu.memory_space<semaphore_mem>>)
        %dma_wait3A_81 = arith.constant 1040 : i32
        %dma_wait3A_82 = arith.constant 0 : i32
        %dma_wait3A_83 = tpu.memref_slice %arg23[%dma_wait3A_81, %dma_wait3A_82] : memref<10000x128xf32, #tpu.memory_space<vmem_shared>> -> memref<80x128xf32, #tpu.memory_space<vmem_shared>>
        %dma_wait3A_84 = arith.constant 1040 : i32
        %dma_wait3A_85 = arith.constant 0 : i32
        %dma_wait3A_86 = tpu.memref_slice %arg23[%dma_wait3A_84, %dma_wait3A_85] : memref<10000x128xf32, #tpu.memory_space<vmem_shared>> -> memref<80x128xf32, #tpu.memory_space<vmem_shared>>
        tpu.wait_dma2 semaphore(%run_scoped3A : memref<!tpu.dma_semaphore, #tpu.memory_space<semaphore_mem>>) src(%arg21 : memref<80x128xf32, #tpu.memory_space<vmem>>) dst(%dma_wait3A_86 : memref<80x128xf32, #tpu.memory_space<vmem_shared>>)
        tpu.yield
      }) : () -> ()
      "tpu.region"() ({
        %run_scoped3A = tpu.sem_alloc : memref<!tpu.dma_semaphore, #tpu.memory_space<semaphore_mem>>
        %dma_start3A_75 = arith.constant 1120 : i32
        %dma_start3A_76 = arith.constant 0 : i32
        %dma_start3A_77 = tpu.memref_slice %arg23[%dma_start3A_75, %dma_start3A_76] : memref<10000x128xf32, #tpu.memory_space<vmem_shared>> -> memref<80x128xf32, #tpu.memory_space<vmem_shared>>
        %dma_start3A_78 = arith.constant 1120 : i32
        %dma_start3A_79 = arith.constant 0 : i32
        %dma_start3A_80 = tpu.memref_slice %arg23[%dma_start3A_78, %dma_start3A_79] : memref<10000x128xf32, #tpu.memory_space<vmem_shared>> -> memref<80x128xf32, #tpu.memory_space<vmem_shared>>
        tpu.enqueue_dma source(%arg21 : memref<80x128xf32, #tpu.memory_space<vmem>>) target(%dma_start3A_80 : memref<80x128xf32, #tpu.memory_space<vmem_shared>>) target_semaphore(%run_scoped3A : memref<!tpu.dma_semaphore, #tpu.memory_space<semaphore_mem>>)
        %dma_wait3A_81 = arith.constant 1120 : i32
        %dma_wait3A_82 = arith.constant 0 : i32
        %dma_wait3A_83 = tpu.memref_slice %arg23[%dma_wait3A_81, %dma_wait3A_82] : memref<10000x128xf32, #tpu.memory_space<vmem_shared>> -> memref<80x128xf32, #tpu.memory_space<vmem_shared>>
        %dma_wait3A_84 = arith.constant 1120 : i32
        %dma_wait3A_85 = arith.constant 0 : i32
        %dma_wait3A_86 = tpu.memref_slice %arg23[%dma_wait3A_84, %dma_wait3A_85] : memref<10000x128xf32, #tpu.memory_space<vmem_shared>> -> memref<80x128xf32, #tpu.memory_space<vmem_shared>>
        tpu.wait_dma2 semaphore(%run_scoped3A : memref<!tpu.dma_semaphore, #tpu.memory_space<semaphore_mem>>) src(%arg21 : memref<80x128xf32, #tpu.memory_space<vmem>>) dst(%dma_wait3A_86 : memref<80x128xf32, #tpu.memory_space<vmem_shared>>)
        tpu.yield
      }) : () -> ()
      "tpu.region"() ({
        %run_scoped3A = tpu.sem_alloc : memref<!tpu.dma_semaphore, #tpu.memory_space<semaphore_mem>>
        %dma_start3A_75 = arith.constant 1200 : i32
        %dma_start3A_76 = arith.constant 0 : i32
        %dma_start3A_77 = tpu.memref_slice %arg23[%dma_start3A_75, %dma_start3A_76] : memref<10000x128xf32, #tpu.memory_space<vmem_shared>> -> memref<80x128xf32, #tpu.memory_space<vmem_shared>>
        %dma_start3A_78 = arith.constant 1200 : i32
        %dma_start3A_79 = arith.constant 0 : i32
        %dma_start3A_80 = tpu.memref_slice %arg23[%dma_start3A_78, %dma_start3A_79] : memref<10000x128xf32, #tpu.memory_space<vmem_shared>> -> memref<80x128xf32, #tpu.memory_space<vmem_shared>>
        tpu.enqueue_dma source(%arg21 : memref<80x128xf32, #tpu.memory_space<vmem>>) target(%dma_start3A_80 : memref<80x128xf32, #tpu.memory_space<vmem_shared>>) target_semaphore(%run_scoped3A : memref<!tpu.dma_semaphore, #tpu.memory_space<semaphore_mem>>)
        %dma_wait3A_81 = arith.constant 1200 : i32
        %dma_wait3A_82 = arith.constant 0 : i32
        %dma_wait3A_83 = tpu.memref_slice %arg23[%dma_wait3A_81, %dma_wait3A_82] : memref<10000x128xf32, #tpu.memory_space<vmem_shared>> -> memref<80x128xf32, #tpu.memory_space<vmem_shared>>
        %dma_wait3A_84 = arith.constant 1200 : i32
        %dma_wait3A_85 = arith.constant 0 : i32
        %dma_wait3A_86 = tpu.memref_slice %arg23[%dma_wait3A_84, %dma_wait3A_85] : memref<10000x128xf32, #tpu.memory_space<vmem_shared>> -> memref<80x128xf32, #tpu.memory_space<vmem_shared>>
        tpu.wait_dma2 semaphore(%run_scoped3A : memref<!tpu.dma_semaphore, #tpu.memory_space<semaphore_mem>>) src(%arg21 : memref<80x128xf32, #tpu.memory_space<vmem>>) dst(%dma_wait3A_86 : memref<80x128xf32, #tpu.memory_space<vmem_shared>>)
        tpu.yield
      }) : () -> ()
      "tpu.region"() ({
        %run_scoped3A = tpu.sem_alloc : memref<!tpu.dma_semaphore, #tpu.memory_space<semaphore_mem>>
        %dma_start3A_75 = arith.constant 1280 : i32
        %dma_start3A_76 = arith.constant 0 : i32
        %dma_start3A_77 = tpu.memref_slice %arg23[%dma_start3A_75, %dma_start3A_76] : memref<10000x128xf32, #tpu.memory_space<vmem_shared>> -> memref<80x128xf32, #tpu.memory_space<vmem_shared>>
        %dma_start3A_78 = arith.constant 1280 : i32
        %dma_start3A_79 = arith.constant 0 : i32
        %dma_start3A_80 = tpu.memref_slice %arg23[%dma_start3A_78, %dma_start3A_79] : memref<10000x128xf32, #tpu.memory_space<vmem_shared>> -> memref<80x128xf32, #tpu.memory_space<vmem_shared>>
        tpu.enqueue_dma source(%arg21 : memref<80x128xf32, #tpu.memory_space<vmem>>) target(%dma_start3A_80 : memref<80x128xf32, #tpu.memory_space<vmem_shared>>) target_semaphore(%run_scoped3A : memref<!tpu.dma_semaphore, #tpu.memory_space<semaphore_mem>>)
        %dma_wait3A_81 = arith.constant 1280 : i32
        %dma_wait3A_82 = arith.constant 0 : i32
        %dma_wait3A_83 = tpu.memref_slice %arg23[%dma_wait3A_81, %dma_wait3A_82] : memref<10000x128xf32, #tpu.memory_space<vmem_shared>> -> memref<80x128xf32, #tpu.memory_space<vmem_shared>>
        %dma_wait3A_84 = arith.constant 1280 : i32
        %dma_wait3A_85 = arith.constant 0 : i32
        %dma_wait3A_86 = tpu.memref_slice %arg23[%dma_wait3A_84, %dma_wait3A_85] : memref<10000x128xf32, #tpu.memory_space<vmem_shared>> -> memref<80x128xf32, #tpu.memory_space<vmem_shared>>
        tpu.wait_dma2 semaphore(%run_scoped3A : memref<!tpu.dma_semaphore, #tpu.memory_space<semaphore_mem>>) src(%arg21 : memref<80x128xf32, #tpu.memory_space<vmem>>) dst(%dma_wait3A_86 : memref<80x128xf32, #tpu.memory_space<vmem_shared>>)
        tpu.yield
      }) : () -> ()
      "tpu.region"() ({
        %run_scoped3A = tpu.sem_alloc : memref<!tpu.dma_semaphore, #tpu.memory_space<semaphore_mem>>
        %dma_start3A_75 = arith.constant 1360 : i32
        %dma_start3A_76 = arith.constant 0 : i32
        %dma_start3A_77 = tpu.memref_slice %arg23[%dma_start3A_75, %dma_start3A_76] : memref<10000x128xf32, #tpu.memory_space<vmem_shared>> -> memref<80x128xf32, #tpu.memory_space<vmem_shared>>
        %dma_start3A_78 = arith.constant 1360 : i32
        %dma_start3A_79 = arith.constant 0 : i32
        %dma_start3A_80 = tpu.memref_slice %arg23[%dma_start3A_78, %dma_start3A_79] : memref<10000x128xf32, #tpu.memory_space<vmem_shared>> -> memref<80x128xf32, #tpu.memory_space<vmem_shared>>
        tpu.enqueue_dma source(%arg21 : memref<80x128xf32, #tpu.memory_space<vmem>>) target(%dma_start3A_80 : memref<80x128xf32, #tpu.memory_space<vmem_shared>>) target_semaphore(%run_scoped3A : memref<!tpu.dma_semaphore, #tpu.memory_space<semaphore_mem>>)
        %dma_wait3A_81 = arith.constant 1360 : i32
        %dma_wait3A_82 = arith.constant 0 : i32
        %dma_wait3A_83 = tpu.memref_slice %arg23[%dma_wait3A_81, %dma_wait3A_82] : memref<10000x128xf32, #tpu.memory_space<vmem_shared>> -> memref<80x128xf32, #tpu.memory_space<vmem_shared>>
        %dma_wait3A_84 = arith.constant 1360 : i32
        %dma_wait3A_85 = arith.constant 0 : i32
        %dma_wait3A_86 = tpu.memref_slice %arg23[%dma_wait3A_84, %dma_wait3A_85] : memref<10000x128xf32, #tpu.memory_space<vmem_shared>> -> memref<80x128xf32, #tpu.memory_space<vmem_shared>>
        tpu.wait_dma2 semaphore(%run_scoped3A : memref<!tpu.dma_semaphore, #tpu.memory_space<semaphore_mem>>) src(%arg21 : memref<80x128xf32, #tpu.memory_space<vmem>>) dst(%dma_wait3A_86 : memref<80x128xf32, #tpu.memory_space<vmem_shared>>)
        tpu.yield
      }) : () -> ()
      "tpu.region"() ({
        %run_scoped3A = tpu.sem_alloc : memref<!tpu.dma_semaphore, #tpu.memory_space<semaphore_mem>>
        %dma_start3A_75 = arith.constant 1440 : i32
        %dma_start3A_76 = arith.constant 0 : i32
        %dma_start3A_77 = tpu.memref_slice %arg23[%dma_start3A_75, %dma_start3A_76] : memref<10000x128xf32, #tpu.memory_space<vmem_shared>> -> memref<80x128xf32, #tpu.memory_space<vmem_shared>>
        %dma_start3A_78 = arith.constant 1440 : i32
        %dma_start3A_79 = arith.constant 0 : i32
        %dma_start3A_80 = tpu.memref_slice %arg23[%dma_start3A_78, %dma_start3A_79] : memref<10000x128xf32, #tpu.memory_space<vmem_shared>> -> memref<80x128xf32, #tpu.memory_space<vmem_shared>>
        tpu.enqueue_dma source(%arg21 : memref<80x128xf32, #tpu.memory_space<vmem>>) target(%dma_start3A_80 : memref<80x128xf32, #tpu.memory_space<vmem_shared>>) target_semaphore(%run_scoped3A : memref<!tpu.dma_semaphore, #tpu.memory_space<semaphore_mem>>)
        %dma_wait3A_81 = arith.constant 1440 : i32
        %dma_wait3A_82 = arith.constant 0 : i32
        %dma_wait3A_83 = tpu.memref_slice %arg23[%dma_wait3A_81, %dma_wait3A_82] : memref<10000x128xf32, #tpu.memory_space<vmem_shared>> -> memref<80x128xf32, #tpu.memory_space<vmem_shared>>
        %dma_wait3A_84 = arith.constant 1440 : i32
        %dma_wait3A_85 = arith.constant 0 : i32
        %dma_wait3A_86 = tpu.memref_slice %arg23[%dma_wait3A_84, %dma_wait3A_85] : memref<10000x128xf32, #tpu.memory_space<vmem_shared>> -> memref<80x128xf32, #tpu.memory_space<vmem_shared>>
        tpu.wait_dma2 semaphore(%run_scoped3A : memref<!tpu.dma_semaphore, #tpu.memory_space<semaphore_mem>>) src(%arg21 : memref<80x128xf32, #tpu.memory_space<vmem>>) dst(%dma_wait3A_86 : memref<80x128xf32, #tpu.memory_space<vmem_shared>>)
        tpu.yield
      }) : () -> ()
      "tpu.region"() ({
        %run_scoped3A = tpu.sem_alloc : memref<!tpu.dma_semaphore, #tpu.memory_space<semaphore_mem>>
        %dma_start3A_75 = arith.constant 1520 : i32
        %dma_start3A_76 = arith.constant 0 : i32
        %dma_start3A_77 = tpu.memref_slice %arg23[%dma_start3A_75, %dma_start3A_76] : memref<10000x128xf32, #tpu.memory_space<vmem_shared>> -> memref<80x128xf32, #tpu.memory_space<vmem_shared>>
        %dma_start3A_78 = arith.constant 1520 : i32
        %dma_start3A_79 = arith.constant 0 : i32
        %dma_start3A_80 = tpu.memref_slice %arg23[%dma_start3A_78, %dma_start3A_79] : memref<10000x128xf32, #tpu.memory_space<vmem_shared>> -> memref<80x128xf32, #tpu.memory_space<vmem_shared>>
        tpu.enqueue_dma source(%arg21 : memref<80x128xf32, #tpu.memory_space<vmem>>) target(%dma_start3A_80 : memref<80x128xf32, #tpu.memory_space<vmem_shared>>) target_semaphore(%run_scoped3A : memref<!tpu.dma_semaphore, #tpu.memory_space<semaphore_mem>>)
        %dma_wait3A_81 = arith.constant 1520 : i32
        %dma_wait3A_82 = arith.constant 0 : i32
        %dma_wait3A_83 = tpu.memref_slice %arg23[%dma_wait3A_81, %dma_wait3A_82] : memref<10000x128xf32, #tpu.memory_space<vmem_shared>> -> memref<80x128xf32, #tpu.memory_space<vmem_shared>>
        %dma_wait3A_84 = arith.constant 1520 : i32
        %dma_wait3A_85 = arith.constant 0 : i32
        %dma_wait3A_86 = tpu.memref_slice %arg23[%dma_wait3A_84, %dma_wait3A_85] : memref<10000x128xf32, #tpu.memory_space<vmem_shared>> -> memref<80x128xf32, #tpu.memory_space<vmem_shared>>
        tpu.wait_dma2 semaphore(%run_scoped3A : memref<!tpu.dma_semaphore, #tpu.memory_space<semaphore_mem>>) src(%arg21 : memref<80x128xf32, #tpu.memory_space<vmem>>) dst(%dma_wait3A_86 : memref<80x128xf32, #tpu.memory_space<vmem_shared>>)
        tpu.yield
      }) : () -> ()
      "tpu.region"() ({
        %run_scoped3A = tpu.sem_alloc : memref<!tpu.dma_semaphore, #tpu.memory_space<semaphore_mem>>
        %dma_start3A_75 = arith.constant 1600 : i32
        %dma_start3A_76 = arith.constant 0 : i32
        %dma_start3A_77 = tpu.memref_slice %arg23[%dma_start3A_75, %dma_start3A_76] : memref<10000x128xf32, #tpu.memory_space<vmem_shared>> -> memref<80x128xf32, #tpu.memory_space<vmem_shared>>
        %dma_start3A_78 = arith.constant 1600 : i32
        %dma_start3A_79 = arith.constant 0 : i32
        %dma_start3A_80 = tpu.memref_slice %arg23[%dma_start3A_78, %dma_start3A_79] : memref<10000x128xf32, #tpu.memory_space<vmem_shared>> -> memref<80x128xf32, #tpu.memory_space<vmem_shared>>
        tpu.enqueue_dma source(%arg21 : memref<80x128xf32, #tpu.memory_space<vmem>>) target(%dma_start3A_80 : memref<80x128xf32, #tpu.memory_space<vmem_shared>>) target_semaphore(%run_scoped3A : memref<!tpu.dma_semaphore, #tpu.memory_space<semaphore_mem>>)
        %dma_wait3A_81 = arith.constant 1600 : i32
        %dma_wait3A_82 = arith.constant 0 : i32
        %dma_wait3A_83 = tpu.memref_slice %arg23[%dma_wait3A_81, %dma_wait3A_82] : memref<10000x128xf32, #tpu.memory_space<vmem_shared>> -> memref<80x128xf32, #tpu.memory_space<vmem_shared>>
        %dma_wait3A_84 = arith.constant 1600 : i32
        %dma_wait3A_85 = arith.constant 0 : i32
        %dma_wait3A_86 = tpu.memref_slice %arg23[%dma_wait3A_84, %dma_wait3A_85] : memref<10000x128xf32, #tpu.memory_space<vmem_shared>> -> memref<80x128xf32, #tpu.memory_space<vmem_shared>>
        tpu.wait_dma2 semaphore(%run_scoped3A : memref<!tpu.dma_semaphore, #tpu.memory_space<semaphore_mem>>) src(%arg21 : memref<80x128xf32, #tpu.memory_space<vmem>>) dst(%dma_wait3A_86 : memref<80x128xf32, #tpu.memory_space<vmem_shared>>)
        tpu.yield
      }) : () -> ()
      "tpu.region"() ({
        %run_scoped3A = tpu.sem_alloc : memref<!tpu.dma_semaphore, #tpu.memory_space<semaphore_mem>>
        %dma_start3A_75 = arith.constant 1680 : i32
        %dma_start3A_76 = arith.constant 0 : i32
        %dma_start3A_77 = tpu.memref_slice %arg23[%dma_start3A_75, %dma_start3A_76] : memref<10000x128xf32, #tpu.memory_space<vmem_shared>> -> memref<80x128xf32, #tpu.memory_space<vmem_shared>>
        %dma_start3A_78 = arith.constant 1680 : i32
        %dma_start3A_79 = arith.constant 0 : i32
        %dma_start3A_80 = tpu.memref_slice %arg23[%dma_start3A_78, %dma_start3A_79] : memref<10000x128xf32, #tpu.memory_space<vmem_shared>> -> memref<80x128xf32, #tpu.memory_space<vmem_shared>>
        tpu.enqueue_dma source(%arg21 : memref<80x128xf32, #tpu.memory_space<vmem>>) target(%dma_start3A_80 : memref<80x128xf32, #tpu.memory_space<vmem_shared>>) target_semaphore(%run_scoped3A : memref<!tpu.dma_semaphore, #tpu.memory_space<semaphore_mem>>)
        %dma_wait3A_81 = arith.constant 1680 : i32
        %dma_wait3A_82 = arith.constant 0 : i32
        %dma_wait3A_83 = tpu.memref_slice %arg23[%dma_wait3A_81, %dma_wait3A_82] : memref<10000x128xf32, #tpu.memory_space<vmem_shared>> -> memref<80x128xf32, #tpu.memory_space<vmem_shared>>
        %dma_wait3A_84 = arith.constant 1680 : i32
        %dma_wait3A_85 = arith.constant 0 : i32
        %dma_wait3A_86 = tpu.memref_slice %arg23[%dma_wait3A_84, %dma_wait3A_85] : memref<10000x128xf32, #tpu.memory_space<vmem_shared>> -> memref<80x128xf32, #tpu.memory_space<vmem_shared>>
        tpu.wait_dma2 semaphore(%run_scoped3A : memref<!tpu.dma_semaphore, #tpu.memory_space<semaphore_mem>>) src(%arg21 : memref<80x128xf32, #tpu.memory_space<vmem>>) dst(%dma_wait3A_86 : memref<80x128xf32, #tpu.memory_space<vmem_shared>>)
        tpu.yield
      }) : () -> ()
      "tpu.region"() ({
        %run_scoped3A = tpu.sem_alloc : memref<!tpu.dma_semaphore, #tpu.memory_space<semaphore_mem>>
        %dma_start3A_75 = arith.constant 1760 : i32
        %dma_start3A_76 = arith.constant 0 : i32
        %dma_start3A_77 = tpu.memref_slice %arg23[%dma_start3A_75, %dma_start3A_76] : memref<10000x128xf32, #tpu.memory_space<vmem_shared>> -> memref<80x128xf32, #tpu.memory_space<vmem_shared>>
        %dma_start3A_78 = arith.constant 1760 : i32
        %dma_start3A_79 = arith.constant 0 : i32
        %dma_start3A_80 = tpu.memref_slice %arg23[%dma_start3A_78, %dma_start3A_79] : memref<10000x128xf32, #tpu.memory_space<vmem_shared>> -> memref<80x128xf32, #tpu.memory_space<vmem_shared>>
        tpu.enqueue_dma source(%arg21 : memref<80x128xf32, #tpu.memory_space<vmem>>) target(%dma_start3A_80 : memref<80x128xf32, #tpu.memory_space<vmem_shared>>) target_semaphore(%run_scoped3A : memref<!tpu.dma_semaphore, #tpu.memory_space<semaphore_mem>>)
        %dma_wait3A_81 = arith.constant 1760 : i32
        %dma_wait3A_82 = arith.constant 0 : i32
        %dma_wait3A_83 = tpu.memref_slice %arg23[%dma_wait3A_81, %dma_wait3A_82] : memref<10000x128xf32, #tpu.memory_space<vmem_shared>> -> memref<80x128xf32, #tpu.memory_space<vmem_shared>>
        %dma_wait3A_84 = arith.constant 1760 : i32
        %dma_wait3A_85 = arith.constant 0 : i32
        %dma_wait3A_86 = tpu.memref_slice %arg23[%dma_wait3A_84, %dma_wait3A_85] : memref<10000x128xf32, #tpu.memory_space<vmem_shared>> -> memref<80x128xf32, #tpu.memory_space<vmem_shared>>
        tpu.wait_dma2 semaphore(%run_scoped3A : memref<!tpu.dma_semaphore, #tpu.memory_space<semaphore_mem>>) src(%arg21 : memref<80x128xf32, #tpu.memory_space<vmem>>) dst(%dma_wait3A_86 : memref<80x128xf32, #tpu.memory_space<vmem_shared>>)
        tpu.yield
      }) : () -> ()
      "tpu.region"() ({
        %run_scoped3A = tpu.sem_alloc : memref<!tpu.dma_semaphore, #tpu.memory_space<semaphore_mem>>
        %dma_start3A_75 = arith.constant 1840 : i32
        %dma_start3A_76 = arith.constant 0 : i32
        %dma_start3A_77 = tpu.memref_slice %arg23[%dma_start3A_75, %dma_start3A_76] : memref<10000x128xf32, #tpu.memory_space<vmem_shared>> -> memref<80x128xf32, #tpu.memory_space<vmem_shared>>
        %dma_start3A_78 = arith.constant 1840 : i32
        %dma_start3A_79 = arith.constant 0 : i32
        %dma_start3A_80 = tpu.memref_slice %arg23[%dma_start3A_78, %dma_start3A_79] : memref<10000x128xf32, #tpu.memory_space<vmem_shared>> -> memref<80x128xf32, #tpu.memory_space<vmem_shared>>
        tpu.enqueue_dma source(%arg21 : memref<80x128xf32, #tpu.memory_space<vmem>>) target(%dma_start3A_80 : memref<80x128xf32, #tpu.memory_space<vmem_shared>>) target_semaphore(%run_scoped3A : memref<!tpu.dma_semaphore, #tpu.memory_space<semaphore_mem>>)
        %dma_wait3A_81 = arith.constant 1840 : i32
        %dma_wait3A_82 = arith.constant 0 : i32
        %dma_wait3A_83 = tpu.memref_slice %arg23[%dma_wait3A_81, %dma_wait3A_82] : memref<10000x128xf32, #tpu.memory_space<vmem_shared>> -> memref<80x128xf32, #tpu.memory_space<vmem_shared>>
        %dma_wait3A_84 = arith.constant 1840 : i32
        %dma_wait3A_85 = arith.constant 0 : i32
        %dma_wait3A_86 = tpu.memref_slice %arg23[%dma_wait3A_84, %dma_wait3A_85] : memref<10000x128xf32, #tpu.memory_space<vmem_shared>> -> memref<80x128xf32, #tpu.memory_space<vmem_shared>>
        tpu.wait_dma2 semaphore(%run_scoped3A : memref<!tpu.dma_semaphore, #tpu.memory_space<semaphore_mem>>) src(%arg21 : memref<80x128xf32, #tpu.memory_space<vmem>>) dst(%dma_wait3A_86 : memref<80x128xf32, #tpu.memory_space<vmem_shared>>)
        tpu.yield
      }) : () -> ()
      "tpu.region"() ({
        %run_scoped3A = tpu.sem_alloc : memref<!tpu.dma_semaphore, #tpu.memory_space<semaphore_mem>>
        %dma_start3A_75 = arith.constant 1920 : i32
        %dma_start3A_76 = arith.constant 0 : i32
        %dma_start3A_77 = tpu.memref_slice %arg23[%dma_start3A_75, %dma_start3A_76] : memref<10000x128xf32, #tpu.memory_space<vmem_shared>> -> memref<80x128xf32, #tpu.memory_space<vmem_shared>>
        %dma_start3A_78 = arith.constant 1920 : i32
        %dma_start3A_79 = arith.constant 0 : i32
        %dma_start3A_80 = tpu.memref_slice %arg23[%dma_start3A_78, %dma_start3A_79] : memref<10000x128xf32, #tpu.memory_space<vmem_shared>> -> memref<80x128xf32, #tpu.memory_space<vmem_shared>>
        tpu.enqueue_dma source(%arg21 : memref<80x128xf32, #tpu.memory_space<vmem>>) target(%dma_start3A_80 : memref<80x128xf32, #tpu.memory_space<vmem_shared>>) target_semaphore(%run_scoped3A : memref<!tpu.dma_semaphore, #tpu.memory_space<semaphore_mem>>)
        %dma_wait3A_81 = arith.constant 1920 : i32
        %dma_wait3A_82 = arith.constant 0 : i32
        %dma_wait3A_83 = tpu.memref_slice %arg23[%dma_wait3A_81, %dma_wait3A_82] : memref<10000x128xf32, #tpu.memory_space<vmem_shared>> -> memref<80x128xf32, #tpu.memory_space<vmem_shared>>
        %dma_wait3A_84 = arith.constant 1920 : i32
        %dma_wait3A_85 = arith.constant 0 : i32
        %dma_wait3A_86 = tpu.memref_slice %arg23[%dma_wait3A_84, %dma_wait3A_85] : memref<10000x128xf32, #tpu.memory_space<vmem_shared>> -> memref<80x128xf32, #tpu.memory_space<vmem_shared>>
        tpu.wait_dma2 semaphore(%run_scoped3A : memref<!tpu.dma_semaphore, #tpu.memory_space<semaphore_mem>>) src(%arg21 : memref<80x128xf32, #tpu.memory_space<vmem>>) dst(%dma_wait3A_86 : memref<80x128xf32, #tpu.memory_space<vmem_shared>>)
        tpu.yield
      }) : () -> ()
      "tpu.region"() ({
        %run_scoped3A = tpu.sem_alloc : memref<!tpu.dma_semaphore, #tpu.memory_space<semaphore_mem>>
        %dma_start3A_75 = arith.constant 2000 : i32
        %dma_start3A_76 = arith.constant 0 : i32
        %dma_start3A_77 = tpu.memref_slice %arg23[%dma_start3A_75, %dma_start3A_76] : memref<10000x128xf32, #tpu.memory_space<vmem_shared>> -> memref<80x128xf32, #tpu.memory_space<vmem_shared>>
        %dma_start3A_78 = arith.constant 2000 : i32
        %dma_start3A_79 = arith.constant 0 : i32
        %dma_start3A_80 = tpu.memref_slice %arg23[%dma_start3A_78, %dma_start3A_79] : memref<10000x128xf32, #tpu.memory_space<vmem_shared>> -> memref<80x128xf32, #tpu.memory_space<vmem_shared>>
        tpu.enqueue_dma source(%arg21 : memref<80x128xf32, #tpu.memory_space<vmem>>) target(%dma_start3A_80 : memref<80x128xf32, #tpu.memory_space<vmem_shared>>) target_semaphore(%run_scoped3A : memref<!tpu.dma_semaphore, #tpu.memory_space<semaphore_mem>>)
        %dma_wait3A_81 = arith.constant 2000 : i32
        %dma_wait3A_82 = arith.constant 0 : i32
        %dma_wait3A_83 = tpu.memref_slice %arg23[%dma_wait3A_81, %dma_wait3A_82] : memref<10000x128xf32, #tpu.memory_space<vmem_shared>> -> memref<80x128xf32, #tpu.memory_space<vmem_shared>>
        %dma_wait3A_84 = arith.constant 2000 : i32
        %dma_wait3A_85 = arith.constant 0 : i32
        %dma_wait3A_86 = tpu.memref_slice %arg23[%dma_wait3A_84, %dma_wait3A_85] : memref<10000x128xf32, #tpu.memory_space<vmem_shared>> -> memref<80x128xf32, #tpu.memory_space<vmem_shared>>
        tpu.wait_dma2 semaphore(%run_scoped3A : memref<!tpu.dma_semaphore, #tpu.memory_space<semaphore_mem>>) src(%arg21 : memref<80x128xf32, #tpu.memory_space<vmem>>) dst(%dma_wait3A_86 : memref<80x128xf32, #tpu.memory_space<vmem_shared>>)
        tpu.yield
      }) : () -> ()
      "tpu.region"() ({
        %run_scoped3A = tpu.sem_alloc : memref<!tpu.dma_semaphore, #tpu.memory_space<semaphore_mem>>
        %dma_start3A_75 = arith.constant 2080 : i32
        %dma_start3A_76 = arith.constant 0 : i32
        %dma_start3A_77 = tpu.memref_slice %arg23[%dma_start3A_75, %dma_start3A_76] : memref<10000x128xf32, #tpu.memory_space<vmem_shared>> -> memref<80x128xf32, #tpu.memory_space<vmem_shared>>
        %dma_start3A_78 = arith.constant 2080 : i32
        %dma_start3A_79 = arith.constant 0 : i32
        %dma_start3A_80 = tpu.memref_slice %arg23[%dma_start3A_78, %dma_start3A_79] : memref<10000x128xf32, #tpu.memory_space<vmem_shared>> -> memref<80x128xf32, #tpu.memory_space<vmem_shared>>
        tpu.enqueue_dma source(%arg21 : memref<80x128xf32, #tpu.memory_space<vmem>>) target(%dma_start3A_80 : memref<80x128xf32, #tpu.memory_space<vmem_shared>>) target_semaphore(%run_scoped3A : memref<!tpu.dma_semaphore, #tpu.memory_space<semaphore_mem>>)
        %dma_wait3A_81 = arith.constant 2080 : i32
        %dma_wait3A_82 = arith.constant 0 : i32
        %dma_wait3A_83 = tpu.memref_slice %arg23[%dma_wait3A_81, %dma_wait3A_82] : memref<10000x128xf32, #tpu.memory_space<vmem_shared>> -> memref<80x128xf32, #tpu.memory_space<vmem_shared>>
        %dma_wait3A_84 = arith.constant 2080 : i32
        %dma_wait3A_85 = arith.constant 0 : i32
        %dma_wait3A_86 = tpu.memref_slice %arg23[%dma_wait3A_84, %dma_wait3A_85] : memref<10000x128xf32, #tpu.memory_space<vmem_shared>> -> memref<80x128xf32, #tpu.memory_space<vmem_shared>>
        tpu.wait_dma2 semaphore(%run_scoped3A : memref<!tpu.dma_semaphore, #tpu.memory_space<semaphore_mem>>) src(%arg21 : memref<80x128xf32, #tpu.memory_space<vmem>>) dst(%dma_wait3A_86 : memref<80x128xf32, #tpu.memory_space<vmem_shared>>)
        tpu.yield
      }) : () -> ()
      "tpu.region"() ({
        %run_scoped3A = tpu.sem_alloc : memref<!tpu.dma_semaphore, #tpu.memory_space<semaphore_mem>>
        %dma_start3A_75 = arith.constant 2160 : i32
        %dma_start3A_76 = arith.constant 0 : i32
        %dma_start3A_77 = tpu.memref_slice %arg23[%dma_start3A_75, %dma_start3A_76] : memref<10000x128xf32, #tpu.memory_space<vmem_shared>> -> memref<80x128xf32, #tpu.memory_space<vmem_shared>>
        %dma_start3A_78 = arith.constant 2160 : i32
        %dma_start3A_79 = arith.constant 0 : i32
        %dma_start3A_80 = tpu.memref_slice %arg23[%dma_start3A_78, %dma_start3A_79] : memref<10000x128xf32, #tpu.memory_space<vmem_shared>> -> memref<80x128xf32, #tpu.memory_space<vmem_shared>>
        tpu.enqueue_dma source(%arg21 : memref<80x128xf32, #tpu.memory_space<vmem>>) target(%dma_start3A_80 : memref<80x128xf32, #tpu.memory_space<vmem_shared>>) target_semaphore(%run_scoped3A : memref<!tpu.dma_semaphore, #tpu.memory_space<semaphore_mem>>)
        %dma_wait3A_81 = arith.constant 2160 : i32
        %dma_wait3A_82 = arith.constant 0 : i32
        %dma_wait3A_83 = tpu.memref_slice %arg23[%dma_wait3A_81, %dma_wait3A_82] : memref<10000x128xf32, #tpu.memory_space<vmem_shared>> -> memref<80x128xf32, #tpu.memory_space<vmem_shared>>
        %dma_wait3A_84 = arith.constant 2160 : i32
        %dma_wait3A_85 = arith.constant 0 : i32
        %dma_wait3A_86 = tpu.memref_slice %arg23[%dma_wait3A_84, %dma_wait3A_85] : memref<10000x128xf32, #tpu.memory_space<vmem_shared>> -> memref<80x128xf32, #tpu.memory_space<vmem_shared>>
        tpu.wait_dma2 semaphore(%run_scoped3A : memref<!tpu.dma_semaphore, #tpu.memory_space<semaphore_mem>>) src(%arg21 : memref<80x128xf32, #tpu.memory_space<vmem>>) dst(%dma_wait3A_86 : memref<80x128xf32, #tpu.memory_space<vmem_shared>>)
        tpu.yield
      }) : () -> ()
      "tpu.region"() ({
        %run_scoped3A = tpu.sem_alloc : memref<!tpu.dma_semaphore, #tpu.memory_space<semaphore_mem>>
        %dma_start3A_75 = arith.constant 2240 : i32
        %dma_start3A_76 = arith.constant 0 : i32
        %dma_start3A_77 = tpu.memref_slice %arg23[%dma_start3A_75, %dma_start3A_76] : memref<10000x128xf32, #tpu.memory_space<vmem_shared>> -> memref<80x128xf32, #tpu.memory_space<vmem_shared>>
        %dma_start3A_78 = arith.constant 2240 : i32
        %dma_start3A_79 = arith.constant 0 : i32
        %dma_start3A_80 = tpu.memref_slice %arg23[%dma_start3A_78, %dma_start3A_79] : memref<10000x128xf32, #tpu.memory_space<vmem_shared>> -> memref<80x128xf32, #tpu.memory_space<vmem_shared>>
        tpu.enqueue_dma source(%arg21 : memref<80x128xf32, #tpu.memory_space<vmem>>) target(%dma_start3A_80 : memref<80x128xf32, #tpu.memory_space<vmem_shared>>) target_semaphore(%run_scoped3A : memref<!tpu.dma_semaphore, #tpu.memory_space<semaphore_mem>>)
        %dma_wait3A_81 = arith.constant 2240 : i32
        %dma_wait3A_82 = arith.constant 0 : i32
        %dma_wait3A_83 = tpu.memref_slice %arg23[%dma_wait3A_81, %dma_wait3A_82] : memref<10000x128xf32, #tpu.memory_space<vmem_shared>> -> memref<80x128xf32, #tpu.memory_space<vmem_shared>>
        %dma_wait3A_84 = arith.constant 2240 : i32
        %dma_wait3A_85 = arith.constant 0 : i32
        %dma_wait3A_86 = tpu.memref_slice %arg23[%dma_wait3A_84, %dma_wait3A_85] : memref<10000x128xf32, #tpu.memory_space<vmem_shared>> -> memref<80x128xf32, #tpu.memory_space<vmem_shared>>
        tpu.wait_dma2 semaphore(%run_scoped3A : memref<!tpu.dma_semaphore, #tpu.memory_space<semaphore_mem>>) src(%arg21 : memref<80x128xf32, #tpu.memory_space<vmem>>) dst(%dma_wait3A_86 : memref<80x128xf32, #tpu.memory_space<vmem_shared>>)
        tpu.yield
      }) : () -> ()
      "tpu.region"() ({
        %run_scoped3A = tpu.sem_alloc : memref<!tpu.dma_semaphore, #tpu.memory_space<semaphore_mem>>
        %dma_start3A_75 = arith.constant 2320 : i32
        %dma_start3A_76 = arith.constant 0 : i32
        %dma_start3A_77 = tpu.memref_slice %arg23[%dma_start3A_75, %dma_start3A_76] : memref<10000x128xf32, #tpu.memory_space<vmem_shared>> -> memref<80x128xf32, #tpu.memory_space<vmem_shared>>
        %dma_start3A_78 = arith.constant 2320 : i32
        %dma_start3A_79 = arith.constant 0 : i32
        %dma_start3A_80 = tpu.memref_slice %arg23[%dma_start3A_78, %dma_start3A_79] : memref<10000x128xf32, #tpu.memory_space<vmem_shared>> -> memref<80x128xf32, #tpu.memory_space<vmem_shared>>
        tpu.enqueue_dma source(%arg21 : memref<80x128xf32, #tpu.memory_space<vmem>>) target(%dma_start3A_80 : memref<80x128xf32, #tpu.memory_space<vmem_shared>>) target_semaphore(%run_scoped3A : memref<!tpu.dma_semaphore, #tpu.memory_space<semaphore_mem>>)
        %dma_wait3A_81 = arith.constant 2320 : i32
        %dma_wait3A_82 = arith.constant 0 : i32
        %dma_wait3A_83 = tpu.memref_slice %arg23[%dma_wait3A_81, %dma_wait3A_82] : memref<10000x128xf32, #tpu.memory_space<vmem_shared>> -> memref<80x128xf32, #tpu.memory_space<vmem_shared>>
        %dma_wait3A_84 = arith.constant 2320 : i32
        %dma_wait3A_85 = arith.constant 0 : i32
        %dma_wait3A_86 = tpu.memref_slice %arg23[%dma_wait3A_84, %dma_wait3A_85] : memref<10000x128xf32, #tpu.memory_space<vmem_shared>> -> memref<80x128xf32, #tpu.memory_space<vmem_shared>>
        tpu.wait_dma2 semaphore(%run_scoped3A : memref<!tpu.dma_semaphore, #tpu.memory_space<semaphore_mem>>) src(%arg21 : memref<80x128xf32, #tpu.memory_space<vmem>>) dst(%dma_wait3A_86 : memref<80x128xf32, #tpu.memory_space<vmem_shared>>)
        tpu.yield
      }) : () -> ()
      "tpu.region"() ({
        %run_scoped3A = tpu.sem_alloc : memref<!tpu.dma_semaphore, #tpu.memory_space<semaphore_mem>>
        %dma_start3A_75 = arith.constant 2400 : i32
        %dma_start3A_76 = arith.constant 0 : i32
        %dma_start3A_77 = tpu.memref_slice %arg23[%dma_start3A_75, %dma_start3A_76] : memref<10000x128xf32, #tpu.memory_space<vmem_shared>> -> memref<80x128xf32, #tpu.memory_space<vmem_shared>>
        %dma_start3A_78 = arith.constant 2400 : i32
        %dma_start3A_79 = arith.constant 0 : i32
        %dma_start3A_80 = tpu.memref_slice %arg23[%dma_start3A_78, %dma_start3A_79] : memref<10000x128xf32, #tpu.memory_space<vmem_shared>> -> memref<80x128xf32, #tpu.memory_space<vmem_shared>>
        tpu.enqueue_dma source(%arg21 : memref<80x128xf32, #tpu.memory_space<vmem>>) target(%dma_start3A_80 : memref<80x128xf32, #tpu.memory_space<vmem_shared>>) target_semaphore(%run_scoped3A : memref<!tpu.dma_semaphore, #tpu.memory_space<semaphore_mem>>)
        %dma_wait3A_81 = arith.constant 2400 : i32
        %dma_wait3A_82 = arith.constant 0 : i32
        %dma_wait3A_83 = tpu.memref_slice %arg23[%dma_wait3A_81, %dma_wait3A_82] : memref<10000x128xf32, #tpu.memory_space<vmem_shared>> -> memref<80x128xf32, #tpu.memory_space<vmem_shared>>
        %dma_wait3A_84 = arith.constant 2400 : i32
        %dma_wait3A_85 = arith.constant 0 : i32
        %dma_wait3A_86 = tpu.memref_slice %arg23[%dma_wait3A_84, %dma_wait3A_85] : memref<10000x128xf32, #tpu.memory_space<vmem_shared>> -> memref<80x128xf32, #tpu.memory_space<vmem_shared>>
        tpu.wait_dma2 semaphore(%run_scoped3A : memref<!tpu.dma_semaphore, #tpu.memory_space<semaphore_mem>>) src(%arg21 : memref<80x128xf32, #tpu.memory_space<vmem>>) dst(%dma_wait3A_86 : memref<80x128xf32, #tpu.memory_space<vmem_shared>>)
        tpu.yield
      }) : () -> ()
      "tpu.region"() ({
        %run_scoped3A = tpu.sem_alloc : memref<!tpu.dma_semaphore, #tpu.memory_space<semaphore_mem>>
        %dma_start3A_75 = arith.constant 2480 : i32
        %dma_start3A_76 = arith.constant 0 : i32
        %dma_start3A_77 = tpu.memref_slice %arg23[%dma_start3A_75, %dma_start3A_76] : memref<10000x128xf32, #tpu.memory_space<vmem_shared>> -> memref<80x128xf32, #tpu.memory_space<vmem_shared>>
        %dma_start3A_78 = arith.constant 2480 : i32
        %dma_start3A_79 = arith.constant 0 : i32
        %dma_start3A_80 = tpu.memref_slice %arg23[%dma_start3A_78, %dma_start3A_79] : memref<10000x128xf32, #tpu.memory_space<vmem_shared>> -> memref<80x128xf32, #tpu.memory_space<vmem_shared>>
        tpu.enqueue_dma source(%arg21 : memref<80x128xf32, #tpu.memory_space<vmem>>) target(%dma_start3A_80 : memref<80x128xf32, #tpu.memory_space<vmem_shared>>) target_semaphore(%run_scoped3A : memref<!tpu.dma_semaphore, #tpu.memory_space<semaphore_mem>>)
        %dma_wait3A_81 = arith.constant 2480 : i32
        %dma_wait3A_82 = arith.constant 0 : i32
        %dma_wait3A_83 = tpu.memref_slice %arg23[%dma_wait3A_81, %dma_wait3A_82] : memref<10000x128xf32, #tpu.memory_space<vmem_shared>> -> memref<80x128xf32, #tpu.memory_space<vmem_shared>>
        %dma_wait3A_84 = arith.constant 2480 : i32
        %dma_wait3A_85 = arith.constant 0 : i32
        %dma_wait3A_86 = tpu.memref_slice %arg23[%dma_wait3A_84, %dma_wait3A_85] : memref<10000x128xf32, #tpu.memory_space<vmem_shared>> -> memref<80x128xf32, #tpu.memory_space<vmem_shared>>
        tpu.wait_dma2 semaphore(%run_scoped3A : memref<!tpu.dma_semaphore, #tpu.memory_space<semaphore_mem>>) src(%arg21 : memref<80x128xf32, #tpu.memory_space<vmem>>) dst(%dma_wait3A_86 : memref<80x128xf32, #tpu.memory_space<vmem_shared>>)
        tpu.yield
      }) : () -> ()
      "tpu.region"() ({
        %run_scoped3A = tpu.sem_alloc : memref<!tpu.dma_semaphore, #tpu.memory_space<semaphore_mem>>
        %dma_start3A_75 = arith.constant 2560 : i32
        %dma_start3A_76 = arith.constant 0 : i32
        %dma_start3A_77 = tpu.memref_slice %arg23[%dma_start3A_75, %dma_start3A_76] : memref<10000x128xf32, #tpu.memory_space<vmem_shared>> -> memref<80x128xf32, #tpu.memory_space<vmem_shared>>
        %dma_start3A_78 = arith.constant 2560 : i32
        %dma_start3A_79 = arith.constant 0 : i32
        %dma_start3A_80 = tpu.memref_slice %arg23[%dma_start3A_78, %dma_start3A_79] : memref<10000x128xf32, #tpu.memory_space<vmem_shared>> -> memref<80x128xf32, #tpu.memory_space<vmem_shared>>
        tpu.enqueue_dma source(%arg21 : memref<80x128xf32, #tpu.memory_space<vmem>>) target(%dma_start3A_80 : memref<80x128xf32, #tpu.memory_space<vmem_shared>>) target_semaphore(%run_scoped3A : memref<!tpu.dma_semaphore, #tpu.memory_space<semaphore_mem>>)
        %dma_wait3A_81 = arith.constant 2560 : i32
        %dma_wait3A_82 = arith.constant 0 : i32
        %dma_wait3A_83 = tpu.memref_slice %arg23[%dma_wait3A_81, %dma_wait3A_82] : memref<10000x128xf32, #tpu.memory_space<vmem_shared>> -> memref<80x128xf32, #tpu.memory_space<vmem_shared>>
        %dma_wait3A_84 = arith.constant 2560 : i32
        %dma_wait3A_85 = arith.constant 0 : i32
        %dma_wait3A_86 = tpu.memref_slice %arg23[%dma_wait3A_84, %dma_wait3A_85] : memref<10000x128xf32, #tpu.memory_space<vmem_shared>> -> memref<80x128xf32, #tpu.memory_space<vmem_shared>>
        tpu.wait_dma2 semaphore(%run_scoped3A : memref<!tpu.dma_semaphore, #tpu.memory_space<semaphore_mem>>) src(%arg21 : memref<80x128xf32, #tpu.memory_space<vmem>>) dst(%dma_wait3A_86 : memref<80x128xf32, #tpu.memory_space<vmem_shared>>)
        tpu.yield
      }) : () -> ()
      "tpu.region"() ({
        %run_scoped3A = tpu.sem_alloc : memref<!tpu.dma_semaphore, #tpu.memory_space<semaphore_mem>>
        %dma_start3A_75 = arith.constant 2640 : i32
        %dma_start3A_76 = arith.constant 0 : i32
        %dma_start3A_77 = tpu.memref_slice %arg23[%dma_start3A_75, %dma_start3A_76] : memref<10000x128xf32, #tpu.memory_space<vmem_shared>> -> memref<80x128xf32, #tpu.memory_space<vmem_shared>>
        %dma_start3A_78 = arith.constant 2640 : i32
        %dma_start3A_79 = arith.constant 0 : i32
        %dma_start3A_80 = tpu.memref_slice %arg23[%dma_start3A_78, %dma_start3A_79] : memref<10000x128xf32, #tpu.memory_space<vmem_shared>> -> memref<80x128xf32, #tpu.memory_space<vmem_shared>>
        tpu.enqueue_dma source(%arg21 : memref<80x128xf32, #tpu.memory_space<vmem>>) target(%dma_start3A_80 : memref<80x128xf32, #tpu.memory_space<vmem_shared>>) target_semaphore(%run_scoped3A : memref<!tpu.dma_semaphore, #tpu.memory_space<semaphore_mem>>)
        %dma_wait3A_81 = arith.constant 2640 : i32
        %dma_wait3A_82 = arith.constant 0 : i32
        %dma_wait3A_83 = tpu.memref_slice %arg23[%dma_wait3A_81, %dma_wait3A_82] : memref<10000x128xf32, #tpu.memory_space<vmem_shared>> -> memref<80x128xf32, #tpu.memory_space<vmem_shared>>
        %dma_wait3A_84 = arith.constant 2640 : i32
        %dma_wait3A_85 = arith.constant 0 : i32
        %dma_wait3A_86 = tpu.memref_slice %arg23[%dma_wait3A_84, %dma_wait3A_85] : memref<10000x128xf32, #tpu.memory_space<vmem_shared>> -> memref<80x128xf32, #tpu.memory_space<vmem_shared>>
        tpu.wait_dma2 semaphore(%run_scoped3A : memref<!tpu.dma_semaphore, #tpu.memory_space<semaphore_mem>>) src(%arg21 : memref<80x128xf32, #tpu.memory_space<vmem>>) dst(%dma_wait3A_86 : memref<80x128xf32, #tpu.memory_space<vmem_shared>>)
        tpu.yield
      }) : () -> ()
      "tpu.region"() ({
        %run_scoped3A = tpu.sem_alloc : memref<!tpu.dma_semaphore, #tpu.memory_space<semaphore_mem>>
        %dma_start3A_75 = arith.constant 2720 : i32
        %dma_start3A_76 = arith.constant 0 : i32
        %dma_start3A_77 = tpu.memref_slice %arg23[%dma_start3A_75, %dma_start3A_76] : memref<10000x128xf32, #tpu.memory_space<vmem_shared>> -> memref<80x128xf32, #tpu.memory_space<vmem_shared>>
        %dma_start3A_78 = arith.constant 2720 : i32
        %dma_start3A_79 = arith.constant 0 : i32
        %dma_start3A_80 = tpu.memref_slice %arg23[%dma_start3A_78, %dma_start3A_79] : memref<10000x128xf32, #tpu.memory_space<vmem_shared>> -> memref<80x128xf32, #tpu.memory_space<vmem_shared>>
        tpu.enqueue_dma source(%arg21 : memref<80x128xf32, #tpu.memory_space<vmem>>) target(%dma_start3A_80 : memref<80x128xf32, #tpu.memory_space<vmem_shared>>) target_semaphore(%run_scoped3A : memref<!tpu.dma_semaphore, #tpu.memory_space<semaphore_mem>>)
        %dma_wait3A_81 = arith.constant 2720 : i32
        %dma_wait3A_82 = arith.constant 0 : i32
        %dma_wait3A_83 = tpu.memref_slice %arg23[%dma_wait3A_81, %dma_wait3A_82] : memref<10000x128xf32, #tpu.memory_space<vmem_shared>> -> memref<80x128xf32, #tpu.memory_space<vmem_shared>>
        %dma_wait3A_84 = arith.constant 2720 : i32
        %dma_wait3A_85 = arith.constant 0 : i32
        %dma_wait3A_86 = tpu.memref_slice %arg23[%dma_wait3A_84, %dma_wait3A_85] : memref<10000x128xf32, #tpu.memory_space<vmem_shared>> -> memref<80x128xf32, #tpu.memory_space<vmem_shared>>
        tpu.wait_dma2 semaphore(%run_scoped3A : memref<!tpu.dma_semaphore, #tpu.memory_space<semaphore_mem>>) src(%arg21 : memref<80x128xf32, #tpu.memory_space<vmem>>) dst(%dma_wait3A_86 : memref<80x128xf32, #tpu.memory_space<vmem_shared>>)
        tpu.yield
      }) : () -> ()
      "tpu.region"() ({
        %run_scoped3A = tpu.sem_alloc : memref<!tpu.dma_semaphore, #tpu.memory_space<semaphore_mem>>
        %dma_start3A_75 = arith.constant 2800 : i32
        %dma_start3A_76 = arith.constant 0 : i32
        %dma_start3A_77 = tpu.memref_slice %arg23[%dma_start3A_75, %dma_start3A_76] : memref<10000x128xf32, #tpu.memory_space<vmem_shared>> -> memref<80x128xf32, #tpu.memory_space<vmem_shared>>
        %dma_start3A_78 = arith.constant 2800 : i32
        %dma_start3A_79 = arith.constant 0 : i32
        %dma_start3A_80 = tpu.memref_slice %arg23[%dma_start3A_78, %dma_start3A_79] : memref<10000x128xf32, #tpu.memory_space<vmem_shared>> -> memref<80x128xf32, #tpu.memory_space<vmem_shared>>
        tpu.enqueue_dma source(%arg21 : memref<80x128xf32, #tpu.memory_space<vmem>>) target(%dma_start3A_80 : memref<80x128xf32, #tpu.memory_space<vmem_shared>>) target_semaphore(%run_scoped3A : memref<!tpu.dma_semaphore, #tpu.memory_space<semaphore_mem>>)
        %dma_wait3A_81 = arith.constant 2800 : i32
        %dma_wait3A_82 = arith.constant 0 : i32
        %dma_wait3A_83 = tpu.memref_slice %arg23[%dma_wait3A_81, %dma_wait3A_82] : memref<10000x128xf32, #tpu.memory_space<vmem_shared>> -> memref<80x128xf32, #tpu.memory_space<vmem_shared>>
        %dma_wait3A_84 = arith.constant 2800 : i32
        %dma_wait3A_85 = arith.constant 0 : i32
        %dma_wait3A_86 = tpu.memref_slice %arg23[%dma_wait3A_84, %dma_wait3A_85] : memref<10000x128xf32, #tpu.memory_space<vmem_shared>> -> memref<80x128xf32, #tpu.memory_space<vmem_shared>>
        tpu.wait_dma2 semaphore(%run_scoped3A : memref<!tpu.dma_semaphore, #tpu.memory_space<semaphore_mem>>) src(%arg21 : memref<80x128xf32, #tpu.memory_space<vmem>>) dst(%dma_wait3A_86 : memref<80x128xf32, #tpu.memory_space<vmem_shared>>)
        tpu.yield
      }) : () -> ()
      "tpu.region"() ({
        %run_scoped3A = tpu.sem_alloc : memref<!tpu.dma_semaphore, #tpu.memory_space<semaphore_mem>>
        %dma_start3A_75 = arith.constant 2880 : i32
        %dma_start3A_76 = arith.constant 0 : i32
        %dma_start3A_77 = tpu.memref_slice %arg23[%dma_start3A_75, %dma_start3A_76] : memref<10000x128xf32, #tpu.memory_space<vmem_shared>> -> memref<80x128xf32, #tpu.memory_space<vmem_shared>>
        %dma_start3A_78 = arith.constant 2880 : i32
        %dma_start3A_79 = arith.constant 0 : i32
        %dma_start3A_80 = tpu.memref_slice %arg23[%dma_start3A_78, %dma_start3A_79] : memref<10000x128xf32, #tpu.memory_space<vmem_shared>> -> memref<80x128xf32, #tpu.memory_space<vmem_shared>>
        tpu.enqueue_dma source(%arg21 : memref<80x128xf32, #tpu.memory_space<vmem>>) target(%dma_start3A_80 : memref<80x128xf32, #tpu.memory_space<vmem_shared>>) target_semaphore(%run_scoped3A : memref<!tpu.dma_semaphore, #tpu.memory_space<semaphore_mem>>)
        %dma_wait3A_81 = arith.constant 2880 : i32
        %dma_wait3A_82 = arith.constant 0 : i32
        %dma_wait3A_83 = tpu.memref_slice %arg23[%dma_wait3A_81, %dma_wait3A_82] : memref<10000x128xf32, #tpu.memory_space<vmem_shared>> -> memref<80x128xf32, #tpu.memory_space<vmem_shared>>
        %dma_wait3A_84 = arith.constant 2880 : i32
        %dma_wait3A_85 = arith.constant 0 : i32
        %dma_wait3A_86 = tpu.memref_slice %arg23[%dma_wait3A_84, %dma_wait3A_85] : memref<10000x128xf32, #tpu.memory_space<vmem_shared>> -> memref<80x128xf32, #tpu.memory_space<vmem_shared>>
        tpu.wait_dma2 semaphore(%run_scoped3A : memref<!tpu.dma_semaphore, #tpu.memory_space<semaphore_mem>>) src(%arg21 : memref<80x128xf32, #tpu.memory_space<vmem>>) dst(%dma_wait3A_86 : memref<80x128xf32, #tpu.memory_space<vmem_shared>>)
        tpu.yield
      }) : () -> ()
      "tpu.region"() ({
        %run_scoped3A = tpu.sem_alloc : memref<!tpu.dma_semaphore, #tpu.memory_space<semaphore_mem>>
        %dma_start3A_75 = arith.constant 2960 : i32
        %dma_start3A_76 = arith.constant 0 : i32
        %dma_start3A_77 = tpu.memref_slice %arg23[%dma_start3A_75, %dma_start3A_76] : memref<10000x128xf32, #tpu.memory_space<vmem_shared>> -> memref<80x128xf32, #tpu.memory_space<vmem_shared>>
        %dma_start3A_78 = arith.constant 2960 : i32
        %dma_start3A_79 = arith.constant 0 : i32
        %dma_start3A_80 = tpu.memref_slice %arg23[%dma_start3A_78, %dma_start3A_79] : memref<10000x128xf32, #tpu.memory_space<vmem_shared>> -> memref<80x128xf32, #tpu.memory_space<vmem_shared>>
        tpu.enqueue_dma source(%arg21 : memref<80x128xf32, #tpu.memory_space<vmem>>) target(%dma_start3A_80 : memref<80x128xf32, #tpu.memory_space<vmem_shared>>) target_semaphore(%run_scoped3A : memref<!tpu.dma_semaphore, #tpu.memory_space<semaphore_mem>>)
        %dma_wait3A_81 = arith.constant 2960 : i32
        %dma_wait3A_82 = arith.constant 0 : i32
        %dma_wait3A_83 = tpu.memref_slice %arg23[%dma_wait3A_81, %dma_wait3A_82] : memref<10000x128xf32, #tpu.memory_space<vmem_shared>> -> memref<80x128xf32, #tpu.memory_space<vmem_shared>>
        %dma_wait3A_84 = arith.constant 2960 : i32
        %dma_wait3A_85 = arith.constant 0 : i32
        %dma_wait3A_86 = tpu.memref_slice %arg23[%dma_wait3A_84, %dma_wait3A_85] : memref<10000x128xf32, #tpu.memory_space<vmem_shared>> -> memref<80x128xf32, #tpu.memory_space<vmem_shared>>
        tpu.wait_dma2 semaphore(%run_scoped3A : memref<!tpu.dma_semaphore, #tpu.memory_space<semaphore_mem>>) src(%arg21 : memref<80x128xf32, #tpu.memory_space<vmem>>) dst(%dma_wait3A_86 : memref<80x128xf32, #tpu.memory_space<vmem_shared>>)
        tpu.yield
      }) : () -> ()
      "tpu.region"() ({
        %run_scoped3A = tpu.sem_alloc : memref<!tpu.dma_semaphore, #tpu.memory_space<semaphore_mem>>
        %dma_start3A_75 = arith.constant 3040 : i32
        %dma_start3A_76 = arith.constant 0 : i32
        %dma_start3A_77 = tpu.memref_slice %arg23[%dma_start3A_75, %dma_start3A_76] : memref<10000x128xf32, #tpu.memory_space<vmem_shared>> -> memref<80x128xf32, #tpu.memory_space<vmem_shared>>
        %dma_start3A_78 = arith.constant 3040 : i32
        %dma_start3A_79 = arith.constant 0 : i32
        %dma_start3A_80 = tpu.memref_slice %arg23[%dma_start3A_78, %dma_start3A_79] : memref<10000x128xf32, #tpu.memory_space<vmem_shared>> -> memref<80x128xf32, #tpu.memory_space<vmem_shared>>
        tpu.enqueue_dma source(%arg21 : memref<80x128xf32, #tpu.memory_space<vmem>>) target(%dma_start3A_80 : memref<80x128xf32, #tpu.memory_space<vmem_shared>>) target_semaphore(%run_scoped3A : memref<!tpu.dma_semaphore, #tpu.memory_space<semaphore_mem>>)
        %dma_wait3A_81 = arith.constant 3040 : i32
        %dma_wait3A_82 = arith.constant 0 : i32
        %dma_wait3A_83 = tpu.memref_slice %arg23[%dma_wait3A_81, %dma_wait3A_82] : memref<10000x128xf32, #tpu.memory_space<vmem_shared>> -> memref<80x128xf32, #tpu.memory_space<vmem_shared>>
        %dma_wait3A_84 = arith.constant 3040 : i32
        %dma_wait3A_85 = arith.constant 0 : i32
        %dma_wait3A_86 = tpu.memref_slice %arg23[%dma_wait3A_84, %dma_wait3A_85] : memref<10000x128xf32, #tpu.memory_space<vmem_shared>> -> memref<80x128xf32, #tpu.memory_space<vmem_shared>>
        tpu.wait_dma2 semaphore(%run_scoped3A : memref<!tpu.dma_semaphore, #tpu.memory_space<semaphore_mem>>) src(%arg21 : memref<80x128xf32, #tpu.memory_space<vmem>>) dst(%dma_wait3A_86 : memref<80x128xf32, #tpu.memory_space<vmem_shared>>)
        tpu.yield
      }) : () -> ()
      "tpu.region"() ({
        %run_scoped3A = tpu.sem_alloc : memref<!tpu.dma_semaphore, #tpu.memory_space<semaphore_mem>>
        %dma_start3A_75 = arith.constant 3120 : i32
        %dma_start3A_76 = arith.constant 0 : i32
        %dma_start3A_77 = tpu.memref_slice %arg23[%dma_start3A_75, %dma_start3A_76] : memref<10000x128xf32, #tpu.memory_space<vmem_shared>> -> memref<80x128xf32, #tpu.memory_space<vmem_shared>>
        %dma_start3A_78 = arith.constant 3120 : i32
        %dma_start3A_79 = arith.constant 0 : i32
        %dma_start3A_80 = tpu.memref_slice %arg23[%dma_start3A_78, %dma_start3A_79] : memref<10000x128xf32, #tpu.memory_space<vmem_shared>> -> memref<80x128xf32, #tpu.memory_space<vmem_shared>>
        tpu.enqueue_dma source(%arg21 : memref<80x128xf32, #tpu.memory_space<vmem>>) target(%dma_start3A_80 : memref<80x128xf32, #tpu.memory_space<vmem_shared>>) target_semaphore(%run_scoped3A : memref<!tpu.dma_semaphore, #tpu.memory_space<semaphore_mem>>)
        %dma_wait3A_81 = arith.constant 3120 : i32
        %dma_wait3A_82 = arith.constant 0 : i32
        %dma_wait3A_83 = tpu.memref_slice %arg23[%dma_wait3A_81, %dma_wait3A_82] : memref<10000x128xf32, #tpu.memory_space<vmem_shared>> -> memref<80x128xf32, #tpu.memory_space<vmem_shared>>
        %dma_wait3A_84 = arith.constant 3120 : i32
        %dma_wait3A_85 = arith.constant 0 : i32
        %dma_wait3A_86 = tpu.memref_slice %arg23[%dma_wait3A_84, %dma_wait3A_85] : memref<10000x128xf32, #tpu.memory_space<vmem_shared>> -> memref<80x128xf32, #tpu.memory_space<vmem_shared>>
        tpu.wait_dma2 semaphore(%run_scoped3A : memref<!tpu.dma_semaphore, #tpu.memory_space<semaphore_mem>>) src(%arg21 : memref<80x128xf32, #tpu.memory_space<vmem>>) dst(%dma_wait3A_86 : memref<80x128xf32, #tpu.memory_space<vmem_shared>>)
        tpu.yield
      }) : () -> ()
      "tpu.region"() ({
        %run_scoped3A = tpu.sem_alloc : memref<!tpu.dma_semaphore, #tpu.memory_space<semaphore_mem>>
        %dma_start3A_75 = arith.constant 3200 : i32
        %dma_start3A_76 = arith.constant 0 : i32
        %dma_start3A_77 = tpu.memref_slice %arg23[%dma_start3A_75, %dma_start3A_76] : memref<10000x128xf32, #tpu.memory_space<vmem_shared>> -> memref<80x128xf32, #tpu.memory_space<vmem_shared>>
        %dma_start3A_78 = arith.constant 3200 : i32
        %dma_start3A_79 = arith.constant 0 : i32
        %dma_start3A_80 = tpu.memref_slice %arg23[%dma_start3A_78, %dma_start3A_79] : memref<10000x128xf32, #tpu.memory_space<vmem_shared>> -> memref<80x128xf32, #tpu.memory_space<vmem_shared>>
        tpu.enqueue_dma source(%arg21 : memref<80x128xf32, #tpu.memory_space<vmem>>) target(%dma_start3A_80 : memref<80x128xf32, #tpu.memory_space<vmem_shared>>) target_semaphore(%run_scoped3A : memref<!tpu.dma_semaphore, #tpu.memory_space<semaphore_mem>>)
        %dma_wait3A_81 = arith.constant 3200 : i32
        %dma_wait3A_82 = arith.constant 0 : i32
        %dma_wait3A_83 = tpu.memref_slice %arg23[%dma_wait3A_81, %dma_wait3A_82] : memref<10000x128xf32, #tpu.memory_space<vmem_shared>> -> memref<80x128xf32, #tpu.memory_space<vmem_shared>>
        %dma_wait3A_84 = arith.constant 3200 : i32
        %dma_wait3A_85 = arith.constant 0 : i32
        %dma_wait3A_86 = tpu.memref_slice %arg23[%dma_wait3A_84, %dma_wait3A_85] : memref<10000x128xf32, #tpu.memory_space<vmem_shared>> -> memref<80x128xf32, #tpu.memory_space<vmem_shared>>
        tpu.wait_dma2 semaphore(%run_scoped3A : memref<!tpu.dma_semaphore, #tpu.memory_space<semaphore_mem>>) src(%arg21 : memref<80x128xf32, #tpu.memory_space<vmem>>) dst(%dma_wait3A_86 : memref<80x128xf32, #tpu.memory_space<vmem_shared>>)
        tpu.yield
      }) : () -> ()
      "tpu.region"() ({
        %run_scoped3A = tpu.sem_alloc : memref<!tpu.dma_semaphore, #tpu.memory_space<semaphore_mem>>
        %dma_start3A_75 = arith.constant 3280 : i32
        %dma_start3A_76 = arith.constant 0 : i32
        %dma_start3A_77 = tpu.memref_slice %arg23[%dma_start3A_75, %dma_start3A_76] : memref<10000x128xf32, #tpu.memory_space<vmem_shared>> -> memref<80x128xf32, #tpu.memory_space<vmem_shared>>
        %dma_start3A_78 = arith.constant 3280 : i32
        %dma_start3A_79 = arith.constant 0 : i32
        %dma_start3A_80 = tpu.memref_slice %arg23[%dma_start3A_78, %dma_start3A_79] : memref<10000x128xf32, #tpu.memory_space<vmem_shared>> -> memref<80x128xf32, #tpu.memory_space<vmem_shared>>
        tpu.enqueue_dma source(%arg21 : memref<80x128xf32, #tpu.memory_space<vmem>>) target(%dma_start3A_80 : memref<80x128xf32, #tpu.memory_space<vmem_shared>>) target_semaphore(%run_scoped3A : memref<!tpu.dma_semaphore, #tpu.memory_space<semaphore_mem>>)
        %dma_wait3A_81 = arith.constant 3280 : i32
        %dma_wait3A_82 = arith.constant 0 : i32
        %dma_wait3A_83 = tpu.memref_slice %arg23[%dma_wait3A_81, %dma_wait3A_82] : memref<10000x128xf32, #tpu.memory_space<vmem_shared>> -> memref<80x128xf32, #tpu.memory_space<vmem_shared>>
        %dma_wait3A_84 = arith.constant 3280 : i32
        %dma_wait3A_85 = arith.constant 0 : i32
        %dma_wait3A_86 = tpu.memref_slice %arg23[%dma_wait3A_84, %dma_wait3A_85] : memref<10000x128xf32, #tpu.memory_space<vmem_shared>> -> memref<80x128xf32, #tpu.memory_space<vmem_shared>>
        tpu.wait_dma2 semaphore(%run_scoped3A : memref<!tpu.dma_semaphore, #tpu.memory_space<semaphore_mem>>) src(%arg21 : memref<80x128xf32, #tpu.memory_space<vmem>>) dst(%dma_wait3A_86 : memref<80x128xf32, #tpu.memory_space<vmem_shared>>)
        tpu.yield
      }) : () -> ()
      "tpu.region"() ({
        %run_scoped3A = tpu.sem_alloc : memref<!tpu.dma_semaphore, #tpu.memory_space<semaphore_mem>>
        %dma_start3A_75 = arith.constant 3360 : i32
        %dma_start3A_76 = arith.constant 0 : i32
        %dma_start3A_77 = tpu.memref_slice %arg23[%dma_start3A_75, %dma_start3A_76] : memref<10000x128xf32, #tpu.memory_space<vmem_shared>> -> memref<80x128xf32, #tpu.memory_space<vmem_shared>>
        %dma_start3A_78 = arith.constant 3360 : i32
        %dma_start3A_79 = arith.constant 0 : i32
        %dma_start3A_80 = tpu.memref_slice %arg23[%dma_start3A_78, %dma_start3A_79] : memref<10000x128xf32, #tpu.memory_space<vmem_shared>> -> memref<80x128xf32, #tpu.memory_space<vmem_shared>>
        tpu.enqueue_dma source(%arg21 : memref<80x128xf32, #tpu.memory_space<vmem>>) target(%dma_start3A_80 : memref<80x128xf32, #tpu.memory_space<vmem_shared>>) target_semaphore(%run_scoped3A : memref<!tpu.dma_semaphore, #tpu.memory_space<semaphore_mem>>)
        %dma_wait3A_81 = arith.constant 3360 : i32
        %dma_wait3A_82 = arith.constant 0 : i32
        %dma_wait3A_83 = tpu.memref_slice %arg23[%dma_wait3A_81, %dma_wait3A_82] : memref<10000x128xf32, #tpu.memory_space<vmem_shared>> -> memref<80x128xf32, #tpu.memory_space<vmem_shared>>
        %dma_wait3A_84 = arith.constant 3360 : i32
        %dma_wait3A_85 = arith.constant 0 : i32
        %dma_wait3A_86 = tpu.memref_slice %arg23[%dma_wait3A_84, %dma_wait3A_85] : memref<10000x128xf32, #tpu.memory_space<vmem_shared>> -> memref<80x128xf32, #tpu.memory_space<vmem_shared>>
        tpu.wait_dma2 semaphore(%run_scoped3A : memref<!tpu.dma_semaphore, #tpu.memory_space<semaphore_mem>>) src(%arg21 : memref<80x128xf32, #tpu.memory_space<vmem>>) dst(%dma_wait3A_86 : memref<80x128xf32, #tpu.memory_space<vmem_shared>>)
        tpu.yield
      }) : () -> ()
      "tpu.region"() ({
        %run_scoped3A = tpu.sem_alloc : memref<!tpu.dma_semaphore, #tpu.memory_space<semaphore_mem>>
        %dma_start3A_75 = arith.constant 3440 : i32
        %dma_start3A_76 = arith.constant 0 : i32
        %dma_start3A_77 = tpu.memref_slice %arg23[%dma_start3A_75, %dma_start3A_76] : memref<10000x128xf32, #tpu.memory_space<vmem_shared>> -> memref<80x128xf32, #tpu.memory_space<vmem_shared>>
        %dma_start3A_78 = arith.constant 3440 : i32
        %dma_start3A_79 = arith.constant 0 : i32
        %dma_start3A_80 = tpu.memref_slice %arg23[%dma_start3A_78, %dma_start3A_79] : memref<10000x128xf32, #tpu.memory_space<vmem_shared>> -> memref<80x128xf32, #tpu.memory_space<vmem_shared>>
        tpu.enqueue_dma source(%arg21 : memref<80x128xf32, #tpu.memory_space<vmem>>) target(%dma_start3A_80 : memref<80x128xf32, #tpu.memory_space<vmem_shared>>) target_semaphore(%run_scoped3A : memref<!tpu.dma_semaphore, #tpu.memory_space<semaphore_mem>>)
        %dma_wait3A_81 = arith.constant 3440 : i32
        %dma_wait3A_82 = arith.constant 0 : i32
        %dma_wait3A_83 = tpu.memref_slice %arg23[%dma_wait3A_81, %dma_wait3A_82] : memref<10000x128xf32, #tpu.memory_space<vmem_shared>> -> memref<80x128xf32, #tpu.memory_space<vmem_shared>>
        %dma_wait3A_84 = arith.constant 3440 : i32
        %dma_wait3A_85 = arith.constant 0 : i32
        %dma_wait3A_86 = tpu.memref_slice %arg23[%dma_wait3A_84, %dma_wait3A_85] : memref<10000x128xf32, #tpu.memory_space<vmem_shared>> -> memref<80x128xf32, #tpu.memory_space<vmem_shared>>
        tpu.wait_dma2 semaphore(%run_scoped3A : memref<!tpu.dma_semaphore, #tpu.memory_space<semaphore_mem>>) src(%arg21 : memref<80x128xf32, #tpu.memory_space<vmem>>) dst(%dma_wait3A_86 : memref<80x128xf32, #tpu.memory_space<vmem_shared>>)
        tpu.yield
      }) : () -> ()
      "tpu.region"() ({
        %run_scoped3A = tpu.sem_alloc : memref<!tpu.dma_semaphore, #tpu.memory_space<semaphore_mem>>
        %dma_start3A_75 = arith.constant 3520 : i32
        %dma_start3A_76 = arith.constant 0 : i32
        %dma_start3A_77 = tpu.memref_slice %arg23[%dma_start3A_75, %dma_start3A_76] : memref<10000x128xf32, #tpu.memory_space<vmem_shared>> -> memref<80x128xf32, #tpu.memory_space<vmem_shared>>
        %dma_start3A_78 = arith.constant 3520 : i32
        %dma_start3A_79 = arith.constant 0 : i32
        %dma_start3A_80 = tpu.memref_slice %arg23[%dma_start3A_78, %dma_start3A_79] : memref<10000x128xf32, #tpu.memory_space<vmem_shared>> -> memref<80x128xf32, #tpu.memory_space<vmem_shared>>
        tpu.enqueue_dma source(%arg21 : memref<80x128xf32, #tpu.memory_space<vmem>>) target(%dma_start3A_80 : memref<80x128xf32, #tpu.memory_space<vmem_shared>>) target_semaphore(%run_scoped3A : memref<!tpu.dma_semaphore, #tpu.memory_space<semaphore_mem>>)
        %dma_wait3A_81 = arith.constant 3520 : i32
        %dma_wait3A_82 = arith.constant 0 : i32
        %dma_wait3A_83 = tpu.memref_slice %arg23[%dma_wait3A_81, %dma_wait3A_82] : memref<10000x128xf32, #tpu.memory_space<vmem_shared>> -> memref<80x128xf32, #tpu.memory_space<vmem_shared>>
        %dma_wait3A_84 = arith.constant 3520 : i32
        %dma_wait3A_85 = arith.constant 0 : i32
        %dma_wait3A_86 = tpu.memref_slice %arg23[%dma_wait3A_84, %dma_wait3A_85] : memref<10000x128xf32, #tpu.memory_space<vmem_shared>> -> memref<80x128xf32, #tpu.memory_space<vmem_shared>>
        tpu.wait_dma2 semaphore(%run_scoped3A : memref<!tpu.dma_semaphore, #tpu.memory_space<semaphore_mem>>) src(%arg21 : memref<80x128xf32, #tpu.memory_space<vmem>>) dst(%dma_wait3A_86 : memref<80x128xf32, #tpu.memory_space<vmem_shared>>)
        tpu.yield
      }) : () -> ()
      "tpu.region"() ({
        %run_scoped3A = tpu.sem_alloc : memref<!tpu.dma_semaphore, #tpu.memory_space<semaphore_mem>>
        %dma_start3A_75 = arith.constant 3600 : i32
        %dma_start3A_76 = arith.constant 0 : i32
        %dma_start3A_77 = tpu.memref_slice %arg23[%dma_start3A_75, %dma_start3A_76] : memref<10000x128xf32, #tpu.memory_space<vmem_shared>> -> memref<80x128xf32, #tpu.memory_space<vmem_shared>>
        %dma_start3A_78 = arith.constant 3600 : i32
        %dma_start3A_79 = arith.constant 0 : i32
        %dma_start3A_80 = tpu.memref_slice %arg23[%dma_start3A_78, %dma_start3A_79] : memref<10000x128xf32, #tpu.memory_space<vmem_shared>> -> memref<80x128xf32, #tpu.memory_space<vmem_shared>>
        tpu.enqueue_dma source(%arg21 : memref<80x128xf32, #tpu.memory_space<vmem>>) target(%dma_start3A_80 : memref<80x128xf32, #tpu.memory_space<vmem_shared>>) target_semaphore(%run_scoped3A : memref<!tpu.dma_semaphore, #tpu.memory_space<semaphore_mem>>)
        %dma_wait3A_81 = arith.constant 3600 : i32
        %dma_wait3A_82 = arith.constant 0 : i32
        %dma_wait3A_83 = tpu.memref_slice %arg23[%dma_wait3A_81, %dma_wait3A_82] : memref<10000x128xf32, #tpu.memory_space<vmem_shared>> -> memref<80x128xf32, #tpu.memory_space<vmem_shared>>
        %dma_wait3A_84 = arith.constant 3600 : i32
        %dma_wait3A_85 = arith.constant 0 : i32
        %dma_wait3A_86 = tpu.memref_slice %arg23[%dma_wait3A_84, %dma_wait3A_85] : memref<10000x128xf32, #tpu.memory_space<vmem_shared>> -> memref<80x128xf32, #tpu.memory_space<vmem_shared>>
        tpu.wait_dma2 semaphore(%run_scoped3A : memref<!tpu.dma_semaphore, #tpu.memory_space<semaphore_mem>>) src(%arg21 : memref<80x128xf32, #tpu.memory_space<vmem>>) dst(%dma_wait3A_86 : memref<80x128xf32, #tpu.memory_space<vmem_shared>>)
        tpu.yield
      }) : () -> ()
      "tpu.region"() ({
        %run_scoped3A = tpu.sem_alloc : memref<!tpu.dma_semaphore, #tpu.memory_space<semaphore_mem>>
        %dma_start3A_75 = arith.constant 3680 : i32
        %dma_start3A_76 = arith.constant 0 : i32
        %dma_start3A_77 = tpu.memref_slice %arg23[%dma_start3A_75, %dma_start3A_76] : memref<10000x128xf32, #tpu.memory_space<vmem_shared>> -> memref<80x128xf32, #tpu.memory_space<vmem_shared>>
        %dma_start3A_78 = arith.constant 3680 : i32
        %dma_start3A_79 = arith.constant 0 : i32
        %dma_start3A_80 = tpu.memref_slice %arg23[%dma_start3A_78, %dma_start3A_79] : memref<10000x128xf32, #tpu.memory_space<vmem_shared>> -> memref<80x128xf32, #tpu.memory_space<vmem_shared>>
        tpu.enqueue_dma source(%arg21 : memref<80x128xf32, #tpu.memory_space<vmem>>) target(%dma_start3A_80 : memref<80x128xf32, #tpu.memory_space<vmem_shared>>) target_semaphore(%run_scoped3A : memref<!tpu.dma_semaphore, #tpu.memory_space<semaphore_mem>>)
        %dma_wait3A_81 = arith.constant 3680 : i32
        %dma_wait3A_82 = arith.constant 0 : i32
        %dma_wait3A_83 = tpu.memref_slice %arg23[%dma_wait3A_81, %dma_wait3A_82] : memref<10000x128xf32, #tpu.memory_space<vmem_shared>> -> memref<80x128xf32, #tpu.memory_space<vmem_shared>>
        %dma_wait3A_84 = arith.constant 3680 : i32
        %dma_wait3A_85 = arith.constant 0 : i32
        %dma_wait3A_86 = tpu.memref_slice %arg23[%dma_wait3A_84, %dma_wait3A_85] : memref<10000x128xf32, #tpu.memory_space<vmem_shared>> -> memref<80x128xf32, #tpu.memory_space<vmem_shared>>
        tpu.wait_dma2 semaphore(%run_scoped3A : memref<!tpu.dma_semaphore, #tpu.memory_space<semaphore_mem>>) src(%arg21 : memref<80x128xf32, #tpu.memory_space<vmem>>) dst(%dma_wait3A_86 : memref<80x128xf32, #tpu.memory_space<vmem_shared>>)
        tpu.yield
      }) : () -> ()
      "tpu.region"() ({
        %run_scoped3A = tpu.sem_alloc : memref<!tpu.dma_semaphore, #tpu.memory_space<semaphore_mem>>
        %dma_start3A_75 = arith.constant 3760 : i32
        %dma_start3A_76 = arith.constant 0 : i32
        %dma_start3A_77 = tpu.memref_slice %arg23[%dma_start3A_75, %dma_start3A_76] : memref<10000x128xf32, #tpu.memory_space<vmem_shared>> -> memref<80x128xf32, #tpu.memory_space<vmem_shared>>
        %dma_start3A_78 = arith.constant 3760 : i32
        %dma_start3A_79 = arith.constant 0 : i32
        %dma_start3A_80 = tpu.memref_slice %arg23[%dma_start3A_78, %dma_start3A_79] : memref<10000x128xf32, #tpu.memory_space<vmem_shared>> -> memref<80x128xf32, #tpu.memory_space<vmem_shared>>
        tpu.enqueue_dma source(%arg21 : memref<80x128xf32, #tpu.memory_space<vmem>>) target(%dma_start3A_80 : memref<80x128xf32, #tpu.memory_space<vmem_shared>>) target_semaphore(%run_scoped3A : memref<!tpu.dma_semaphore, #tpu.memory_space<semaphore_mem>>)
        %dma_wait3A_81 = arith.constant 3760 : i32
        %dma_wait3A_82 = arith.constant 0 : i32
        %dma_wait3A_83 = tpu.memref_slice %arg23[%dma_wait3A_81, %dma_wait3A_82] : memref<10000x128xf32, #tpu.memory_space<vmem_shared>> -> memref<80x128xf32, #tpu.memory_space<vmem_shared>>
        %dma_wait3A_84 = arith.constant 3760 : i32
        %dma_wait3A_85 = arith.constant 0 : i32
        %dma_wait3A_86 = tpu.memref_slice %arg23[%dma_wait3A_84, %dma_wait3A_85] : memref<10000x128xf32, #tpu.memory_space<vmem_shared>> -> memref<80x128xf32, #tpu.memory_space<vmem_shared>>
        tpu.wait_dma2 semaphore(%run_scoped3A : memref<!tpu.dma_semaphore, #tpu.memory_space<semaphore_mem>>) src(%arg21 : memref<80x128xf32, #tpu.memory_space<vmem>>) dst(%dma_wait3A_86 : memref<80x128xf32, #tpu.memory_space<vmem_shared>>)
        tpu.yield
      }) : () -> ()
      "tpu.region"() ({
        %run_scoped3A = tpu.sem_alloc : memref<!tpu.dma_semaphore, #tpu.memory_space<semaphore_mem>>
        %dma_start3A_75 = arith.constant 3840 : i32
        %dma_start3A_76 = arith.constant 0 : i32
        %dma_start3A_77 = tpu.memref_slice %arg23[%dma_start3A_75, %dma_start3A_76] : memref<10000x128xf32, #tpu.memory_space<vmem_shared>> -> memref<80x128xf32, #tpu.memory_space<vmem_shared>>
        %dma_start3A_78 = arith.constant 3840 : i32
        %dma_start3A_79 = arith.constant 0 : i32
        %dma_start3A_80 = tpu.memref_slice %arg23[%dma_start3A_78, %dma_start3A_79] : memref<10000x128xf32, #tpu.memory_space<vmem_shared>> -> memref<80x128xf32, #tpu.memory_space<vmem_shared>>
        tpu.enqueue_dma source(%arg21 : memref<80x128xf32, #tpu.memory_space<vmem>>) target(%dma_start3A_80 : memref<80x128xf32, #tpu.memory_space<vmem_shared>>) target_semaphore(%run_scoped3A : memref<!tpu.dma_semaphore, #tpu.memory_space<semaphore_mem>>)
        %dma_wait3A_81 = arith.constant 3840 : i32
        %dma_wait3A_82 = arith.constant 0 : i32
        %dma_wait3A_83 = tpu.memref_slice %arg23[%dma_wait3A_81, %dma_wait3A_82] : memref<10000x128xf32, #tpu.memory_space<vmem_shared>> -> memref<80x128xf32, #tpu.memory_space<vmem_shared>>
        %dma_wait3A_84 = arith.constant 3840 : i32
        %dma_wait3A_85 = arith.constant 0 : i32
        %dma_wait3A_86 = tpu.memref_slice %arg23[%dma_wait3A_84, %dma_wait3A_85] : memref<10000x128xf32, #tpu.memory_space<vmem_shared>> -> memref<80x128xf32, #tpu.memory_space<vmem_shared>>
        tpu.wait_dma2 semaphore(%run_scoped3A : memref<!tpu.dma_semaphore, #tpu.memory_space<semaphore_mem>>) src(%arg21 : memref<80x128xf32, #tpu.memory_space<vmem>>) dst(%dma_wait3A_86 : memref<80x128xf32, #tpu.memory_space<vmem_shared>>)
        tpu.yield
      }) : () -> ()
      "tpu.region"() ({
        %run_scoped3A = tpu.sem_alloc : memref<!tpu.dma_semaphore, #tpu.memory_space<semaphore_mem>>
        %dma_start3A_75 = arith.constant 3920 : i32
        %dma_start3A_76 = arith.constant 0 : i32
        %dma_start3A_77 = tpu.memref_slice %arg23[%dma_start3A_75, %dma_start3A_76] : memref<10000x128xf32, #tpu.memory_space<vmem_shared>> -> memref<80x128xf32, #tpu.memory_space<vmem_shared>>
        %dma_start3A_78 = arith.constant 3920 : i32
        %dma_start3A_79 = arith.constant 0 : i32
        %dma_start3A_80 = tpu.memref_slice %arg23[%dma_start3A_78, %dma_start3A_79] : memref<10000x128xf32, #tpu.memory_space<vmem_shared>> -> memref<80x128xf32, #tpu.memory_space<vmem_shared>>
        tpu.enqueue_dma source(%arg21 : memref<80x128xf32, #tpu.memory_space<vmem>>) target(%dma_start3A_80 : memref<80x128xf32, #tpu.memory_space<vmem_shared>>) target_semaphore(%run_scoped3A : memref<!tpu.dma_semaphore, #tpu.memory_space<semaphore_mem>>)
        %dma_wait3A_81 = arith.constant 3920 : i32
        %dma_wait3A_82 = arith.constant 0 : i32
        %dma_wait3A_83 = tpu.memref_slice %arg23[%dma_wait3A_81, %dma_wait3A_82] : memref<10000x128xf32, #tpu.memory_space<vmem_shared>> -> memref<80x128xf32, #tpu.memory_space<vmem_shared>>
        %dma_wait3A_84 = arith.constant 3920 : i32
        %dma_wait3A_85 = arith.constant 0 : i32
        %dma_wait3A_86 = tpu.memref_slice %arg23[%dma_wait3A_84, %dma_wait3A_85] : memref<10000x128xf32, #tpu.memory_space<vmem_shared>> -> memref<80x128xf32, #tpu.memory_space<vmem_shared>>
        tpu.wait_dma2 semaphore(%run_scoped3A : memref<!tpu.dma_semaphore, #tpu.memory_space<semaphore_mem>>) src(%arg21 : memref<80x128xf32, #tpu.memory_space<vmem>>) dst(%dma_wait3A_86 : memref<80x128xf32, #tpu.memory_space<vmem_shared>>)
        tpu.yield
      }) : () -> ()
      "tpu.region"() ({
        %run_scoped3A = tpu.sem_alloc : memref<!tpu.dma_semaphore, #tpu.memory_space<semaphore_mem>>
        %dma_start3A_75 = arith.constant 4000 : i32
        %dma_start3A_76 = arith.constant 0 : i32
        %dma_start3A_77 = tpu.memref_slice %arg23[%dma_start3A_75, %dma_start3A_76] : memref<10000x128xf32, #tpu.memory_space<vmem_shared>> -> memref<80x128xf32, #tpu.memory_space<vmem_shared>>
        %dma_start3A_78 = arith.constant 4000 : i32
        %dma_start3A_79 = arith.constant 0 : i32
        %dma_start3A_80 = tpu.memref_slice %arg23[%dma_start3A_78, %dma_start3A_79] : memref<10000x128xf32, #tpu.memory_space<vmem_shared>> -> memref<80x128xf32, #tpu.memory_space<vmem_shared>>
        tpu.enqueue_dma source(%arg21 : memref<80x128xf32, #tpu.memory_space<vmem>>) target(%dma_start3A_80 : memref<80x128xf32, #tpu.memory_space<vmem_shared>>) target_semaphore(%run_scoped3A : memref<!tpu.dma_semaphore, #tpu.memory_space<semaphore_mem>>)
        %dma_wait3A_81 = arith.constant 4000 : i32
        %dma_wait3A_82 = arith.constant 0 : i32
        %dma_wait3A_83 = tpu.memref_slice %arg23[%dma_wait3A_81, %dma_wait3A_82] : memref<10000x128xf32, #tpu.memory_space<vmem_shared>> -> memref<80x128xf32, #tpu.memory_space<vmem_shared>>
        %dma_wait3A_84 = arith.constant 4000 : i32
        %dma_wait3A_85 = arith.constant 0 : i32
        %dma_wait3A_86 = tpu.memref_slice %arg23[%dma_wait3A_84, %dma_wait3A_85] : memref<10000x128xf32, #tpu.memory_space<vmem_shared>> -> memref<80x128xf32, #tpu.memory_space<vmem_shared>>
        tpu.wait_dma2 semaphore(%run_scoped3A : memref<!tpu.dma_semaphore, #tpu.memory_space<semaphore_mem>>) src(%arg21 : memref<80x128xf32, #tpu.memory_space<vmem>>) dst(%dma_wait3A_86 : memref<80x128xf32, #tpu.memory_space<vmem_shared>>)
        tpu.yield
      }) : () -> ()
      "tpu.region"() ({
        %run_scoped3A = tpu.sem_alloc : memref<!tpu.dma_semaphore, #tpu.memory_space<semaphore_mem>>
        %dma_start3A_75 = arith.constant 4080 : i32
        %dma_start3A_76 = arith.constant 0 : i32
        %dma_start3A_77 = tpu.memref_slice %arg23[%dma_start3A_75, %dma_start3A_76] : memref<10000x128xf32, #tpu.memory_space<vmem_shared>> -> memref<80x128xf32, #tpu.memory_space<vmem_shared>>
        %dma_start3A_78 = arith.constant 4080 : i32
        %dma_start3A_79 = arith.constant 0 : i32
        %dma_start3A_80 = tpu.memref_slice %arg23[%dma_start3A_78, %dma_start3A_79] : memref<10000x128xf32, #tpu.memory_space<vmem_shared>> -> memref<80x128xf32, #tpu.memory_space<vmem_shared>>
        tpu.enqueue_dma source(%arg21 : memref<80x128xf32, #tpu.memory_space<vmem>>) target(%dma_start3A_80 : memref<80x128xf32, #tpu.memory_space<vmem_shared>>) target_semaphore(%run_scoped3A : memref<!tpu.dma_semaphore, #tpu.memory_space<semaphore_mem>>)
        %dma_wait3A_81 = arith.constant 4080 : i32
        %dma_wait3A_82 = arith.constant 0 : i32
        %dma_wait3A_83 = tpu.memref_slice %arg23[%dma_wait3A_81, %dma_wait3A_82] : memref<10000x128xf32, #tpu.memory_space<vmem_shared>> -> memref<80x128xf32, #tpu.memory_space<vmem_shared>>
        %dma_wait3A_84 = arith.constant 4080 : i32
        %dma_wait3A_85 = arith.constant 0 : i32
        %dma_wait3A_86 = tpu.memref_slice %arg23[%dma_wait3A_84, %dma_wait3A_85] : memref<10000x128xf32, #tpu.memory_space<vmem_shared>> -> memref<80x128xf32, #tpu.memory_space<vmem_shared>>
        tpu.wait_dma2 semaphore(%run_scoped3A : memref<!tpu.dma_semaphore, #tpu.memory_space<semaphore_mem>>) src(%arg21 : memref<80x128xf32, #tpu.memory_space<vmem>>) dst(%dma_wait3A_86 : memref<80x128xf32, #tpu.memory_space<vmem_shared>>)
        tpu.yield
      }) : () -> ()
      "tpu.region"() ({
        %run_scoped3A = tpu.sem_alloc : memref<!tpu.dma_semaphore, #tpu.memory_space<semaphore_mem>>
        %dma_start3A_75 = arith.constant 4160 : i32
        %dma_start3A_76 = arith.constant 0 : i32
        %dma_start3A_77 = tpu.memref_slice %arg23[%dma_start3A_75, %dma_start3A_76] : memref<10000x128xf32, #tpu.memory_space<vmem_shared>> -> memref<80x128xf32, #tpu.memory_space<vmem_shared>>
        %dma_start3A_78 = arith.constant 4160 : i32
        %dma_start3A_79 = arith.constant 0 : i32
        %dma_start3A_80 = tpu.memref_slice %arg23[%dma_start3A_78, %dma_start3A_79] : memref<10000x128xf32, #tpu.memory_space<vmem_shared>> -> memref<80x128xf32, #tpu.memory_space<vmem_shared>>
        tpu.enqueue_dma source(%arg21 : memref<80x128xf32, #tpu.memory_space<vmem>>) target(%dma_start3A_80 : memref<80x128xf32, #tpu.memory_space<vmem_shared>>) target_semaphore(%run_scoped3A : memref<!tpu.dma_semaphore, #tpu.memory_space<semaphore_mem>>)
        %dma_wait3A_81 = arith.constant 4160 : i32
        %dma_wait3A_82 = arith.constant 0 : i32
        %dma_wait3A_83 = tpu.memref_slice %arg23[%dma_wait3A_81, %dma_wait3A_82] : memref<10000x128xf32, #tpu.memory_space<vmem_shared>> -> memref<80x128xf32, #tpu.memory_space<vmem_shared>>
        %dma_wait3A_84 = arith.constant 4160 : i32
        %dma_wait3A_85 = arith.constant 0 : i32
        %dma_wait3A_86 = tpu.memref_slice %arg23[%dma_wait3A_84, %dma_wait3A_85] : memref<10000x128xf32, #tpu.memory_space<vmem_shared>> -> memref<80x128xf32, #tpu.memory_space<vmem_shared>>
        tpu.wait_dma2 semaphore(%run_scoped3A : memref<!tpu.dma_semaphore, #tpu.memory_space<semaphore_mem>>) src(%arg21 : memref<80x128xf32, #tpu.memory_space<vmem>>) dst(%dma_wait3A_86 : memref<80x128xf32, #tpu.memory_space<vmem_shared>>)
        tpu.yield
      }) : () -> ()
      "tpu.region"() ({
        %run_scoped3A = tpu.sem_alloc : memref<!tpu.dma_semaphore, #tpu.memory_space<semaphore_mem>>
        %dma_start3A_75 = arith.constant 4240 : i32
        %dma_start3A_76 = arith.constant 0 : i32
        %dma_start3A_77 = tpu.memref_slice %arg23[%dma_start3A_75, %dma_start3A_76] : memref<10000x128xf32, #tpu.memory_space<vmem_shared>> -> memref<80x128xf32, #tpu.memory_space<vmem_shared>>
        %dma_start3A_78 = arith.constant 4240 : i32
        %dma_start3A_79 = arith.constant 0 : i32
        %dma_start3A_80 = tpu.memref_slice %arg23[%dma_start3A_78, %dma_start3A_79] : memref<10000x128xf32, #tpu.memory_space<vmem_shared>> -> memref<80x128xf32, #tpu.memory_space<vmem_shared>>
        tpu.enqueue_dma source(%arg21 : memref<80x128xf32, #tpu.memory_space<vmem>>) target(%dma_start3A_80 : memref<80x128xf32, #tpu.memory_space<vmem_shared>>) target_semaphore(%run_scoped3A : memref<!tpu.dma_semaphore, #tpu.memory_space<semaphore_mem>>)
        %dma_wait3A_81 = arith.constant 4240 : i32
        %dma_wait3A_82 = arith.constant 0 : i32
        %dma_wait3A_83 = tpu.memref_slice %arg23[%dma_wait3A_81, %dma_wait3A_82] : memref<10000x128xf32, #tpu.memory_space<vmem_shared>> -> memref<80x128xf32, #tpu.memory_space<vmem_shared>>
        %dma_wait3A_84 = arith.constant 4240 : i32
        %dma_wait3A_85 = arith.constant 0 : i32
        %dma_wait3A_86 = tpu.memref_slice %arg23[%dma_wait3A_84, %dma_wait3A_85] : memref<10000x128xf32, #tpu.memory_space<vmem_shared>> -> memref<80x128xf32, #tpu.memory_space<vmem_shared>>
        tpu.wait_dma2 semaphore(%run_scoped3A : memref<!tpu.dma_semaphore, #tpu.memory_space<semaphore_mem>>) src(%arg21 : memref<80x128xf32, #tpu.memory_space<vmem>>) dst(%dma_wait3A_86 : memref<80x128xf32, #tpu.memory_space<vmem_shared>>)
        tpu.yield
      }) : () -> ()
      "tpu.region"() ({
        %run_scoped3A = tpu.sem_alloc : memref<!tpu.dma_semaphore, #tpu.memory_space<semaphore_mem>>
        %dma_start3A_75 = arith.constant 4320 : i32
        %dma_start3A_76 = arith.constant 0 : i32
        %dma_start3A_77 = tpu.memref_slice %arg23[%dma_start3A_75, %dma_start3A_76] : memref<10000x128xf32, #tpu.memory_space<vmem_shared>> -> memref<80x128xf32, #tpu.memory_space<vmem_shared>>
        %dma_start3A_78 = arith.constant 4320 : i32
        %dma_start3A_79 = arith.constant 0 : i32
        %dma_start3A_80 = tpu.memref_slice %arg23[%dma_start3A_78, %dma_start3A_79] : memref<10000x128xf32, #tpu.memory_space<vmem_shared>> -> memref<80x128xf32, #tpu.memory_space<vmem_shared>>
        tpu.enqueue_dma source(%arg21 : memref<80x128xf32, #tpu.memory_space<vmem>>) target(%dma_start3A_80 : memref<80x128xf32, #tpu.memory_space<vmem_shared>>) target_semaphore(%run_scoped3A : memref<!tpu.dma_semaphore, #tpu.memory_space<semaphore_mem>>)
        %dma_wait3A_81 = arith.constant 4320 : i32
        %dma_wait3A_82 = arith.constant 0 : i32
        %dma_wait3A_83 = tpu.memref_slice %arg23[%dma_wait3A_81, %dma_wait3A_82] : memref<10000x128xf32, #tpu.memory_space<vmem_shared>> -> memref<80x128xf32, #tpu.memory_space<vmem_shared>>
        %dma_wait3A_84 = arith.constant 4320 : i32
        %dma_wait3A_85 = arith.constant 0 : i32
        %dma_wait3A_86 = tpu.memref_slice %arg23[%dma_wait3A_84, %dma_wait3A_85] : memref<10000x128xf32, #tpu.memory_space<vmem_shared>> -> memref<80x128xf32, #tpu.memory_space<vmem_shared>>
        tpu.wait_dma2 semaphore(%run_scoped3A : memref<!tpu.dma_semaphore, #tpu.memory_space<semaphore_mem>>) src(%arg21 : memref<80x128xf32, #tpu.memory_space<vmem>>) dst(%dma_wait3A_86 : memref<80x128xf32, #tpu.memory_space<vmem_shared>>)
        tpu.yield
      }) : () -> ()
      "tpu.region"() ({
        %run_scoped3A = tpu.sem_alloc : memref<!tpu.dma_semaphore, #tpu.memory_space<semaphore_mem>>
        %dma_start3A_75 = arith.constant 4400 : i32
        %dma_start3A_76 = arith.constant 0 : i32
        %dma_start3A_77 = tpu.memref_slice %arg23[%dma_start3A_75, %dma_start3A_76] : memref<10000x128xf32, #tpu.memory_space<vmem_shared>> -> memref<80x128xf32, #tpu.memory_space<vmem_shared>>
        %dma_start3A_78 = arith.constant 4400 : i32
        %dma_start3A_79 = arith.constant 0 : i32
        %dma_start3A_80 = tpu.memref_slice %arg23[%dma_start3A_78, %dma_start3A_79] : memref<10000x128xf32, #tpu.memory_space<vmem_shared>> -> memref<80x128xf32, #tpu.memory_space<vmem_shared>>
        tpu.enqueue_dma source(%arg21 : memref<80x128xf32, #tpu.memory_space<vmem>>) target(%dma_start3A_80 : memref<80x128xf32, #tpu.memory_space<vmem_shared>>) target_semaphore(%run_scoped3A : memref<!tpu.dma_semaphore, #tpu.memory_space<semaphore_mem>>)
        %dma_wait3A_81 = arith.constant 4400 : i32
        %dma_wait3A_82 = arith.constant 0 : i32
        %dma_wait3A_83 = tpu.memref_slice %arg23[%dma_wait3A_81, %dma_wait3A_82] : memref<10000x128xf32, #tpu.memory_space<vmem_shared>> -> memref<80x128xf32, #tpu.memory_space<vmem_shared>>
        %dma_wait3A_84 = arith.constant 4400 : i32
        %dma_wait3A_85 = arith.constant 0 : i32
        %dma_wait3A_86 = tpu.memref_slice %arg23[%dma_wait3A_84, %dma_wait3A_85] : memref<10000x128xf32, #tpu.memory_space<vmem_shared>> -> memref<80x128xf32, #tpu.memory_space<vmem_shared>>
        tpu.wait_dma2 semaphore(%run_scoped3A : memref<!tpu.dma_semaphore, #tpu.memory_space<semaphore_mem>>) src(%arg21 : memref<80x128xf32, #tpu.memory_space<vmem>>) dst(%dma_wait3A_86 : memref<80x128xf32, #tpu.memory_space<vmem_shared>>)
        tpu.yield
      }) : () -> ()
      "tpu.region"() ({
        %run_scoped3A = tpu.sem_alloc : memref<!tpu.dma_semaphore, #tpu.memory_space<semaphore_mem>>
        %dma_start3A_75 = arith.constant 4480 : i32
        %dma_start3A_76 = arith.constant 0 : i32
        %dma_start3A_77 = tpu.memref_slice %arg23[%dma_start3A_75, %dma_start3A_76] : memref<10000x128xf32, #tpu.memory_space<vmem_shared>> -> memref<80x128xf32, #tpu.memory_space<vmem_shared>>
        %dma_start3A_78 = arith.constant 4480 : i32
        %dma_start3A_79 = arith.constant 0 : i32
        %dma_start3A_80 = tpu.memref_slice %arg23[%dma_start3A_78, %dma_start3A_79] : memref<10000x128xf32, #tpu.memory_space<vmem_shared>> -> memref<80x128xf32, #tpu.memory_space<vmem_shared>>
        tpu.enqueue_dma source(%arg21 : memref<80x128xf32, #tpu.memory_space<vmem>>) target(%dma_start3A_80 : memref<80x128xf32, #tpu.memory_space<vmem_shared>>) target_semaphore(%run_scoped3A : memref<!tpu.dma_semaphore, #tpu.memory_space<semaphore_mem>>)
        %dma_wait3A_81 = arith.constant 4480 : i32
        %dma_wait3A_82 = arith.constant 0 : i32
        %dma_wait3A_83 = tpu.memref_slice %arg23[%dma_wait3A_81, %dma_wait3A_82] : memref<10000x128xf32, #tpu.memory_space<vmem_shared>> -> memref<80x128xf32, #tpu.memory_space<vmem_shared>>
        %dma_wait3A_84 = arith.constant 4480 : i32
        %dma_wait3A_85 = arith.constant 0 : i32
        %dma_wait3A_86 = tpu.memref_slice %arg23[%dma_wait3A_84, %dma_wait3A_85] : memref<10000x128xf32, #tpu.memory_space<vmem_shared>> -> memref<80x128xf32, #tpu.memory_space<vmem_shared>>
        tpu.wait_dma2 semaphore(%run_scoped3A : memref<!tpu.dma_semaphore, #tpu.memory_space<semaphore_mem>>) src(%arg21 : memref<80x128xf32, #tpu.memory_space<vmem>>) dst(%dma_wait3A_86 : memref<80x128xf32, #tpu.memory_space<vmem_shared>>)
        tpu.yield
      }) : () -> ()
      "tpu.region"() ({
        %run_scoped3A = tpu.sem_alloc : memref<!tpu.dma_semaphore, #tpu.memory_space<semaphore_mem>>
        %dma_start3A_75 = arith.constant 4560 : i32
        %dma_start3A_76 = arith.constant 0 : i32
        %dma_start3A_77 = tpu.memref_slice %arg23[%dma_start3A_75, %dma_start3A_76] : memref<10000x128xf32, #tpu.memory_space<vmem_shared>> -> memref<80x128xf32, #tpu.memory_space<vmem_shared>>
        %dma_start3A_78 = arith.constant 4560 : i32
        %dma_start3A_79 = arith.constant 0 : i32
        %dma_start3A_80 = tpu.memref_slice %arg23[%dma_start3A_78, %dma_start3A_79] : memref<10000x128xf32, #tpu.memory_space<vmem_shared>> -> memref<80x128xf32, #tpu.memory_space<vmem_shared>>
        tpu.enqueue_dma source(%arg21 : memref<80x128xf32, #tpu.memory_space<vmem>>) target(%dma_start3A_80 : memref<80x128xf32, #tpu.memory_space<vmem_shared>>) target_semaphore(%run_scoped3A : memref<!tpu.dma_semaphore, #tpu.memory_space<semaphore_mem>>)
        %dma_wait3A_81 = arith.constant 4560 : i32
        %dma_wait3A_82 = arith.constant 0 : i32
        %dma_wait3A_83 = tpu.memref_slice %arg23[%dma_wait3A_81, %dma_wait3A_82] : memref<10000x128xf32, #tpu.memory_space<vmem_shared>> -> memref<80x128xf32, #tpu.memory_space<vmem_shared>>
        %dma_wait3A_84 = arith.constant 4560 : i32
        %dma_wait3A_85 = arith.constant 0 : i32
        %dma_wait3A_86 = tpu.memref_slice %arg23[%dma_wait3A_84, %dma_wait3A_85] : memref<10000x128xf32, #tpu.memory_space<vmem_shared>> -> memref<80x128xf32, #tpu.memory_space<vmem_shared>>
        tpu.wait_dma2 semaphore(%run_scoped3A : memref<!tpu.dma_semaphore, #tpu.memory_space<semaphore_mem>>) src(%arg21 : memref<80x128xf32, #tpu.memory_space<vmem>>) dst(%dma_wait3A_86 : memref<80x128xf32, #tpu.memory_space<vmem_shared>>)
        tpu.yield
      }) : () -> ()
      "tpu.region"() ({
        %run_scoped3A = tpu.sem_alloc : memref<!tpu.dma_semaphore, #tpu.memory_space<semaphore_mem>>
        %dma_start3A_75 = arith.constant 4640 : i32
        %dma_start3A_76 = arith.constant 0 : i32
        %dma_start3A_77 = tpu.memref_slice %arg23[%dma_start3A_75, %dma_start3A_76] : memref<10000x128xf32, #tpu.memory_space<vmem_shared>> -> memref<80x128xf32, #tpu.memory_space<vmem_shared>>
        %dma_start3A_78 = arith.constant 4640 : i32
        %dma_start3A_79 = arith.constant 0 : i32
        %dma_start3A_80 = tpu.memref_slice %arg23[%dma_start3A_78, %dma_start3A_79] : memref<10000x128xf32, #tpu.memory_space<vmem_shared>> -> memref<80x128xf32, #tpu.memory_space<vmem_shared>>
        tpu.enqueue_dma source(%arg21 : memref<80x128xf32, #tpu.memory_space<vmem>>) target(%dma_start3A_80 : memref<80x128xf32, #tpu.memory_space<vmem_shared>>) target_semaphore(%run_scoped3A : memref<!tpu.dma_semaphore, #tpu.memory_space<semaphore_mem>>)
        %dma_wait3A_81 = arith.constant 4640 : i32
        %dma_wait3A_82 = arith.constant 0 : i32
        %dma_wait3A_83 = tpu.memref_slice %arg23[%dma_wait3A_81, %dma_wait3A_82] : memref<10000x128xf32, #tpu.memory_space<vmem_shared>> -> memref<80x128xf32, #tpu.memory_space<vmem_shared>>
        %dma_wait3A_84 = arith.constant 4640 : i32
        %dma_wait3A_85 = arith.constant 0 : i32
        %dma_wait3A_86 = tpu.memref_slice %arg23[%dma_wait3A_84, %dma_wait3A_85] : memref<10000x128xf32, #tpu.memory_space<vmem_shared>> -> memref<80x128xf32, #tpu.memory_space<vmem_shared>>
        tpu.wait_dma2 semaphore(%run_scoped3A : memref<!tpu.dma_semaphore, #tpu.memory_space<semaphore_mem>>) src(%arg21 : memref<80x128xf32, #tpu.memory_space<vmem>>) dst(%dma_wait3A_86 : memref<80x128xf32, #tpu.memory_space<vmem_shared>>)
        tpu.yield
      }) : () -> ()
      "tpu.region"() ({
        %run_scoped3A = tpu.sem_alloc : memref<!tpu.dma_semaphore, #tpu.memory_space<semaphore_mem>>
        %dma_start3A_75 = arith.constant 4720 : i32
        %dma_start3A_76 = arith.constant 0 : i32
        %dma_start3A_77 = tpu.memref_slice %arg23[%dma_start3A_75, %dma_start3A_76] : memref<10000x128xf32, #tpu.memory_space<vmem_shared>> -> memref<80x128xf32, #tpu.memory_space<vmem_shared>>
        %dma_start3A_78 = arith.constant 4720 : i32
        %dma_start3A_79 = arith.constant 0 : i32
        %dma_start3A_80 = tpu.memref_slice %arg23[%dma_start3A_78, %dma_start3A_79] : memref<10000x128xf32, #tpu.memory_space<vmem_shared>> -> memref<80x128xf32, #tpu.memory_space<vmem_shared>>
        tpu.enqueue_dma source(%arg21 : memref<80x128xf32, #tpu.memory_space<vmem>>) target(%dma_start3A_80 : memref<80x128xf32, #tpu.memory_space<vmem_shared>>) target_semaphore(%run_scoped3A : memref<!tpu.dma_semaphore, #tpu.memory_space<semaphore_mem>>)
        %dma_wait3A_81 = arith.constant 4720 : i32
        %dma_wait3A_82 = arith.constant 0 : i32
        %dma_wait3A_83 = tpu.memref_slice %arg23[%dma_wait3A_81, %dma_wait3A_82] : memref<10000x128xf32, #tpu.memory_space<vmem_shared>> -> memref<80x128xf32, #tpu.memory_space<vmem_shared>>
        %dma_wait3A_84 = arith.constant 4720 : i32
        %dma_wait3A_85 = arith.constant 0 : i32
        %dma_wait3A_86 = tpu.memref_slice %arg23[%dma_wait3A_84, %dma_wait3A_85] : memref<10000x128xf32, #tpu.memory_space<vmem_shared>> -> memref<80x128xf32, #tpu.memory_space<vmem_shared>>
        tpu.wait_dma2 semaphore(%run_scoped3A : memref<!tpu.dma_semaphore, #tpu.memory_space<semaphore_mem>>) src(%arg21 : memref<80x128xf32, #tpu.memory_space<vmem>>) dst(%dma_wait3A_86 : memref<80x128xf32, #tpu.memory_space<vmem_shared>>)
        tpu.yield
      }) : () -> ()
      "tpu.region"() ({
        %run_scoped3A = tpu.sem_alloc : memref<!tpu.dma_semaphore, #tpu.memory_space<semaphore_mem>>
        %dma_start3A_75 = arith.constant 4800 : i32
        %dma_start3A_76 = arith.constant 0 : i32
        %dma_start3A_77 = tpu.memref_slice %arg23[%dma_start3A_75, %dma_start3A_76] : memref<10000x128xf32, #tpu.memory_space<vmem_shared>> -> memref<80x128xf32, #tpu.memory_space<vmem_shared>>
        %dma_start3A_78 = arith.constant 4800 : i32
        %dma_start3A_79 = arith.constant 0 : i32
        %dma_start3A_80 = tpu.memref_slice %arg23[%dma_start3A_78, %dma_start3A_79] : memref<10000x128xf32, #tpu.memory_space<vmem_shared>> -> memref<80x128xf32, #tpu.memory_space<vmem_shared>>
        tpu.enqueue_dma source(%arg21 : memref<80x128xf32, #tpu.memory_space<vmem>>) target(%dma_start3A_80 : memref<80x128xf32, #tpu.memory_space<vmem_shared>>) target_semaphore(%run_scoped3A : memref<!tpu.dma_semaphore, #tpu.memory_space<semaphore_mem>>)
        %dma_wait3A_81 = arith.constant 4800 : i32
        %dma_wait3A_82 = arith.constant 0 : i32
        %dma_wait3A_83 = tpu.memref_slice %arg23[%dma_wait3A_81, %dma_wait3A_82] : memref<10000x128xf32, #tpu.memory_space<vmem_shared>> -> memref<80x128xf32, #tpu.memory_space<vmem_shared>>
        %dma_wait3A_84 = arith.constant 4800 : i32
        %dma_wait3A_85 = arith.constant 0 : i32
        %dma_wait3A_86 = tpu.memref_slice %arg23[%dma_wait3A_84, %dma_wait3A_85] : memref<10000x128xf32, #tpu.memory_space<vmem_shared>> -> memref<80x128xf32, #tpu.memory_space<vmem_shared>>
        tpu.wait_dma2 semaphore(%run_scoped3A : memref<!tpu.dma_semaphore, #tpu.memory_space<semaphore_mem>>) src(%arg21 : memref<80x128xf32, #tpu.memory_space<vmem>>) dst(%dma_wait3A_86 : memref<80x128xf32, #tpu.memory_space<vmem_shared>>)
        tpu.yield
      }) : () -> ()
      "tpu.region"() ({
        %run_scoped3A = tpu.sem_alloc : memref<!tpu.dma_semaphore, #tpu.memory_space<semaphore_mem>>
        %dma_start3A_75 = arith.constant 4880 : i32
        %dma_start3A_76 = arith.constant 0 : i32
        %dma_start3A_77 = tpu.memref_slice %arg23[%dma_start3A_75, %dma_start3A_76] : memref<10000x128xf32, #tpu.memory_space<vmem_shared>> -> memref<80x128xf32, #tpu.memory_space<vmem_shared>>
        %dma_start3A_78 = arith.constant 4880 : i32
        %dma_start3A_79 = arith.constant 0 : i32
        %dma_start3A_80 = tpu.memref_slice %arg23[%dma_start3A_78, %dma_start3A_79] : memref<10000x128xf32, #tpu.memory_space<vmem_shared>> -> memref<80x128xf32, #tpu.memory_space<vmem_shared>>
        tpu.enqueue_dma source(%arg21 : memref<80x128xf32, #tpu.memory_space<vmem>>) target(%dma_start3A_80 : memref<80x128xf32, #tpu.memory_space<vmem_shared>>) target_semaphore(%run_scoped3A : memref<!tpu.dma_semaphore, #tpu.memory_space<semaphore_mem>>)
        %dma_wait3A_81 = arith.constant 4880 : i32
        %dma_wait3A_82 = arith.constant 0 : i32
        %dma_wait3A_83 = tpu.memref_slice %arg23[%dma_wait3A_81, %dma_wait3A_82] : memref<10000x128xf32, #tpu.memory_space<vmem_shared>> -> memref<80x128xf32, #tpu.memory_space<vmem_shared>>
        %dma_wait3A_84 = arith.constant 4880 : i32
        %dma_wait3A_85 = arith.constant 0 : i32
        %dma_wait3A_86 = tpu.memref_slice %arg23[%dma_wait3A_84, %dma_wait3A_85] : memref<10000x128xf32, #tpu.memory_space<vmem_shared>> -> memref<80x128xf32, #tpu.memory_space<vmem_shared>>
        tpu.wait_dma2 semaphore(%run_scoped3A : memref<!tpu.dma_semaphore, #tpu.memory_space<semaphore_mem>>) src(%arg21 : memref<80x128xf32, #tpu.memory_space<vmem>>) dst(%dma_wait3A_86 : memref<80x128xf32, #tpu.memory_space<vmem_shared>>)
        tpu.yield
      }) : () -> ()
      "tpu.region"() ({
        %run_scoped3A = tpu.sem_alloc : memref<!tpu.dma_semaphore, #tpu.memory_space<semaphore_mem>>
        %dma_start3A_75 = arith.constant 4960 : i32
        %dma_start3A_76 = arith.constant 0 : i32
        %dma_start3A_77 = tpu.memref_slice %arg23[%dma_start3A_75, %dma_start3A_76] : memref<10000x128xf32, #tpu.memory_space<vmem_shared>> -> memref<80x128xf32, #tpu.memory_space<vmem_shared>>
        %dma_start3A_78 = arith.constant 4960 : i32
        %dma_start3A_79 = arith.constant 0 : i32
        %dma_start3A_80 = tpu.memref_slice %arg23[%dma_start3A_78, %dma_start3A_79] : memref<10000x128xf32, #tpu.memory_space<vmem_shared>> -> memref<80x128xf32, #tpu.memory_space<vmem_shared>>
        tpu.enqueue_dma source(%arg21 : memref<80x128xf32, #tpu.memory_space<vmem>>) target(%dma_start3A_80 : memref<80x128xf32, #tpu.memory_space<vmem_shared>>) target_semaphore(%run_scoped3A : memref<!tpu.dma_semaphore, #tpu.memory_space<semaphore_mem>>)
        %dma_wait3A_81 = arith.constant 4960 : i32
        %dma_wait3A_82 = arith.constant 0 : i32
        %dma_wait3A_83 = tpu.memref_slice %arg23[%dma_wait3A_81, %dma_wait3A_82] : memref<10000x128xf32, #tpu.memory_space<vmem_shared>> -> memref<80x128xf32, #tpu.memory_space<vmem_shared>>
        %dma_wait3A_84 = arith.constant 4960 : i32
        %dma_wait3A_85 = arith.constant 0 : i32
        %dma_wait3A_86 = tpu.memref_slice %arg23[%dma_wait3A_84, %dma_wait3A_85] : memref<10000x128xf32, #tpu.memory_space<vmem_shared>> -> memref<80x128xf32, #tpu.memory_space<vmem_shared>>
        tpu.wait_dma2 semaphore(%run_scoped3A : memref<!tpu.dma_semaphore, #tpu.memory_space<semaphore_mem>>) src(%arg21 : memref<80x128xf32, #tpu.memory_space<vmem>>) dst(%dma_wait3A_86 : memref<80x128xf32, #tpu.memory_space<vmem_shared>>)
        tpu.yield
      }) : () -> ()
      "tpu.region"() ({
        %run_scoped3A = tpu.sem_alloc : memref<!tpu.dma_semaphore, #tpu.memory_space<semaphore_mem>>
        %dma_start3A_75 = arith.constant 5040 : i32
        %dma_start3A_76 = arith.constant 0 : i32
        %dma_start3A_77 = tpu.memref_slice %arg23[%dma_start3A_75, %dma_start3A_76] : memref<10000x128xf32, #tpu.memory_space<vmem_shared>> -> memref<80x128xf32, #tpu.memory_space<vmem_shared>>
        %dma_start3A_78 = arith.constant 5040 : i32
        %dma_start3A_79 = arith.constant 0 : i32
        %dma_start3A_80 = tpu.memref_slice %arg23[%dma_start3A_78, %dma_start3A_79] : memref<10000x128xf32, #tpu.memory_space<vmem_shared>> -> memref<80x128xf32, #tpu.memory_space<vmem_shared>>
        tpu.enqueue_dma source(%arg21 : memref<80x128xf32, #tpu.memory_space<vmem>>) target(%dma_start3A_80 : memref<80x128xf32, #tpu.memory_space<vmem_shared>>) target_semaphore(%run_scoped3A : memref<!tpu.dma_semaphore, #tpu.memory_space<semaphore_mem>>)
        %dma_wait3A_81 = arith.constant 5040 : i32
        %dma_wait3A_82 = arith.constant 0 : i32
        %dma_wait3A_83 = tpu.memref_slice %arg23[%dma_wait3A_81, %dma_wait3A_82] : memref<10000x128xf32, #tpu.memory_space<vmem_shared>> -> memref<80x128xf32, #tpu.memory_space<vmem_shared>>
        %dma_wait3A_84 = arith.constant 5040 : i32
        %dma_wait3A_85 = arith.constant 0 : i32
        %dma_wait3A_86 = tpu.memref_slice %arg23[%dma_wait3A_84, %dma_wait3A_85] : memref<10000x128xf32, #tpu.memory_space<vmem_shared>> -> memref<80x128xf32, #tpu.memory_space<vmem_shared>>
        tpu.wait_dma2 semaphore(%run_scoped3A : memref<!tpu.dma_semaphore, #tpu.memory_space<semaphore_mem>>) src(%arg21 : memref<80x128xf32, #tpu.memory_space<vmem>>) dst(%dma_wait3A_86 : memref<80x128xf32, #tpu.memory_space<vmem_shared>>)
        tpu.yield
      }) : () -> ()
      "tpu.region"() ({
        %run_scoped3A = tpu.sem_alloc : memref<!tpu.dma_semaphore, #tpu.memory_space<semaphore_mem>>
        %dma_start3A_75 = arith.constant 5120 : i32
        %dma_start3A_76 = arith.constant 0 : i32
        %dma_start3A_77 = tpu.memref_slice %arg23[%dma_start3A_75, %dma_start3A_76] : memref<10000x128xf32, #tpu.memory_space<vmem_shared>> -> memref<80x128xf32, #tpu.memory_space<vmem_shared>>
        %dma_start3A_78 = arith.constant 5120 : i32
        %dma_start3A_79 = arith.constant 0 : i32
        %dma_start3A_80 = tpu.memref_slice %arg23[%dma_start3A_78, %dma_start3A_79] : memref<10000x128xf32, #tpu.memory_space<vmem_shared>> -> memref<80x128xf32, #tpu.memory_space<vmem_shared>>
        tpu.enqueue_dma source(%arg21 : memref<80x128xf32, #tpu.memory_space<vmem>>) target(%dma_start3A_80 : memref<80x128xf32, #tpu.memory_space<vmem_shared>>) target_semaphore(%run_scoped3A : memref<!tpu.dma_semaphore, #tpu.memory_space<semaphore_mem>>)
        %dma_wait3A_81 = arith.constant 5120 : i32
        %dma_wait3A_82 = arith.constant 0 : i32
        %dma_wait3A_83 = tpu.memref_slice %arg23[%dma_wait3A_81, %dma_wait3A_82] : memref<10000x128xf32, #tpu.memory_space<vmem_shared>> -> memref<80x128xf32, #tpu.memory_space<vmem_shared>>
        %dma_wait3A_84 = arith.constant 5120 : i32
        %dma_wait3A_85 = arith.constant 0 : i32
        %dma_wait3A_86 = tpu.memref_slice %arg23[%dma_wait3A_84, %dma_wait3A_85] : memref<10000x128xf32, #tpu.memory_space<vmem_shared>> -> memref<80x128xf32, #tpu.memory_space<vmem_shared>>
        tpu.wait_dma2 semaphore(%run_scoped3A : memref<!tpu.dma_semaphore, #tpu.memory_space<semaphore_mem>>) src(%arg21 : memref<80x128xf32, #tpu.memory_space<vmem>>) dst(%dma_wait3A_86 : memref<80x128xf32, #tpu.memory_space<vmem_shared>>)
        tpu.yield
      }) : () -> ()
      "tpu.region"() ({
        %run_scoped3A = tpu.sem_alloc : memref<!tpu.dma_semaphore, #tpu.memory_space<semaphore_mem>>
        %dma_start3A_75 = arith.constant 5200 : i32
        %dma_start3A_76 = arith.constant 0 : i32
        %dma_start3A_77 = tpu.memref_slice %arg23[%dma_start3A_75, %dma_start3A_76] : memref<10000x128xf32, #tpu.memory_space<vmem_shared>> -> memref<80x128xf32, #tpu.memory_space<vmem_shared>>
        %dma_start3A_78 = arith.constant 5200 : i32
        %dma_start3A_79 = arith.constant 0 : i32
        %dma_start3A_80 = tpu.memref_slice %arg23[%dma_start3A_78, %dma_start3A_79] : memref<10000x128xf32, #tpu.memory_space<vmem_shared>> -> memref<80x128xf32, #tpu.memory_space<vmem_shared>>
        tpu.enqueue_dma source(%arg21 : memref<80x128xf32, #tpu.memory_space<vmem>>) target(%dma_start3A_80 : memref<80x128xf32, #tpu.memory_space<vmem_shared>>) target_semaphore(%run_scoped3A : memref<!tpu.dma_semaphore, #tpu.memory_space<semaphore_mem>>)
        %dma_wait3A_81 = arith.constant 5200 : i32
        %dma_wait3A_82 = arith.constant 0 : i32
        %dma_wait3A_83 = tpu.memref_slice %arg23[%dma_wait3A_81, %dma_wait3A_82] : memref<10000x128xf32, #tpu.memory_space<vmem_shared>> -> memref<80x128xf32, #tpu.memory_space<vmem_shared>>
        %dma_wait3A_84 = arith.constant 5200 : i32
        %dma_wait3A_85 = arith.constant 0 : i32
        %dma_wait3A_86 = tpu.memref_slice %arg23[%dma_wait3A_84, %dma_wait3A_85] : memref<10000x128xf32, #tpu.memory_space<vmem_shared>> -> memref<80x128xf32, #tpu.memory_space<vmem_shared>>
        tpu.wait_dma2 semaphore(%run_scoped3A : memref<!tpu.dma_semaphore, #tpu.memory_space<semaphore_mem>>) src(%arg21 : memref<80x128xf32, #tpu.memory_space<vmem>>) dst(%dma_wait3A_86 : memref<80x128xf32, #tpu.memory_space<vmem_shared>>)
        tpu.yield
      }) : () -> ()
      "tpu.region"() ({
        %run_scoped3A = tpu.sem_alloc : memref<!tpu.dma_semaphore, #tpu.memory_space<semaphore_mem>>
        %dma_start3A_75 = arith.constant 5280 : i32
        %dma_start3A_76 = arith.constant 0 : i32
        %dma_start3A_77 = tpu.memref_slice %arg23[%dma_start3A_75, %dma_start3A_76] : memref<10000x128xf32, #tpu.memory_space<vmem_shared>> -> memref<80x128xf32, #tpu.memory_space<vmem_shared>>
        %dma_start3A_78 = arith.constant 5280 : i32
        %dma_start3A_79 = arith.constant 0 : i32
        %dma_start3A_80 = tpu.memref_slice %arg23[%dma_start3A_78, %dma_start3A_79] : memref<10000x128xf32, #tpu.memory_space<vmem_shared>> -> memref<80x128xf32, #tpu.memory_space<vmem_shared>>
        tpu.enqueue_dma source(%arg21 : memref<80x128xf32, #tpu.memory_space<vmem>>) target(%dma_start3A_80 : memref<80x128xf32, #tpu.memory_space<vmem_shared>>) target_semaphore(%run_scoped3A : memref<!tpu.dma_semaphore, #tpu.memory_space<semaphore_mem>>)
        %dma_wait3A_81 = arith.constant 5280 : i32
        %dma_wait3A_82 = arith.constant 0 : i32
        %dma_wait3A_83 = tpu.memref_slice %arg23[%dma_wait3A_81, %dma_wait3A_82] : memref<10000x128xf32, #tpu.memory_space<vmem_shared>> -> memref<80x128xf32, #tpu.memory_space<vmem_shared>>
        %dma_wait3A_84 = arith.constant 5280 : i32
        %dma_wait3A_85 = arith.constant 0 : i32
        %dma_wait3A_86 = tpu.memref_slice %arg23[%dma_wait3A_84, %dma_wait3A_85] : memref<10000x128xf32, #tpu.memory_space<vmem_shared>> -> memref<80x128xf32, #tpu.memory_space<vmem_shared>>
        tpu.wait_dma2 semaphore(%run_scoped3A : memref<!tpu.dma_semaphore, #tpu.memory_space<semaphore_mem>>) src(%arg21 : memref<80x128xf32, #tpu.memory_space<vmem>>) dst(%dma_wait3A_86 : memref<80x128xf32, #tpu.memory_space<vmem_shared>>)
        tpu.yield
      }) : () -> ()
      "tpu.region"() ({
        %run_scoped3A = tpu.sem_alloc : memref<!tpu.dma_semaphore, #tpu.memory_space<semaphore_mem>>
        %dma_start3A_75 = arith.constant 5360 : i32
        %dma_start3A_76 = arith.constant 0 : i32
        %dma_start3A_77 = tpu.memref_slice %arg23[%dma_start3A_75, %dma_start3A_76] : memref<10000x128xf32, #tpu.memory_space<vmem_shared>> -> memref<80x128xf32, #tpu.memory_space<vmem_shared>>
        %dma_start3A_78 = arith.constant 5360 : i32
        %dma_start3A_79 = arith.constant 0 : i32
        %dma_start3A_80 = tpu.memref_slice %arg23[%dma_start3A_78, %dma_start3A_79] : memref<10000x128xf32, #tpu.memory_space<vmem_shared>> -> memref<80x128xf32, #tpu.memory_space<vmem_shared>>
        tpu.enqueue_dma source(%arg21 : memref<80x128xf32, #tpu.memory_space<vmem>>) target(%dma_start3A_80 : memref<80x128xf32, #tpu.memory_space<vmem_shared>>) target_semaphore(%run_scoped3A : memref<!tpu.dma_semaphore, #tpu.memory_space<semaphore_mem>>)
        %dma_wait3A_81 = arith.constant 5360 : i32
        %dma_wait3A_82 = arith.constant 0 : i32
        %dma_wait3A_83 = tpu.memref_slice %arg23[%dma_wait3A_81, %dma_wait3A_82] : memref<10000x128xf32, #tpu.memory_space<vmem_shared>> -> memref<80x128xf32, #tpu.memory_space<vmem_shared>>
        %dma_wait3A_84 = arith.constant 5360 : i32
        %dma_wait3A_85 = arith.constant 0 : i32
        %dma_wait3A_86 = tpu.memref_slice %arg23[%dma_wait3A_84, %dma_wait3A_85] : memref<10000x128xf32, #tpu.memory_space<vmem_shared>> -> memref<80x128xf32, #tpu.memory_space<vmem_shared>>
        tpu.wait_dma2 semaphore(%run_scoped3A : memref<!tpu.dma_semaphore, #tpu.memory_space<semaphore_mem>>) src(%arg21 : memref<80x128xf32, #tpu.memory_space<vmem>>) dst(%dma_wait3A_86 : memref<80x128xf32, #tpu.memory_space<vmem_shared>>)
        tpu.yield
      }) : () -> ()
      "tpu.region"() ({
        %run_scoped3A = tpu.sem_alloc : memref<!tpu.dma_semaphore, #tpu.memory_space<semaphore_mem>>
        %dma_start3A_75 = arith.constant 5440 : i32
        %dma_start3A_76 = arith.constant 0 : i32
        %dma_start3A_77 = tpu.memref_slice %arg23[%dma_start3A_75, %dma_start3A_76] : memref<10000x128xf32, #tpu.memory_space<vmem_shared>> -> memref<80x128xf32, #tpu.memory_space<vmem_shared>>
        %dma_start3A_78 = arith.constant 5440 : i32
        %dma_start3A_79 = arith.constant 0 : i32
        %dma_start3A_80 = tpu.memref_slice %arg23[%dma_start3A_78, %dma_start3A_79] : memref<10000x128xf32, #tpu.memory_space<vmem_shared>> -> memref<80x128xf32, #tpu.memory_space<vmem_shared>>
        tpu.enqueue_dma source(%arg21 : memref<80x128xf32, #tpu.memory_space<vmem>>) target(%dma_start3A_80 : memref<80x128xf32, #tpu.memory_space<vmem_shared>>) target_semaphore(%run_scoped3A : memref<!tpu.dma_semaphore, #tpu.memory_space<semaphore_mem>>)
        %dma_wait3A_81 = arith.constant 5440 : i32
        %dma_wait3A_82 = arith.constant 0 : i32
        %dma_wait3A_83 = tpu.memref_slice %arg23[%dma_wait3A_81, %dma_wait3A_82] : memref<10000x128xf32, #tpu.memory_space<vmem_shared>> -> memref<80x128xf32, #tpu.memory_space<vmem_shared>>
        %dma_wait3A_84 = arith.constant 5440 : i32
        %dma_wait3A_85 = arith.constant 0 : i32
        %dma_wait3A_86 = tpu.memref_slice %arg23[%dma_wait3A_84, %dma_wait3A_85] : memref<10000x128xf32, #tpu.memory_space<vmem_shared>> -> memref<80x128xf32, #tpu.memory_space<vmem_shared>>
        tpu.wait_dma2 semaphore(%run_scoped3A : memref<!tpu.dma_semaphore, #tpu.memory_space<semaphore_mem>>) src(%arg21 : memref<80x128xf32, #tpu.memory_space<vmem>>) dst(%dma_wait3A_86 : memref<80x128xf32, #tpu.memory_space<vmem_shared>>)
        tpu.yield
      }) : () -> ()
      "tpu.region"() ({
        %run_scoped3A = tpu.sem_alloc : memref<!tpu.dma_semaphore, #tpu.memory_space<semaphore_mem>>
        %dma_start3A_75 = arith.constant 5520 : i32
        %dma_start3A_76 = arith.constant 0 : i32
        %dma_start3A_77 = tpu.memref_slice %arg23[%dma_start3A_75, %dma_start3A_76] : memref<10000x128xf32, #tpu.memory_space<vmem_shared>> -> memref<80x128xf32, #tpu.memory_space<vmem_shared>>
        %dma_start3A_78 = arith.constant 5520 : i32
        %dma_start3A_79 = arith.constant 0 : i32
        %dma_start3A_80 = tpu.memref_slice %arg23[%dma_start3A_78, %dma_start3A_79] : memref<10000x128xf32, #tpu.memory_space<vmem_shared>> -> memref<80x128xf32, #tpu.memory_space<vmem_shared>>
        tpu.enqueue_dma source(%arg21 : memref<80x128xf32, #tpu.memory_space<vmem>>) target(%dma_start3A_80 : memref<80x128xf32, #tpu.memory_space<vmem_shared>>) target_semaphore(%run_scoped3A : memref<!tpu.dma_semaphore, #tpu.memory_space<semaphore_mem>>)
        %dma_wait3A_81 = arith.constant 5520 : i32
        %dma_wait3A_82 = arith.constant 0 : i32
        %dma_wait3A_83 = tpu.memref_slice %arg23[%dma_wait3A_81, %dma_wait3A_82] : memref<10000x128xf32, #tpu.memory_space<vmem_shared>> -> memref<80x128xf32, #tpu.memory_space<vmem_shared>>
        %dma_wait3A_84 = arith.constant 5520 : i32
        %dma_wait3A_85 = arith.constant 0 : i32
        %dma_wait3A_86 = tpu.memref_slice %arg23[%dma_wait3A_84, %dma_wait3A_85] : memref<10000x128xf32, #tpu.memory_space<vmem_shared>> -> memref<80x128xf32, #tpu.memory_space<vmem_shared>>
        tpu.wait_dma2 semaphore(%run_scoped3A : memref<!tpu.dma_semaphore, #tpu.memory_space<semaphore_mem>>) src(%arg21 : memref<80x128xf32, #tpu.memory_space<vmem>>) dst(%dma_wait3A_86 : memref<80x128xf32, #tpu.memory_space<vmem_shared>>)
        tpu.yield
      }) : () -> ()
      "tpu.region"() ({
        %run_scoped3A = tpu.sem_alloc : memref<!tpu.dma_semaphore, #tpu.memory_space<semaphore_mem>>
        %dma_start3A_75 = arith.constant 5600 : i32
        %dma_start3A_76 = arith.constant 0 : i32
        %dma_start3A_77 = tpu.memref_slice %arg23[%dma_start3A_75, %dma_start3A_76] : memref<10000x128xf32, #tpu.memory_space<vmem_shared>> -> memref<80x128xf32, #tpu.memory_space<vmem_shared>>
        %dma_start3A_78 = arith.constant 5600 : i32
        %dma_start3A_79 = arith.constant 0 : i32
        %dma_start3A_80 = tpu.memref_slice %arg23[%dma_start3A_78, %dma_start3A_79] : memref<10000x128xf32, #tpu.memory_space<vmem_shared>> -> memref<80x128xf32, #tpu.memory_space<vmem_shared>>
        tpu.enqueue_dma source(%arg21 : memref<80x128xf32, #tpu.memory_space<vmem>>) target(%dma_start3A_80 : memref<80x128xf32, #tpu.memory_space<vmem_shared>>) target_semaphore(%run_scoped3A : memref<!tpu.dma_semaphore, #tpu.memory_space<semaphore_mem>>)
        %dma_wait3A_81 = arith.constant 5600 : i32
        %dma_wait3A_82 = arith.constant 0 : i32
        %dma_wait3A_83 = tpu.memref_slice %arg23[%dma_wait3A_81, %dma_wait3A_82] : memref<10000x128xf32, #tpu.memory_space<vmem_shared>> -> memref<80x128xf32, #tpu.memory_space<vmem_shared>>
        %dma_wait3A_84 = arith.constant 5600 : i32
        %dma_wait3A_85 = arith.constant 0 : i32
        %dma_wait3A_86 = tpu.memref_slice %arg23[%dma_wait3A_84, %dma_wait3A_85] : memref<10000x128xf32, #tpu.memory_space<vmem_shared>> -> memref<80x128xf32, #tpu.memory_space<vmem_shared>>
        tpu.wait_dma2 semaphore(%run_scoped3A : memref<!tpu.dma_semaphore, #tpu.memory_space<semaphore_mem>>) src(%arg21 : memref<80x128xf32, #tpu.memory_space<vmem>>) dst(%dma_wait3A_86 : memref<80x128xf32, #tpu.memory_space<vmem_shared>>)
        tpu.yield
      }) : () -> ()
      "tpu.region"() ({
        %run_scoped3A = tpu.sem_alloc : memref<!tpu.dma_semaphore, #tpu.memory_space<semaphore_mem>>
        %dma_start3A_75 = arith.constant 5680 : i32
        %dma_start3A_76 = arith.constant 0 : i32
        %dma_start3A_77 = tpu.memref_slice %arg23[%dma_start3A_75, %dma_start3A_76] : memref<10000x128xf32, #tpu.memory_space<vmem_shared>> -> memref<80x128xf32, #tpu.memory_space<vmem_shared>>
        %dma_start3A_78 = arith.constant 5680 : i32
        %dma_start3A_79 = arith.constant 0 : i32
        %dma_start3A_80 = tpu.memref_slice %arg23[%dma_start3A_78, %dma_start3A_79] : memref<10000x128xf32, #tpu.memory_space<vmem_shared>> -> memref<80x128xf32, #tpu.memory_space<vmem_shared>>
        tpu.enqueue_dma source(%arg21 : memref<80x128xf32, #tpu.memory_space<vmem>>) target(%dma_start3A_80 : memref<80x128xf32, #tpu.memory_space<vmem_shared>>) target_semaphore(%run_scoped3A : memref<!tpu.dma_semaphore, #tpu.memory_space<semaphore_mem>>)
        %dma_wait3A_81 = arith.constant 5680 : i32
        %dma_wait3A_82 = arith.constant 0 : i32
        %dma_wait3A_83 = tpu.memref_slice %arg23[%dma_wait3A_81, %dma_wait3A_82] : memref<10000x128xf32, #tpu.memory_space<vmem_shared>> -> memref<80x128xf32, #tpu.memory_space<vmem_shared>>
        %dma_wait3A_84 = arith.constant 5680 : i32
        %dma_wait3A_85 = arith.constant 0 : i32
        %dma_wait3A_86 = tpu.memref_slice %arg23[%dma_wait3A_84, %dma_wait3A_85] : memref<10000x128xf32, #tpu.memory_space<vmem_shared>> -> memref<80x128xf32, #tpu.memory_space<vmem_shared>>
        tpu.wait_dma2 semaphore(%run_scoped3A : memref<!tpu.dma_semaphore, #tpu.memory_space<semaphore_mem>>) src(%arg21 : memref<80x128xf32, #tpu.memory_space<vmem>>) dst(%dma_wait3A_86 : memref<80x128xf32, #tpu.memory_space<vmem_shared>>)
        tpu.yield
      }) : () -> ()
      "tpu.region"() ({
        %run_scoped3A = tpu.sem_alloc : memref<!tpu.dma_semaphore, #tpu.memory_space<semaphore_mem>>
        %dma_start3A_75 = arith.constant 5760 : i32
        %dma_start3A_76 = arith.constant 0 : i32
        %dma_start3A_77 = tpu.memref_slice %arg23[%dma_start3A_75, %dma_start3A_76] : memref<10000x128xf32, #tpu.memory_space<vmem_shared>> -> memref<80x128xf32, #tpu.memory_space<vmem_shared>>
        %dma_start3A_78 = arith.constant 5760 : i32
        %dma_start3A_79 = arith.constant 0 : i32
        %dma_start3A_80 = tpu.memref_slice %arg23[%dma_start3A_78, %dma_start3A_79] : memref<10000x128xf32, #tpu.memory_space<vmem_shared>> -> memref<80x128xf32, #tpu.memory_space<vmem_shared>>
        tpu.enqueue_dma source(%arg21 : memref<80x128xf32, #tpu.memory_space<vmem>>) target(%dma_start3A_80 : memref<80x128xf32, #tpu.memory_space<vmem_shared>>) target_semaphore(%run_scoped3A : memref<!tpu.dma_semaphore, #tpu.memory_space<semaphore_mem>>)
        %dma_wait3A_81 = arith.constant 5760 : i32
        %dma_wait3A_82 = arith.constant 0 : i32
        %dma_wait3A_83 = tpu.memref_slice %arg23[%dma_wait3A_81, %dma_wait3A_82] : memref<10000x128xf32, #tpu.memory_space<vmem_shared>> -> memref<80x128xf32, #tpu.memory_space<vmem_shared>>
        %dma_wait3A_84 = arith.constant 5760 : i32
        %dma_wait3A_85 = arith.constant 0 : i32
        %dma_wait3A_86 = tpu.memref_slice %arg23[%dma_wait3A_84, %dma_wait3A_85] : memref<10000x128xf32, #tpu.memory_space<vmem_shared>> -> memref<80x128xf32, #tpu.memory_space<vmem_shared>>
        tpu.wait_dma2 semaphore(%run_scoped3A : memref<!tpu.dma_semaphore, #tpu.memory_space<semaphore_mem>>) src(%arg21 : memref<80x128xf32, #tpu.memory_space<vmem>>) dst(%dma_wait3A_86 : memref<80x128xf32, #tpu.memory_space<vmem_shared>>)
        tpu.yield
      }) : () -> ()
      "tpu.region"() ({
        %run_scoped3A = tpu.sem_alloc : memref<!tpu.dma_semaphore, #tpu.memory_space<semaphore_mem>>
        %dma_start3A_75 = arith.constant 5840 : i32
        %dma_start3A_76 = arith.constant 0 : i32
        %dma_start3A_77 = tpu.memref_slice %arg23[%dma_start3A_75, %dma_start3A_76] : memref<10000x128xf32, #tpu.memory_space<vmem_shared>> -> memref<80x128xf32, #tpu.memory_space<vmem_shared>>
        %dma_start3A_78 = arith.constant 5840 : i32
        %dma_start3A_79 = arith.constant 0 : i32
        %dma_start3A_80 = tpu.memref_slice %arg23[%dma_start3A_78, %dma_start3A_79] : memref<10000x128xf32, #tpu.memory_space<vmem_shared>> -> memref<80x128xf32, #tpu.memory_space<vmem_shared>>
        tpu.enqueue_dma source(%arg21 : memref<80x128xf32, #tpu.memory_space<vmem>>) target(%dma_start3A_80 : memref<80x128xf32, #tpu.memory_space<vmem_shared>>) target_semaphore(%run_scoped3A : memref<!tpu.dma_semaphore, #tpu.memory_space<semaphore_mem>>)
        %dma_wait3A_81 = arith.constant 5840 : i32
        %dma_wait3A_82 = arith.constant 0 : i32
        %dma_wait3A_83 = tpu.memref_slice %arg23[%dma_wait3A_81, %dma_wait3A_82] : memref<10000x128xf32, #tpu.memory_space<vmem_shared>> -> memref<80x128xf32, #tpu.memory_space<vmem_shared>>
        %dma_wait3A_84 = arith.constant 5840 : i32
        %dma_wait3A_85 = arith.constant 0 : i32
        %dma_wait3A_86 = tpu.memref_slice %arg23[%dma_wait3A_84, %dma_wait3A_85] : memref<10000x128xf32, #tpu.memory_space<vmem_shared>> -> memref<80x128xf32, #tpu.memory_space<vmem_shared>>
        tpu.wait_dma2 semaphore(%run_scoped3A : memref<!tpu.dma_semaphore, #tpu.memory_space<semaphore_mem>>) src(%arg21 : memref<80x128xf32, #tpu.memory_space<vmem>>) dst(%dma_wait3A_86 : memref<80x128xf32, #tpu.memory_space<vmem_shared>>)
        tpu.yield
      }) : () -> ()
      "tpu.region"() ({
        %run_scoped3A = tpu.sem_alloc : memref<!tpu.dma_semaphore, #tpu.memory_space<semaphore_mem>>
        %dma_start3A_75 = arith.constant 5920 : i32
        %dma_start3A_76 = arith.constant 0 : i32
        %dma_start3A_77 = tpu.memref_slice %arg23[%dma_start3A_75, %dma_start3A_76] : memref<10000x128xf32, #tpu.memory_space<vmem_shared>> -> memref<80x128xf32, #tpu.memory_space<vmem_shared>>
        %dma_start3A_78 = arith.constant 5920 : i32
        %dma_start3A_79 = arith.constant 0 : i32
        %dma_start3A_80 = tpu.memref_slice %arg23[%dma_start3A_78, %dma_start3A_79] : memref<10000x128xf32, #tpu.memory_space<vmem_shared>> -> memref<80x128xf32, #tpu.memory_space<vmem_shared>>
        tpu.enqueue_dma source(%arg21 : memref<80x128xf32, #tpu.memory_space<vmem>>) target(%dma_start3A_80 : memref<80x128xf32, #tpu.memory_space<vmem_shared>>) target_semaphore(%run_scoped3A : memref<!tpu.dma_semaphore, #tpu.memory_space<semaphore_mem>>)
        %dma_wait3A_81 = arith.constant 5920 : i32
        %dma_wait3A_82 = arith.constant 0 : i32
        %dma_wait3A_83 = tpu.memref_slice %arg23[%dma_wait3A_81, %dma_wait3A_82] : memref<10000x128xf32, #tpu.memory_space<vmem_shared>> -> memref<80x128xf32, #tpu.memory_space<vmem_shared>>
        %dma_wait3A_84 = arith.constant 5920 : i32
        %dma_wait3A_85 = arith.constant 0 : i32
        %dma_wait3A_86 = tpu.memref_slice %arg23[%dma_wait3A_84, %dma_wait3A_85] : memref<10000x128xf32, #tpu.memory_space<vmem_shared>> -> memref<80x128xf32, #tpu.memory_space<vmem_shared>>
        tpu.wait_dma2 semaphore(%run_scoped3A : memref<!tpu.dma_semaphore, #tpu.memory_space<semaphore_mem>>) src(%arg21 : memref<80x128xf32, #tpu.memory_space<vmem>>) dst(%dma_wait3A_86 : memref<80x128xf32, #tpu.memory_space<vmem_shared>>)
        tpu.yield
      }) : () -> ()
      "tpu.region"() ({
        %run_scoped3A = tpu.sem_alloc : memref<!tpu.dma_semaphore, #tpu.memory_space<semaphore_mem>>
        %dma_start3A_75 = arith.constant 6000 : i32
        %dma_start3A_76 = arith.constant 0 : i32
        %dma_start3A_77 = tpu.memref_slice %arg23[%dma_start3A_75, %dma_start3A_76] : memref<10000x128xf32, #tpu.memory_space<vmem_shared>> -> memref<80x128xf32, #tpu.memory_space<vmem_shared>>
        %dma_start3A_78 = arith.constant 6000 : i32
        %dma_start3A_79 = arith.constant 0 : i32
        %dma_start3A_80 = tpu.memref_slice %arg23[%dma_start3A_78, %dma_start3A_79] : memref<10000x128xf32, #tpu.memory_space<vmem_shared>> -> memref<80x128xf32, #tpu.memory_space<vmem_shared>>
        tpu.enqueue_dma source(%arg21 : memref<80x128xf32, #tpu.memory_space<vmem>>) target(%dma_start3A_80 : memref<80x128xf32, #tpu.memory_space<vmem_shared>>) target_semaphore(%run_scoped3A : memref<!tpu.dma_semaphore, #tpu.memory_space<semaphore_mem>>)
        %dma_wait3A_81 = arith.constant 6000 : i32
        %dma_wait3A_82 = arith.constant 0 : i32
        %dma_wait3A_83 = tpu.memref_slice %arg23[%dma_wait3A_81, %dma_wait3A_82] : memref<10000x128xf32, #tpu.memory_space<vmem_shared>> -> memref<80x128xf32, #tpu.memory_space<vmem_shared>>
        %dma_wait3A_84 = arith.constant 6000 : i32
        %dma_wait3A_85 = arith.constant 0 : i32
        %dma_wait3A_86 = tpu.memref_slice %arg23[%dma_wait3A_84, %dma_wait3A_85] : memref<10000x128xf32, #tpu.memory_space<vmem_shared>> -> memref<80x128xf32, #tpu.memory_space<vmem_shared>>
        tpu.wait_dma2 semaphore(%run_scoped3A : memref<!tpu.dma_semaphore, #tpu.memory_space<semaphore_mem>>) src(%arg21 : memref<80x128xf32, #tpu.memory_space<vmem>>) dst(%dma_wait3A_86 : memref<80x128xf32, #tpu.memory_space<vmem_shared>>)
        tpu.yield
      }) : () -> ()
      "tpu.region"() ({
        %run_scoped3A = tpu.sem_alloc : memref<!tpu.dma_semaphore, #tpu.memory_space<semaphore_mem>>
        %dma_start3A_75 = arith.constant 6080 : i32
        %dma_start3A_76 = arith.constant 0 : i32
        %dma_start3A_77 = tpu.memref_slice %arg23[%dma_start3A_75, %dma_start3A_76] : memref<10000x128xf32, #tpu.memory_space<vmem_shared>> -> memref<80x128xf32, #tpu.memory_space<vmem_shared>>
        %dma_start3A_78 = arith.constant 6080 : i32
        %dma_start3A_79 = arith.constant 0 : i32
        %dma_start3A_80 = tpu.memref_slice %arg23[%dma_start3A_78, %dma_start3A_79] : memref<10000x128xf32, #tpu.memory_space<vmem_shared>> -> memref<80x128xf32, #tpu.memory_space<vmem_shared>>
        tpu.enqueue_dma source(%arg21 : memref<80x128xf32, #tpu.memory_space<vmem>>) target(%dma_start3A_80 : memref<80x128xf32, #tpu.memory_space<vmem_shared>>) target_semaphore(%run_scoped3A : memref<!tpu.dma_semaphore, #tpu.memory_space<semaphore_mem>>)
        %dma_wait3A_81 = arith.constant 6080 : i32
        %dma_wait3A_82 = arith.constant 0 : i32
        %dma_wait3A_83 = tpu.memref_slice %arg23[%dma_wait3A_81, %dma_wait3A_82] : memref<10000x128xf32, #tpu.memory_space<vmem_shared>> -> memref<80x128xf32, #tpu.memory_space<vmem_shared>>
        %dma_wait3A_84 = arith.constant 6080 : i32
        %dma_wait3A_85 = arith.constant 0 : i32
        %dma_wait3A_86 = tpu.memref_slice %arg23[%dma_wait3A_84, %dma_wait3A_85] : memref<10000x128xf32, #tpu.memory_space<vmem_shared>> -> memref<80x128xf32, #tpu.memory_space<vmem_shared>>
        tpu.wait_dma2 semaphore(%run_scoped3A : memref<!tpu.dma_semaphore, #tpu.memory_space<semaphore_mem>>) src(%arg21 : memref<80x128xf32, #tpu.memory_space<vmem>>) dst(%dma_wait3A_86 : memref<80x128xf32, #tpu.memory_space<vmem_shared>>)
        tpu.yield
      }) : () -> ()
      "tpu.region"() ({
        %run_scoped3A = tpu.sem_alloc : memref<!tpu.dma_semaphore, #tpu.memory_space<semaphore_mem>>
        %dma_start3A_75 = arith.constant 6160 : i32
        %dma_start3A_76 = arith.constant 0 : i32
        %dma_start3A_77 = tpu.memref_slice %arg23[%dma_start3A_75, %dma_start3A_76] : memref<10000x128xf32, #tpu.memory_space<vmem_shared>> -> memref<80x128xf32, #tpu.memory_space<vmem_shared>>
        %dma_start3A_78 = arith.constant 6160 : i32
        %dma_start3A_79 = arith.constant 0 : i32
        %dma_start3A_80 = tpu.memref_slice %arg23[%dma_start3A_78, %dma_start3A_79] : memref<10000x128xf32, #tpu.memory_space<vmem_shared>> -> memref<80x128xf32, #tpu.memory_space<vmem_shared>>
        tpu.enqueue_dma source(%arg21 : memref<80x128xf32, #tpu.memory_space<vmem>>) target(%dma_start3A_80 : memref<80x128xf32, #tpu.memory_space<vmem_shared>>) target_semaphore(%run_scoped3A : memref<!tpu.dma_semaphore, #tpu.memory_space<semaphore_mem>>)
        %dma_wait3A_81 = arith.constant 6160 : i32
        %dma_wait3A_82 = arith.constant 0 : i32
        %dma_wait3A_83 = tpu.memref_slice %arg23[%dma_wait3A_81, %dma_wait3A_82] : memref<10000x128xf32, #tpu.memory_space<vmem_shared>> -> memref<80x128xf32, #tpu.memory_space<vmem_shared>>
        %dma_wait3A_84 = arith.constant 6160 : i32
        %dma_wait3A_85 = arith.constant 0 : i32
        %dma_wait3A_86 = tpu.memref_slice %arg23[%dma_wait3A_84, %dma_wait3A_85] : memref<10000x128xf32, #tpu.memory_space<vmem_shared>> -> memref<80x128xf32, #tpu.memory_space<vmem_shared>>
        tpu.wait_dma2 semaphore(%run_scoped3A : memref<!tpu.dma_semaphore, #tpu.memory_space<semaphore_mem>>) src(%arg21 : memref<80x128xf32, #tpu.memory_space<vmem>>) dst(%dma_wait3A_86 : memref<80x128xf32, #tpu.memory_space<vmem_shared>>)
        tpu.yield
      }) : () -> ()
      "tpu.region"() ({
        %run_scoped3A = tpu.sem_alloc : memref<!tpu.dma_semaphore, #tpu.memory_space<semaphore_mem>>
        %dma_start3A_75 = arith.constant 6240 : i32
        %dma_start3A_76 = arith.constant 0 : i32
        %dma_start3A_77 = tpu.memref_slice %arg23[%dma_start3A_75, %dma_start3A_76] : memref<10000x128xf32, #tpu.memory_space<vmem_shared>> -> memref<80x128xf32, #tpu.memory_space<vmem_shared>>
        %dma_start3A_78 = arith.constant 6240 : i32
        %dma_start3A_79 = arith.constant 0 : i32
        %dma_start3A_80 = tpu.memref_slice %arg23[%dma_start3A_78, %dma_start3A_79] : memref<10000x128xf32, #tpu.memory_space<vmem_shared>> -> memref<80x128xf32, #tpu.memory_space<vmem_shared>>
        tpu.enqueue_dma source(%arg21 : memref<80x128xf32, #tpu.memory_space<vmem>>) target(%dma_start3A_80 : memref<80x128xf32, #tpu.memory_space<vmem_shared>>) target_semaphore(%run_scoped3A : memref<!tpu.dma_semaphore, #tpu.memory_space<semaphore_mem>>)
        %dma_wait3A_81 = arith.constant 6240 : i32
        %dma_wait3A_82 = arith.constant 0 : i32
        %dma_wait3A_83 = tpu.memref_slice %arg23[%dma_wait3A_81, %dma_wait3A_82] : memref<10000x128xf32, #tpu.memory_space<vmem_shared>> -> memref<80x128xf32, #tpu.memory_space<vmem_shared>>
        %dma_wait3A_84 = arith.constant 6240 : i32
        %dma_wait3A_85 = arith.constant 0 : i32
        %dma_wait3A_86 = tpu.memref_slice %arg23[%dma_wait3A_84, %dma_wait3A_85] : memref<10000x128xf32, #tpu.memory_space<vmem_shared>> -> memref<80x128xf32, #tpu.memory_space<vmem_shared>>
        tpu.wait_dma2 semaphore(%run_scoped3A : memref<!tpu.dma_semaphore, #tpu.memory_space<semaphore_mem>>) src(%arg21 : memref<80x128xf32, #tpu.memory_space<vmem>>) dst(%dma_wait3A_86 : memref<80x128xf32, #tpu.memory_space<vmem_shared>>)
        tpu.yield
      }) : () -> ()
      "tpu.region"() ({
        %run_scoped3A = tpu.sem_alloc : memref<!tpu.dma_semaphore, #tpu.memory_space<semaphore_mem>>
        %dma_start3A_75 = arith.constant 6320 : i32
        %dma_start3A_76 = arith.constant 0 : i32
        %dma_start3A_77 = tpu.memref_slice %arg23[%dma_start3A_75, %dma_start3A_76] : memref<10000x128xf32, #tpu.memory_space<vmem_shared>> -> memref<80x128xf32, #tpu.memory_space<vmem_shared>>
        %dma_start3A_78 = arith.constant 6320 : i32
        %dma_start3A_79 = arith.constant 0 : i32
        %dma_start3A_80 = tpu.memref_slice %arg23[%dma_start3A_78, %dma_start3A_79] : memref<10000x128xf32, #tpu.memory_space<vmem_shared>> -> memref<80x128xf32, #tpu.memory_space<vmem_shared>>
        tpu.enqueue_dma source(%arg21 : memref<80x128xf32, #tpu.memory_space<vmem>>) target(%dma_start3A_80 : memref<80x128xf32, #tpu.memory_space<vmem_shared>>) target_semaphore(%run_scoped3A : memref<!tpu.dma_semaphore, #tpu.memory_space<semaphore_mem>>)
        %dma_wait3A_81 = arith.constant 6320 : i32
        %dma_wait3A_82 = arith.constant 0 : i32
        %dma_wait3A_83 = tpu.memref_slice %arg23[%dma_wait3A_81, %dma_wait3A_82] : memref<10000x128xf32, #tpu.memory_space<vmem_shared>> -> memref<80x128xf32, #tpu.memory_space<vmem_shared>>
        %dma_wait3A_84 = arith.constant 6320 : i32
        %dma_wait3A_85 = arith.constant 0 : i32
        %dma_wait3A_86 = tpu.memref_slice %arg23[%dma_wait3A_84, %dma_wait3A_85] : memref<10000x128xf32, #tpu.memory_space<vmem_shared>> -> memref<80x128xf32, #tpu.memory_space<vmem_shared>>
        tpu.wait_dma2 semaphore(%run_scoped3A : memref<!tpu.dma_semaphore, #tpu.memory_space<semaphore_mem>>) src(%arg21 : memref<80x128xf32, #tpu.memory_space<vmem>>) dst(%dma_wait3A_86 : memref<80x128xf32, #tpu.memory_space<vmem_shared>>)
        tpu.yield
      }) : () -> ()
      "tpu.region"() ({
        %run_scoped3A = tpu.sem_alloc : memref<!tpu.dma_semaphore, #tpu.memory_space<semaphore_mem>>
        %dma_start3A_75 = arith.constant 6400 : i32
        %dma_start3A_76 = arith.constant 0 : i32
        %dma_start3A_77 = tpu.memref_slice %arg23[%dma_start3A_75, %dma_start3A_76] : memref<10000x128xf32, #tpu.memory_space<vmem_shared>> -> memref<80x128xf32, #tpu.memory_space<vmem_shared>>
        %dma_start3A_78 = arith.constant 6400 : i32
        %dma_start3A_79 = arith.constant 0 : i32
        %dma_start3A_80 = tpu.memref_slice %arg23[%dma_start3A_78, %dma_start3A_79] : memref<10000x128xf32, #tpu.memory_space<vmem_shared>> -> memref<80x128xf32, #tpu.memory_space<vmem_shared>>
        tpu.enqueue_dma source(%arg21 : memref<80x128xf32, #tpu.memory_space<vmem>>) target(%dma_start3A_80 : memref<80x128xf32, #tpu.memory_space<vmem_shared>>) target_semaphore(%run_scoped3A : memref<!tpu.dma_semaphore, #tpu.memory_space<semaphore_mem>>)
        %dma_wait3A_81 = arith.constant 6400 : i32
        %dma_wait3A_82 = arith.constant 0 : i32
        %dma_wait3A_83 = tpu.memref_slice %arg23[%dma_wait3A_81, %dma_wait3A_82] : memref<10000x128xf32, #tpu.memory_space<vmem_shared>> -> memref<80x128xf32, #tpu.memory_space<vmem_shared>>
        %dma_wait3A_84 = arith.constant 6400 : i32
        %dma_wait3A_85 = arith.constant 0 : i32
        %dma_wait3A_86 = tpu.memref_slice %arg23[%dma_wait3A_84, %dma_wait3A_85] : memref<10000x128xf32, #tpu.memory_space<vmem_shared>> -> memref<80x128xf32, #tpu.memory_space<vmem_shared>>
        tpu.wait_dma2 semaphore(%run_scoped3A : memref<!tpu.dma_semaphore, #tpu.memory_space<semaphore_mem>>) src(%arg21 : memref<80x128xf32, #tpu.memory_space<vmem>>) dst(%dma_wait3A_86 : memref<80x128xf32, #tpu.memory_space<vmem_shared>>)
        tpu.yield
      }) : () -> ()
      "tpu.region"() ({
        %run_scoped3A = tpu.sem_alloc : memref<!tpu.dma_semaphore, #tpu.memory_space<semaphore_mem>>
        %dma_start3A_75 = arith.constant 6480 : i32
        %dma_start3A_76 = arith.constant 0 : i32
        %dma_start3A_77 = tpu.memref_slice %arg23[%dma_start3A_75, %dma_start3A_76] : memref<10000x128xf32, #tpu.memory_space<vmem_shared>> -> memref<80x128xf32, #tpu.memory_space<vmem_shared>>
        %dma_start3A_78 = arith.constant 6480 : i32
        %dma_start3A_79 = arith.constant 0 : i32
        %dma_start3A_80 = tpu.memref_slice %arg23[%dma_start3A_78, %dma_start3A_79] : memref<10000x128xf32, #tpu.memory_space<vmem_shared>> -> memref<80x128xf32, #tpu.memory_space<vmem_shared>>
        tpu.enqueue_dma source(%arg21 : memref<80x128xf32, #tpu.memory_space<vmem>>) target(%dma_start3A_80 : memref<80x128xf32, #tpu.memory_space<vmem_shared>>) target_semaphore(%run_scoped3A : memref<!tpu.dma_semaphore, #tpu.memory_space<semaphore_mem>>)
        %dma_wait3A_81 = arith.constant 6480 : i32
        %dma_wait3A_82 = arith.constant 0 : i32
        %dma_wait3A_83 = tpu.memref_slice %arg23[%dma_wait3A_81, %dma_wait3A_82] : memref<10000x128xf32, #tpu.memory_space<vmem_shared>> -> memref<80x128xf32, #tpu.memory_space<vmem_shared>>
        %dma_wait3A_84 = arith.constant 6480 : i32
        %dma_wait3A_85 = arith.constant 0 : i32
        %dma_wait3A_86 = tpu.memref_slice %arg23[%dma_wait3A_84, %dma_wait3A_85] : memref<10000x128xf32, #tpu.memory_space<vmem_shared>> -> memref<80x128xf32, #tpu.memory_space<vmem_shared>>
        tpu.wait_dma2 semaphore(%run_scoped3A : memref<!tpu.dma_semaphore, #tpu.memory_space<semaphore_mem>>) src(%arg21 : memref<80x128xf32, #tpu.memory_space<vmem>>) dst(%dma_wait3A_86 : memref<80x128xf32, #tpu.memory_space<vmem_shared>>)
        tpu.yield
      }) : () -> ()
      "tpu.region"() ({
        %run_scoped3A = tpu.sem_alloc : memref<!tpu.dma_semaphore, #tpu.memory_space<semaphore_mem>>
        %dma_start3A_75 = arith.constant 6560 : i32
        %dma_start3A_76 = arith.constant 0 : i32
        %dma_start3A_77 = tpu.memref_slice %arg23[%dma_start3A_75, %dma_start3A_76] : memref<10000x128xf32, #tpu.memory_space<vmem_shared>> -> memref<80x128xf32, #tpu.memory_space<vmem_shared>>
        %dma_start3A_78 = arith.constant 6560 : i32
        %dma_start3A_79 = arith.constant 0 : i32
        %dma_start3A_80 = tpu.memref_slice %arg23[%dma_start3A_78, %dma_start3A_79] : memref<10000x128xf32, #tpu.memory_space<vmem_shared>> -> memref<80x128xf32, #tpu.memory_space<vmem_shared>>
        tpu.enqueue_dma source(%arg21 : memref<80x128xf32, #tpu.memory_space<vmem>>) target(%dma_start3A_80 : memref<80x128xf32, #tpu.memory_space<vmem_shared>>) target_semaphore(%run_scoped3A : memref<!tpu.dma_semaphore, #tpu.memory_space<semaphore_mem>>)
        %dma_wait3A_81 = arith.constant 6560 : i32
        %dma_wait3A_82 = arith.constant 0 : i32
        %dma_wait3A_83 = tpu.memref_slice %arg23[%dma_wait3A_81, %dma_wait3A_82] : memref<10000x128xf32, #tpu.memory_space<vmem_shared>> -> memref<80x128xf32, #tpu.memory_space<vmem_shared>>
        %dma_wait3A_84 = arith.constant 6560 : i32
        %dma_wait3A_85 = arith.constant 0 : i32
        %dma_wait3A_86 = tpu.memref_slice %arg23[%dma_wait3A_84, %dma_wait3A_85] : memref<10000x128xf32, #tpu.memory_space<vmem_shared>> -> memref<80x128xf32, #tpu.memory_space<vmem_shared>>
        tpu.wait_dma2 semaphore(%run_scoped3A : memref<!tpu.dma_semaphore, #tpu.memory_space<semaphore_mem>>) src(%arg21 : memref<80x128xf32, #tpu.memory_space<vmem>>) dst(%dma_wait3A_86 : memref<80x128xf32, #tpu.memory_space<vmem_shared>>)
        tpu.yield
      }) : () -> ()
      "tpu.region"() ({
        %run_scoped3A = tpu.sem_alloc : memref<!tpu.dma_semaphore, #tpu.memory_space<semaphore_mem>>
        %dma_start3A_75 = arith.constant 6640 : i32
        %dma_start3A_76 = arith.constant 0 : i32
        %dma_start3A_77 = tpu.memref_slice %arg23[%dma_start3A_75, %dma_start3A_76] : memref<10000x128xf32, #tpu.memory_space<vmem_shared>> -> memref<80x128xf32, #tpu.memory_space<vmem_shared>>
        %dma_start3A_78 = arith.constant 6640 : i32
        %dma_start3A_79 = arith.constant 0 : i32
        %dma_start3A_80 = tpu.memref_slice %arg23[%dma_start3A_78, %dma_start3A_79] : memref<10000x128xf32, #tpu.memory_space<vmem_shared>> -> memref<80x128xf32, #tpu.memory_space<vmem_shared>>
        tpu.enqueue_dma source(%arg21 : memref<80x128xf32, #tpu.memory_space<vmem>>) target(%dma_start3A_80 : memref<80x128xf32, #tpu.memory_space<vmem_shared>>) target_semaphore(%run_scoped3A : memref<!tpu.dma_semaphore, #tpu.memory_space<semaphore_mem>>)
        %dma_wait3A_81 = arith.constant 6640 : i32
        %dma_wait3A_82 = arith.constant 0 : i32
        %dma_wait3A_83 = tpu.memref_slice %arg23[%dma_wait3A_81, %dma_wait3A_82] : memref<10000x128xf32, #tpu.memory_space<vmem_shared>> -> memref<80x128xf32, #tpu.memory_space<vmem_shared>>
        %dma_wait3A_84 = arith.constant 6640 : i32
        %dma_wait3A_85 = arith.constant 0 : i32
        %dma_wait3A_86 = tpu.memref_slice %arg23[%dma_wait3A_84, %dma_wait3A_85] : memref<10000x128xf32, #tpu.memory_space<vmem_shared>> -> memref<80x128xf32, #tpu.memory_space<vmem_shared>>
        tpu.wait_dma2 semaphore(%run_scoped3A : memref<!tpu.dma_semaphore, #tpu.memory_space<semaphore_mem>>) src(%arg21 : memref<80x128xf32, #tpu.memory_space<vmem>>) dst(%dma_wait3A_86 : memref<80x128xf32, #tpu.memory_space<vmem_shared>>)
        tpu.yield
      }) : () -> ()
      "tpu.region"() ({
        %run_scoped3A = tpu.sem_alloc : memref<!tpu.dma_semaphore, #tpu.memory_space<semaphore_mem>>
        %dma_start3A_75 = arith.constant 6720 : i32
        %dma_start3A_76 = arith.constant 0 : i32
        %dma_start3A_77 = tpu.memref_slice %arg23[%dma_start3A_75, %dma_start3A_76] : memref<10000x128xf32, #tpu.memory_space<vmem_shared>> -> memref<80x128xf32, #tpu.memory_space<vmem_shared>>
        %dma_start3A_78 = arith.constant 6720 : i32
        %dma_start3A_79 = arith.constant 0 : i32
        %dma_start3A_80 = tpu.memref_slice %arg23[%dma_start3A_78, %dma_start3A_79] : memref<10000x128xf32, #tpu.memory_space<vmem_shared>> -> memref<80x128xf32, #tpu.memory_space<vmem_shared>>
        tpu.enqueue_dma source(%arg21 : memref<80x128xf32, #tpu.memory_space<vmem>>) target(%dma_start3A_80 : memref<80x128xf32, #tpu.memory_space<vmem_shared>>) target_semaphore(%run_scoped3A : memref<!tpu.dma_semaphore, #tpu.memory_space<semaphore_mem>>)
        %dma_wait3A_81 = arith.constant 6720 : i32
        %dma_wait3A_82 = arith.constant 0 : i32
        %dma_wait3A_83 = tpu.memref_slice %arg23[%dma_wait3A_81, %dma_wait3A_82] : memref<10000x128xf32, #tpu.memory_space<vmem_shared>> -> memref<80x128xf32, #tpu.memory_space<vmem_shared>>
        %dma_wait3A_84 = arith.constant 6720 : i32
        %dma_wait3A_85 = arith.constant 0 : i32
        %dma_wait3A_86 = tpu.memref_slice %arg23[%dma_wait3A_84, %dma_wait3A_85] : memref<10000x128xf32, #tpu.memory_space<vmem_shared>> -> memref<80x128xf32, #tpu.memory_space<vmem_shared>>
        tpu.wait_dma2 semaphore(%run_scoped3A : memref<!tpu.dma_semaphore, #tpu.memory_space<semaphore_mem>>) src(%arg21 : memref<80x128xf32, #tpu.memory_space<vmem>>) dst(%dma_wait3A_86 : memref<80x128xf32, #tpu.memory_space<vmem_shared>>)
        tpu.yield
      }) : () -> ()
      "tpu.region"() ({
        %run_scoped3A = tpu.sem_alloc : memref<!tpu.dma_semaphore, #tpu.memory_space<semaphore_mem>>
        %dma_start3A_75 = arith.constant 6800 : i32
        %dma_start3A_76 = arith.constant 0 : i32
        %dma_start3A_77 = tpu.memref_slice %arg23[%dma_start3A_75, %dma_start3A_76] : memref<10000x128xf32, #tpu.memory_space<vmem_shared>> -> memref<80x128xf32, #tpu.memory_space<vmem_shared>>
        %dma_start3A_78 = arith.constant 6800 : i32
        %dma_start3A_79 = arith.constant 0 : i32
        %dma_start3A_80 = tpu.memref_slice %arg23[%dma_start3A_78, %dma_start3A_79] : memref<10000x128xf32, #tpu.memory_space<vmem_shared>> -> memref<80x128xf32, #tpu.memory_space<vmem_shared>>
        tpu.enqueue_dma source(%arg21 : memref<80x128xf32, #tpu.memory_space<vmem>>) target(%dma_start3A_80 : memref<80x128xf32, #tpu.memory_space<vmem_shared>>) target_semaphore(%run_scoped3A : memref<!tpu.dma_semaphore, #tpu.memory_space<semaphore_mem>>)
        %dma_wait3A_81 = arith.constant 6800 : i32
        %dma_wait3A_82 = arith.constant 0 : i32
        %dma_wait3A_83 = tpu.memref_slice %arg23[%dma_wait3A_81, %dma_wait3A_82] : memref<10000x128xf32, #tpu.memory_space<vmem_shared>> -> memref<80x128xf32, #tpu.memory_space<vmem_shared>>
        %dma_wait3A_84 = arith.constant 6800 : i32
        %dma_wait3A_85 = arith.constant 0 : i32
        %dma_wait3A_86 = tpu.memref_slice %arg23[%dma_wait3A_84, %dma_wait3A_85] : memref<10000x128xf32, #tpu.memory_space<vmem_shared>> -> memref<80x128xf32, #tpu.memory_space<vmem_shared>>
        tpu.wait_dma2 semaphore(%run_scoped3A : memref<!tpu.dma_semaphore, #tpu.memory_space<semaphore_mem>>) src(%arg21 : memref<80x128xf32, #tpu.memory_space<vmem>>) dst(%dma_wait3A_86 : memref<80x128xf32, #tpu.memory_space<vmem_shared>>)
        tpu.yield
      }) : () -> ()
      "tpu.region"() ({
        %run_scoped3A = tpu.sem_alloc : memref<!tpu.dma_semaphore, #tpu.memory_space<semaphore_mem>>
        %dma_start3A_75 = arith.constant 6880 : i32
        %dma_start3A_76 = arith.constant 0 : i32
        %dma_start3A_77 = tpu.memref_slice %arg23[%dma_start3A_75, %dma_start3A_76] : memref<10000x128xf32, #tpu.memory_space<vmem_shared>> -> memref<80x128xf32, #tpu.memory_space<vmem_shared>>
        %dma_start3A_78 = arith.constant 6880 : i32
        %dma_start3A_79 = arith.constant 0 : i32
        %dma_start3A_80 = tpu.memref_slice %arg23[%dma_start3A_78, %dma_start3A_79] : memref<10000x128xf32, #tpu.memory_space<vmem_shared>> -> memref<80x128xf32, #tpu.memory_space<vmem_shared>>
        tpu.enqueue_dma source(%arg21 : memref<80x128xf32, #tpu.memory_space<vmem>>) target(%dma_start3A_80 : memref<80x128xf32, #tpu.memory_space<vmem_shared>>) target_semaphore(%run_scoped3A : memref<!tpu.dma_semaphore, #tpu.memory_space<semaphore_mem>>)
        %dma_wait3A_81 = arith.constant 6880 : i32
        %dma_wait3A_82 = arith.constant 0 : i32
        %dma_wait3A_83 = tpu.memref_slice %arg23[%dma_wait3A_81, %dma_wait3A_82] : memref<10000x128xf32, #tpu.memory_space<vmem_shared>> -> memref<80x128xf32, #tpu.memory_space<vmem_shared>>
        %dma_wait3A_84 = arith.constant 6880 : i32
        %dma_wait3A_85 = arith.constant 0 : i32
        %dma_wait3A_86 = tpu.memref_slice %arg23[%dma_wait3A_84, %dma_wait3A_85] : memref<10000x128xf32, #tpu.memory_space<vmem_shared>> -> memref<80x128xf32, #tpu.memory_space<vmem_shared>>
        tpu.wait_dma2 semaphore(%run_scoped3A : memref<!tpu.dma_semaphore, #tpu.memory_space<semaphore_mem>>) src(%arg21 : memref<80x128xf32, #tpu.memory_space<vmem>>) dst(%dma_wait3A_86 : memref<80x128xf32, #tpu.memory_space<vmem_shared>>)
        tpu.yield
      }) : () -> ()
      "tpu.region"() ({
        %run_scoped3A = tpu.sem_alloc : memref<!tpu.dma_semaphore, #tpu.memory_space<semaphore_mem>>
        %dma_start3A_75 = arith.constant 6960 : i32
        %dma_start3A_76 = arith.constant 0 : i32
        %dma_start3A_77 = tpu.memref_slice %arg23[%dma_start3A_75, %dma_start3A_76] : memref<10000x128xf32, #tpu.memory_space<vmem_shared>> -> memref<80x128xf32, #tpu.memory_space<vmem_shared>>
        %dma_start3A_78 = arith.constant 6960 : i32
        %dma_start3A_79 = arith.constant 0 : i32
        %dma_start3A_80 = tpu.memref_slice %arg23[%dma_start3A_78, %dma_start3A_79] : memref<10000x128xf32, #tpu.memory_space<vmem_shared>> -> memref<80x128xf32, #tpu.memory_space<vmem_shared>>
        tpu.enqueue_dma source(%arg21 : memref<80x128xf32, #tpu.memory_space<vmem>>) target(%dma_start3A_80 : memref<80x128xf32, #tpu.memory_space<vmem_shared>>) target_semaphore(%run_scoped3A : memref<!tpu.dma_semaphore, #tpu.memory_space<semaphore_mem>>)
        %dma_wait3A_81 = arith.constant 6960 : i32
        %dma_wait3A_82 = arith.constant 0 : i32
        %dma_wait3A_83 = tpu.memref_slice %arg23[%dma_wait3A_81, %dma_wait3A_82] : memref<10000x128xf32, #tpu.memory_space<vmem_shared>> -> memref<80x128xf32, #tpu.memory_space<vmem_shared>>
        %dma_wait3A_84 = arith.constant 6960 : i32
        %dma_wait3A_85 = arith.constant 0 : i32
        %dma_wait3A_86 = tpu.memref_slice %arg23[%dma_wait3A_84, %dma_wait3A_85] : memref<10000x128xf32, #tpu.memory_space<vmem_shared>> -> memref<80x128xf32, #tpu.memory_space<vmem_shared>>
        tpu.wait_dma2 semaphore(%run_scoped3A : memref<!tpu.dma_semaphore, #tpu.memory_space<semaphore_mem>>) src(%arg21 : memref<80x128xf32, #tpu.memory_space<vmem>>) dst(%dma_wait3A_86 : memref<80x128xf32, #tpu.memory_space<vmem_shared>>)
        tpu.yield
      }) : () -> ()
      "tpu.region"() ({
        %run_scoped3A = tpu.sem_alloc : memref<!tpu.dma_semaphore, #tpu.memory_space<semaphore_mem>>
        %dma_start3A_75 = arith.constant 7040 : i32
        %dma_start3A_76 = arith.constant 0 : i32
        %dma_start3A_77 = tpu.memref_slice %arg23[%dma_start3A_75, %dma_start3A_76] : memref<10000x128xf32, #tpu.memory_space<vmem_shared>> -> memref<80x128xf32, #tpu.memory_space<vmem_shared>>
        %dma_start3A_78 = arith.constant 7040 : i32
        %dma_start3A_79 = arith.constant 0 : i32
        %dma_start3A_80 = tpu.memref_slice %arg23[%dma_start3A_78, %dma_start3A_79] : memref<10000x128xf32, #tpu.memory_space<vmem_shared>> -> memref<80x128xf32, #tpu.memory_space<vmem_shared>>
        tpu.enqueue_dma source(%arg21 : memref<80x128xf32, #tpu.memory_space<vmem>>) target(%dma_start3A_80 : memref<80x128xf32, #tpu.memory_space<vmem_shared>>) target_semaphore(%run_scoped3A : memref<!tpu.dma_semaphore, #tpu.memory_space<semaphore_mem>>)
        %dma_wait3A_81 = arith.constant 7040 : i32
        %dma_wait3A_82 = arith.constant 0 : i32
        %dma_wait3A_83 = tpu.memref_slice %arg23[%dma_wait3A_81, %dma_wait3A_82] : memref<10000x128xf32, #tpu.memory_space<vmem_shared>> -> memref<80x128xf32, #tpu.memory_space<vmem_shared>>
        %dma_wait3A_84 = arith.constant 7040 : i32
        %dma_wait3A_85 = arith.constant 0 : i32
        %dma_wait3A_86 = tpu.memref_slice %arg23[%dma_wait3A_84, %dma_wait3A_85] : memref<10000x128xf32, #tpu.memory_space<vmem_shared>> -> memref<80x128xf32, #tpu.memory_space<vmem_shared>>
        tpu.wait_dma2 semaphore(%run_scoped3A : memref<!tpu.dma_semaphore, #tpu.memory_space<semaphore_mem>>) src(%arg21 : memref<80x128xf32, #tpu.memory_space<vmem>>) dst(%dma_wait3A_86 : memref<80x128xf32, #tpu.memory_space<vmem_shared>>)
        tpu.yield
      }) : () -> ()
      "tpu.region"() ({
        %run_scoped3A = tpu.sem_alloc : memref<!tpu.dma_semaphore, #tpu.memory_space<semaphore_mem>>
        %dma_start3A_75 = arith.constant 7120 : i32
        %dma_start3A_76 = arith.constant 0 : i32
        %dma_start3A_77 = tpu.memref_slice %arg23[%dma_start3A_75, %dma_start3A_76] : memref<10000x128xf32, #tpu.memory_space<vmem_shared>> -> memref<80x128xf32, #tpu.memory_space<vmem_shared>>
        %dma_start3A_78 = arith.constant 7120 : i32
        %dma_start3A_79 = arith.constant 0 : i32
        %dma_start3A_80 = tpu.memref_slice %arg23[%dma_start3A_78, %dma_start3A_79] : memref<10000x128xf32, #tpu.memory_space<vmem_shared>> -> memref<80x128xf32, #tpu.memory_space<vmem_shared>>
        tpu.enqueue_dma source(%arg21 : memref<80x128xf32, #tpu.memory_space<vmem>>) target(%dma_start3A_80 : memref<80x128xf32, #tpu.memory_space<vmem_shared>>) target_semaphore(%run_scoped3A : memref<!tpu.dma_semaphore, #tpu.memory_space<semaphore_mem>>)
        %dma_wait3A_81 = arith.constant 7120 : i32
        %dma_wait3A_82 = arith.constant 0 : i32
        %dma_wait3A_83 = tpu.memref_slice %arg23[%dma_wait3A_81, %dma_wait3A_82] : memref<10000x128xf32, #tpu.memory_space<vmem_shared>> -> memref<80x128xf32, #tpu.memory_space<vmem_shared>>
        %dma_wait3A_84 = arith.constant 7120 : i32
        %dma_wait3A_85 = arith.constant 0 : i32
        %dma_wait3A_86 = tpu.memref_slice %arg23[%dma_wait3A_84, %dma_wait3A_85] : memref<10000x128xf32, #tpu.memory_space<vmem_shared>> -> memref<80x128xf32, #tpu.memory_space<vmem_shared>>
        tpu.wait_dma2 semaphore(%run_scoped3A : memref<!tpu.dma_semaphore, #tpu.memory_space<semaphore_mem>>) src(%arg21 : memref<80x128xf32, #tpu.memory_space<vmem>>) dst(%dma_wait3A_86 : memref<80x128xf32, #tpu.memory_space<vmem_shared>>)
        tpu.yield
      }) : () -> ()
      "tpu.region"() ({
        %run_scoped3A = tpu.sem_alloc : memref<!tpu.dma_semaphore, #tpu.memory_space<semaphore_mem>>
        %dma_start3A_75 = arith.constant 7200 : i32
        %dma_start3A_76 = arith.constant 0 : i32
        %dma_start3A_77 = tpu.memref_slice %arg23[%dma_start3A_75, %dma_start3A_76] : memref<10000x128xf32, #tpu.memory_space<vmem_shared>> -> memref<80x128xf32, #tpu.memory_space<vmem_shared>>
        %dma_start3A_78 = arith.constant 7200 : i32
        %dma_start3A_79 = arith.constant 0 : i32
        %dma_start3A_80 = tpu.memref_slice %arg23[%dma_start3A_78, %dma_start3A_79] : memref<10000x128xf32, #tpu.memory_space<vmem_shared>> -> memref<80x128xf32, #tpu.memory_space<vmem_shared>>
        tpu.enqueue_dma source(%arg21 : memref<80x128xf32, #tpu.memory_space<vmem>>) target(%dma_start3A_80 : memref<80x128xf32, #tpu.memory_space<vmem_shared>>) target_semaphore(%run_scoped3A : memref<!tpu.dma_semaphore, #tpu.memory_space<semaphore_mem>>)
        %dma_wait3A_81 = arith.constant 7200 : i32
        %dma_wait3A_82 = arith.constant 0 : i32
        %dma_wait3A_83 = tpu.memref_slice %arg23[%dma_wait3A_81, %dma_wait3A_82] : memref<10000x128xf32, #tpu.memory_space<vmem_shared>> -> memref<80x128xf32, #tpu.memory_space<vmem_shared>>
        %dma_wait3A_84 = arith.constant 7200 : i32
        %dma_wait3A_85 = arith.constant 0 : i32
        %dma_wait3A_86 = tpu.memref_slice %arg23[%dma_wait3A_84, %dma_wait3A_85] : memref<10000x128xf32, #tpu.memory_space<vmem_shared>> -> memref<80x128xf32, #tpu.memory_space<vmem_shared>>
        tpu.wait_dma2 semaphore(%run_scoped3A : memref<!tpu.dma_semaphore, #tpu.memory_space<semaphore_mem>>) src(%arg21 : memref<80x128xf32, #tpu.memory_space<vmem>>) dst(%dma_wait3A_86 : memref<80x128xf32, #tpu.memory_space<vmem_shared>>)
        tpu.yield
      }) : () -> ()
      "tpu.region"() ({
        %run_scoped3A = tpu.sem_alloc : memref<!tpu.dma_semaphore, #tpu.memory_space<semaphore_mem>>
        %dma_start3A_75 = arith.constant 7280 : i32
        %dma_start3A_76 = arith.constant 0 : i32
        %dma_start3A_77 = tpu.memref_slice %arg23[%dma_start3A_75, %dma_start3A_76] : memref<10000x128xf32, #tpu.memory_space<vmem_shared>> -> memref<80x128xf32, #tpu.memory_space<vmem_shared>>
        %dma_start3A_78 = arith.constant 7280 : i32
        %dma_start3A_79 = arith.constant 0 : i32
        %dma_start3A_80 = tpu.memref_slice %arg23[%dma_start3A_78, %dma_start3A_79] : memref<10000x128xf32, #tpu.memory_space<vmem_shared>> -> memref<80x128xf32, #tpu.memory_space<vmem_shared>>
        tpu.enqueue_dma source(%arg21 : memref<80x128xf32, #tpu.memory_space<vmem>>) target(%dma_start3A_80 : memref<80x128xf32, #tpu.memory_space<vmem_shared>>) target_semaphore(%run_scoped3A : memref<!tpu.dma_semaphore, #tpu.memory_space<semaphore_mem>>)
        %dma_wait3A_81 = arith.constant 7280 : i32
        %dma_wait3A_82 = arith.constant 0 : i32
        %dma_wait3A_83 = tpu.memref_slice %arg23[%dma_wait3A_81, %dma_wait3A_82] : memref<10000x128xf32, #tpu.memory_space<vmem_shared>> -> memref<80x128xf32, #tpu.memory_space<vmem_shared>>
        %dma_wait3A_84 = arith.constant 7280 : i32
        %dma_wait3A_85 = arith.constant 0 : i32
        %dma_wait3A_86 = tpu.memref_slice %arg23[%dma_wait3A_84, %dma_wait3A_85] : memref<10000x128xf32, #tpu.memory_space<vmem_shared>> -> memref<80x128xf32, #tpu.memory_space<vmem_shared>>
        tpu.wait_dma2 semaphore(%run_scoped3A : memref<!tpu.dma_semaphore, #tpu.memory_space<semaphore_mem>>) src(%arg21 : memref<80x128xf32, #tpu.memory_space<vmem>>) dst(%dma_wait3A_86 : memref<80x128xf32, #tpu.memory_space<vmem_shared>>)
        tpu.yield
      }) : () -> ()
      "tpu.region"() ({
        %run_scoped3A = tpu.sem_alloc : memref<!tpu.dma_semaphore, #tpu.memory_space<semaphore_mem>>
        %dma_start3A_75 = arith.constant 7360 : i32
        %dma_start3A_76 = arith.constant 0 : i32
        %dma_start3A_77 = tpu.memref_slice %arg23[%dma_start3A_75, %dma_start3A_76] : memref<10000x128xf32, #tpu.memory_space<vmem_shared>> -> memref<80x128xf32, #tpu.memory_space<vmem_shared>>
        %dma_start3A_78 = arith.constant 7360 : i32
        %dma_start3A_79 = arith.constant 0 : i32
        %dma_start3A_80 = tpu.memref_slice %arg23[%dma_start3A_78, %dma_start3A_79] : memref<10000x128xf32, #tpu.memory_space<vmem_shared>> -> memref<80x128xf32, #tpu.memory_space<vmem_shared>>
        tpu.enqueue_dma source(%arg21 : memref<80x128xf32, #tpu.memory_space<vmem>>) target(%dma_start3A_80 : memref<80x128xf32, #tpu.memory_space<vmem_shared>>) target_semaphore(%run_scoped3A : memref<!tpu.dma_semaphore, #tpu.memory_space<semaphore_mem>>)
        %dma_wait3A_81 = arith.constant 7360 : i32
        %dma_wait3A_82 = arith.constant 0 : i32
        %dma_wait3A_83 = tpu.memref_slice %arg23[%dma_wait3A_81, %dma_wait3A_82] : memref<10000x128xf32, #tpu.memory_space<vmem_shared>> -> memref<80x128xf32, #tpu.memory_space<vmem_shared>>
        %dma_wait3A_84 = arith.constant 7360 : i32
        %dma_wait3A_85 = arith.constant 0 : i32
        %dma_wait3A_86 = tpu.memref_slice %arg23[%dma_wait3A_84, %dma_wait3A_85] : memref<10000x128xf32, #tpu.memory_space<vmem_shared>> -> memref<80x128xf32, #tpu.memory_space<vmem_shared>>
        tpu.wait_dma2 semaphore(%run_scoped3A : memref<!tpu.dma_semaphore, #tpu.memory_space<semaphore_mem>>) src(%arg21 : memref<80x128xf32, #tpu.memory_space<vmem>>) dst(%dma_wait3A_86 : memref<80x128xf32, #tpu.memory_space<vmem_shared>>)
        tpu.yield
      }) : () -> ()
      "tpu.region"() ({
        %run_scoped3A = tpu.sem_alloc : memref<!tpu.dma_semaphore, #tpu.memory_space<semaphore_mem>>
        %dma_start3A_75 = arith.constant 7440 : i32
        %dma_start3A_76 = arith.constant 0 : i32
        %dma_start3A_77 = tpu.memref_slice %arg23[%dma_start3A_75, %dma_start3A_76] : memref<10000x128xf32, #tpu.memory_space<vmem_shared>> -> memref<80x128xf32, #tpu.memory_space<vmem_shared>>
        %dma_start3A_78 = arith.constant 7440 : i32
        %dma_start3A_79 = arith.constant 0 : i32
        %dma_start3A_80 = tpu.memref_slice %arg23[%dma_start3A_78, %dma_start3A_79] : memref<10000x128xf32, #tpu.memory_space<vmem_shared>> -> memref<80x128xf32, #tpu.memory_space<vmem_shared>>
        tpu.enqueue_dma source(%arg21 : memref<80x128xf32, #tpu.memory_space<vmem>>) target(%dma_start3A_80 : memref<80x128xf32, #tpu.memory_space<vmem_shared>>) target_semaphore(%run_scoped3A : memref<!tpu.dma_semaphore, #tpu.memory_space<semaphore_mem>>)
        %dma_wait3A_81 = arith.constant 7440 : i32
        %dma_wait3A_82 = arith.constant 0 : i32
        %dma_wait3A_83 = tpu.memref_slice %arg23[%dma_wait3A_81, %dma_wait3A_82] : memref<10000x128xf32, #tpu.memory_space<vmem_shared>> -> memref<80x128xf32, #tpu.memory_space<vmem_shared>>
        %dma_wait3A_84 = arith.constant 7440 : i32
        %dma_wait3A_85 = arith.constant 0 : i32
        %dma_wait3A_86 = tpu.memref_slice %arg23[%dma_wait3A_84, %dma_wait3A_85] : memref<10000x128xf32, #tpu.memory_space<vmem_shared>> -> memref<80x128xf32, #tpu.memory_space<vmem_shared>>
        tpu.wait_dma2 semaphore(%run_scoped3A : memref<!tpu.dma_semaphore, #tpu.memory_space<semaphore_mem>>) src(%arg21 : memref<80x128xf32, #tpu.memory_space<vmem>>) dst(%dma_wait3A_86 : memref<80x128xf32, #tpu.memory_space<vmem_shared>>)
        tpu.yield
      }) : () -> ()
      "tpu.region"() ({
        %run_scoped3A = tpu.sem_alloc : memref<!tpu.dma_semaphore, #tpu.memory_space<semaphore_mem>>
        %dma_start3A_75 = arith.constant 7520 : i32
        %dma_start3A_76 = arith.constant 0 : i32
        %dma_start3A_77 = tpu.memref_slice %arg23[%dma_start3A_75, %dma_start3A_76] : memref<10000x128xf32, #tpu.memory_space<vmem_shared>> -> memref<80x128xf32, #tpu.memory_space<vmem_shared>>
        %dma_start3A_78 = arith.constant 7520 : i32
        %dma_start3A_79 = arith.constant 0 : i32
        %dma_start3A_80 = tpu.memref_slice %arg23[%dma_start3A_78, %dma_start3A_79] : memref<10000x128xf32, #tpu.memory_space<vmem_shared>> -> memref<80x128xf32, #tpu.memory_space<vmem_shared>>
        tpu.enqueue_dma source(%arg21 : memref<80x128xf32, #tpu.memory_space<vmem>>) target(%dma_start3A_80 : memref<80x128xf32, #tpu.memory_space<vmem_shared>>) target_semaphore(%run_scoped3A : memref<!tpu.dma_semaphore, #tpu.memory_space<semaphore_mem>>)
        %dma_wait3A_81 = arith.constant 7520 : i32
        %dma_wait3A_82 = arith.constant 0 : i32
        %dma_wait3A_83 = tpu.memref_slice %arg23[%dma_wait3A_81, %dma_wait3A_82] : memref<10000x128xf32, #tpu.memory_space<vmem_shared>> -> memref<80x128xf32, #tpu.memory_space<vmem_shared>>
        %dma_wait3A_84 = arith.constant 7520 : i32
        %dma_wait3A_85 = arith.constant 0 : i32
        %dma_wait3A_86 = tpu.memref_slice %arg23[%dma_wait3A_84, %dma_wait3A_85] : memref<10000x128xf32, #tpu.memory_space<vmem_shared>> -> memref<80x128xf32, #tpu.memory_space<vmem_shared>>
        tpu.wait_dma2 semaphore(%run_scoped3A : memref<!tpu.dma_semaphore, #tpu.memory_space<semaphore_mem>>) src(%arg21 : memref<80x128xf32, #tpu.memory_space<vmem>>) dst(%dma_wait3A_86 : memref<80x128xf32, #tpu.memory_space<vmem_shared>>)
        tpu.yield
      }) : () -> ()
      "tpu.region"() ({
        %run_scoped3A = tpu.sem_alloc : memref<!tpu.dma_semaphore, #tpu.memory_space<semaphore_mem>>
        %dma_start3A_75 = arith.constant 7600 : i32
        %dma_start3A_76 = arith.constant 0 : i32
        %dma_start3A_77 = tpu.memref_slice %arg23[%dma_start3A_75, %dma_start3A_76] : memref<10000x128xf32, #tpu.memory_space<vmem_shared>> -> memref<80x128xf32, #tpu.memory_space<vmem_shared>>
        %dma_start3A_78 = arith.constant 7600 : i32
        %dma_start3A_79 = arith.constant 0 : i32
        %dma_start3A_80 = tpu.memref_slice %arg23[%dma_start3A_78, %dma_start3A_79] : memref<10000x128xf32, #tpu.memory_space<vmem_shared>> -> memref<80x128xf32, #tpu.memory_space<vmem_shared>>
        tpu.enqueue_dma source(%arg21 : memref<80x128xf32, #tpu.memory_space<vmem>>) target(%dma_start3A_80 : memref<80x128xf32, #tpu.memory_space<vmem_shared>>) target_semaphore(%run_scoped3A : memref<!tpu.dma_semaphore, #tpu.memory_space<semaphore_mem>>)
        %dma_wait3A_81 = arith.constant 7600 : i32
        %dma_wait3A_82 = arith.constant 0 : i32
        %dma_wait3A_83 = tpu.memref_slice %arg23[%dma_wait3A_81, %dma_wait3A_82] : memref<10000x128xf32, #tpu.memory_space<vmem_shared>> -> memref<80x128xf32, #tpu.memory_space<vmem_shared>>
        %dma_wait3A_84 = arith.constant 7600 : i32
        %dma_wait3A_85 = arith.constant 0 : i32
        %dma_wait3A_86 = tpu.memref_slice %arg23[%dma_wait3A_84, %dma_wait3A_85] : memref<10000x128xf32, #tpu.memory_space<vmem_shared>> -> memref<80x128xf32, #tpu.memory_space<vmem_shared>>
        tpu.wait_dma2 semaphore(%run_scoped3A : memref<!tpu.dma_semaphore, #tpu.memory_space<semaphore_mem>>) src(%arg21 : memref<80x128xf32, #tpu.memory_space<vmem>>) dst(%dma_wait3A_86 : memref<80x128xf32, #tpu.memory_space<vmem_shared>>)
        tpu.yield
      }) : () -> ()
      "tpu.region"() ({
        %run_scoped3A = tpu.sem_alloc : memref<!tpu.dma_semaphore, #tpu.memory_space<semaphore_mem>>
        %dma_start3A_75 = arith.constant 7680 : i32
        %dma_start3A_76 = arith.constant 0 : i32
        %dma_start3A_77 = tpu.memref_slice %arg23[%dma_start3A_75, %dma_start3A_76] : memref<10000x128xf32, #tpu.memory_space<vmem_shared>> -> memref<80x128xf32, #tpu.memory_space<vmem_shared>>
        %dma_start3A_78 = arith.constant 7680 : i32
        %dma_start3A_79 = arith.constant 0 : i32
        %dma_start3A_80 = tpu.memref_slice %arg23[%dma_start3A_78, %dma_start3A_79] : memref<10000x128xf32, #tpu.memory_space<vmem_shared>> -> memref<80x128xf32, #tpu.memory_space<vmem_shared>>
        tpu.enqueue_dma source(%arg21 : memref<80x128xf32, #tpu.memory_space<vmem>>) target(%dma_start3A_80 : memref<80x128xf32, #tpu.memory_space<vmem_shared>>) target_semaphore(%run_scoped3A : memref<!tpu.dma_semaphore, #tpu.memory_space<semaphore_mem>>)
        %dma_wait3A_81 = arith.constant 7680 : i32
        %dma_wait3A_82 = arith.constant 0 : i32
        %dma_wait3A_83 = tpu.memref_slice %arg23[%dma_wait3A_81, %dma_wait3A_82] : memref<10000x128xf32, #tpu.memory_space<vmem_shared>> -> memref<80x128xf32, #tpu.memory_space<vmem_shared>>
        %dma_wait3A_84 = arith.constant 7680 : i32
        %dma_wait3A_85 = arith.constant 0 : i32
        %dma_wait3A_86 = tpu.memref_slice %arg23[%dma_wait3A_84, %dma_wait3A_85] : memref<10000x128xf32, #tpu.memory_space<vmem_shared>> -> memref<80x128xf32, #tpu.memory_space<vmem_shared>>
        tpu.wait_dma2 semaphore(%run_scoped3A : memref<!tpu.dma_semaphore, #tpu.memory_space<semaphore_mem>>) src(%arg21 : memref<80x128xf32, #tpu.memory_space<vmem>>) dst(%dma_wait3A_86 : memref<80x128xf32, #tpu.memory_space<vmem_shared>>)
        tpu.yield
      }) : () -> ()
      "tpu.region"() ({
        %run_scoped3A = tpu.sem_alloc : memref<!tpu.dma_semaphore, #tpu.memory_space<semaphore_mem>>
        %dma_start3A_75 = arith.constant 7760 : i32
        %dma_start3A_76 = arith.constant 0 : i32
        %dma_start3A_77 = tpu.memref_slice %arg23[%dma_start3A_75, %dma_start3A_76] : memref<10000x128xf32, #tpu.memory_space<vmem_shared>> -> memref<80x128xf32, #tpu.memory_space<vmem_shared>>
        %dma_start3A_78 = arith.constant 7760 : i32
        %dma_start3A_79 = arith.constant 0 : i32
        %dma_start3A_80 = tpu.memref_slice %arg23[%dma_start3A_78, %dma_start3A_79] : memref<10000x128xf32, #tpu.memory_space<vmem_shared>> -> memref<80x128xf32, #tpu.memory_space<vmem_shared>>
        tpu.enqueue_dma source(%arg21 : memref<80x128xf32, #tpu.memory_space<vmem>>) target(%dma_start3A_80 : memref<80x128xf32, #tpu.memory_space<vmem_shared>>) target_semaphore(%run_scoped3A : memref<!tpu.dma_semaphore, #tpu.memory_space<semaphore_mem>>)
        %dma_wait3A_81 = arith.constant 7760 : i32
        %dma_wait3A_82 = arith.constant 0 : i32
        %dma_wait3A_83 = tpu.memref_slice %arg23[%dma_wait3A_81, %dma_wait3A_82] : memref<10000x128xf32, #tpu.memory_space<vmem_shared>> -> memref<80x128xf32, #tpu.memory_space<vmem_shared>>
        %dma_wait3A_84 = arith.constant 7760 : i32
        %dma_wait3A_85 = arith.constant 0 : i32
        %dma_wait3A_86 = tpu.memref_slice %arg23[%dma_wait3A_84, %dma_wait3A_85] : memref<10000x128xf32, #tpu.memory_space<vmem_shared>> -> memref<80x128xf32, #tpu.memory_space<vmem_shared>>
        tpu.wait_dma2 semaphore(%run_scoped3A : memref<!tpu.dma_semaphore, #tpu.memory_space<semaphore_mem>>) src(%arg21 : memref<80x128xf32, #tpu.memory_space<vmem>>) dst(%dma_wait3A_86 : memref<80x128xf32, #tpu.memory_space<vmem_shared>>)
        tpu.yield
      }) : () -> ()
      "tpu.region"() ({
        %run_scoped3A = tpu.sem_alloc : memref<!tpu.dma_semaphore, #tpu.memory_space<semaphore_mem>>
        %dma_start3A_75 = arith.constant 7840 : i32
        %dma_start3A_76 = arith.constant 0 : i32
        %dma_start3A_77 = tpu.memref_slice %arg23[%dma_start3A_75, %dma_start3A_76] : memref<10000x128xf32, #tpu.memory_space<vmem_shared>> -> memref<80x128xf32, #tpu.memory_space<vmem_shared>>
        %dma_start3A_78 = arith.constant 7840 : i32
        %dma_start3A_79 = arith.constant 0 : i32
        %dma_start3A_80 = tpu.memref_slice %arg23[%dma_start3A_78, %dma_start3A_79] : memref<10000x128xf32, #tpu.memory_space<vmem_shared>> -> memref<80x128xf32, #tpu.memory_space<vmem_shared>>
        tpu.enqueue_dma source(%arg21 : memref<80x128xf32, #tpu.memory_space<vmem>>) target(%dma_start3A_80 : memref<80x128xf32, #tpu.memory_space<vmem_shared>>) target_semaphore(%run_scoped3A : memref<!tpu.dma_semaphore, #tpu.memory_space<semaphore_mem>>)
        %dma_wait3A_81 = arith.constant 7840 : i32
        %dma_wait3A_82 = arith.constant 0 : i32
        %dma_wait3A_83 = tpu.memref_slice %arg23[%dma_wait3A_81, %dma_wait3A_82] : memref<10000x128xf32, #tpu.memory_space<vmem_shared>> -> memref<80x128xf32, #tpu.memory_space<vmem_shared>>
        %dma_wait3A_84 = arith.constant 7840 : i32
        %dma_wait3A_85 = arith.constant 0 : i32
        %dma_wait3A_86 = tpu.memref_slice %arg23[%dma_wait3A_84, %dma_wait3A_85] : memref<10000x128xf32, #tpu.memory_space<vmem_shared>> -> memref<80x128xf32, #tpu.memory_space<vmem_shared>>
        tpu.wait_dma2 semaphore(%run_scoped3A : memref<!tpu.dma_semaphore, #tpu.memory_space<semaphore_mem>>) src(%arg21 : memref<80x128xf32, #tpu.memory_space<vmem>>) dst(%dma_wait3A_86 : memref<80x128xf32, #tpu.memory_space<vmem_shared>>)
        tpu.yield
      }) : () -> ()
      "tpu.region"() ({
        %run_scoped3A = tpu.sem_alloc : memref<!tpu.dma_semaphore, #tpu.memory_space<semaphore_mem>>
        %dma_start3A_75 = arith.constant 7920 : i32
        %dma_start3A_76 = arith.constant 0 : i32
        %dma_start3A_77 = tpu.memref_slice %arg23[%dma_start3A_75, %dma_start3A_76] : memref<10000x128xf32, #tpu.memory_space<vmem_shared>> -> memref<80x128xf32, #tpu.memory_space<vmem_shared>>
        %dma_start3A_78 = arith.constant 7920 : i32
        %dma_start3A_79 = arith.constant 0 : i32
        %dma_start3A_80 = tpu.memref_slice %arg23[%dma_start3A_78, %dma_start3A_79] : memref<10000x128xf32, #tpu.memory_space<vmem_shared>> -> memref<80x128xf32, #tpu.memory_space<vmem_shared>>
        tpu.enqueue_dma source(%arg21 : memref<80x128xf32, #tpu.memory_space<vmem>>) target(%dma_start3A_80 : memref<80x128xf32, #tpu.memory_space<vmem_shared>>) target_semaphore(%run_scoped3A : memref<!tpu.dma_semaphore, #tpu.memory_space<semaphore_mem>>)
        %dma_wait3A_81 = arith.constant 7920 : i32
        %dma_wait3A_82 = arith.constant 0 : i32
        %dma_wait3A_83 = tpu.memref_slice %arg23[%dma_wait3A_81, %dma_wait3A_82] : memref<10000x128xf32, #tpu.memory_space<vmem_shared>> -> memref<80x128xf32, #tpu.memory_space<vmem_shared>>
        %dma_wait3A_84 = arith.constant 7920 : i32
        %dma_wait3A_85 = arith.constant 0 : i32
        %dma_wait3A_86 = tpu.memref_slice %arg23[%dma_wait3A_84, %dma_wait3A_85] : memref<10000x128xf32, #tpu.memory_space<vmem_shared>> -> memref<80x128xf32, #tpu.memory_space<vmem_shared>>
        tpu.wait_dma2 semaphore(%run_scoped3A : memref<!tpu.dma_semaphore, #tpu.memory_space<semaphore_mem>>) src(%arg21 : memref<80x128xf32, #tpu.memory_space<vmem>>) dst(%dma_wait3A_86 : memref<80x128xf32, #tpu.memory_space<vmem_shared>>)
        tpu.yield
      }) : () -> ()
      "tpu.region"() ({
        %run_scoped3A = tpu.sem_alloc : memref<!tpu.dma_semaphore, #tpu.memory_space<semaphore_mem>>
        %dma_start3A_75 = arith.constant 8000 : i32
        %dma_start3A_76 = arith.constant 0 : i32
        %dma_start3A_77 = tpu.memref_slice %arg23[%dma_start3A_75, %dma_start3A_76] : memref<10000x128xf32, #tpu.memory_space<vmem_shared>> -> memref<80x128xf32, #tpu.memory_space<vmem_shared>>
        %dma_start3A_78 = arith.constant 8000 : i32
        %dma_start3A_79 = arith.constant 0 : i32
        %dma_start3A_80 = tpu.memref_slice %arg23[%dma_start3A_78, %dma_start3A_79] : memref<10000x128xf32, #tpu.memory_space<vmem_shared>> -> memref<80x128xf32, #tpu.memory_space<vmem_shared>>
        tpu.enqueue_dma source(%arg21 : memref<80x128xf32, #tpu.memory_space<vmem>>) target(%dma_start3A_80 : memref<80x128xf32, #tpu.memory_space<vmem_shared>>) target_semaphore(%run_scoped3A : memref<!tpu.dma_semaphore, #tpu.memory_space<semaphore_mem>>)
        %dma_wait3A_81 = arith.constant 8000 : i32
        %dma_wait3A_82 = arith.constant 0 : i32
        %dma_wait3A_83 = tpu.memref_slice %arg23[%dma_wait3A_81, %dma_wait3A_82] : memref<10000x128xf32, #tpu.memory_space<vmem_shared>> -> memref<80x128xf32, #tpu.memory_space<vmem_shared>>
        %dma_wait3A_84 = arith.constant 8000 : i32
        %dma_wait3A_85 = arith.constant 0 : i32
        %dma_wait3A_86 = tpu.memref_slice %arg23[%dma_wait3A_84, %dma_wait3A_85] : memref<10000x128xf32, #tpu.memory_space<vmem_shared>> -> memref<80x128xf32, #tpu.memory_space<vmem_shared>>
        tpu.wait_dma2 semaphore(%run_scoped3A : memref<!tpu.dma_semaphore, #tpu.memory_space<semaphore_mem>>) src(%arg21 : memref<80x128xf32, #tpu.memory_space<vmem>>) dst(%dma_wait3A_86 : memref<80x128xf32, #tpu.memory_space<vmem_shared>>)
        tpu.yield
      }) : () -> ()
      "tpu.region"() ({
        %run_scoped3A = tpu.sem_alloc : memref<!tpu.dma_semaphore, #tpu.memory_space<semaphore_mem>>
        %dma_start3A_75 = arith.constant 8080 : i32
        %dma_start3A_76 = arith.constant 0 : i32
        %dma_start3A_77 = tpu.memref_slice %arg23[%dma_start3A_75, %dma_start3A_76] : memref<10000x128xf32, #tpu.memory_space<vmem_shared>> -> memref<80x128xf32, #tpu.memory_space<vmem_shared>>
        %dma_start3A_78 = arith.constant 8080 : i32
        %dma_start3A_79 = arith.constant 0 : i32
        %dma_start3A_80 = tpu.memref_slice %arg23[%dma_start3A_78, %dma_start3A_79] : memref<10000x128xf32, #tpu.memory_space<vmem_shared>> -> memref<80x128xf32, #tpu.memory_space<vmem_shared>>
        tpu.enqueue_dma source(%arg21 : memref<80x128xf32, #tpu.memory_space<vmem>>) target(%dma_start3A_80 : memref<80x128xf32, #tpu.memory_space<vmem_shared>>) target_semaphore(%run_scoped3A : memref<!tpu.dma_semaphore, #tpu.memory_space<semaphore_mem>>)
        %dma_wait3A_81 = arith.constant 8080 : i32
        %dma_wait3A_82 = arith.constant 0 : i32
        %dma_wait3A_83 = tpu.memref_slice %arg23[%dma_wait3A_81, %dma_wait3A_82] : memref<10000x128xf32, #tpu.memory_space<vmem_shared>> -> memref<80x128xf32, #tpu.memory_space<vmem_shared>>
        %dma_wait3A_84 = arith.constant 8080 : i32
        %dma_wait3A_85 = arith.constant 0 : i32
        %dma_wait3A_86 = tpu.memref_slice %arg23[%dma_wait3A_84, %dma_wait3A_85] : memref<10000x128xf32, #tpu.memory_space<vmem_shared>> -> memref<80x128xf32, #tpu.memory_space<vmem_shared>>
        tpu.wait_dma2 semaphore(%run_scoped3A : memref<!tpu.dma_semaphore, #tpu.memory_space<semaphore_mem>>) src(%arg21 : memref<80x128xf32, #tpu.memory_space<vmem>>) dst(%dma_wait3A_86 : memref<80x128xf32, #tpu.memory_space<vmem_shared>>)
        tpu.yield
      }) : () -> ()
      "tpu.region"() ({
        %run_scoped3A = tpu.sem_alloc : memref<!tpu.dma_semaphore, #tpu.memory_space<semaphore_mem>>
        %dma_start3A_75 = arith.constant 8160 : i32
        %dma_start3A_76 = arith.constant 0 : i32
        %dma_start3A_77 = tpu.memref_slice %arg23[%dma_start3A_75, %dma_start3A_76] : memref<10000x128xf32, #tpu.memory_space<vmem_shared>> -> memref<80x128xf32, #tpu.memory_space<vmem_shared>>
        %dma_start3A_78 = arith.constant 8160 : i32
        %dma_start3A_79 = arith.constant 0 : i32
        %dma_start3A_80 = tpu.memref_slice %arg23[%dma_start3A_78, %dma_start3A_79] : memref<10000x128xf32, #tpu.memory_space<vmem_shared>> -> memref<80x128xf32, #tpu.memory_space<vmem_shared>>
        tpu.enqueue_dma source(%arg21 : memref<80x128xf32, #tpu.memory_space<vmem>>) target(%dma_start3A_80 : memref<80x128xf32, #tpu.memory_space<vmem_shared>>) target_semaphore(%run_scoped3A : memref<!tpu.dma_semaphore, #tpu.memory_space<semaphore_mem>>)
        %dma_wait3A_81 = arith.constant 8160 : i32
        %dma_wait3A_82 = arith.constant 0 : i32
        %dma_wait3A_83 = tpu.memref_slice %arg23[%dma_wait3A_81, %dma_wait3A_82] : memref<10000x128xf32, #tpu.memory_space<vmem_shared>> -> memref<80x128xf32, #tpu.memory_space<vmem_shared>>
        %dma_wait3A_84 = arith.constant 8160 : i32
        %dma_wait3A_85 = arith.constant 0 : i32
        %dma_wait3A_86 = tpu.memref_slice %arg23[%dma_wait3A_84, %dma_wait3A_85] : memref<10000x128xf32, #tpu.memory_space<vmem_shared>> -> memref<80x128xf32, #tpu.memory_space<vmem_shared>>
        tpu.wait_dma2 semaphore(%run_scoped3A : memref<!tpu.dma_semaphore, #tpu.memory_space<semaphore_mem>>) src(%arg21 : memref<80x128xf32, #tpu.memory_space<vmem>>) dst(%dma_wait3A_86 : memref<80x128xf32, #tpu.memory_space<vmem_shared>>)
        tpu.yield
      }) : () -> ()
      "tpu.region"() ({
        %run_scoped3A = tpu.sem_alloc : memref<!tpu.dma_semaphore, #tpu.memory_space<semaphore_mem>>
        %dma_start3A_75 = arith.constant 8240 : i32
        %dma_start3A_76 = arith.constant 0 : i32
        %dma_start3A_77 = tpu.memref_slice %arg23[%dma_start3A_75, %dma_start3A_76] : memref<10000x128xf32, #tpu.memory_space<vmem_shared>> -> memref<80x128xf32, #tpu.memory_space<vmem_shared>>
        %dma_start3A_78 = arith.constant 8240 : i32
        %dma_start3A_79 = arith.constant 0 : i32
        %dma_start3A_80 = tpu.memref_slice %arg23[%dma_start3A_78, %dma_start3A_79] : memref<10000x128xf32, #tpu.memory_space<vmem_shared>> -> memref<80x128xf32, #tpu.memory_space<vmem_shared>>
        tpu.enqueue_dma source(%arg21 : memref<80x128xf32, #tpu.memory_space<vmem>>) target(%dma_start3A_80 : memref<80x128xf32, #tpu.memory_space<vmem_shared>>) target_semaphore(%run_scoped3A : memref<!tpu.dma_semaphore, #tpu.memory_space<semaphore_mem>>)
        %dma_wait3A_81 = arith.constant 8240 : i32
        %dma_wait3A_82 = arith.constant 0 : i32
        %dma_wait3A_83 = tpu.memref_slice %arg23[%dma_wait3A_81, %dma_wait3A_82] : memref<10000x128xf32, #tpu.memory_space<vmem_shared>> -> memref<80x128xf32, #tpu.memory_space<vmem_shared>>
        %dma_wait3A_84 = arith.constant 8240 : i32
        %dma_wait3A_85 = arith.constant 0 : i32
        %dma_wait3A_86 = tpu.memref_slice %arg23[%dma_wait3A_84, %dma_wait3A_85] : memref<10000x128xf32, #tpu.memory_space<vmem_shared>> -> memref<80x128xf32, #tpu.memory_space<vmem_shared>>
        tpu.wait_dma2 semaphore(%run_scoped3A : memref<!tpu.dma_semaphore, #tpu.memory_space<semaphore_mem>>) src(%arg21 : memref<80x128xf32, #tpu.memory_space<vmem>>) dst(%dma_wait3A_86 : memref<80x128xf32, #tpu.memory_space<vmem_shared>>)
        tpu.yield
      }) : () -> ()
      "tpu.region"() ({
        %run_scoped3A = tpu.sem_alloc : memref<!tpu.dma_semaphore, #tpu.memory_space<semaphore_mem>>
        %dma_start3A_75 = arith.constant 8320 : i32
        %dma_start3A_76 = arith.constant 0 : i32
        %dma_start3A_77 = tpu.memref_slice %arg23[%dma_start3A_75, %dma_start3A_76] : memref<10000x128xf32, #tpu.memory_space<vmem_shared>> -> memref<80x128xf32, #tpu.memory_space<vmem_shared>>
        %dma_start3A_78 = arith.constant 8320 : i32
        %dma_start3A_79 = arith.constant 0 : i32
        %dma_start3A_80 = tpu.memref_slice %arg23[%dma_start3A_78, %dma_start3A_79] : memref<10000x128xf32, #tpu.memory_space<vmem_shared>> -> memref<80x128xf32, #tpu.memory_space<vmem_shared>>
        tpu.enqueue_dma source(%arg21 : memref<80x128xf32, #tpu.memory_space<vmem>>) target(%dma_start3A_80 : memref<80x128xf32, #tpu.memory_space<vmem_shared>>) target_semaphore(%run_scoped3A : memref<!tpu.dma_semaphore, #tpu.memory_space<semaphore_mem>>)
        %dma_wait3A_81 = arith.constant 8320 : i32
        %dma_wait3A_82 = arith.constant 0 : i32
        %dma_wait3A_83 = tpu.memref_slice %arg23[%dma_wait3A_81, %dma_wait3A_82] : memref<10000x128xf32, #tpu.memory_space<vmem_shared>> -> memref<80x128xf32, #tpu.memory_space<vmem_shared>>
        %dma_wait3A_84 = arith.constant 8320 : i32
        %dma_wait3A_85 = arith.constant 0 : i32
        %dma_wait3A_86 = tpu.memref_slice %arg23[%dma_wait3A_84, %dma_wait3A_85] : memref<10000x128xf32, #tpu.memory_space<vmem_shared>> -> memref<80x128xf32, #tpu.memory_space<vmem_shared>>
        tpu.wait_dma2 semaphore(%run_scoped3A : memref<!tpu.dma_semaphore, #tpu.memory_space<semaphore_mem>>) src(%arg21 : memref<80x128xf32, #tpu.memory_space<vmem>>) dst(%dma_wait3A_86 : memref<80x128xf32, #tpu.memory_space<vmem_shared>>)
        tpu.yield
      }) : () -> ()
      "tpu.region"() ({
        %run_scoped3A = tpu.sem_alloc : memref<!tpu.dma_semaphore, #tpu.memory_space<semaphore_mem>>
        %dma_start3A_75 = arith.constant 8400 : i32
        %dma_start3A_76 = arith.constant 0 : i32
        %dma_start3A_77 = tpu.memref_slice %arg23[%dma_start3A_75, %dma_start3A_76] : memref<10000x128xf32, #tpu.memory_space<vmem_shared>> -> memref<80x128xf32, #tpu.memory_space<vmem_shared>>
        %dma_start3A_78 = arith.constant 8400 : i32
        %dma_start3A_79 = arith.constant 0 : i32
        %dma_start3A_80 = tpu.memref_slice %arg23[%dma_start3A_78, %dma_start3A_79] : memref<10000x128xf32, #tpu.memory_space<vmem_shared>> -> memref<80x128xf32, #tpu.memory_space<vmem_shared>>
        tpu.enqueue_dma source(%arg21 : memref<80x128xf32, #tpu.memory_space<vmem>>) target(%dma_start3A_80 : memref<80x128xf32, #tpu.memory_space<vmem_shared>>) target_semaphore(%run_scoped3A : memref<!tpu.dma_semaphore, #tpu.memory_space<semaphore_mem>>)
        %dma_wait3A_81 = arith.constant 8400 : i32
        %dma_wait3A_82 = arith.constant 0 : i32
        %dma_wait3A_83 = tpu.memref_slice %arg23[%dma_wait3A_81, %dma_wait3A_82] : memref<10000x128xf32, #tpu.memory_space<vmem_shared>> -> memref<80x128xf32, #tpu.memory_space<vmem_shared>>
        %dma_wait3A_84 = arith.constant 8400 : i32
        %dma_wait3A_85 = arith.constant 0 : i32
        %dma_wait3A_86 = tpu.memref_slice %arg23[%dma_wait3A_84, %dma_wait3A_85] : memref<10000x128xf32, #tpu.memory_space<vmem_shared>> -> memref<80x128xf32, #tpu.memory_space<vmem_shared>>
        tpu.wait_dma2 semaphore(%run_scoped3A : memref<!tpu.dma_semaphore, #tpu.memory_space<semaphore_mem>>) src(%arg21 : memref<80x128xf32, #tpu.memory_space<vmem>>) dst(%dma_wait3A_86 : memref<80x128xf32, #tpu.memory_space<vmem_shared>>)
        tpu.yield
      }) : () -> ()
      "tpu.region"() ({
        %run_scoped3A = tpu.sem_alloc : memref<!tpu.dma_semaphore, #tpu.memory_space<semaphore_mem>>
        %dma_start3A_75 = arith.constant 8480 : i32
        %dma_start3A_76 = arith.constant 0 : i32
        %dma_start3A_77 = tpu.memref_slice %arg23[%dma_start3A_75, %dma_start3A_76] : memref<10000x128xf32, #tpu.memory_space<vmem_shared>> -> memref<80x128xf32, #tpu.memory_space<vmem_shared>>
        %dma_start3A_78 = arith.constant 8480 : i32
        %dma_start3A_79 = arith.constant 0 : i32
        %dma_start3A_80 = tpu.memref_slice %arg23[%dma_start3A_78, %dma_start3A_79] : memref<10000x128xf32, #tpu.memory_space<vmem_shared>> -> memref<80x128xf32, #tpu.memory_space<vmem_shared>>
        tpu.enqueue_dma source(%arg21 : memref<80x128xf32, #tpu.memory_space<vmem>>) target(%dma_start3A_80 : memref<80x128xf32, #tpu.memory_space<vmem_shared>>) target_semaphore(%run_scoped3A : memref<!tpu.dma_semaphore, #tpu.memory_space<semaphore_mem>>)
        %dma_wait3A_81 = arith.constant 8480 : i32
        %dma_wait3A_82 = arith.constant 0 : i32
        %dma_wait3A_83 = tpu.memref_slice %arg23[%dma_wait3A_81, %dma_wait3A_82] : memref<10000x128xf32, #tpu.memory_space<vmem_shared>> -> memref<80x128xf32, #tpu.memory_space<vmem_shared>>
        %dma_wait3A_84 = arith.constant 8480 : i32
        %dma_wait3A_85 = arith.constant 0 : i32
        %dma_wait3A_86 = tpu.memref_slice %arg23[%dma_wait3A_84, %dma_wait3A_85] : memref<10000x128xf32, #tpu.memory_space<vmem_shared>> -> memref<80x128xf32, #tpu.memory_space<vmem_shared>>
        tpu.wait_dma2 semaphore(%run_scoped3A : memref<!tpu.dma_semaphore, #tpu.memory_space<semaphore_mem>>) src(%arg21 : memref<80x128xf32, #tpu.memory_space<vmem>>) dst(%dma_wait3A_86 : memref<80x128xf32, #tpu.memory_space<vmem_shared>>)
        tpu.yield
      }) : () -> ()
      "tpu.region"() ({
        %run_scoped3A = tpu.sem_alloc : memref<!tpu.dma_semaphore, #tpu.memory_space<semaphore_mem>>
        %dma_start3A_75 = arith.constant 8560 : i32
        %dma_start3A_76 = arith.constant 0 : i32
        %dma_start3A_77 = tpu.memref_slice %arg23[%dma_start3A_75, %dma_start3A_76] : memref<10000x128xf32, #tpu.memory_space<vmem_shared>> -> memref<80x128xf32, #tpu.memory_space<vmem_shared>>
        %dma_start3A_78 = arith.constant 8560 : i32
        %dma_start3A_79 = arith.constant 0 : i32
        %dma_start3A_80 = tpu.memref_slice %arg23[%dma_start3A_78, %dma_start3A_79] : memref<10000x128xf32, #tpu.memory_space<vmem_shared>> -> memref<80x128xf32, #tpu.memory_space<vmem_shared>>
        tpu.enqueue_dma source(%arg21 : memref<80x128xf32, #tpu.memory_space<vmem>>) target(%dma_start3A_80 : memref<80x128xf32, #tpu.memory_space<vmem_shared>>) target_semaphore(%run_scoped3A : memref<!tpu.dma_semaphore, #tpu.memory_space<semaphore_mem>>)
        %dma_wait3A_81 = arith.constant 8560 : i32
        %dma_wait3A_82 = arith.constant 0 : i32
        %dma_wait3A_83 = tpu.memref_slice %arg23[%dma_wait3A_81, %dma_wait3A_82] : memref<10000x128xf32, #tpu.memory_space<vmem_shared>> -> memref<80x128xf32, #tpu.memory_space<vmem_shared>>
        %dma_wait3A_84 = arith.constant 8560 : i32
        %dma_wait3A_85 = arith.constant 0 : i32
        %dma_wait3A_86 = tpu.memref_slice %arg23[%dma_wait3A_84, %dma_wait3A_85] : memref<10000x128xf32, #tpu.memory_space<vmem_shared>> -> memref<80x128xf32, #tpu.memory_space<vmem_shared>>
        tpu.wait_dma2 semaphore(%run_scoped3A : memref<!tpu.dma_semaphore, #tpu.memory_space<semaphore_mem>>) src(%arg21 : memref<80x128xf32, #tpu.memory_space<vmem>>) dst(%dma_wait3A_86 : memref<80x128xf32, #tpu.memory_space<vmem_shared>>)
        tpu.yield
      }) : () -> ()
      "tpu.region"() ({
        %run_scoped3A = tpu.sem_alloc : memref<!tpu.dma_semaphore, #tpu.memory_space<semaphore_mem>>
        %dma_start3A_75 = arith.constant 8640 : i32
        %dma_start3A_76 = arith.constant 0 : i32
        %dma_start3A_77 = tpu.memref_slice %arg23[%dma_start3A_75, %dma_start3A_76] : memref<10000x128xf32, #tpu.memory_space<vmem_shared>> -> memref<80x128xf32, #tpu.memory_space<vmem_shared>>
        %dma_start3A_78 = arith.constant 8640 : i32
        %dma_start3A_79 = arith.constant 0 : i32
        %dma_start3A_80 = tpu.memref_slice %arg23[%dma_start3A_78, %dma_start3A_79] : memref<10000x128xf32, #tpu.memory_space<vmem_shared>> -> memref<80x128xf32, #tpu.memory_space<vmem_shared>>
        tpu.enqueue_dma source(%arg21 : memref<80x128xf32, #tpu.memory_space<vmem>>) target(%dma_start3A_80 : memref<80x128xf32, #tpu.memory_space<vmem_shared>>) target_semaphore(%run_scoped3A : memref<!tpu.dma_semaphore, #tpu.memory_space<semaphore_mem>>)
        %dma_wait3A_81 = arith.constant 8640 : i32
        %dma_wait3A_82 = arith.constant 0 : i32
        %dma_wait3A_83 = tpu.memref_slice %arg23[%dma_wait3A_81, %dma_wait3A_82] : memref<10000x128xf32, #tpu.memory_space<vmem_shared>> -> memref<80x128xf32, #tpu.memory_space<vmem_shared>>
        %dma_wait3A_84 = arith.constant 8640 : i32
        %dma_wait3A_85 = arith.constant 0 : i32
        %dma_wait3A_86 = tpu.memref_slice %arg23[%dma_wait3A_84, %dma_wait3A_85] : memref<10000x128xf32, #tpu.memory_space<vmem_shared>> -> memref<80x128xf32, #tpu.memory_space<vmem_shared>>
        tpu.wait_dma2 semaphore(%run_scoped3A : memref<!tpu.dma_semaphore, #tpu.memory_space<semaphore_mem>>) src(%arg21 : memref<80x128xf32, #tpu.memory_space<vmem>>) dst(%dma_wait3A_86 : memref<80x128xf32, #tpu.memory_space<vmem_shared>>)
        tpu.yield
      }) : () -> ()
      "tpu.region"() ({
        %run_scoped3A = tpu.sem_alloc : memref<!tpu.dma_semaphore, #tpu.memory_space<semaphore_mem>>
        %dma_start3A_75 = arith.constant 8720 : i32
        %dma_start3A_76 = arith.constant 0 : i32
        %dma_start3A_77 = tpu.memref_slice %arg23[%dma_start3A_75, %dma_start3A_76] : memref<10000x128xf32, #tpu.memory_space<vmem_shared>> -> memref<80x128xf32, #tpu.memory_space<vmem_shared>>
        %dma_start3A_78 = arith.constant 8720 : i32
        %dma_start3A_79 = arith.constant 0 : i32
        %dma_start3A_80 = tpu.memref_slice %arg23[%dma_start3A_78, %dma_start3A_79] : memref<10000x128xf32, #tpu.memory_space<vmem_shared>> -> memref<80x128xf32, #tpu.memory_space<vmem_shared>>
        tpu.enqueue_dma source(%arg21 : memref<80x128xf32, #tpu.memory_space<vmem>>) target(%dma_start3A_80 : memref<80x128xf32, #tpu.memory_space<vmem_shared>>) target_semaphore(%run_scoped3A : memref<!tpu.dma_semaphore, #tpu.memory_space<semaphore_mem>>)
        %dma_wait3A_81 = arith.constant 8720 : i32
        %dma_wait3A_82 = arith.constant 0 : i32
        %dma_wait3A_83 = tpu.memref_slice %arg23[%dma_wait3A_81, %dma_wait3A_82] : memref<10000x128xf32, #tpu.memory_space<vmem_shared>> -> memref<80x128xf32, #tpu.memory_space<vmem_shared>>
        %dma_wait3A_84 = arith.constant 8720 : i32
        %dma_wait3A_85 = arith.constant 0 : i32
        %dma_wait3A_86 = tpu.memref_slice %arg23[%dma_wait3A_84, %dma_wait3A_85] : memref<10000x128xf32, #tpu.memory_space<vmem_shared>> -> memref<80x128xf32, #tpu.memory_space<vmem_shared>>
        tpu.wait_dma2 semaphore(%run_scoped3A : memref<!tpu.dma_semaphore, #tpu.memory_space<semaphore_mem>>) src(%arg21 : memref<80x128xf32, #tpu.memory_space<vmem>>) dst(%dma_wait3A_86 : memref<80x128xf32, #tpu.memory_space<vmem_shared>>)
        tpu.yield
      }) : () -> ()
      "tpu.region"() ({
        %run_scoped3A = tpu.sem_alloc : memref<!tpu.dma_semaphore, #tpu.memory_space<semaphore_mem>>
        %dma_start3A_75 = arith.constant 8800 : i32
        %dma_start3A_76 = arith.constant 0 : i32
        %dma_start3A_77 = tpu.memref_slice %arg23[%dma_start3A_75, %dma_start3A_76] : memref<10000x128xf32, #tpu.memory_space<vmem_shared>> -> memref<80x128xf32, #tpu.memory_space<vmem_shared>>
        %dma_start3A_78 = arith.constant 8800 : i32
        %dma_start3A_79 = arith.constant 0 : i32
        %dma_start3A_80 = tpu.memref_slice %arg23[%dma_start3A_78, %dma_start3A_79] : memref<10000x128xf32, #tpu.memory_space<vmem_shared>> -> memref<80x128xf32, #tpu.memory_space<vmem_shared>>
        tpu.enqueue_dma source(%arg21 : memref<80x128xf32, #tpu.memory_space<vmem>>) target(%dma_start3A_80 : memref<80x128xf32, #tpu.memory_space<vmem_shared>>) target_semaphore(%run_scoped3A : memref<!tpu.dma_semaphore, #tpu.memory_space<semaphore_mem>>)
        %dma_wait3A_81 = arith.constant 8800 : i32
        %dma_wait3A_82 = arith.constant 0 : i32
        %dma_wait3A_83 = tpu.memref_slice %arg23[%dma_wait3A_81, %dma_wait3A_82] : memref<10000x128xf32, #tpu.memory_space<vmem_shared>> -> memref<80x128xf32, #tpu.memory_space<vmem_shared>>
        %dma_wait3A_84 = arith.constant 8800 : i32
        %dma_wait3A_85 = arith.constant 0 : i32
        %dma_wait3A_86 = tpu.memref_slice %arg23[%dma_wait3A_84, %dma_wait3A_85] : memref<10000x128xf32, #tpu.memory_space<vmem_shared>> -> memref<80x128xf32, #tpu.memory_space<vmem_shared>>
        tpu.wait_dma2 semaphore(%run_scoped3A : memref<!tpu.dma_semaphore, #tpu.memory_space<semaphore_mem>>) src(%arg21 : memref<80x128xf32, #tpu.memory_space<vmem>>) dst(%dma_wait3A_86 : memref<80x128xf32, #tpu.memory_space<vmem_shared>>)
        tpu.yield
      }) : () -> ()
      "tpu.region"() ({
        %run_scoped3A = tpu.sem_alloc : memref<!tpu.dma_semaphore, #tpu.memory_space<semaphore_mem>>
        %dma_start3A_75 = arith.constant 8880 : i32
        %dma_start3A_76 = arith.constant 0 : i32
        %dma_start3A_77 = tpu.memref_slice %arg23[%dma_start3A_75, %dma_start3A_76] : memref<10000x128xf32, #tpu.memory_space<vmem_shared>> -> memref<80x128xf32, #tpu.memory_space<vmem_shared>>
        %dma_start3A_78 = arith.constant 8880 : i32
        %dma_start3A_79 = arith.constant 0 : i32
        %dma_start3A_80 = tpu.memref_slice %arg23[%dma_start3A_78, %dma_start3A_79] : memref<10000x128xf32, #tpu.memory_space<vmem_shared>> -> memref<80x128xf32, #tpu.memory_space<vmem_shared>>
        tpu.enqueue_dma source(%arg21 : memref<80x128xf32, #tpu.memory_space<vmem>>) target(%dma_start3A_80 : memref<80x128xf32, #tpu.memory_space<vmem_shared>>) target_semaphore(%run_scoped3A : memref<!tpu.dma_semaphore, #tpu.memory_space<semaphore_mem>>)
        %dma_wait3A_81 = arith.constant 8880 : i32
        %dma_wait3A_82 = arith.constant 0 : i32
        %dma_wait3A_83 = tpu.memref_slice %arg23[%dma_wait3A_81, %dma_wait3A_82] : memref<10000x128xf32, #tpu.memory_space<vmem_shared>> -> memref<80x128xf32, #tpu.memory_space<vmem_shared>>
        %dma_wait3A_84 = arith.constant 8880 : i32
        %dma_wait3A_85 = arith.constant 0 : i32
        %dma_wait3A_86 = tpu.memref_slice %arg23[%dma_wait3A_84, %dma_wait3A_85] : memref<10000x128xf32, #tpu.memory_space<vmem_shared>> -> memref<80x128xf32, #tpu.memory_space<vmem_shared>>
        tpu.wait_dma2 semaphore(%run_scoped3A : memref<!tpu.dma_semaphore, #tpu.memory_space<semaphore_mem>>) src(%arg21 : memref<80x128xf32, #tpu.memory_space<vmem>>) dst(%dma_wait3A_86 : memref<80x128xf32, #tpu.memory_space<vmem_shared>>)
        tpu.yield
      }) : () -> ()
      "tpu.region"() ({
        %run_scoped3A = tpu.sem_alloc : memref<!tpu.dma_semaphore, #tpu.memory_space<semaphore_mem>>
        %dma_start3A_75 = arith.constant 8960 : i32
        %dma_start3A_76 = arith.constant 0 : i32
        %dma_start3A_77 = tpu.memref_slice %arg23[%dma_start3A_75, %dma_start3A_76] : memref<10000x128xf32, #tpu.memory_space<vmem_shared>> -> memref<80x128xf32, #tpu.memory_space<vmem_shared>>
        %dma_start3A_78 = arith.constant 8960 : i32
        %dma_start3A_79 = arith.constant 0 : i32
        %dma_start3A_80 = tpu.memref_slice %arg23[%dma_start3A_78, %dma_start3A_79] : memref<10000x128xf32, #tpu.memory_space<vmem_shared>> -> memref<80x128xf32, #tpu.memory_space<vmem_shared>>
        tpu.enqueue_dma source(%arg21 : memref<80x128xf32, #tpu.memory_space<vmem>>) target(%dma_start3A_80 : memref<80x128xf32, #tpu.memory_space<vmem_shared>>) target_semaphore(%run_scoped3A : memref<!tpu.dma_semaphore, #tpu.memory_space<semaphore_mem>>)
        %dma_wait3A_81 = arith.constant 8960 : i32
        %dma_wait3A_82 = arith.constant 0 : i32
        %dma_wait3A_83 = tpu.memref_slice %arg23[%dma_wait3A_81, %dma_wait3A_82] : memref<10000x128xf32, #tpu.memory_space<vmem_shared>> -> memref<80x128xf32, #tpu.memory_space<vmem_shared>>
        %dma_wait3A_84 = arith.constant 8960 : i32
        %dma_wait3A_85 = arith.constant 0 : i32
        %dma_wait3A_86 = tpu.memref_slice %arg23[%dma_wait3A_84, %dma_wait3A_85] : memref<10000x128xf32, #tpu.memory_space<vmem_shared>> -> memref<80x128xf32, #tpu.memory_space<vmem_shared>>
        tpu.wait_dma2 semaphore(%run_scoped3A : memref<!tpu.dma_semaphore, #tpu.memory_space<semaphore_mem>>) src(%arg21 : memref<80x128xf32, #tpu.memory_space<vmem>>) dst(%dma_wait3A_86 : memref<80x128xf32, #tpu.memory_space<vmem_shared>>)
        tpu.yield
      }) : () -> ()
      "tpu.region"() ({
        %run_scoped3A = tpu.sem_alloc : memref<!tpu.dma_semaphore, #tpu.memory_space<semaphore_mem>>
        %dma_start3A_75 = arith.constant 9040 : i32
        %dma_start3A_76 = arith.constant 0 : i32
        %dma_start3A_77 = tpu.memref_slice %arg23[%dma_start3A_75, %dma_start3A_76] : memref<10000x128xf32, #tpu.memory_space<vmem_shared>> -> memref<80x128xf32, #tpu.memory_space<vmem_shared>>
        %dma_start3A_78 = arith.constant 9040 : i32
        %dma_start3A_79 = arith.constant 0 : i32
        %dma_start3A_80 = tpu.memref_slice %arg23[%dma_start3A_78, %dma_start3A_79] : memref<10000x128xf32, #tpu.memory_space<vmem_shared>> -> memref<80x128xf32, #tpu.memory_space<vmem_shared>>
        tpu.enqueue_dma source(%arg21 : memref<80x128xf32, #tpu.memory_space<vmem>>) target(%dma_start3A_80 : memref<80x128xf32, #tpu.memory_space<vmem_shared>>) target_semaphore(%run_scoped3A : memref<!tpu.dma_semaphore, #tpu.memory_space<semaphore_mem>>)
        %dma_wait3A_81 = arith.constant 9040 : i32
        %dma_wait3A_82 = arith.constant 0 : i32
        %dma_wait3A_83 = tpu.memref_slice %arg23[%dma_wait3A_81, %dma_wait3A_82] : memref<10000x128xf32, #tpu.memory_space<vmem_shared>> -> memref<80x128xf32, #tpu.memory_space<vmem_shared>>
        %dma_wait3A_84 = arith.constant 9040 : i32
        %dma_wait3A_85 = arith.constant 0 : i32
        %dma_wait3A_86 = tpu.memref_slice %arg23[%dma_wait3A_84, %dma_wait3A_85] : memref<10000x128xf32, #tpu.memory_space<vmem_shared>> -> memref<80x128xf32, #tpu.memory_space<vmem_shared>>
        tpu.wait_dma2 semaphore(%run_scoped3A : memref<!tpu.dma_semaphore, #tpu.memory_space<semaphore_mem>>) src(%arg21 : memref<80x128xf32, #tpu.memory_space<vmem>>) dst(%dma_wait3A_86 : memref<80x128xf32, #tpu.memory_space<vmem_shared>>)
        tpu.yield
      }) : () -> ()
      "tpu.region"() ({
        %run_scoped3A = tpu.sem_alloc : memref<!tpu.dma_semaphore, #tpu.memory_space<semaphore_mem>>
        %dma_start3A_75 = arith.constant 9120 : i32
        %dma_start3A_76 = arith.constant 0 : i32
        %dma_start3A_77 = tpu.memref_slice %arg23[%dma_start3A_75, %dma_start3A_76] : memref<10000x128xf32, #tpu.memory_space<vmem_shared>> -> memref<80x128xf32, #tpu.memory_space<vmem_shared>>
        %dma_start3A_78 = arith.constant 9120 : i32
        %dma_start3A_79 = arith.constant 0 : i32
        %dma_start3A_80 = tpu.memref_slice %arg23[%dma_start3A_78, %dma_start3A_79] : memref<10000x128xf32, #tpu.memory_space<vmem_shared>> -> memref<80x128xf32, #tpu.memory_space<vmem_shared>>
        tpu.enqueue_dma source(%arg21 : memref<80x128xf32, #tpu.memory_space<vmem>>) target(%dma_start3A_80 : memref<80x128xf32, #tpu.memory_space<vmem_shared>>) target_semaphore(%run_scoped3A : memref<!tpu.dma_semaphore, #tpu.memory_space<semaphore_mem>>)
        %dma_wait3A_81 = arith.constant 9120 : i32
        %dma_wait3A_82 = arith.constant 0 : i32
        %dma_wait3A_83 = tpu.memref_slice %arg23[%dma_wait3A_81, %dma_wait3A_82] : memref<10000x128xf32, #tpu.memory_space<vmem_shared>> -> memref<80x128xf32, #tpu.memory_space<vmem_shared>>
        %dma_wait3A_84 = arith.constant 9120 : i32
        %dma_wait3A_85 = arith.constant 0 : i32
        %dma_wait3A_86 = tpu.memref_slice %arg23[%dma_wait3A_84, %dma_wait3A_85] : memref<10000x128xf32, #tpu.memory_space<vmem_shared>> -> memref<80x128xf32, #tpu.memory_space<vmem_shared>>
        tpu.wait_dma2 semaphore(%run_scoped3A : memref<!tpu.dma_semaphore, #tpu.memory_space<semaphore_mem>>) src(%arg21 : memref<80x128xf32, #tpu.memory_space<vmem>>) dst(%dma_wait3A_86 : memref<80x128xf32, #tpu.memory_space<vmem_shared>>)
        tpu.yield
      }) : () -> ()
      "tpu.region"() ({
        %run_scoped3A = tpu.sem_alloc : memref<!tpu.dma_semaphore, #tpu.memory_space<semaphore_mem>>
        %dma_start3A_75 = arith.constant 9200 : i32
        %dma_start3A_76 = arith.constant 0 : i32
        %dma_start3A_77 = tpu.memref_slice %arg23[%dma_start3A_75, %dma_start3A_76] : memref<10000x128xf32, #tpu.memory_space<vmem_shared>> -> memref<80x128xf32, #tpu.memory_space<vmem_shared>>
        %dma_start3A_78 = arith.constant 9200 : i32
        %dma_start3A_79 = arith.constant 0 : i32
        %dma_start3A_80 = tpu.memref_slice %arg23[%dma_start3A_78, %dma_start3A_79] : memref<10000x128xf32, #tpu.memory_space<vmem_shared>> -> memref<80x128xf32, #tpu.memory_space<vmem_shared>>
        tpu.enqueue_dma source(%arg21 : memref<80x128xf32, #tpu.memory_space<vmem>>) target(%dma_start3A_80 : memref<80x128xf32, #tpu.memory_space<vmem_shared>>) target_semaphore(%run_scoped3A : memref<!tpu.dma_semaphore, #tpu.memory_space<semaphore_mem>>)
        %dma_wait3A_81 = arith.constant 9200 : i32
        %dma_wait3A_82 = arith.constant 0 : i32
        %dma_wait3A_83 = tpu.memref_slice %arg23[%dma_wait3A_81, %dma_wait3A_82] : memref<10000x128xf32, #tpu.memory_space<vmem_shared>> -> memref<80x128xf32, #tpu.memory_space<vmem_shared>>
        %dma_wait3A_84 = arith.constant 9200 : i32
        %dma_wait3A_85 = arith.constant 0 : i32
        %dma_wait3A_86 = tpu.memref_slice %arg23[%dma_wait3A_84, %dma_wait3A_85] : memref<10000x128xf32, #tpu.memory_space<vmem_shared>> -> memref<80x128xf32, #tpu.memory_space<vmem_shared>>
        tpu.wait_dma2 semaphore(%run_scoped3A : memref<!tpu.dma_semaphore, #tpu.memory_space<semaphore_mem>>) src(%arg21 : memref<80x128xf32, #tpu.memory_space<vmem>>) dst(%dma_wait3A_86 : memref<80x128xf32, #tpu.memory_space<vmem_shared>>)
        tpu.yield
      }) : () -> ()
      "tpu.region"() ({
        %run_scoped3A = tpu.sem_alloc : memref<!tpu.dma_semaphore, #tpu.memory_space<semaphore_mem>>
        %dma_start3A_75 = arith.constant 9280 : i32
        %dma_start3A_76 = arith.constant 0 : i32
        %dma_start3A_77 = tpu.memref_slice %arg23[%dma_start3A_75, %dma_start3A_76] : memref<10000x128xf32, #tpu.memory_space<vmem_shared>> -> memref<80x128xf32, #tpu.memory_space<vmem_shared>>
        %dma_start3A_78 = arith.constant 9280 : i32
        %dma_start3A_79 = arith.constant 0 : i32
        %dma_start3A_80 = tpu.memref_slice %arg23[%dma_start3A_78, %dma_start3A_79] : memref<10000x128xf32, #tpu.memory_space<vmem_shared>> -> memref<80x128xf32, #tpu.memory_space<vmem_shared>>
        tpu.enqueue_dma source(%arg21 : memref<80x128xf32, #tpu.memory_space<vmem>>) target(%dma_start3A_80 : memref<80x128xf32, #tpu.memory_space<vmem_shared>>) target_semaphore(%run_scoped3A : memref<!tpu.dma_semaphore, #tpu.memory_space<semaphore_mem>>)
        %dma_wait3A_81 = arith.constant 9280 : i32
        %dma_wait3A_82 = arith.constant 0 : i32
        %dma_wait3A_83 = tpu.memref_slice %arg23[%dma_wait3A_81, %dma_wait3A_82] : memref<10000x128xf32, #tpu.memory_space<vmem_shared>> -> memref<80x128xf32, #tpu.memory_space<vmem_shared>>
        %dma_wait3A_84 = arith.constant 9280 : i32
        %dma_wait3A_85 = arith.constant 0 : i32
        %dma_wait3A_86 = tpu.memref_slice %arg23[%dma_wait3A_84, %dma_wait3A_85] : memref<10000x128xf32, #tpu.memory_space<vmem_shared>> -> memref<80x128xf32, #tpu.memory_space<vmem_shared>>
        tpu.wait_dma2 semaphore(%run_scoped3A : memref<!tpu.dma_semaphore, #tpu.memory_space<semaphore_mem>>) src(%arg21 : memref<80x128xf32, #tpu.memory_space<vmem>>) dst(%dma_wait3A_86 : memref<80x128xf32, #tpu.memory_space<vmem_shared>>)
        tpu.yield
      }) : () -> ()
      "tpu.region"() ({
        %run_scoped3A = tpu.sem_alloc : memref<!tpu.dma_semaphore, #tpu.memory_space<semaphore_mem>>
        %dma_start3A_75 = arith.constant 9360 : i32
        %dma_start3A_76 = arith.constant 0 : i32
        %dma_start3A_77 = tpu.memref_slice %arg23[%dma_start3A_75, %dma_start3A_76] : memref<10000x128xf32, #tpu.memory_space<vmem_shared>> -> memref<80x128xf32, #tpu.memory_space<vmem_shared>>
        %dma_start3A_78 = arith.constant 9360 : i32
        %dma_start3A_79 = arith.constant 0 : i32
        %dma_start3A_80 = tpu.memref_slice %arg23[%dma_start3A_78, %dma_start3A_79] : memref<10000x128xf32, #tpu.memory_space<vmem_shared>> -> memref<80x128xf32, #tpu.memory_space<vmem_shared>>
        tpu.enqueue_dma source(%arg21 : memref<80x128xf32, #tpu.memory_space<vmem>>) target(%dma_start3A_80 : memref<80x128xf32, #tpu.memory_space<vmem_shared>>) target_semaphore(%run_scoped3A : memref<!tpu.dma_semaphore, #tpu.memory_space<semaphore_mem>>)
        %dma_wait3A_81 = arith.constant 9360 : i32
        %dma_wait3A_82 = arith.constant 0 : i32
        %dma_wait3A_83 = tpu.memref_slice %arg23[%dma_wait3A_81, %dma_wait3A_82] : memref<10000x128xf32, #tpu.memory_space<vmem_shared>> -> memref<80x128xf32, #tpu.memory_space<vmem_shared>>
        %dma_wait3A_84 = arith.constant 9360 : i32
        %dma_wait3A_85 = arith.constant 0 : i32
        %dma_wait3A_86 = tpu.memref_slice %arg23[%dma_wait3A_84, %dma_wait3A_85] : memref<10000x128xf32, #tpu.memory_space<vmem_shared>> -> memref<80x128xf32, #tpu.memory_space<vmem_shared>>
        tpu.wait_dma2 semaphore(%run_scoped3A : memref<!tpu.dma_semaphore, #tpu.memory_space<semaphore_mem>>) src(%arg21 : memref<80x128xf32, #tpu.memory_space<vmem>>) dst(%dma_wait3A_86 : memref<80x128xf32, #tpu.memory_space<vmem_shared>>)
        tpu.yield
      }) : () -> ()
      "tpu.region"() ({
        %run_scoped3A = tpu.sem_alloc : memref<!tpu.dma_semaphore, #tpu.memory_space<semaphore_mem>>
        %dma_start3A_75 = arith.constant 9440 : i32
        %dma_start3A_76 = arith.constant 0 : i32
        %dma_start3A_77 = tpu.memref_slice %arg23[%dma_start3A_75, %dma_start3A_76] : memref<10000x128xf32, #tpu.memory_space<vmem_shared>> -> memref<80x128xf32, #tpu.memory_space<vmem_shared>>
        %dma_start3A_78 = arith.constant 9440 : i32
        %dma_start3A_79 = arith.constant 0 : i32
        %dma_start3A_80 = tpu.memref_slice %arg23[%dma_start3A_78, %dma_start3A_79] : memref<10000x128xf32, #tpu.memory_space<vmem_shared>> -> memref<80x128xf32, #tpu.memory_space<vmem_shared>>
        tpu.enqueue_dma source(%arg21 : memref<80x128xf32, #tpu.memory_space<vmem>>) target(%dma_start3A_80 : memref<80x128xf32, #tpu.memory_space<vmem_shared>>) target_semaphore(%run_scoped3A : memref<!tpu.dma_semaphore, #tpu.memory_space<semaphore_mem>>)
        %dma_wait3A_81 = arith.constant 9440 : i32
        %dma_wait3A_82 = arith.constant 0 : i32
        %dma_wait3A_83 = tpu.memref_slice %arg23[%dma_wait3A_81, %dma_wait3A_82] : memref<10000x128xf32, #tpu.memory_space<vmem_shared>> -> memref<80x128xf32, #tpu.memory_space<vmem_shared>>
        %dma_wait3A_84 = arith.constant 9440 : i32
        %dma_wait3A_85 = arith.constant 0 : i32
        %dma_wait3A_86 = tpu.memref_slice %arg23[%dma_wait3A_84, %dma_wait3A_85] : memref<10000x128xf32, #tpu.memory_space<vmem_shared>> -> memref<80x128xf32, #tpu.memory_space<vmem_shared>>
        tpu.wait_dma2 semaphore(%run_scoped3A : memref<!tpu.dma_semaphore, #tpu.memory_space<semaphore_mem>>) src(%arg21 : memref<80x128xf32, #tpu.memory_space<vmem>>) dst(%dma_wait3A_86 : memref<80x128xf32, #tpu.memory_space<vmem_shared>>)
        tpu.yield
      }) : () -> ()
      "tpu.region"() ({
        %run_scoped3A = tpu.sem_alloc : memref<!tpu.dma_semaphore, #tpu.memory_space<semaphore_mem>>
        %dma_start3A_75 = arith.constant 9520 : i32
        %dma_start3A_76 = arith.constant 0 : i32
        %dma_start3A_77 = tpu.memref_slice %arg23[%dma_start3A_75, %dma_start3A_76] : memref<10000x128xf32, #tpu.memory_space<vmem_shared>> -> memref<80x128xf32, #tpu.memory_space<vmem_shared>>
        %dma_start3A_78 = arith.constant 9520 : i32
        %dma_start3A_79 = arith.constant 0 : i32
        %dma_start3A_80 = tpu.memref_slice %arg23[%dma_start3A_78, %dma_start3A_79] : memref<10000x128xf32, #tpu.memory_space<vmem_shared>> -> memref<80x128xf32, #tpu.memory_space<vmem_shared>>
        tpu.enqueue_dma source(%arg21 : memref<80x128xf32, #tpu.memory_space<vmem>>) target(%dma_start3A_80 : memref<80x128xf32, #tpu.memory_space<vmem_shared>>) target_semaphore(%run_scoped3A : memref<!tpu.dma_semaphore, #tpu.memory_space<semaphore_mem>>)
        %dma_wait3A_81 = arith.constant 9520 : i32
        %dma_wait3A_82 = arith.constant 0 : i32
        %dma_wait3A_83 = tpu.memref_slice %arg23[%dma_wait3A_81, %dma_wait3A_82] : memref<10000x128xf32, #tpu.memory_space<vmem_shared>> -> memref<80x128xf32, #tpu.memory_space<vmem_shared>>
        %dma_wait3A_84 = arith.constant 9520 : i32
        %dma_wait3A_85 = arith.constant 0 : i32
        %dma_wait3A_86 = tpu.memref_slice %arg23[%dma_wait3A_84, %dma_wait3A_85] : memref<10000x128xf32, #tpu.memory_space<vmem_shared>> -> memref<80x128xf32, #tpu.memory_space<vmem_shared>>
        tpu.wait_dma2 semaphore(%run_scoped3A : memref<!tpu.dma_semaphore, #tpu.memory_space<semaphore_mem>>) src(%arg21 : memref<80x128xf32, #tpu.memory_space<vmem>>) dst(%dma_wait3A_86 : memref<80x128xf32, #tpu.memory_space<vmem_shared>>)
        tpu.yield
      }) : () -> ()
      "tpu.region"() ({
        %run_scoped3A = tpu.sem_alloc : memref<!tpu.dma_semaphore, #tpu.memory_space<semaphore_mem>>
        %dma_start3A_75 = arith.constant 9600 : i32
        %dma_start3A_76 = arith.constant 0 : i32
        %dma_start3A_77 = tpu.memref_slice %arg23[%dma_start3A_75, %dma_start3A_76] : memref<10000x128xf32, #tpu.memory_space<vmem_shared>> -> memref<80x128xf32, #tpu.memory_space<vmem_shared>>
        %dma_start3A_78 = arith.constant 9600 : i32
        %dma_start3A_79 = arith.constant 0 : i32
        %dma_start3A_80 = tpu.memref_slice %arg23[%dma_start3A_78, %dma_start3A_79] : memref<10000x128xf32, #tpu.memory_space<vmem_shared>> -> memref<80x128xf32, #tpu.memory_space<vmem_shared>>
        tpu.enqueue_dma source(%arg21 : memref<80x128xf32, #tpu.memory_space<vmem>>) target(%dma_start3A_80 : memref<80x128xf32, #tpu.memory_space<vmem_shared>>) target_semaphore(%run_scoped3A : memref<!tpu.dma_semaphore, #tpu.memory_space<semaphore_mem>>)
        %dma_wait3A_81 = arith.constant 9600 : i32
        %dma_wait3A_82 = arith.constant 0 : i32
        %dma_wait3A_83 = tpu.memref_slice %arg23[%dma_wait3A_81, %dma_wait3A_82] : memref<10000x128xf32, #tpu.memory_space<vmem_shared>> -> memref<80x128xf32, #tpu.memory_space<vmem_shared>>
        %dma_wait3A_84 = arith.constant 9600 : i32
        %dma_wait3A_85 = arith.constant 0 : i32
        %dma_wait3A_86 = tpu.memref_slice %arg23[%dma_wait3A_84, %dma_wait3A_85] : memref<10000x128xf32, #tpu.memory_space<vmem_shared>> -> memref<80x128xf32, #tpu.memory_space<vmem_shared>>
        tpu.wait_dma2 semaphore(%run_scoped3A : memref<!tpu.dma_semaphore, #tpu.memory_space<semaphore_mem>>) src(%arg21 : memref<80x128xf32, #tpu.memory_space<vmem>>) dst(%dma_wait3A_86 : memref<80x128xf32, #tpu.memory_space<vmem_shared>>)
        tpu.yield
      }) : () -> ()
      "tpu.region"() ({
        %run_scoped3A = tpu.sem_alloc : memref<!tpu.dma_semaphore, #tpu.memory_space<semaphore_mem>>
        %dma_start3A_75 = arith.constant 9680 : i32
        %dma_start3A_76 = arith.constant 0 : i32
        %dma_start3A_77 = tpu.memref_slice %arg23[%dma_start3A_75, %dma_start3A_76] : memref<10000x128xf32, #tpu.memory_space<vmem_shared>> -> memref<80x128xf32, #tpu.memory_space<vmem_shared>>
        %dma_start3A_78 = arith.constant 9680 : i32
        %dma_start3A_79 = arith.constant 0 : i32
        %dma_start3A_80 = tpu.memref_slice %arg23[%dma_start3A_78, %dma_start3A_79] : memref<10000x128xf32, #tpu.memory_space<vmem_shared>> -> memref<80x128xf32, #tpu.memory_space<vmem_shared>>
        tpu.enqueue_dma source(%arg21 : memref<80x128xf32, #tpu.memory_space<vmem>>) target(%dma_start3A_80 : memref<80x128xf32, #tpu.memory_space<vmem_shared>>) target_semaphore(%run_scoped3A : memref<!tpu.dma_semaphore, #tpu.memory_space<semaphore_mem>>)
        %dma_wait3A_81 = arith.constant 9680 : i32
        %dma_wait3A_82 = arith.constant 0 : i32
        %dma_wait3A_83 = tpu.memref_slice %arg23[%dma_wait3A_81, %dma_wait3A_82] : memref<10000x128xf32, #tpu.memory_space<vmem_shared>> -> memref<80x128xf32, #tpu.memory_space<vmem_shared>>
        %dma_wait3A_84 = arith.constant 9680 : i32
        %dma_wait3A_85 = arith.constant 0 : i32
        %dma_wait3A_86 = tpu.memref_slice %arg23[%dma_wait3A_84, %dma_wait3A_85] : memref<10000x128xf32, #tpu.memory_space<vmem_shared>> -> memref<80x128xf32, #tpu.memory_space<vmem_shared>>
        tpu.wait_dma2 semaphore(%run_scoped3A : memref<!tpu.dma_semaphore, #tpu.memory_space<semaphore_mem>>) src(%arg21 : memref<80x128xf32, #tpu.memory_space<vmem>>) dst(%dma_wait3A_86 : memref<80x128xf32, #tpu.memory_space<vmem_shared>>)
        tpu.yield
      }) : () -> ()
      "tpu.region"() ({
        %run_scoped3A = tpu.sem_alloc : memref<!tpu.dma_semaphore, #tpu.memory_space<semaphore_mem>>
        %dma_start3A_75 = arith.constant 9760 : i32
        %dma_start3A_76 = arith.constant 0 : i32
        %dma_start3A_77 = tpu.memref_slice %arg23[%dma_start3A_75, %dma_start3A_76] : memref<10000x128xf32, #tpu.memory_space<vmem_shared>> -> memref<80x128xf32, #tpu.memory_space<vmem_shared>>
        %dma_start3A_78 = arith.constant 9760 : i32
        %dma_start3A_79 = arith.constant 0 : i32
        %dma_start3A_80 = tpu.memref_slice %arg23[%dma_start3A_78, %dma_start3A_79] : memref<10000x128xf32, #tpu.memory_space<vmem_shared>> -> memref<80x128xf32, #tpu.memory_space<vmem_shared>>
        tpu.enqueue_dma source(%arg21 : memref<80x128xf32, #tpu.memory_space<vmem>>) target(%dma_start3A_80 : memref<80x128xf32, #tpu.memory_space<vmem_shared>>) target_semaphore(%run_scoped3A : memref<!tpu.dma_semaphore, #tpu.memory_space<semaphore_mem>>)
        %dma_wait3A_81 = arith.constant 9760 : i32
        %dma_wait3A_82 = arith.constant 0 : i32
        %dma_wait3A_83 = tpu.memref_slice %arg23[%dma_wait3A_81, %dma_wait3A_82] : memref<10000x128xf32, #tpu.memory_space<vmem_shared>> -> memref<80x128xf32, #tpu.memory_space<vmem_shared>>
        %dma_wait3A_84 = arith.constant 9760 : i32
        %dma_wait3A_85 = arith.constant 0 : i32
        %dma_wait3A_86 = tpu.memref_slice %arg23[%dma_wait3A_84, %dma_wait3A_85] : memref<10000x128xf32, #tpu.memory_space<vmem_shared>> -> memref<80x128xf32, #tpu.memory_space<vmem_shared>>
        tpu.wait_dma2 semaphore(%run_scoped3A : memref<!tpu.dma_semaphore, #tpu.memory_space<semaphore_mem>>) src(%arg21 : memref<80x128xf32, #tpu.memory_space<vmem>>) dst(%dma_wait3A_86 : memref<80x128xf32, #tpu.memory_space<vmem_shared>>)
        tpu.yield
      }) : () -> ()
      "tpu.region"() ({
        %run_scoped3A = tpu.sem_alloc : memref<!tpu.dma_semaphore, #tpu.memory_space<semaphore_mem>>
        %dma_start3A_75 = arith.constant 9840 : i32
        %dma_start3A_76 = arith.constant 0 : i32
        %dma_start3A_77 = tpu.memref_slice %arg23[%dma_start3A_75, %dma_start3A_76] : memref<10000x128xf32, #tpu.memory_space<vmem_shared>> -> memref<80x128xf32, #tpu.memory_space<vmem_shared>>
        %dma_start3A_78 = arith.constant 9840 : i32
        %dma_start3A_79 = arith.constant 0 : i32
        %dma_start3A_80 = tpu.memref_slice %arg23[%dma_start3A_78, %dma_start3A_79] : memref<10000x128xf32, #tpu.memory_space<vmem_shared>> -> memref<80x128xf32, #tpu.memory_space<vmem_shared>>
        tpu.enqueue_dma source(%arg21 : memref<80x128xf32, #tpu.memory_space<vmem>>) target(%dma_start3A_80 : memref<80x128xf32, #tpu.memory_space<vmem_shared>>) target_semaphore(%run_scoped3A : memref<!tpu.dma_semaphore, #tpu.memory_space<semaphore_mem>>)
        %dma_wait3A_81 = arith.constant 9840 : i32
        %dma_wait3A_82 = arith.constant 0 : i32
        %dma_wait3A_83 = tpu.memref_slice %arg23[%dma_wait3A_81, %dma_wait3A_82] : memref<10000x128xf32, #tpu.memory_space<vmem_shared>> -> memref<80x128xf32, #tpu.memory_space<vmem_shared>>
        %dma_wait3A_84 = arith.constant 9840 : i32
        %dma_wait3A_85 = arith.constant 0 : i32
        %dma_wait3A_86 = tpu.memref_slice %arg23[%dma_wait3A_84, %dma_wait3A_85] : memref<10000x128xf32, #tpu.memory_space<vmem_shared>> -> memref<80x128xf32, #tpu.memory_space<vmem_shared>>
        tpu.wait_dma2 semaphore(%run_scoped3A : memref<!tpu.dma_semaphore, #tpu.memory_space<semaphore_mem>>) src(%arg21 : memref<80x128xf32, #tpu.memory_space<vmem>>) dst(%dma_wait3A_86 : memref<80x128xf32, #tpu.memory_space<vmem_shared>>)
        tpu.yield
      }) : () -> ()
      "tpu.region"() ({
        %run_scoped3A = tpu.sem_alloc : memref<!tpu.dma_semaphore, #tpu.memory_space<semaphore_mem>>
        %dma_start3A_75 = arith.constant 9920 : i32
        %dma_start3A_76 = arith.constant 0 : i32
        %dma_start3A_77 = tpu.memref_slice %arg23[%dma_start3A_75, %dma_start3A_76] : memref<10000x128xf32, #tpu.memory_space<vmem_shared>> -> memref<80x128xf32, #tpu.memory_space<vmem_shared>>
        %dma_start3A_78 = arith.constant 9920 : i32
        %dma_start3A_79 = arith.constant 0 : i32
        %dma_start3A_80 = tpu.memref_slice %arg23[%dma_start3A_78, %dma_start3A_79] : memref<10000x128xf32, #tpu.memory_space<vmem_shared>> -> memref<80x128xf32, #tpu.memory_space<vmem_shared>>
        tpu.enqueue_dma source(%arg21 : memref<80x128xf32, #tpu.memory_space<vmem>>) target(%dma_start3A_80 : memref<80x128xf32, #tpu.memory_space<vmem_shared>>) target_semaphore(%run_scoped3A : memref<!tpu.dma_semaphore, #tpu.memory_space<semaphore_mem>>)
        %dma_wait3A_81 = arith.constant 9920 : i32
        %dma_wait3A_82 = arith.constant 0 : i32
        %dma_wait3A_83 = tpu.memref_slice %arg23[%dma_wait3A_81, %dma_wait3A_82] : memref<10000x128xf32, #tpu.memory_space<vmem_shared>> -> memref<80x128xf32, #tpu.memory_space<vmem_shared>>
        %dma_wait3A_84 = arith.constant 9920 : i32
        %dma_wait3A_85 = arith.constant 0 : i32
        %dma_wait3A_86 = tpu.memref_slice %arg23[%dma_wait3A_84, %dma_wait3A_85] : memref<10000x128xf32, #tpu.memory_space<vmem_shared>> -> memref<80x128xf32, #tpu.memory_space<vmem_shared>>
        tpu.wait_dma2 semaphore(%run_scoped3A : memref<!tpu.dma_semaphore, #tpu.memory_space<semaphore_mem>>) src(%arg21 : memref<80x128xf32, #tpu.memory_space<vmem>>) dst(%dma_wait3A_86 : memref<80x128xf32, #tpu.memory_space<vmem_shared>>)
        tpu.yield
      }) : () -> ()
    } else {
    }
    %eq3A_15 = arith.constant 0 : i32
    %eq3A_16 = arith.cmpi eq, %arg1, %eq3A_15 : i32
    %convert_element_type3A_17 = arith.extui %eq3A_16 : i1 to i32
    %cond3A_18 = arith.constant 0 : i32
    %cond3A_19 = arith.cmpi ne, %convert_element_type3A_17, %cond3A_18 : i32
    scf.if %cond3A_19 {
      "tpu.region"() ({
        %run_scoped3A = tpu.sem_alloc : memref<!tpu.dma_semaphore, #tpu.memory_space<semaphore_mem>>
        %dma_start3A_75 = arith.constant 0 : i32
        %dma_start3A_76 = tpu.memref_slice %arg24[%dma_start3A_75] : memref<10000xf32, #tpu.memory_space<vmem_shared>> -> memref<1024xf32, #tpu.memory_space<vmem_shared>>
        %dma_start3A_77 = arith.constant 0 : i32
        %dma_start3A_78 = tpu.memref_slice %arg24[%dma_start3A_77] : memref<10000xf32, #tpu.memory_space<vmem_shared>> -> memref<1024xf32, #tpu.memory_space<vmem_shared>>
        tpu.enqueue_dma source(%arg22 : memref<1024xf32, #tpu.memory_space<vmem>>) target(%dma_start3A_78 : memref<1024xf32, #tpu.memory_space<vmem_shared>>) target_semaphore(%run_scoped3A : memref<!tpu.dma_semaphore, #tpu.memory_space<semaphore_mem>>)
        %dma_wait3A_79 = arith.constant 0 : i32
        %dma_wait3A_80 = tpu.memref_slice %arg24[%dma_wait3A_79] : memref<10000xf32, #tpu.memory_space<vmem_shared>> -> memref<1024xf32, #tpu.memory_space<vmem_shared>>
        %dma_wait3A_81 = arith.constant 0 : i32
        %dma_wait3A_82 = tpu.memref_slice %arg24[%dma_wait3A_81] : memref<10000xf32, #tpu.memory_space<vmem_shared>> -> memref<1024xf32, #tpu.memory_space<vmem_shared>>
        tpu.wait_dma2 semaphore(%run_scoped3A : memref<!tpu.dma_semaphore, #tpu.memory_space<semaphore_mem>>) src(%arg22 : memref<1024xf32, #tpu.memory_space<vmem>>) dst(%dma_wait3A_82 : memref<1024xf32, #tpu.memory_space<vmem_shared>>)
        tpu.yield
      }) : () -> ()
      "tpu.region"() ({
        %run_scoped3A = tpu.sem_alloc : memref<!tpu.dma_semaphore, #tpu.memory_space<semaphore_mem>>
        %dma_start3A_75 = arith.constant 1024 : i32
        %dma_start3A_76 = tpu.memref_slice %arg24[%dma_start3A_75] : memref<10000xf32, #tpu.memory_space<vmem_shared>> -> memref<1024xf32, #tpu.memory_space<vmem_shared>>
        %dma_start3A_77 = arith.constant 1024 : i32
        %dma_start3A_78 = tpu.memref_slice %arg24[%dma_start3A_77] : memref<10000xf32, #tpu.memory_space<vmem_shared>> -> memref<1024xf32, #tpu.memory_space<vmem_shared>>
        tpu.enqueue_dma source(%arg22 : memref<1024xf32, #tpu.memory_space<vmem>>) target(%dma_start3A_78 : memref<1024xf32, #tpu.memory_space<vmem_shared>>) target_semaphore(%run_scoped3A : memref<!tpu.dma_semaphore, #tpu.memory_space<semaphore_mem>>)
        %dma_wait3A_79 = arith.constant 1024 : i32
        %dma_wait3A_80 = tpu.memref_slice %arg24[%dma_wait3A_79] : memref<10000xf32, #tpu.memory_space<vmem_shared>> -> memref<1024xf32, #tpu.memory_space<vmem_shared>>
        %dma_wait3A_81 = arith.constant 1024 : i32
        %dma_wait3A_82 = tpu.memref_slice %arg24[%dma_wait3A_81] : memref<10000xf32, #tpu.memory_space<vmem_shared>> -> memref<1024xf32, #tpu.memory_space<vmem_shared>>
        tpu.wait_dma2 semaphore(%run_scoped3A : memref<!tpu.dma_semaphore, #tpu.memory_space<semaphore_mem>>) src(%arg22 : memref<1024xf32, #tpu.memory_space<vmem>>) dst(%dma_wait3A_82 : memref<1024xf32, #tpu.memory_space<vmem_shared>>)
        tpu.yield
      }) : () -> ()
      "tpu.region"() ({
        %run_scoped3A = tpu.sem_alloc : memref<!tpu.dma_semaphore, #tpu.memory_space<semaphore_mem>>
        %dma_start3A_75 = arith.constant 2048 : i32
        %dma_start3A_76 = tpu.memref_slice %arg24[%dma_start3A_75] : memref<10000xf32, #tpu.memory_space<vmem_shared>> -> memref<1024xf32, #tpu.memory_space<vmem_shared>>
        %dma_start3A_77 = arith.constant 2048 : i32
        %dma_start3A_78 = tpu.memref_slice %arg24[%dma_start3A_77] : memref<10000xf32, #tpu.memory_space<vmem_shared>> -> memref<1024xf32, #tpu.memory_space<vmem_shared>>
        tpu.enqueue_dma source(%arg22 : memref<1024xf32, #tpu.memory_space<vmem>>) target(%dma_start3A_78 : memref<1024xf32, #tpu.memory_space<vmem_shared>>) target_semaphore(%run_scoped3A : memref<!tpu.dma_semaphore, #tpu.memory_space<semaphore_mem>>)
        %dma_wait3A_79 = arith.constant 2048 : i32
        %dma_wait3A_80 = tpu.memref_slice %arg24[%dma_wait3A_79] : memref<10000xf32, #tpu.memory_space<vmem_shared>> -> memref<1024xf32, #tpu.memory_space<vmem_shared>>
        %dma_wait3A_81 = arith.constant 2048 : i32
        %dma_wait3A_82 = tpu.memref_slice %arg24[%dma_wait3A_81] : memref<10000xf32, #tpu.memory_space<vmem_shared>> -> memref<1024xf32, #tpu.memory_space<vmem_shared>>
        tpu.wait_dma2 semaphore(%run_scoped3A : memref<!tpu.dma_semaphore, #tpu.memory_space<semaphore_mem>>) src(%arg22 : memref<1024xf32, #tpu.memory_space<vmem>>) dst(%dma_wait3A_82 : memref<1024xf32, #tpu.memory_space<vmem_shared>>)
        tpu.yield
      }) : () -> ()
      "tpu.region"() ({
        %run_scoped3A = tpu.sem_alloc : memref<!tpu.dma_semaphore, #tpu.memory_space<semaphore_mem>>
        %dma_start3A_75 = arith.constant 3072 : i32
        %dma_start3A_76 = tpu.memref_slice %arg24[%dma_start3A_75] : memref<10000xf32, #tpu.memory_space<vmem_shared>> -> memref<1024xf32, #tpu.memory_space<vmem_shared>>
        %dma_start3A_77 = arith.constant 3072 : i32
        %dma_start3A_78 = tpu.memref_slice %arg24[%dma_start3A_77] : memref<10000xf32, #tpu.memory_space<vmem_shared>> -> memref<1024xf32, #tpu.memory_space<vmem_shared>>
        tpu.enqueue_dma source(%arg22 : memref<1024xf32, #tpu.memory_space<vmem>>) target(%dma_start3A_78 : memref<1024xf32, #tpu.memory_space<vmem_shared>>) target_semaphore(%run_scoped3A : memref<!tpu.dma_semaphore, #tpu.memory_space<semaphore_mem>>)
        %dma_wait3A_79 = arith.constant 3072 : i32
        %dma_wait3A_80 = tpu.memref_slice %arg24[%dma_wait3A_79] : memref<10000xf32, #tpu.memory_space<vmem_shared>> -> memref<1024xf32, #tpu.memory_space<vmem_shared>>
        %dma_wait3A_81 = arith.constant 3072 : i32
        %dma_wait3A_82 = tpu.memref_slice %arg24[%dma_wait3A_81] : memref<10000xf32, #tpu.memory_space<vmem_shared>> -> memref<1024xf32, #tpu.memory_space<vmem_shared>>
        tpu.wait_dma2 semaphore(%run_scoped3A : memref<!tpu.dma_semaphore, #tpu.memory_space<semaphore_mem>>) src(%arg22 : memref<1024xf32, #tpu.memory_space<vmem>>) dst(%dma_wait3A_82 : memref<1024xf32, #tpu.memory_space<vmem_shared>>)
        tpu.yield
      }) : () -> ()
      "tpu.region"() ({
        %run_scoped3A = tpu.sem_alloc : memref<!tpu.dma_semaphore, #tpu.memory_space<semaphore_mem>>
        %dma_start3A_75 = arith.constant 4096 : i32
        %dma_start3A_76 = tpu.memref_slice %arg24[%dma_start3A_75] : memref<10000xf32, #tpu.memory_space<vmem_shared>> -> memref<1024xf32, #tpu.memory_space<vmem_shared>>
        %dma_start3A_77 = arith.constant 4096 : i32
        %dma_start3A_78 = tpu.memref_slice %arg24[%dma_start3A_77] : memref<10000xf32, #tpu.memory_space<vmem_shared>> -> memref<1024xf32, #tpu.memory_space<vmem_shared>>
        tpu.enqueue_dma source(%arg22 : memref<1024xf32, #tpu.memory_space<vmem>>) target(%dma_start3A_78 : memref<1024xf32, #tpu.memory_space<vmem_shared>>) target_semaphore(%run_scoped3A : memref<!tpu.dma_semaphore, #tpu.memory_space<semaphore_mem>>)
        %dma_wait3A_79 = arith.constant 4096 : i32
        %dma_wait3A_80 = tpu.memref_slice %arg24[%dma_wait3A_79] : memref<10000xf32, #tpu.memory_space<vmem_shared>> -> memref<1024xf32, #tpu.memory_space<vmem_shared>>
        %dma_wait3A_81 = arith.constant 4096 : i32
        %dma_wait3A_82 = tpu.memref_slice %arg24[%dma_wait3A_81] : memref<10000xf32, #tpu.memory_space<vmem_shared>> -> memref<1024xf32, #tpu.memory_space<vmem_shared>>
        tpu.wait_dma2 semaphore(%run_scoped3A : memref<!tpu.dma_semaphore, #tpu.memory_space<semaphore_mem>>) src(%arg22 : memref<1024xf32, #tpu.memory_space<vmem>>) dst(%dma_wait3A_82 : memref<1024xf32, #tpu.memory_space<vmem_shared>>)
        tpu.yield
      }) : () -> ()
      "tpu.region"() ({
        %run_scoped3A = tpu.sem_alloc : memref<!tpu.dma_semaphore, #tpu.memory_space<semaphore_mem>>
        %dma_start3A_75 = arith.constant 5120 : i32
        %dma_start3A_76 = tpu.memref_slice %arg24[%dma_start3A_75] : memref<10000xf32, #tpu.memory_space<vmem_shared>> -> memref<1024xf32, #tpu.memory_space<vmem_shared>>
        %dma_start3A_77 = arith.constant 5120 : i32
        %dma_start3A_78 = tpu.memref_slice %arg24[%dma_start3A_77] : memref<10000xf32, #tpu.memory_space<vmem_shared>> -> memref<1024xf32, #tpu.memory_space<vmem_shared>>
        tpu.enqueue_dma source(%arg22 : memref<1024xf32, #tpu.memory_space<vmem>>) target(%dma_start3A_78 : memref<1024xf32, #tpu.memory_space<vmem_shared>>) target_semaphore(%run_scoped3A : memref<!tpu.dma_semaphore, #tpu.memory_space<semaphore_mem>>)
        %dma_wait3A_79 = arith.constant 5120 : i32
        %dma_wait3A_80 = tpu.memref_slice %arg24[%dma_wait3A_79] : memref<10000xf32, #tpu.memory_space<vmem_shared>> -> memref<1024xf32, #tpu.memory_space<vmem_shared>>
        %dma_wait3A_81 = arith.constant 5120 : i32
        %dma_wait3A_82 = tpu.memref_slice %arg24[%dma_wait3A_81] : memref<10000xf32, #tpu.memory_space<vmem_shared>> -> memref<1024xf32, #tpu.memory_space<vmem_shared>>
        tpu.wait_dma2 semaphore(%run_scoped3A : memref<!tpu.dma_semaphore, #tpu.memory_space<semaphore_mem>>) src(%arg22 : memref<1024xf32, #tpu.memory_space<vmem>>) dst(%dma_wait3A_82 : memref<1024xf32, #tpu.memory_space<vmem_shared>>)
        tpu.yield
      }) : () -> ()
      "tpu.region"() ({
        %run_scoped3A = tpu.sem_alloc : memref<!tpu.dma_semaphore, #tpu.memory_space<semaphore_mem>>
        %dma_start3A_75 = arith.constant 6144 : i32
        %dma_start3A_76 = tpu.memref_slice %arg24[%dma_start3A_75] : memref<10000xf32, #tpu.memory_space<vmem_shared>> -> memref<1024xf32, #tpu.memory_space<vmem_shared>>
        %dma_start3A_77 = arith.constant 6144 : i32
        %dma_start3A_78 = tpu.memref_slice %arg24[%dma_start3A_77] : memref<10000xf32, #tpu.memory_space<vmem_shared>> -> memref<1024xf32, #tpu.memory_space<vmem_shared>>
        tpu.enqueue_dma source(%arg22 : memref<1024xf32, #tpu.memory_space<vmem>>) target(%dma_start3A_78 : memref<1024xf32, #tpu.memory_space<vmem_shared>>) target_semaphore(%run_scoped3A : memref<!tpu.dma_semaphore, #tpu.memory_space<semaphore_mem>>)
        %dma_wait3A_79 = arith.constant 6144 : i32
        %dma_wait3A_80 = tpu.memref_slice %arg24[%dma_wait3A_79] : memref<10000xf32, #tpu.memory_space<vmem_shared>> -> memref<1024xf32, #tpu.memory_space<vmem_shared>>
        %dma_wait3A_81 = arith.constant 6144 : i32
        %dma_wait3A_82 = tpu.memref_slice %arg24[%dma_wait3A_81] : memref<10000xf32, #tpu.memory_space<vmem_shared>> -> memref<1024xf32, #tpu.memory_space<vmem_shared>>
        tpu.wait_dma2 semaphore(%run_scoped3A : memref<!tpu.dma_semaphore, #tpu.memory_space<semaphore_mem>>) src(%arg22 : memref<1024xf32, #tpu.memory_space<vmem>>) dst(%dma_wait3A_82 : memref<1024xf32, #tpu.memory_space<vmem_shared>>)
        tpu.yield
      }) : () -> ()
      "tpu.region"() ({
        %run_scoped3A = tpu.sem_alloc : memref<!tpu.dma_semaphore, #tpu.memory_space<semaphore_mem>>
        %dma_start3A_75 = arith.constant 7168 : i32
        %dma_start3A_76 = tpu.memref_slice %arg24[%dma_start3A_75] : memref<10000xf32, #tpu.memory_space<vmem_shared>> -> memref<1024xf32, #tpu.memory_space<vmem_shared>>
        %dma_start3A_77 = arith.constant 7168 : i32
        %dma_start3A_78 = tpu.memref_slice %arg24[%dma_start3A_77] : memref<10000xf32, #tpu.memory_space<vmem_shared>> -> memref<1024xf32, #tpu.memory_space<vmem_shared>>
        tpu.enqueue_dma source(%arg22 : memref<1024xf32, #tpu.memory_space<vmem>>) target(%dma_start3A_78 : memref<1024xf32, #tpu.memory_space<vmem_shared>>) target_semaphore(%run_scoped3A : memref<!tpu.dma_semaphore, #tpu.memory_space<semaphore_mem>>)
        %dma_wait3A_79 = arith.constant 7168 : i32
        %dma_wait3A_80 = tpu.memref_slice %arg24[%dma_wait3A_79] : memref<10000xf32, #tpu.memory_space<vmem_shared>> -> memref<1024xf32, #tpu.memory_space<vmem_shared>>
        %dma_wait3A_81 = arith.constant 7168 : i32
        %dma_wait3A_82 = tpu.memref_slice %arg24[%dma_wait3A_81] : memref<10000xf32, #tpu.memory_space<vmem_shared>> -> memref<1024xf32, #tpu.memory_space<vmem_shared>>
        tpu.wait_dma2 semaphore(%run_scoped3A : memref<!tpu.dma_semaphore, #tpu.memory_space<semaphore_mem>>) src(%arg22 : memref<1024xf32, #tpu.memory_space<vmem>>) dst(%dma_wait3A_82 : memref<1024xf32, #tpu.memory_space<vmem_shared>>)
        tpu.yield
      }) : () -> ()
      "tpu.region"() ({
        %run_scoped3A = tpu.sem_alloc : memref<!tpu.dma_semaphore, #tpu.memory_space<semaphore_mem>>
        %dma_start3A_75 = arith.constant 8192 : i32
        %dma_start3A_76 = tpu.memref_slice %arg24[%dma_start3A_75] : memref<10000xf32, #tpu.memory_space<vmem_shared>> -> memref<1024xf32, #tpu.memory_space<vmem_shared>>
        %dma_start3A_77 = arith.constant 8192 : i32
        %dma_start3A_78 = tpu.memref_slice %arg24[%dma_start3A_77] : memref<10000xf32, #tpu.memory_space<vmem_shared>> -> memref<1024xf32, #tpu.memory_space<vmem_shared>>
        tpu.enqueue_dma source(%arg22 : memref<1024xf32, #tpu.memory_space<vmem>>) target(%dma_start3A_78 : memref<1024xf32, #tpu.memory_space<vmem_shared>>) target_semaphore(%run_scoped3A : memref<!tpu.dma_semaphore, #tpu.memory_space<semaphore_mem>>)
        %dma_wait3A_79 = arith.constant 8192 : i32
        %dma_wait3A_80 = tpu.memref_slice %arg24[%dma_wait3A_79] : memref<10000xf32, #tpu.memory_space<vmem_shared>> -> memref<1024xf32, #tpu.memory_space<vmem_shared>>
        %dma_wait3A_81 = arith.constant 8192 : i32
        %dma_wait3A_82 = tpu.memref_slice %arg24[%dma_wait3A_81] : memref<10000xf32, #tpu.memory_space<vmem_shared>> -> memref<1024xf32, #tpu.memory_space<vmem_shared>>
        tpu.wait_dma2 semaphore(%run_scoped3A : memref<!tpu.dma_semaphore, #tpu.memory_space<semaphore_mem>>) src(%arg22 : memref<1024xf32, #tpu.memory_space<vmem>>) dst(%dma_wait3A_82 : memref<1024xf32, #tpu.memory_space<vmem_shared>>)
        tpu.yield
      }) : () -> ()
      "tpu.region"() ({
        %run_scoped3A = tpu.sem_alloc : memref<!tpu.dma_semaphore, #tpu.memory_space<semaphore_mem>>
        %dma_start3A_75 = arith.constant 0 : i32
        %dma_start3A_76 = tpu.memref_slice %arg22[%dma_start3A_75] : memref<1024xf32, #tpu.memory_space<vmem>> -> memref<784xf32, #tpu.memory_space<vmem>>
        %dma_start3A_77 = arith.constant 9216 : i32
        %dma_start3A_78 = tpu.memref_slice %arg24[%dma_start3A_77] : memref<10000xf32, #tpu.memory_space<vmem_shared>> -> memref<784xf32, #tpu.memory_space<vmem_shared>>
        %dma_start3A_79 = arith.constant 9216 : i32
        %dma_start3A_80 = tpu.memref_slice %arg24[%dma_start3A_79] : memref<10000xf32, #tpu.memory_space<vmem_shared>> -> memref<784xf32, #tpu.memory_space<vmem_shared>>
        %dma_start3A_81 = arith.constant 0 : i32
        %dma_start3A_82 = tpu.memref_slice %arg22[%dma_start3A_81] : memref<1024xf32, #tpu.memory_space<vmem>> -> memref<784xf32, #tpu.memory_space<vmem>>
        tpu.enqueue_dma source(%dma_start3A_82 : memref<784xf32, #tpu.memory_space<vmem>>) target(%dma_start3A_80 : memref<784xf32, #tpu.memory_space<vmem_shared>>) target_semaphore(%run_scoped3A : memref<!tpu.dma_semaphore, #tpu.memory_space<semaphore_mem>>)
        %dma_wait3A_83 = arith.constant 0 : i32
        %dma_wait3A_84 = tpu.memref_slice %arg22[%dma_wait3A_83] : memref<1024xf32, #tpu.memory_space<vmem>> -> memref<784xf32, #tpu.memory_space<vmem>>
        %dma_wait3A_85 = arith.constant 9216 : i32
        %dma_wait3A_86 = tpu.memref_slice %arg24[%dma_wait3A_85] : memref<10000xf32, #tpu.memory_space<vmem_shared>> -> memref<784xf32, #tpu.memory_space<vmem_shared>>
        %dma_wait3A_87 = arith.constant 9216 : i32
        %dma_wait3A_88 = tpu.memref_slice %arg24[%dma_wait3A_87] : memref<10000xf32, #tpu.memory_space<vmem_shared>> -> memref<784xf32, #tpu.memory_space<vmem_shared>>
        %dma_wait3A_89 = arith.constant 0 : i32
        %dma_wait3A_90 = tpu.memref_slice %arg22[%dma_wait3A_89] : memref<1024xf32, #tpu.memory_space<vmem>> -> memref<784xf32, #tpu.memory_space<vmem>>
        tpu.wait_dma2 semaphore(%run_scoped3A : memref<!tpu.dma_semaphore, #tpu.memory_space<semaphore_mem>>) src(%dma_wait3A_90 : memref<784xf32, #tpu.memory_space<vmem>>) dst(%dma_wait3A_88 : memref<784xf32, #tpu.memory_space<vmem_shared>>)
        tpu.yield
      }) : () -> ()
    } else {
    }
    %barrier3A = arith.constant 0 : index
    tpu.barrier barrier_id(%barrier3A)
    %mul3A = arith.constant 16 : i32
    %mul3A_20 = arith.muli %arg0, %mul3A : i32
    %add3A = arith.addi %mul3A_20, %arg1 : i32
    %mul3A_21 = arith.constant 10000 : i32
    %mul3A_22 = arith.muli %add3A, %mul3A_21 : i32
    %mul3A_23 = arith.constant 0 : i32
    %mul3A_24 = arith.constant 80 : i32
    %mul3A_25 = arith.muli %mul3A_23, %mul3A_24 : i32
    %add3A_26 = arith.addi %mul3A_22, %mul3A_25 : i32
    %dma_start3A = tpu.memref_slice %arg5[%add3A_26] : memref<320000xi32, #tpu.memory_space<hbm>> -> memref<80xi32, #tpu.memory_space<hbm>>
    %dma_start3A_27 = tpu.memref_slice %arg5[%add3A_26] : memref<320000xi32, #tpu.memory_space<hbm>> -> memref<80xi32, #tpu.memory_space<hbm>>
    tpu.enqueue_dma source(%dma_start3A_27 : memref<80xi32, #tpu.memory_space<hbm>>) target(%arg9 : memref<80xi32, #tpu.memory_space<vmem>>) target_semaphore(%arg25 : memref<!tpu.dma_semaphore, #tpu.memory_space<semaphore_mem>>)
    %mul3A_28 = arith.constant 0 : i32
    %mul3A_29 = arith.constant 80 : i32
    %mul3A_30 = arith.muli %mul3A_28, %mul3A_29 : i32
    %add3A_31 = arith.addi %mul3A_22, %mul3A_30 : i32
    %dma_start3A_32 = tpu.memref_slice %arg6[%add3A_31] : memref<320000xi32, #tpu.memory_space<hbm>> -> memref<80xi32, #tpu.memory_space<hbm>>
    %dma_start3A_33 = tpu.memref_slice %arg6[%add3A_31] : memref<320000xi32, #tpu.memory_space<hbm>> -> memref<80xi32, #tpu.memory_space<hbm>>
    tpu.enqueue_dma source(%dma_start3A_33 : memref<80xi32, #tpu.memory_space<hbm>>) target(%arg11 : memref<80xi32, #tpu.memory_space<vmem>>) target_semaphore(%arg25 : memref<!tpu.dma_semaphore, #tpu.memory_space<semaphore_mem>>)
    %mul3A_34 = arith.constant 0 : i32
    %mul3A_35 = arith.constant 80 : i32
    %mul3A_36 = arith.muli %mul3A_34, %mul3A_35 : i32
    %add3A_37 = arith.addi %mul3A_22, %mul3A_36 : i32
    %dma_wait3A = tpu.memref_slice %arg5[%add3A_37] : memref<320000xi32, #tpu.memory_space<hbm>> -> memref<80xi32, #tpu.memory_space<hbm>>
    %dma_wait3A_38 = tpu.memref_slice %arg5[%add3A_37] : memref<320000xi32, #tpu.memory_space<hbm>> -> memref<80xi32, #tpu.memory_space<hbm>>
    tpu.wait_dma2 semaphore(%arg25 : memref<!tpu.dma_semaphore, #tpu.memory_space<semaphore_mem>>) src(%dma_wait3A_38 : memref<80xi32, #tpu.memory_space<hbm>>) dst(%arg9 : memref<80xi32, #tpu.memory_space<vmem>>)
    %mul3A_39 = arith.constant 0 : i32
    %mul3A_40 = arith.constant 80 : i32
    %mul3A_41 = arith.muli %mul3A_39, %mul3A_40 : i32
    %add3A_42 = arith.addi %mul3A_22, %mul3A_41 : i32
    %dma_wait3A_43 = tpu.memref_slice %arg6[%add3A_42] : memref<320000xi32, #tpu.memory_space<hbm>> -> memref<80xi32, #tpu.memory_space<hbm>>
    %dma_wait3A_44 = tpu.memref_slice %arg6[%add3A_42] : memref<320000xi32, #tpu.memory_space<hbm>> -> memref<80xi32, #tpu.memory_space<hbm>>
    tpu.wait_dma2 semaphore(%arg25 : memref<!tpu.dma_semaphore, #tpu.memory_space<semaphore_mem>>) src(%dma_wait3A_44 : memref<80xi32, #tpu.memory_space<hbm>>) dst(%arg11 : memref<80xi32, #tpu.memory_space<vmem>>)
    %dma_start3A_45 = arith.constant 0 : i32
    %dma_start3A_46 = tpu.memref_slice %arg3[%dma_start3A_45] : memref<10000xf32, #tpu.memory_space<hbm>> -> memref<10000xf32, #tpu.memory_space<hbm>>
    tpu.enqueue_indirect_dma source(%dma_start3A_46 : memref<10000xf32, #tpu.memory_space<hbm>>) target(%arg13 : memref<80xf32, #tpu.memory_space<vmem>>) offsets(%arg9 : memref<80xi32, #tpu.memory_space<vmem>>) semaphore(%arg25 : memref<!tpu.dma_semaphore, #tpu.memory_space<semaphore_mem>>)
    %dma_start3A_47 = arith.constant 0 : i32
    %dma_start3A_48 = tpu.memref_slice %arg4[%dma_start3A_47] : memref<10000xf32, #tpu.memory_space<hbm>> -> memref<10000xf32, #tpu.memory_space<hbm>>
    tpu.enqueue_indirect_dma source(%dma_start3A_48 : memref<10000xf32, #tpu.memory_space<hbm>>) target(%arg15 : memref<80xf32, #tpu.memory_space<vmem>>) offsets(%arg11 : memref<80xi32, #tpu.memory_space<vmem>>) semaphore(%arg25 : memref<!tpu.dma_semaphore, #tpu.memory_space<semaphore_mem>>)
    %dma_start3A_49 = arith.constant 0 : i32
    %dma_start3A_50 = arith.constant 0 : i32
    %dma_start3A_51 = tpu.memref_slice %arg2[%dma_start3A_49, %dma_start3A_50] : memref<10000x128xf32, #tpu.memory_space<hbm>> -> memref<10000x128xf32, #tpu.memory_space<hbm>>
    tpu.enqueue_indirect_dma source(%dma_start3A_51 : memref<10000x128xf32, #tpu.memory_space<hbm>>) target(%arg18 : memref<80x128xf32, #tpu.memory_space<vmem>>) offsets(%arg9 : memref<80xi32, #tpu.memory_space<vmem>>) semaphore(%arg25 : memref<!tpu.dma_semaphore, #tpu.memory_space<semaphore_mem>>)
    %scan3A_52 = arith.constant 0 : i32
    %scan3A_53 = arith.constant 0 : i32
    %scan3A_54 = arith.constant 63 : i32
    %scan3A_55 = arith.addi %scan3A_53, %scan3A_54 : i32
    %scan3A_56 = arith.constant 1 : i32
    %scan3A_57 = scf.for %scan3A_75 = %scan3A_53 to %scan3A_55 step %scan3A_56 iter_args(%scan3A_76 = %scan3A_52) -> (i32)  : i32 {
      %mul3A_77 = arith.constant 2 : i32
      %mul3A_78 = arith.muli %mul3A_77, %scan3A_75 : i32
      %add3A_79 = arith.constant 1 : i32
      %add3A_80 = arith.addi %mul3A_78, %add3A_79 : i32
      %lt3A = arith.constant 125 : i32
      %lt3A_81 = arith.cmpi slt, %add3A_80, %lt3A : i32
      %convert_element_type3A_82 = arith.extui %lt3A_81 : i1 to i32
      %cond3A_83 = arith.constant 0 : i32
      %cond3A_84 = arith.cmpi ne, %convert_element_type3A_82, %cond3A_83 : i32
      scf.if %cond3A_84 {
        %mul3A_119 = arith.constant 80 : i32
        %mul3A_120 = arith.muli %add3A_80, %mul3A_119 : i32
        %add3A_121 = arith.addi %mul3A_22, %mul3A_120 : i32
        %dma_start3A_122 = tpu.memref_slice %arg5[%add3A_121] : memref<320000xi32, #tpu.memory_space<hbm>> -> memref<80xi32, #tpu.memory_space<hbm>>
        %dma_start3A_123 = tpu.memref_slice %arg5[%add3A_121] : memref<320000xi32, #tpu.memory_space<hbm>> -> memref<80xi32, #tpu.memory_space<hbm>>
        tpu.enqueue_dma source(%dma_start3A_123 : memref<80xi32, #tpu.memory_space<hbm>>) target(%arg10 : memref<80xi32, #tpu.memory_space<vmem>>) target_semaphore(%arg26 : memref<!tpu.dma_semaphore, #tpu.memory_space<semaphore_mem>>)
        %mul3A_124 = arith.constant 80 : i32
        %mul3A_125 = arith.muli %add3A_80, %mul3A_124 : i32
        %add3A_126 = arith.addi %mul3A_22, %mul3A_125 : i32
        %dma_start3A_127 = tpu.memref_slice %arg6[%add3A_126] : memref<320000xi32, #tpu.memory_space<hbm>> -> memref<80xi32, #tpu.memory_space<hbm>>
        %dma_start3A_128 = tpu.memref_slice %arg6[%add3A_126] : memref<320000xi32, #tpu.memory_space<hbm>> -> memref<80xi32, #tpu.memory_space<hbm>>
        tpu.enqueue_dma source(%dma_start3A_128 : memref<80xi32, #tpu.memory_space<hbm>>) target(%arg12 : memref<80xi32, #tpu.memory_space<vmem>>) target_semaphore(%arg26 : memref<!tpu.dma_semaphore, #tpu.memory_space<semaphore_mem>>)
        %mul3A_129 = arith.constant 80 : i32
        %mul3A_130 = arith.muli %add3A_80, %mul3A_129 : i32
        %add3A_131 = arith.addi %mul3A_22, %mul3A_130 : i32
        %dma_wait3A_132 = tpu.memref_slice %arg5[%add3A_131] : memref<320000xi32, #tpu.memory_space<hbm>> -> memref<80xi32, #tpu.memory_space<hbm>>
        %dma_wait3A_133 = tpu.memref_slice %arg5[%add3A_131] : memref<320000xi32, #tpu.memory_space<hbm>> -> memref<80xi32, #tpu.memory_space<hbm>>
        tpu.wait_dma2 semaphore(%arg26 : memref<!tpu.dma_semaphore, #tpu.memory_space<semaphore_mem>>) src(%dma_wait3A_133 : memref<80xi32, #tpu.memory_space<hbm>>) dst(%arg10 : memref<80xi32, #tpu.memory_space<vmem>>)
        %mul3A_134 = arith.constant 80 : i32
        %mul3A_135 = arith.muli %add3A_80, %mul3A_134 : i32
        %add3A_136 = arith.addi %mul3A_22, %mul3A_135 : i32
        %dma_wait3A_137 = tpu.memref_slice %arg6[%add3A_136] : memref<320000xi32, #tpu.memory_space<hbm>> -> memref<80xi32, #tpu.memory_space<hbm>>
        %dma_wait3A_138 = tpu.memref_slice %arg6[%add3A_136] : memref<320000xi32, #tpu.memory_space<hbm>> -> memref<80xi32, #tpu.memory_space<hbm>>
        tpu.wait_dma2 semaphore(%arg26 : memref<!tpu.dma_semaphore, #tpu.memory_space<semaphore_mem>>) src(%dma_wait3A_138 : memref<80xi32, #tpu.memory_space<hbm>>) dst(%arg12 : memref<80xi32, #tpu.memory_space<vmem>>)
        %dma_start3A_139 = arith.constant 0 : i32
        %dma_start3A_140 = tpu.memref_slice %arg3[%dma_start3A_139] : memref<10000xf32, #tpu.memory_space<hbm>> -> memref<10000xf32, #tpu.memory_space<hbm>>
        tpu.enqueue_indirect_dma source(%dma_start3A_140 : memref<10000xf32, #tpu.memory_space<hbm>>) target(%arg14 : memref<80xf32, #tpu.memory_space<vmem>>) offsets(%arg10 : memref<80xi32, #tpu.memory_space<vmem>>) semaphore(%arg26 : memref<!tpu.dma_semaphore, #tpu.memory_space<semaphore_mem>>)
        %dma_start3A_141 = arith.constant 0 : i32
        %dma_start3A_142 = tpu.memref_slice %arg4[%dma_start3A_141] : memref<10000xf32, #tpu.memory_space<hbm>> -> memref<10000xf32, #tpu.memory_space<hbm>>
        tpu.enqueue_indirect_dma source(%dma_start3A_142 : memref<10000xf32, #tpu.memory_space<hbm>>) target(%arg16 : memref<80xf32, #tpu.memory_space<vmem>>) offsets(%arg12 : memref<80xi32, #tpu.memory_space<vmem>>) semaphore(%arg26 : memref<!tpu.dma_semaphore, #tpu.memory_space<semaphore_mem>>)
        %dma_start3A_143 = arith.constant 0 : i32
        %dma_start3A_144 = arith.constant 0 : i32
        %dma_start3A_145 = tpu.memref_slice %arg2[%dma_start3A_143, %dma_start3A_144] : memref<10000x128xf32, #tpu.memory_space<hbm>> -> memref<10000x128xf32, #tpu.memory_space<hbm>>
        tpu.enqueue_indirect_dma source(%dma_start3A_145 : memref<10000x128xf32, #tpu.memory_space<hbm>>) target(%arg19 : memref<80x128xf32, #tpu.memory_space<vmem>>) offsets(%arg10 : memref<80xi32, #tpu.memory_space<vmem>>) semaphore(%arg26 : memref<!tpu.dma_semaphore, #tpu.memory_space<semaphore_mem>>)
      } else {
      }
      %dma_wait3A_85 = arith.constant 0 : i32
      %dma_wait3A_86 = tpu.memref_slice %arg3[%dma_wait3A_85] : memref<10000xf32, #tpu.memory_space<hbm>> -> memref<10000xf32, #tpu.memory_space<hbm>>
      tpu.wait_indirect_dma semaphore(%arg25 : memref<!tpu.dma_semaphore, #tpu.memory_space<semaphore_mem>>) src(%dma_wait3A_86 : memref<10000xf32, #tpu.memory_space<hbm>>) dst(%arg13 : memref<80xf32, #tpu.memory_space<vmem>>)
      %dma_wait3A_87 = arith.constant 0 : i32
      %dma_wait3A_88 = tpu.memref_slice %arg4[%dma_wait3A_87] : memref<10000xf32, #tpu.memory_space<hbm>> -> memref<10000xf32, #tpu.memory_space<hbm>>
      tpu.wait_indirect_dma semaphore(%arg25 : memref<!tpu.dma_semaphore, #tpu.memory_space<semaphore_mem>>) src(%dma_wait3A_88 : memref<10000xf32, #tpu.memory_space<hbm>>) dst(%arg15 : memref<80xf32, #tpu.memory_space<vmem>>)
      %dma_wait3A_89 = arith.constant 0 : i32
      %dma_wait3A_90 = arith.constant 0 : i32
      %dma_wait3A_91 = tpu.memref_slice %arg2[%dma_wait3A_89, %dma_wait3A_90] : memref<10000x128xf32, #tpu.memory_space<hbm>> -> memref<10000x128xf32, #tpu.memory_space<hbm>>
      tpu.wait_indirect_dma semaphore(%arg25 : memref<!tpu.dma_semaphore, #tpu.memory_space<semaphore_mem>>) src(%dma_wait3A_91 : memref<10000x128xf32, #tpu.memory_space<hbm>>) dst(%arg18 : memref<80x128xf32, #tpu.memory_space<vmem>>)
      %scan3A_92 = arith.constant 0 : i32
      %scan3A_93 = arith.constant 0 : i32
      %scan3A_94 = arith.constant 5 : i32
      %scan3A_95 = arith.addi %scan3A_93, %scan3A_94 : i32
      %scan3A_96 = arith.constant 1 : i32
      %scan3A_97 = scf.for %scan3A_119 = %scan3A_93 to %scan3A_95 step %scan3A_96 iter_args(%scan3A_120 = %scan3A_92) -> (i32)  : i32 {
        %mul3A_121 = arith.constant 16 : i32
        %mul3A_122 = arith.muli %scan3A_119, %mul3A_121 : i32
        %get3A = arith.index_cast %mul3A_122 : i32 to index
        %get3A_123 = tpu.vector_load %arg13[%get3A] {strides = array<i32>} : memref<80xf32, #tpu.memory_space<vmem>>, vector<16xf32>,
        %mul3A_124 = arith.constant 16 : i32
        %mul3A_125 = arith.muli %scan3A_119, %mul3A_124 : i32
        %get3A_126 = arith.index_cast %mul3A_125 : i32 to index
        %get3A_127 = tpu.vector_load %arg15[%get3A_126] {strides = array<i32>} : memref<80xf32, #tpu.memory_space<vmem>>, vector<16xf32>,
        %add3A_128 = arith.addf %get3A_123, %get3A_127 : vector<16xf32>
        %ge3A = arith.constant 0.000000e+00 : f32
        %ge3A_129 = vector.broadcast %ge3A : f32 to vector<16xf32>
        %ge3A_130 = arith.cmpf oge, %add3A_128, %ge3A_129 : vector<16xf32>
        %mul3A_131 = arith.constant 2.000000e-01 : f32
        %mul3A_132 = vector.broadcast %mul3A_131 : f32 to vector<16xf32>
        %mul3A_133 = arith.mulf %add3A_128, %mul3A_132 : vector<16xf32>
        %select_n3A = arith.select %ge3A_130, %add3A_128, %mul3A_133 : vector<16xi1>, vector<16xf32>
        %exp3A = math.exp %select_n3A : vector<16xf32>
        %mul3A_134 = arith.constant 16 : i32
        %mul3A_135 = arith.muli %scan3A_119, %mul3A_134 : i32
        %swap3A = arith.index_cast %mul3A_135 : i32 to index
        %swap3A_136 = tpu.vector_load %arg17[%swap3A] {strides = array<i32>} : memref<80xf32, #tpu.memory_space<vmem>>, vector<16xf32>,
        tpu.vector_store %arg17[%swap3A], %exp3A {strides = array<i32>} : memref<80xf32, #tpu.memory_space<vmem>>, vector<16xf32>,
        %scan3A_137 = arith.constant 0 : i32
        scf.yield %scan3A_137 : i32
      }
      %scan3A_98 = arith.constant 5 : i32
      "tpu.region"() ({
        %run_scoped3A = tpu.sem_alloc : memref<!tpu.dma_semaphore, #tpu.memory_space<semaphore_mem>>
        %dma_start3A_119 = arith.constant 0 : i32
        %dma_start3A_120 = tpu.memref_slice %arg24[%dma_start3A_119] : memref<10000xf32, #tpu.memory_space<vmem_shared>> -> memref<10000xf32, #tpu.memory_space<vmem_shared>>
        tpu.enqueue_indirect_dma source(%arg17 : memref<80xf32, #tpu.memory_space<vmem>>) target(%dma_start3A_120 : memref<10000xf32, #tpu.memory_space<vmem_shared>>) offsets(%arg11 : memref<80xi32, #tpu.memory_space<vmem>>) semaphore(%run_scoped3A : memref<!tpu.dma_semaphore, #tpu.memory_space<semaphore_mem>>) {add = true}
        %dma_wait3A_121 = arith.constant 0 : i32
        %dma_wait3A_122 = tpu.memref_slice %arg24[%dma_wait3A_121] : memref<10000xf32, #tpu.memory_space<vmem_shared>> -> memref<10000xf32, #tpu.memory_space<vmem_shared>>
        tpu.wait_indirect_dma semaphore(%run_scoped3A : memref<!tpu.dma_semaphore, #tpu.memory_space<semaphore_mem>>) src(%arg17 : memref<80xf32, #tpu.memory_space<vmem>>) dst(%dma_wait3A_122 : memref<10000xf32, #tpu.memory_space<vmem_shared>>)
        tpu.yield
      }) : () -> ()
      %scan3A_99 = arith.constant 0 : i32
      %scan3A_100 = arith.constant 0 : i32
      %scan3A_101 = arith.constant 80 : i32
      %scan3A_102 = arith.addi %scan3A_100, %scan3A_101 : i32
      %scan3A_103 = arith.constant 1 : i32
      %scan3A_104 = scf.for %scan3A_119 = %scan3A_100 to %scan3A_102 step %scan3A_103 iter_args(%scan3A_120 = %scan3A_99) -> (i32)  : i32 {
        %broadcast_in_dim3A = vector.broadcast %scan3A_119 : i32 to vector<16xi32>
        %gather3A = tpu.vector_load_idx %arg17[%broadcast_in_dim3A] : memref<80xf32, #tpu.memory_space<vmem>>[vector<16xi32>], vector<16xf32>,
        %get3A = arith.index_cast %scan3A_119 : i32 to index
        %get3A_121 = arith.constant 0 : index
        %get3A_122 = tpu.vector_load %arg18[%get3A, %get3A_121] {strides = array<i32>} : memref<80x128xf32, #tpu.memory_space<vmem>>, vector<16xf32>,
        %mul3A_123 = arith.mulf %get3A_122, %gather3A : vector<16xf32>
        %swap3A = arith.index_cast %scan3A_119 : i32 to index
        %swap3A_124 = arith.constant 0 : index
        %swap3A_125 = tpu.vector_load %arg20[%swap3A, %swap3A_124] {strides = array<i32>} : memref<80x128xf32, #tpu.memory_space<vmem>>, vector<16xf32>,
        tpu.vector_store %arg20[%swap3A, %swap3A_124], %mul3A_123 {strides = array<i32>} : memref<80x128xf32, #tpu.memory_space<vmem>>, vector<16xf32>,
        %get3A_126 = arith.index_cast %scan3A_119 : i32 to index
        %get3A_127 = arith.constant 16 : index
        %get3A_128 = tpu.vector_load %arg18[%get3A_126, %get3A_127] {strides = array<i32>} : memref<80x128xf32, #tpu.memory_space<vmem>>, vector<16xf32>,
        %mul3A_129 = arith.mulf %get3A_128, %gather3A : vector<16xf32>
        %swap3A_130 = arith.index_cast %scan3A_119 : i32 to index
        %swap3A_131 = arith.constant 16 : index
        %swap3A_132 = tpu.vector_load %arg20[%swap3A_130, %swap3A_131] {strides = array<i32>} : memref<80x128xf32, #tpu.memory_space<vmem>>, vector<16xf32>,
        tpu.vector_store %arg20[%swap3A_130, %swap3A_131], %mul3A_129 {strides = array<i32>} : memref<80x128xf32, #tpu.memory_space<vmem>>, vector<16xf32>,
        %get3A_133 = arith.index_cast %scan3A_119 : i32 to index
        %get3A_134 = arith.constant 32 : index
        %get3A_135 = tpu.vector_load %arg18[%get3A_133, %get3A_134] {strides = array<i32>} : memref<80x128xf32, #tpu.memory_space<vmem>>, vector<16xf32>,
        %mul3A_136 = arith.mulf %get3A_135, %gather3A : vector<16xf32>
        %swap3A_137 = arith.index_cast %scan3A_119 : i32 to index
        %swap3A_138 = arith.constant 32 : index
        %swap3A_139 = tpu.vector_load %arg20[%swap3A_137, %swap3A_138] {strides = array<i32>} : memref<80x128xf32, #tpu.memory_space<vmem>>, vector<16xf32>,
        tpu.vector_store %arg20[%swap3A_137, %swap3A_138], %mul3A_136 {strides = array<i32>} : memref<80x128xf32, #tpu.memory_space<vmem>>, vector<16xf32>,
        %get3A_140 = arith.index_cast %scan3A_119 : i32 to index
        %get3A_141 = arith.constant 48 : index
        %get3A_142 = tpu.vector_load %arg18[%get3A_140, %get3A_141] {strides = array<i32>} : memref<80x128xf32, #tpu.memory_space<vmem>>, vector<16xf32>,
        %mul3A_143 = arith.mulf %get3A_142, %gather3A : vector<16xf32>
        %swap3A_144 = arith.index_cast %scan3A_119 : i32 to index
        %swap3A_145 = arith.constant 48 : index
        %swap3A_146 = tpu.vector_load %arg20[%swap3A_144, %swap3A_145] {strides = array<i32>} : memref<80x128xf32, #tpu.memory_space<vmem>>, vector<16xf32>,
        tpu.vector_store %arg20[%swap3A_144, %swap3A_145], %mul3A_143 {strides = array<i32>} : memref<80x128xf32, #tpu.memory_space<vmem>>, vector<16xf32>,
        %get3A_147 = arith.index_cast %scan3A_119 : i32 to index
        %get3A_148 = arith.constant 64 : index
        %get3A_149 = tpu.vector_load %arg18[%get3A_147, %get3A_148] {strides = array<i32>} : memref<80x128xf32, #tpu.memory_space<vmem>>, vector<16xf32>,
        %mul3A_150 = arith.mulf %get3A_149, %gather3A : vector<16xf32>
        %swap3A_151 = arith.index_cast %scan3A_119 : i32 to index
        %swap3A_152 = arith.constant 64 : index
        %swap3A_153 = tpu.vector_load %arg20[%swap3A_151, %swap3A_152] {strides = array<i32>} : memref<80x128xf32, #tpu.memory_space<vmem>>, vector<16xf32>,
        tpu.vector_store %arg20[%swap3A_151, %swap3A_152], %mul3A_150 {strides = array<i32>} : memref<80x128xf32, #tpu.memory_space<vmem>>, vector<16xf32>,
        %get3A_154 = arith.index_cast %scan3A_119 : i32 to index
        %get3A_155 = arith.constant 80 : index
        %get3A_156 = tpu.vector_load %arg18[%get3A_154, %get3A_155] {strides = array<i32>} : memref<80x128xf32, #tpu.memory_space<vmem>>, vector<16xf32>,
        %mul3A_157 = arith.mulf %get3A_156, %gather3A : vector<16xf32>
        %swap3A_158 = arith.index_cast %scan3A_119 : i32 to index
        %swap3A_159 = arith.constant 80 : index
        %swap3A_160 = tpu.vector_load %arg20[%swap3A_158, %swap3A_159] {strides = array<i32>} : memref<80x128xf32, #tpu.memory_space<vmem>>, vector<16xf32>,
        tpu.vector_store %arg20[%swap3A_158, %swap3A_159], %mul3A_157 {strides = array<i32>} : memref<80x128xf32, #tpu.memory_space<vmem>>, vector<16xf32>,
        %get3A_161 = arith.index_cast %scan3A_119 : i32 to index
        %get3A_162 = arith.constant 96 : index
        %get3A_163 = tpu.vector_load %arg18[%get3A_161, %get3A_162] {strides = array<i32>} : memref<80x128xf32, #tpu.memory_space<vmem>>, vector<16xf32>,
        %mul3A_164 = arith.mulf %get3A_163, %gather3A : vector<16xf32>
        %swap3A_165 = arith.index_cast %scan3A_119 : i32 to index
        %swap3A_166 = arith.constant 96 : index
        %swap3A_167 = tpu.vector_load %arg20[%swap3A_165, %swap3A_166] {strides = array<i32>} : memref<80x128xf32, #tpu.memory_space<vmem>>, vector<16xf32>,
        tpu.vector_store %arg20[%swap3A_165, %swap3A_166], %mul3A_164 {strides = array<i32>} : memref<80x128xf32, #tpu.memory_space<vmem>>, vector<16xf32>,
        %get3A_168 = arith.index_cast %scan3A_119 : i32 to index
        %get3A_169 = arith.constant 112 : index
        %get3A_170 = tpu.vector_load %arg18[%get3A_168, %get3A_169] {strides = array<i32>} : memref<80x128xf32, #tpu.memory_space<vmem>>, vector<16xf32>,
        %mul3A_171 = arith.mulf %get3A_170, %gather3A : vector<16xf32>
        %swap3A_172 = arith.index_cast %scan3A_119 : i32 to index
        %swap3A_173 = arith.constant 112 : index
        %swap3A_174 = tpu.vector_load %arg20[%swap3A_172, %swap3A_173] {strides = array<i32>} : memref<80x128xf32, #tpu.memory_space<vmem>>, vector<16xf32>,
        tpu.vector_store %arg20[%swap3A_172, %swap3A_173], %mul3A_171 {strides = array<i32>} : memref<80x128xf32, #tpu.memory_space<vmem>>, vector<16xf32>,
        %scan3A_175 = arith.constant 0 : i32
        scf.yield %scan3A_175 : i32
      }
      %scan3A_105 = arith.constant 80 : i32
      "tpu.region"() ({
        %run_scoped3A = tpu.sem_alloc : memref<!tpu.dma_semaphore, #tpu.memory_space<semaphore_mem>>
        %dma_start3A_119 = arith.constant 0 : i32
        %dma_start3A_120 = arith.constant 0 : i32
        %dma_start3A_121 = tpu.memref_slice %arg23[%dma_start3A_119, %dma_start3A_120] : memref<10000x128xf32, #tpu.memory_space<vmem_shared>> -> memref<10000x128xf32, #tpu.memory_space<vmem_shared>>
        tpu.enqueue_indirect_dma source(%arg20 : memref<80x128xf32, #tpu.memory_space<vmem>>) target(%dma_start3A_121 : memref<10000x128xf32, #tpu.memory_space<vmem_shared>>) offsets(%arg11 : memref<80xi32, #tpu.memory_space<vmem>>) semaphore(%run_scoped3A : memref<!tpu.dma_semaphore, #tpu.memory_space<semaphore_mem>>) {add = true}
        %dma_wait3A_122 = arith.constant 0 : i32
        %dma_wait3A_123 = arith.constant 0 : i32
        %dma_wait3A_124 = tpu.memref_slice %arg23[%dma_wait3A_122, %dma_wait3A_123] : memref<10000x128xf32, #tpu.memory_space<vmem_shared>> -> memref<10000x128xf32, #tpu.memory_space<vmem_shared>>
        tpu.wait_indirect_dma semaphore(%run_scoped3A : memref<!tpu.dma_semaphore, #tpu.memory_space<semaphore_mem>>) src(%arg20 : memref<80x128xf32, #tpu.memory_space<vmem>>) dst(%dma_wait3A_124 : memref<10000x128xf32, #tpu.memory_space<vmem_shared>>)
        tpu.yield
      }) : () -> ()
      %add3A_106 = arith.constant 2 : i32
      %add3A_107 = arith.addi %mul3A_78, %add3A_106 : i32
      %lt3A_108 = arith.constant 125 : i32
      %lt3A_109 = arith.cmpi slt, %add3A_107, %lt3A_108 : i32
      %convert_element_type3A_110 = arith.extui %lt3A_109 : i1 to i32
      %cond3A_111 = arith.constant 0 : i32
      %cond3A_112 = arith.cmpi ne, %convert_element_type3A_110, %cond3A_111 : i32
      scf.if %cond3A_112 {
        %add3A_119 = arith.constant 2 : i32
        %add3A_120 = arith.addi %mul3A_78, %add3A_119 : i32
        %mul3A_121 = arith.constant 80 : i32
        %mul3A_122 = arith.muli %add3A_120, %mul3A_121 : i32
        %add3A_123 = arith.addi %mul3A_22, %mul3A_122 : i32
        %dma_start3A_124 = tpu.memref_slice %arg5[%add3A_123] : memref<320000xi32, #tpu.memory_space<hbm>> -> memref<80xi32, #tpu.memory_space<hbm>>
        %dma_start3A_125 = tpu.memref_slice %arg5[%add3A_123] : memref<320000xi32, #tpu.memory_space<hbm>> -> memref<80xi32, #tpu.memory_space<hbm>>
        tpu.enqueue_dma source(%dma_start3A_125 : memref<80xi32, #tpu.memory_space<hbm>>) target(%arg9 : memref<80xi32, #tpu.memory_space<vmem>>) target_semaphore(%arg25 : memref<!tpu.dma_semaphore, #tpu.memory_space<semaphore_mem>>)
        %mul3A_126 = arith.constant 80 : i32
        %mul3A_127 = arith.muli %add3A_120, %mul3A_126 : i32
        %add3A_128 = arith.addi %mul3A_22, %mul3A_127 : i32
        %dma_start3A_129 = tpu.memref_slice %arg6[%add3A_128] : memref<320000xi32, #tpu.memory_space<hbm>> -> memref<80xi32, #tpu.memory_space<hbm>>
        %dma_start3A_130 = tpu.memref_slice %arg6[%add3A_128] : memref<320000xi32, #tpu.memory_space<hbm>> -> memref<80xi32, #tpu.memory_space<hbm>>
        tpu.enqueue_dma source(%dma_start3A_130 : memref<80xi32, #tpu.memory_space<hbm>>) target(%arg11 : memref<80xi32, #tpu.memory_space<vmem>>) target_semaphore(%arg25 : memref<!tpu.dma_semaphore, #tpu.memory_space<semaphore_mem>>)
        %mul3A_131 = arith.constant 80 : i32
        %mul3A_132 = arith.muli %add3A_120, %mul3A_131 : i32
        %add3A_133 = arith.addi %mul3A_22, %mul3A_132 : i32
        %dma_wait3A_134 = tpu.memref_slice %arg5[%add3A_133] : memref<320000xi32, #tpu.memory_space<hbm>> -> memref<80xi32, #tpu.memory_space<hbm>>
        %dma_wait3A_135 = tpu.memref_slice %arg5[%add3A_133] : memref<320000xi32, #tpu.memory_space<hbm>> -> memref<80xi32, #tpu.memory_space<hbm>>
        tpu.wait_dma2 semaphore(%arg25 : memref<!tpu.dma_semaphore, #tpu.memory_space<semaphore_mem>>) src(%dma_wait3A_135 : memref<80xi32, #tpu.memory_space<hbm>>) dst(%arg9 : memref<80xi32, #tpu.memory_space<vmem>>)
        %mul3A_136 = arith.constant 80 : i32
        %mul3A_137 = arith.muli %add3A_120, %mul3A_136 : i32
        %add3A_138 = arith.addi %mul3A_22, %mul3A_137 : i32
        %dma_wait3A_139 = tpu.memref_slice %arg6[%add3A_138] : memref<320000xi32, #tpu.memory_space<hbm>> -> memref<80xi32, #tpu.memory_space<hbm>>
        %dma_wait3A_140 = tpu.memref_slice %arg6[%add3A_138] : memref<320000xi32, #tpu.memory_space<hbm>> -> memref<80xi32, #tpu.memory_space<hbm>>
        tpu.wait_dma2 semaphore(%arg25 : memref<!tpu.dma_semaphore, #tpu.memory_space<semaphore_mem>>) src(%dma_wait3A_140 : memref<80xi32, #tpu.memory_space<hbm>>) dst(%arg11 : memref<80xi32, #tpu.memory_space<vmem>>)
        %dma_start3A_141 = arith.constant 0 : i32
        %dma_start3A_142 = tpu.memref_slice %arg3[%dma_start3A_141] : memref<10000xf32, #tpu.memory_space<hbm>> -> memref<10000xf32, #tpu.memory_space<hbm>>
        tpu.enqueue_indirect_dma source(%dma_start3A_142 : memref<10000xf32, #tpu.memory_space<hbm>>) target(%arg13 : memref<80xf32, #tpu.memory_space<vmem>>) offsets(%arg9 : memref<80xi32, #tpu.memory_space<vmem>>) semaphore(%arg25 : memref<!tpu.dma_semaphore, #tpu.memory_space<semaphore_mem>>)
        %dma_start3A_143 = arith.constant 0 : i32
        %dma_start3A_144 = tpu.memref_slice %arg4[%dma_start3A_143] : memref<10000xf32, #tpu.memory_space<hbm>> -> memref<10000xf32, #tpu.memory_space<hbm>>
        tpu.enqueue_indirect_dma source(%dma_start3A_144 : memref<10000xf32, #tpu.memory_space<hbm>>) target(%arg15 : memref<80xf32, #tpu.memory_space<vmem>>) offsets(%arg11 : memref<80xi32, #tpu.memory_space<vmem>>) semaphore(%arg25 : memref<!tpu.dma_semaphore, #tpu.memory_space<semaphore_mem>>)
        %dma_start3A_145 = arith.constant 0 : i32
        %dma_start3A_146 = arith.constant 0 : i32
        %dma_start3A_147 = tpu.memref_slice %arg2[%dma_start3A_145, %dma_start3A_146] : memref<10000x128xf32, #tpu.memory_space<hbm>> -> memref<10000x128xf32, #tpu.memory_space<hbm>>
        tpu.enqueue_indirect_dma source(%dma_start3A_147 : memref<10000x128xf32, #tpu.memory_space<hbm>>) target(%arg18 : memref<80x128xf32, #tpu.memory_space<vmem>>) offsets(%arg9 : memref<80xi32, #tpu.memory_space<vmem>>) semaphore(%arg25 : memref<!tpu.dma_semaphore, #tpu.memory_space<semaphore_mem>>)
      } else {
      }
      %lt3A_113 = arith.constant 125 : i32
      %lt3A_114 = arith.cmpi slt, %add3A_80, %lt3A_113 : i32
      %convert_element_type3A_115 = arith.extui %lt3A_114 : i1 to i32
      %cond3A_116 = arith.constant 0 : i32
      %cond3A_117 = arith.cmpi ne, %convert_element_type3A_115, %cond3A_116 : i32
      scf.if %cond3A_117 {
        %dma_wait3A_119 = arith.constant 0 : i32
        %dma_wait3A_120 = tpu.memref_slice %arg3[%dma_wait3A_119] : memref<10000xf32, #tpu.memory_space<hbm>> -> memref<10000xf32, #tpu.memory_space<hbm>>
        tpu.wait_indirect_dma semaphore(%arg26 : memref<!tpu.dma_semaphore, #tpu.memory_space<semaphore_mem>>) src(%dma_wait3A_120 : memref<10000xf32, #tpu.memory_space<hbm>>) dst(%arg14 : memref<80xf32, #tpu.memory_space<vmem>>)
        %dma_wait3A_121 = arith.constant 0 : i32
        %dma_wait3A_122 = tpu.memref_slice %arg4[%dma_wait3A_121] : memref<10000xf32, #tpu.memory_space<hbm>> -> memref<10000xf32, #tpu.memory_space<hbm>>
        tpu.wait_indirect_dma semaphore(%arg26 : memref<!tpu.dma_semaphore, #tpu.memory_space<semaphore_mem>>) src(%dma_wait3A_122 : memref<10000xf32, #tpu.memory_space<hbm>>) dst(%arg16 : memref<80xf32, #tpu.memory_space<vmem>>)
        %dma_wait3A_123 = arith.constant 0 : i32
        %dma_wait3A_124 = arith.constant 0 : i32
        %dma_wait3A_125 = tpu.memref_slice %arg2[%dma_wait3A_123, %dma_wait3A_124] : memref<10000x128xf32, #tpu.memory_space<hbm>> -> memref<10000x128xf32, #tpu.memory_space<hbm>>
        tpu.wait_indirect_dma semaphore(%arg26 : memref<!tpu.dma_semaphore, #tpu.memory_space<semaphore_mem>>) src(%dma_wait3A_125 : memref<10000x128xf32, #tpu.memory_space<hbm>>) dst(%arg19 : memref<80x128xf32, #tpu.memory_space<vmem>>)
        %scan3A_126 = arith.constant 0 : i32
        %scan3A_127 = arith.constant 0 : i32
        %scan3A_128 = arith.constant 5 : i32
        %scan3A_129 = arith.addi %scan3A_127, %scan3A_128 : i32
        %scan3A_130 = arith.constant 1 : i32
        %scan3A_131 = scf.for %scan3A_140 = %scan3A_127 to %scan3A_129 step %scan3A_130 iter_args(%scan3A_141 = %scan3A_126) -> (i32)  : i32 {
          %mul3A_142 = arith.constant 16 : i32
          %mul3A_143 = arith.muli %scan3A_140, %mul3A_142 : i32
          %get3A = arith.index_cast %mul3A_143 : i32 to index
          %get3A_144 = tpu.vector_load %arg14[%get3A] {strides = array<i32>} : memref<80xf32, #tpu.memory_space<vmem>>, vector<16xf32>,
          %mul3A_145 = arith.constant 16 : i32
          %mul3A_146 = arith.muli %scan3A_140, %mul3A_145 : i32
          %get3A_147 = arith.index_cast %mul3A_146 : i32 to index
          %get3A_148 = tpu.vector_load %arg16[%get3A_147] {strides = array<i32>} : memref<80xf32, #tpu.memory_space<vmem>>, vector<16xf32>,
          %add3A_149 = arith.addf %get3A_144, %get3A_148 : vector<16xf32>
          %ge3A = arith.constant 0.000000e+00 : f32
          %ge3A_150 = vector.broadcast %ge3A : f32 to vector<16xf32>
          %ge3A_151 = arith.cmpf oge, %add3A_149, %ge3A_150 : vector<16xf32>
          %mul3A_152 = arith.constant 2.000000e-01 : f32
          %mul3A_153 = vector.broadcast %mul3A_152 : f32 to vector<16xf32>
          %mul3A_154 = arith.mulf %add3A_149, %mul3A_153 : vector<16xf32>
          %select_n3A = arith.select %ge3A_151, %add3A_149, %mul3A_154 : vector<16xi1>, vector<16xf32>
          %exp3A = math.exp %select_n3A : vector<16xf32>
          %mul3A_155 = arith.constant 16 : i32
          %mul3A_156 = arith.muli %scan3A_140, %mul3A_155 : i32
          %swap3A = arith.index_cast %mul3A_156 : i32 to index
          %swap3A_157 = tpu.vector_load %arg17[%swap3A] {strides = array<i32>} : memref<80xf32, #tpu.memory_space<vmem>>, vector<16xf32>,
          tpu.vector_store %arg17[%swap3A], %exp3A {strides = array<i32>} : memref<80xf32, #tpu.memory_space<vmem>>, vector<16xf32>,
          %scan3A_158 = arith.constant 0 : i32
          scf.yield %scan3A_158 : i32
        }
        %scan3A_132 = arith.constant 5 : i32
        "tpu.region"() ({
          %run_scoped3A = tpu.sem_alloc : memref<!tpu.dma_semaphore, #tpu.memory_space<semaphore_mem>>
          %dma_start3A_140 = arith.constant 0 : i32
          %dma_start3A_141 = tpu.memref_slice %arg24[%dma_start3A_140] : memref<10000xf32, #tpu.memory_space<vmem_shared>> -> memref<10000xf32, #tpu.memory_space<vmem_shared>>
          tpu.enqueue_indirect_dma source(%arg17 : memref<80xf32, #tpu.memory_space<vmem>>) target(%dma_start3A_141 : memref<10000xf32, #tpu.memory_space<vmem_shared>>) offsets(%arg12 : memref<80xi32, #tpu.memory_space<vmem>>) semaphore(%run_scoped3A : memref<!tpu.dma_semaphore, #tpu.memory_space<semaphore_mem>>) {add = true}
          %dma_wait3A_142 = arith.constant 0 : i32
          %dma_wait3A_143 = tpu.memref_slice %arg24[%dma_wait3A_142] : memref<10000xf32, #tpu.memory_space<vmem_shared>> -> memref<10000xf32, #tpu.memory_space<vmem_shared>>
          tpu.wait_indirect_dma semaphore(%run_scoped3A : memref<!tpu.dma_semaphore, #tpu.memory_space<semaphore_mem>>) src(%arg17 : memref<80xf32, #tpu.memory_space<vmem>>) dst(%dma_wait3A_143 : memref<10000xf32, #tpu.memory_space<vmem_shared>>)
          tpu.yield
        }) : () -> ()
        %scan3A_133 = arith.constant 0 : i32
        %scan3A_134 = arith.constant 0 : i32
        %scan3A_135 = arith.constant 80 : i32
        %scan3A_136 = arith.addi %scan3A_134, %scan3A_135 : i32
        %scan3A_137 = arith.constant 1 : i32
        %scan3A_138 = scf.for %scan3A_140 = %scan3A_134 to %scan3A_136 step %scan3A_137 iter_args(%scan3A_141 = %scan3A_133) -> (i32)  : i32 {
          %broadcast_in_dim3A = vector.broadcast %scan3A_140 : i32 to vector<16xi32>
          %gather3A = tpu.vector_load_idx %arg17[%broadcast_in_dim3A] : memref<80xf32, #tpu.memory_space<vmem>>[vector<16xi32>], vector<16xf32>,
          %get3A = arith.index_cast %scan3A_140 : i32 to index
          %get3A_142 = arith.constant 0 : index
          %get3A_143 = tpu.vector_load %arg19[%get3A, %get3A_142] {strides = array<i32>} : memref<80x128xf32, #tpu.memory_space<vmem>>, vector<16xf32>,
          %mul3A_144 = arith.mulf %get3A_143, %gather3A : vector<16xf32>
          %swap3A = arith.index_cast %scan3A_140 : i32 to index
          %swap3A_145 = arith.constant 0 : index
          %swap3A_146 = tpu.vector_load %arg20[%swap3A, %swap3A_145] {strides = array<i32>} : memref<80x128xf32, #tpu.memory_space<vmem>>, vector<16xf32>,
          tpu.vector_store %arg20[%swap3A, %swap3A_145], %mul3A_144 {strides = array<i32>} : memref<80x128xf32, #tpu.memory_space<vmem>>, vector<16xf32>,
          %get3A_147 = arith.index_cast %scan3A_140 : i32 to index
          %get3A_148 = arith.constant 16 : index
          %get3A_149 = tpu.vector_load %arg19[%get3A_147, %get3A_148] {strides = array<i32>} : memref<80x128xf32, #tpu.memory_space<vmem>>, vector<16xf32>,
          %mul3A_150 = arith.mulf %get3A_149, %gather3A : vector<16xf32>
          %swap3A_151 = arith.index_cast %scan3A_140 : i32 to index
          %swap3A_152 = arith.constant 16 : index
          %swap3A_153 = tpu.vector_load %arg20[%swap3A_151, %swap3A_152] {strides = array<i32>} : memref<80x128xf32, #tpu.memory_space<vmem>>, vector<16xf32>,
          tpu.vector_store %arg20[%swap3A_151, %swap3A_152], %mul3A_150 {strides = array<i32>} : memref<80x128xf32, #tpu.memory_space<vmem>>, vector<16xf32>,
          %get3A_154 = arith.index_cast %scan3A_140 : i32 to index
          %get3A_155 = arith.constant 32 : index
          %get3A_156 = tpu.vector_load %arg19[%get3A_154, %get3A_155] {strides = array<i32>} : memref<80x128xf32, #tpu.memory_space<vmem>>, vector<16xf32>,
          %mul3A_157 = arith.mulf %get3A_156, %gather3A : vector<16xf32>
          %swap3A_158 = arith.index_cast %scan3A_140 : i32 to index
          %swap3A_159 = arith.constant 32 : index
          %swap3A_160 = tpu.vector_load %arg20[%swap3A_158, %swap3A_159] {strides = array<i32>} : memref<80x128xf32, #tpu.memory_space<vmem>>, vector<16xf32>,
          tpu.vector_store %arg20[%swap3A_158, %swap3A_159], %mul3A_157 {strides = array<i32>} : memref<80x128xf32, #tpu.memory_space<vmem>>, vector<16xf32>,
          %get3A_161 = arith.index_cast %scan3A_140 : i32 to index
          %get3A_162 = arith.constant 48 : index
          %get3A_163 = tpu.vector_load %arg19[%get3A_161, %get3A_162] {strides = array<i32>} : memref<80x128xf32, #tpu.memory_space<vmem>>, vector<16xf32>,
          %mul3A_164 = arith.mulf %get3A_163, %gather3A : vector<16xf32>
          %swap3A_165 = arith.index_cast %scan3A_140 : i32 to index
          %swap3A_166 = arith.constant 48 : index
          %swap3A_167 = tpu.vector_load %arg20[%swap3A_165, %swap3A_166] {strides = array<i32>} : memref<80x128xf32, #tpu.memory_space<vmem>>, vector<16xf32>,
          tpu.vector_store %arg20[%swap3A_165, %swap3A_166], %mul3A_164 {strides = array<i32>} : memref<80x128xf32, #tpu.memory_space<vmem>>, vector<16xf32>,
          %get3A_168 = arith.index_cast %scan3A_140 : i32 to index
          %get3A_169 = arith.constant 64 : index
          %get3A_170 = tpu.vector_load %arg19[%get3A_168, %get3A_169] {strides = array<i32>} : memref<80x128xf32, #tpu.memory_space<vmem>>, vector<16xf32>,
          %mul3A_171 = arith.mulf %get3A_170, %gather3A : vector<16xf32>
          %swap3A_172 = arith.index_cast %scan3A_140 : i32 to index
          %swap3A_173 = arith.constant 64 : index
          %swap3A_174 = tpu.vector_load %arg20[%swap3A_172, %swap3A_173] {strides = array<i32>} : memref<80x128xf32, #tpu.memory_space<vmem>>, vector<16xf32>,
          tpu.vector_store %arg20[%swap3A_172, %swap3A_173], %mul3A_171 {strides = array<i32>} : memref<80x128xf32, #tpu.memory_space<vmem>>, vector<16xf32>,
          %get3A_175 = arith.index_cast %scan3A_140 : i32 to index
          %get3A_176 = arith.constant 80 : index
          %get3A_177 = tpu.vector_load %arg19[%get3A_175, %get3A_176] {strides = array<i32>} : memref<80x128xf32, #tpu.memory_space<vmem>>, vector<16xf32>,
          %mul3A_178 = arith.mulf %get3A_177, %gather3A : vector<16xf32>
          %swap3A_179 = arith.index_cast %scan3A_140 : i32 to index
          %swap3A_180 = arith.constant 80 : index
          %swap3A_181 = tpu.vector_load %arg20[%swap3A_179, %swap3A_180] {strides = array<i32>} : memref<80x128xf32, #tpu.memory_space<vmem>>, vector<16xf32>,
          tpu.vector_store %arg20[%swap3A_179, %swap3A_180], %mul3A_178 {strides = array<i32>} : memref<80x128xf32, #tpu.memory_space<vmem>>, vector<16xf32>,
          %get3A_182 = arith.index_cast %scan3A_140 : i32 to index
          %get3A_183 = arith.constant 96 : index
          %get3A_184 = tpu.vector_load %arg19[%get3A_182, %get3A_183] {strides = array<i32>} : memref<80x128xf32, #tpu.memory_space<vmem>>, vector<16xf32>,
          %mul3A_185 = arith.mulf %get3A_184, %gather3A : vector<16xf32>
          %swap3A_186 = arith.index_cast %scan3A_140 : i32 to index
          %swap3A_187 = arith.constant 96 : index
          %swap3A_188 = tpu.vector_load %arg20[%swap3A_186, %swap3A_187] {strides = array<i32>} : memref<80x128xf32, #tpu.memory_space<vmem>>, vector<16xf32>,
          tpu.vector_store %arg20[%swap3A_186, %swap3A_187], %mul3A_185 {strides = array<i32>} : memref<80x128xf32, #tpu.memory_space<vmem>>, vector<16xf32>,
          %get3A_189 = arith.index_cast %scan3A_140 : i32 to index
          %get3A_190 = arith.constant 112 : index
          %get3A_191 = tpu.vector_load %arg19[%get3A_189, %get3A_190] {strides = array<i32>} : memref<80x128xf32, #tpu.memory_space<vmem>>, vector<16xf32>,
          %mul3A_192 = arith.mulf %get3A_191, %gather3A : vector<16xf32>
          %swap3A_193 = arith.index_cast %scan3A_140 : i32 to index
          %swap3A_194 = arith.constant 112 : index
          %swap3A_195 = tpu.vector_load %arg20[%swap3A_193, %swap3A_194] {strides = array<i32>} : memref<80x128xf32, #tpu.memory_space<vmem>>, vector<16xf32>,
          tpu.vector_store %arg20[%swap3A_193, %swap3A_194], %mul3A_192 {strides = array<i32>} : memref<80x128xf32, #tpu.memory_space<vmem>>, vector<16xf32>,
          %scan3A_196 = arith.constant 0 : i32
          scf.yield %scan3A_196 : i32
        }
        %scan3A_139 = arith.constant 80 : i32
        "tpu.region"() ({
          %run_scoped3A = tpu.sem_alloc : memref<!tpu.dma_semaphore, #tpu.memory_space<semaphore_mem>>
          %dma_start3A_140 = arith.constant 0 : i32
          %dma_start3A_141 = arith.constant 0 : i32
          %dma_start3A_142 = tpu.memref_slice %arg23[%dma_start3A_140, %dma_start3A_141] : memref<10000x128xf32, #tpu.memory_space<vmem_shared>> -> memref<10000x128xf32, #tpu.memory_space<vmem_shared>>
          tpu.enqueue_indirect_dma source(%arg20 : memref<80x128xf32, #tpu.memory_space<vmem>>) target(%dma_start3A_142 : memref<10000x128xf32, #tpu.memory_space<vmem_shared>>) offsets(%arg12 : memref<80xi32, #tpu.memory_space<vmem>>) semaphore(%run_scoped3A : memref<!tpu.dma_semaphore, #tpu.memory_space<semaphore_mem>>) {add = true}
          %dma_wait3A_143 = arith.constant 0 : i32
          %dma_wait3A_144 = arith.constant 0 : i32
          %dma_wait3A_145 = tpu.memref_slice %arg23[%dma_wait3A_143, %dma_wait3A_144] : memref<10000x128xf32, #tpu.memory_space<vmem_shared>> -> memref<10000x128xf32, #tpu.memory_space<vmem_shared>>
          tpu.wait_indirect_dma semaphore(%run_scoped3A : memref<!tpu.dma_semaphore, #tpu.memory_space<semaphore_mem>>) src(%arg20 : memref<80x128xf32, #tpu.memory_space<vmem>>) dst(%dma_wait3A_145 : memref<10000x128xf32, #tpu.memory_space<vmem_shared>>)
          tpu.yield
        }) : () -> ()
      } else {
      }
      %scan3A_118 = arith.constant 0 : i32
      scf.yield %scan3A_118 : i32
    }
    %scan3A_58 = arith.constant 63 : i32
    %barrier3A_59 = arith.constant 0 : index
    tpu.barrier barrier_id(%barrier3A_59)
    %eq3A_60 = arith.constant 0 : i32
    %eq3A_61 = arith.cmpi eq, %arg0, %eq3A_60 : i32
    %eq3A_62 = arith.constant 0 : i32
    %eq3A_63 = arith.cmpi eq, %arg1, %eq3A_62 : i32
    %and3A = arith.andi %eq3A_61, %eq3A_63 : i1
    %convert_element_type3A_64 = arith.extui %and3A : i1 to i32
    %cond3A_65 = arith.constant 0 : i32
    %cond3A_66 = arith.cmpi ne, %convert_element_type3A_64, %cond3A_65 : i32
    scf.if %cond3A_66 {
      %run_scoped3A = arith.constant 0 : i32
      "tpu.region"() ({
        %run_scoped3A_76 = tpu.sem_alloc : memref<!tpu.dma_semaphore, #tpu.memory_space<semaphore_mem>>
        %dma_start3A_77 = arith.constant 0 : i32
        %dma_start3A_78 = arith.constant 0 : i32
        %dma_start3A_79 = tpu.memref_slice %arg7[%run_scoped3A, %dma_start3A_77, %dma_start3A_78] : memref<2x10000x128xf32, #tpu.memory_space<hbm>> -> memref<1x10000x128xf32, #tpu.memory_space<hbm>>
        %dma_start3A_80 = tpu.memref_squeeze %dma_start3A_79 : memref<1x10000x128xf32, #tpu.memory_space<hbm>> -> memref<10000x128xf32, #tpu.memory_space<hbm>>
        tpu.enqueue_dma source(%arg23 : memref<10000x128xf32, #tpu.memory_space<vmem_shared>>) target(%dma_start3A_80 : memref<10000x128xf32, #tpu.memory_space<hbm>>) target_semaphore(%run_scoped3A_76 : memref<!tpu.dma_semaphore, #tpu.memory_space<semaphore_mem>>)
        %dma_wait3A_81 = arith.constant 0 : i32
        %dma_wait3A_82 = arith.constant 0 : i32
        %dma_wait3A_83 = tpu.memref_slice %arg7[%run_scoped3A, %dma_wait3A_81, %dma_wait3A_82] : memref<2x10000x128xf32, #tpu.memory_space<hbm>> -> memref<1x10000x128xf32, #tpu.memory_space<hbm>>
        %dma_wait3A_84 = tpu.memref_squeeze %dma_wait3A_83 : memref<1x10000x128xf32, #tpu.memory_space<hbm>> -> memref<10000x128xf32, #tpu.memory_space<hbm>>
        tpu.wait_dma2 semaphore(%run_scoped3A_76 : memref<!tpu.dma_semaphore, #tpu.memory_space<semaphore_mem>>) src(%arg23 : memref<10000x128xf32, #tpu.memory_space<vmem_shared>>) dst(%dma_wait3A_84 : memref<10000x128xf32, #tpu.memory_space<hbm>>)
        tpu.yield
      }) : () -> ()
      %run_scoped3A_75 = arith.constant 0 : i32
      "tpu.region"() ({
        %run_scoped3A_76 = tpu.sem_alloc : memref<!tpu.dma_semaphore, #tpu.memory_space<semaphore_mem>>
        %dma_start3A_77 = arith.constant 0 : i32
        %dma_start3A_78 = tpu.memref_slice %arg8[%run_scoped3A_75, %dma_start3A_77] : memref<2x10000xf32, #tpu.memory_space<hbm>> -> memref<1x10000xf32, #tpu.memory_space<hbm>>
        %dma_start3A_79 = tpu.memref_squeeze %dma_start3A_78 : memref<1x10000xf32, #tpu.memory_space<hbm>> -> memref<10000xf32, #tpu.memory_space<hbm>>
        tpu.enqueue_dma source(%arg24 : memref<10000xf32, #tpu.memory_space<vmem_shared>>) target(%dma_start3A_79 : memref<10000xf32, #tpu.memory_space<hbm>>) target_semaphore(%run_scoped3A_76 : memref<!tpu.dma_semaphore, #tpu.memory_space<semaphore_mem>>)
        %dma_wait3A_80 = arith.constant 0 : i32
        %dma_wait3A_81 = tpu.memref_slice %arg8[%run_scoped3A_75, %dma_wait3A_80] : memref<2x10000xf32, #tpu.memory_space<hbm>> -> memref<1x10000xf32, #tpu.memory_space<hbm>>
        %dma_wait3A_82 = tpu.memref_squeeze %dma_wait3A_81 : memref<1x10000xf32, #tpu.memory_space<hbm>> -> memref<10000xf32, #tpu.memory_space<hbm>>
        tpu.wait_dma2 semaphore(%run_scoped3A_76 : memref<!tpu.dma_semaphore, #tpu.memory_space<semaphore_mem>>) src(%arg24 : memref<10000xf32, #tpu.memory_space<vmem_shared>>) dst(%dma_wait3A_82 : memref<10000xf32, #tpu.memory_space<hbm>>)
        tpu.yield
      }) : () -> ()
    } else {
    }
    %eq3A_67 = arith.constant 1 : i32
    %eq3A_68 = arith.cmpi eq, %arg0, %eq3A_67 : i32
    %eq3A_69 = arith.constant 0 : i32
    %eq3A_70 = arith.cmpi eq, %arg1, %eq3A_69 : i32
    %and3A_71 = arith.andi %eq3A_68, %eq3A_70 : i1
    %convert_element_type3A_72 = arith.extui %and3A_71 : i1 to i32
    %cond3A_73 = arith.constant 0 : i32
    %cond3A_74 = arith.cmpi ne, %convert_element_type3A_72, %cond3A_73 : i32
    scf.if %cond3A_74 {
      %run_scoped3A = arith.constant 1 : i32
      "tpu.region"() ({
        %run_scoped3A_76 = tpu.sem_alloc : memref<!tpu.dma_semaphore, #tpu.memory_space<semaphore_mem>>
        %dma_start3A_77 = arith.constant 0 : i32
        %dma_start3A_78 = arith.constant 0 : i32
        %dma_start3A_79 = tpu.memref_slice %arg7[%run_scoped3A, %dma_start3A_77, %dma_start3A_78] : memref<2x10000x128xf32, #tpu.memory_space<hbm>> -> memref<1x10000x128xf32, #tpu.memory_space<hbm>>
        %dma_start3A_80 = tpu.memref_squeeze %dma_start3A_79 : memref<1x10000x128xf32, #tpu.memory_space<hbm>> -> memref<10000x128xf32, #tpu.memory_space<hbm>>
        tpu.enqueue_dma source(%arg23 : memref<10000x128xf32, #tpu.memory_space<vmem_shared>>) target(%dma_start3A_80 : memref<10000x128xf32, #tpu.memory_space<hbm>>) target_semaphore(%run_scoped3A_76 : memref<!tpu.dma_semaphore, #tpu.memory_space<semaphore_mem>>)
        %dma_wait3A_81 = arith.constant 0 : i32
        %dma_wait3A_82 = arith.constant 0 : i32
        %dma_wait3A_83 = tpu.memref_slice %arg7[%run_scoped3A, %dma_wait3A_81, %dma_wait3A_82] : memref<2x10000x128xf32, #tpu.memory_space<hbm>> -> memref<1x10000x128xf32, #tpu.memory_space<hbm>>
        %dma_wait3A_84 = tpu.memref_squeeze %dma_wait3A_83 : memref<1x10000x128xf32, #tpu.memory_space<hbm>> -> memref<10000x128xf32, #tpu.memory_space<hbm>>
        tpu.wait_dma2 semaphore(%run_scoped3A_76 : memref<!tpu.dma_semaphore, #tpu.memory_space<semaphore_mem>>) src(%arg23 : memref<10000x128xf32, #tpu.memory_space<vmem_shared>>) dst(%dma_wait3A_84 : memref<10000x128xf32, #tpu.memory_space<hbm>>)
        tpu.yield
      }) : () -> ()
      %run_scoped3A_75 = arith.constant 1 : i32
      "tpu.region"() ({
        %run_scoped3A_76 = tpu.sem_alloc : memref<!tpu.dma_semaphore, #tpu.memory_space<semaphore_mem>>
        %dma_start3A_77 = arith.constant 0 : i32
        %dma_start3A_78 = tpu.memref_slice %arg8[%run_scoped3A_75, %dma_start3A_77] : memref<2x10000xf32, #tpu.memory_space<hbm>> -> memref<1x10000xf32, #tpu.memory_space<hbm>>
        %dma_start3A_79 = tpu.memref_squeeze %dma_start3A_78 : memref<1x10000xf32, #tpu.memory_space<hbm>> -> memref<10000xf32, #tpu.memory_space<hbm>>
        tpu.enqueue_dma source(%arg24 : memref<10000xf32, #tpu.memory_space<vmem_shared>>) target(%dma_start3A_79 : memref<10000xf32, #tpu.memory_space<hbm>>) target_semaphore(%run_scoped3A_76 : memref<!tpu.dma_semaphore, #tpu.memory_space<semaphore_mem>>)
        %dma_wait3A_80 = arith.constant 0 : i32
        %dma_wait3A_81 = tpu.memref_slice %arg8[%run_scoped3A_75, %dma_wait3A_80] : memref<2x10000xf32, #tpu.memory_space<hbm>> -> memref<1x10000xf32, #tpu.memory_space<hbm>>
        %dma_wait3A_82 = tpu.memref_squeeze %dma_wait3A_81 : memref<1x10000xf32, #tpu.memory_space<hbm>> -> memref<10000xf32, #tpu.memory_space<hbm>>
        tpu.wait_dma2 semaphore(%run_scoped3A_76 : memref<!tpu.dma_semaphore, #tpu.memory_space<semaphore_mem>>) src(%arg24 : memref<10000xf32, #tpu.memory_space<vmem_shared>>) dst(%dma_wait3A_82 : memref<10000xf32, #tpu.memory_space<hbm>>)
        tpu.yield
      }) : () -> ()
    } else {
    }
    return
  }
}

module attributes {stable_mosaic.version = 14 : i64} {
  func.func @_prep_body(%arg0: i32, %arg1: memref<1024x128xf32, #tpu.memory_space<vmem>>, %arg2: memref<128x128xf32, #tpu.memory_space<vmem>>, %arg3: memref<128x1xf32, #tpu.memory_space<vmem>>, %arg4: memref<128x1xf32, #tpu.memory_space<vmem>>, %arg5: memref<1024x128xf32, #tpu.memory_space<vmem>>, %arg6: memref<1024x1xf32, #tpu.memory_space<vmem>>, %arg7: memref<1024x1xf32, #tpu.memory_space<vmem>>) attributes {dimension_semantics = [#tpu.dimension_semantics<arbitrary>], iteration_bounds = array<i64: 10>, scalar_prefetch = 0 : i64, scratch_operands = 0 : i64, tpu.core_type = #tpu.core_type<tc>, window_params = [{transform_indices = @transform_0, window_bounds = array<i64: 1024, 128>}, {pipeline_mode = #tpu.pipeline_mode<synchronous>, transform_indices = @transform_1, window_bounds = array<i64: 128, 128>}, {pipeline_mode = #tpu.pipeline_mode<synchronous>, transform_indices = @transform_2, window_bounds = array<i64: 128, 1>}, {pipeline_mode = #tpu.pipeline_mode<synchronous>, transform_indices = @transform_3, window_bounds = array<i64: 128, 1>}, {transform_indices = @transform_4, window_bounds = array<i64: 1024, 128>}, {transform_indices = @transform_5, window_bounds = array<i64: 1024, 1>}, {transform_indices = @transform_6, window_bounds = array<i64: 1024, 1>}]} {
    %get3A = arith.constant 0 : index
    %get3A_0 = arith.constant 0 : index
    %get3A_1 = vector.load %arg1[%get3A, %get3A_0] : memref<1024x128xf32, #tpu.memory_space<vmem>>, vector<1024x128xf32>
    %get3A_2 = arith.constant 0 : index
    %get3A_3 = arith.constant 0 : index
    %get3A_4 = vector.load %arg2[%get3A_2, %get3A_3] : memref<128x128xf32, #tpu.memory_space<vmem>>, vector<128x128xf32>
    %dot_general3A = arith.constant dense<0.000000e+00> : vector<1024x128xf32>
    %dot_general3A_5 = tpu.matmul %get3A_1, %get3A_4, %dot_general3A {dimension_numbers = #tpu.dot_dimension_numbers<[1], [0], [0], [1], [0, 0, 1, 1], [], []>, transpose_lhs_hint = false} : vector<1024x128xf32>, vector<128x128xf32>, vector<1024x128xf32> -> vector<1024x128xf32>
    %swap3A = arith.constant 0 : index
    %swap3A_6 = arith.constant 0 : index
    %swap3A_7 = vector.load %arg5[%swap3A, %swap3A_6] : memref<1024x128xf32, #tpu.memory_space<vmem>>, vector<1024x128xf32>
    tpu.vector_store %arg5[%swap3A, %swap3A_6], %dot_general3A_5 {strides = array<i32>} : memref<1024x128xf32, #tpu.memory_space<vmem>>, vector<1024x128xf32>,
    %get3A_8 = arith.constant 0 : index
    %get3A_9 = arith.constant 0 : index
    %get3A_10 = vector.load %arg3[%get3A_8, %get3A_9] : memref<128x1xf32, #tpu.memory_space<vmem>>, vector<128x1xf32>
    %dot_general3A_11 = arith.constant dense<0.000000e+00> : vector<1024x1xf32>
    %dot_general3A_12 = tpu.matmul %dot_general3A_5, %get3A_10, %dot_general3A_11 {dimension_numbers = #tpu.dot_dimension_numbers<[1], [0], [0], [1], [0, 0, 1, 1], [], []>, transpose_lhs_hint = false} : vector<1024x128xf32>, vector<128x1xf32>, vector<1024x1xf32> -> vector<1024x1xf32>
    %swap3A_13 = arith.constant 0 : index
    %swap3A_14 = arith.constant 0 : index
    %swap3A_15 = vector.load %arg6[%swap3A_13, %swap3A_14] : memref<1024x1xf32, #tpu.memory_space<vmem>>, vector<1024x1xf32>
    tpu.vector_store %arg6[%swap3A_13, %swap3A_14], %dot_general3A_12 {strides = array<i32>} : memref<1024x1xf32, #tpu.memory_space<vmem>>, vector<1024x1xf32>,
    %get3A_16 = arith.constant 0 : index
    %get3A_17 = arith.constant 0 : index
    %get3A_18 = vector.load %arg4[%get3A_16, %get3A_17] : memref<128x1xf32, #tpu.memory_space<vmem>>, vector<128x1xf32>
    %dot_general3A_19 = arith.constant dense<0.000000e+00> : vector<1024x1xf32>
    %dot_general3A_20 = tpu.matmul %dot_general3A_5, %get3A_18, %dot_general3A_19 {dimension_numbers = #tpu.dot_dimension_numbers<[1], [0], [0], [1], [0, 0, 1, 1], [], []>, transpose_lhs_hint = false} : vector<1024x128xf32>, vector<128x1xf32>, vector<1024x1xf32> -> vector<1024x1xf32>
    %swap3A_21 = arith.constant 0 : index
    %swap3A_22 = arith.constant 0 : index
    %swap3A_23 = vector.load %arg7[%swap3A_21, %swap3A_22] : memref<1024x1xf32, #tpu.memory_space<vmem>>, vector<1024x1xf32>
    tpu.vector_store %arg7[%swap3A_21, %swap3A_22], %dot_general3A_20 {strides = array<i32>} : memref<1024x1xf32, #tpu.memory_space<vmem>>, vector<1024x1xf32>,
    return
  }
  func.func @transform_0(%arg0: i32) -> (i32, i32) {
    %c0_i32 = arith.constant 0 : i32
    %c0_i32_0 = arith.constant 0 : i32
    return %arg0, %c0_i32 : i32, i32
  }
  func.func @transform_1(%arg0: i32) -> (i32, i32) {
    %c0_i32 = arith.constant 0 : i32
    %c0_i32_0 = arith.constant 0 : i32
    %c0_i32_1 = arith.constant 0 : i32
    return %c0_i32, %c0_i32_0 : i32, i32
  }
  func.func @transform_2(%arg0: i32) -> (i32, i32) {
    %c0_i32 = arith.constant 0 : i32
    %c0_i32_0 = arith.constant 0 : i32
    %c0_i32_1 = arith.constant 0 : i32
    return %c0_i32, %c0_i32_0 : i32, i32
  }
  func.func @transform_3(%arg0: i32) -> (i32, i32) {
    %c0_i32 = arith.constant 0 : i32
    %c0_i32_0 = arith.constant 0 : i32
    %c0_i32_1 = arith.constant 0 : i32
    return %c0_i32, %c0_i32_0 : i32, i32
  }
  func.func @transform_4(%arg0: i32) -> (i32, i32) {
    %c0_i32 = arith.constant 0 : i32
    %c0_i32_0 = arith.constant 0 : i32
    return %arg0, %c0_i32 : i32, i32
  }
  func.func @transform_5(%arg0: i32) -> (i32, i32) {
    %c0_i32 = arith.constant 0 : i32
    %c0_i32_0 = arith.constant 0 : i32
    return %arg0, %c0_i32 : i32, i32
  }
  func.func @transform_6(%arg0: i32) -> (i32, i32) {
    %c0_i32 = arith.constant 0 : i32
    %c0_i32_0 = arith.constant 0 : i32
    return %arg0, %c0_i32 : i32, i32
  }
}

module attributes {stable_mosaic.version = 14 : i64} {
  func.func @_comb_body(%arg0: i32, %arg1: memref<2x1024x128xf32, #tpu.memory_space<vmem>>, %arg2: memref<2x1024x1xf32, #tpu.memory_space<vmem>>, %arg3: memref<1x128xf32, #tpu.memory_space<vmem>>, %arg4: memref<1024x128xf32, #tpu.memory_space<vmem>>) attributes {dimension_semantics = [#tpu.dimension_semantics<arbitrary>], iteration_bounds = array<i64: 10>, scalar_prefetch = 0 : i64, scratch_operands = 0 : i64, tpu.core_type = #tpu.core_type<tc>, window_params = [{transform_indices = @transform_0, window_bounds = array<i64: 2, 1024, 128>}, {transform_indices = @transform_1, window_bounds = array<i64: 2, 1024, 1>}, {pipeline_mode = #tpu.pipeline_mode<synchronous>, transform_indices = @transform_2, window_bounds = array<i64: 1, 128>}, {transform_indices = @transform_3, window_bounds = array<i64: 1024, 128>}]} {
    %get3A = arith.constant 0 : index
    %get3A_0 = arith.constant 0 : index
    %get3A_1 = arith.constant 0 : index
    %get3A_2 = vector.load %arg1[%get3A, %get3A_0, %get3A_1] : memref<2x1024x128xf32, #tpu.memory_space<vmem>>, vector<2x1024x128xf32>
    %get3A_3 = arith.constant 0 : index
    %get3A_4 = arith.constant 0 : index
    %get3A_5 = arith.constant 0 : index
    %get3A_6 = vector.load %arg2[%get3A_3, %get3A_4, %get3A_5] : memref<2x1024x1xf32, #tpu.memory_space<vmem>>, vector<1x1024x1xf32>
    %get3A_7 = vector.shape_cast %get3A_6 : vector<1x1024x1xf32> to vector<1024x1xf32>
    %get3A_8 = arith.constant 1 : index
    %get3A_9 = arith.constant 0 : index
    %get3A_10 = arith.constant 0 : index
    %get3A_11 = vector.load %arg2[%get3A_8, %get3A_9, %get3A_10] : memref<2x1024x1xf32, #tpu.memory_space<vmem>>, vector<1x1024x1xf32>
    %get3A_12 = vector.shape_cast %get3A_11 : vector<1x1024x1xf32> to vector<1024x1xf32>
    %add3A = arith.addf %get3A_7, %get3A_12 : vector<1024x1xf32>
    %max3A = arith.constant 1.000000e-16 : f32
    %max3A_13 = vector.broadcast %max3A : f32 to vector<1024x1xf32>
    %max3A_14 = arith.maximumf %add3A, %max3A_13 : vector<1024x1xf32>
    %slice3A = vector.extract_strided_slice %get3A_2 {offsets = [0, 0, 0], sizes = [1, 1024, 128], strides = [1, 1, 1]} : vector<2x1024x128xf32> to vector<1x1024x128xf32>
    %squeeze3A = vector.shape_cast %slice3A : vector<1x1024x128xf32> to vector<1024x128xf32>
    %slice3A_15 = vector.extract_strided_slice %get3A_2 {offsets = [1, 0, 0], sizes = [1, 1024, 128], strides = [1, 1, 1]} : vector<2x1024x128xf32> to vector<1x1024x128xf32>
    %squeeze3A_16 = vector.shape_cast %slice3A_15 : vector<1x1024x128xf32> to vector<1024x128xf32>
    %add3A_17 = arith.addf %squeeze3A, %squeeze3A_16 : vector<1024x128xf32>
    %div3A = vector.broadcast %max3A_14 : vector<1024x1xf32> to vector<1024x128xf32>
    %div3A_18 = arith.divf %add3A_17, %div3A : vector<1024x128xf32>
    %get3A_19 = arith.constant 0 : index
    %get3A_20 = arith.constant 0 : index
    %get3A_21 = vector.load %arg3[%get3A_19, %get3A_20] : memref<1x128xf32, #tpu.memory_space<vmem>>, vector<1x128xf32>
    %add3A_22 = vector.broadcast %get3A_21 : vector<1x128xf32> to vector<1024x128xf32>
    %add3A_23 = arith.addf %div3A_18, %add3A_22 : vector<1024x128xf32>
    %swap3A = arith.constant 0 : index
    %swap3A_24 = arith.constant 0 : index
    %swap3A_25 = vector.load %arg4[%swap3A, %swap3A_24] : memref<1024x128xf32, #tpu.memory_space<vmem>>, vector<1024x128xf32>
    tpu.vector_store %arg4[%swap3A, %swap3A_24], %add3A_23 {strides = array<i32>} : memref<1024x128xf32, #tpu.memory_space<vmem>>, vector<1024x128xf32>,
    return
  }
  func.func @transform_0(%arg0: i32) -> (i32, i32, i32) {
    %c0_i32 = arith.constant 0 : i32
    %c0_i32_0 = arith.constant 0 : i32
    %c0_i32_1 = arith.constant 0 : i32
    return %c0_i32, %arg0, %c0_i32_0 : i32, i32, i32
  }
  func.func @transform_1(%arg0: i32) -> (i32, i32, i32) {
    %c0_i32 = arith.constant 0 : i32
    %c0_i32_0 = arith.constant 0 : i32
    %c0_i32_1 = arith.constant 0 : i32
    return %c0_i32, %arg0, %c0_i32_0 : i32, i32, i32
  }
  func.func @transform_2(%arg0: i32) -> (i32, i32) {
    %c0_i32 = arith.constant 0 : i32
    %c0_i32_0 = arith.constant 0 : i32
    %c0_i32_1 = arith.constant 0 : i32
    return %c0_i32, %c0_i32_0 : i32, i32
  }
  func.func @transform_3(%arg0: i32) -> (i32, i32) {
    %c0_i32 = arith.constant 0 : i32
    %c0_i32_0 = arith.constant 0 : i32
    return %arg0, %c0_i32 : i32, i32
  }
}

</mosaic_0001>

<sc_bundles>
// kernel: kernel.5.cloned.1.call-start
scs
__scs_entry_jumppad:
0x0: {  	(pc) =	sbr.rel $0x88, $3  }
0x1: {  	(tag) =	ssettag $0x0;
	lr =	simm.s32 $0x1  }
0x2: {  	[smem:$0x3F9B] =	sst lr;
	_ =	strace $0xD0000000  }
0x3: {  	_ = 	snop  }
0x4: {  	_ = 	snop  }
0x5: {  	_ = 	snop  }
0x6: {  	_ = 	snop  }
0x7: {  	_ = 	snop  }
__scs_overlays_trampoline_lowered:
0x8: {  	[smem:$0x3FAA] =	sst s0  }
0x9: {  	[smem:$0x3FAB] =	sst s1  }
0xa: {  	[smem:$0x3FAC] =	sst s2  }
0xb: {  	[smem:$0x3FAD] =	sst s3  }
0xc: {  	[smem:$0x3FAE] =	sst s4  }
0xd: {  	[smem:$0x3FAF] =	sst s5  }
0xe: {  	[smem:$0x3FB0] =	sst s6  }
0xf: {  	[smem:$0x3FB1] =	sst s7  }
0x10: {  	[smem:$0x3FB2] =	sst s8  }
0x11: {  	[smem:$0x3FB3] =	sst s9;
	s0 =	simm.s32 @!p0 $0x0  }
0x12: {  	s1 =	sld [smem:$0x3F99];
	s0 =	simm.s32 @p0 $0x1  }
0x13: {  	[smem:$0x3FB4] =	sst s0;
	s0 =	simm.s32 @!p1 $0x0  }
0x14: {  	s2 =	sld [smem:$0x3F98];
	s0 =	simm.s32 @p1 $0x1  }
0x15: {  	[smem:$0x3FB5] =	sst s0;
	s0 =	simm.s32 @!p2 $0x0  }
0x16: {  	s3 =	sld [smem:$0x3FDB];
	s0 =	simm.s32 @p2 $0x1  }
0x17: {  	s4 =	simm.s32 $0x1BF5;
	[smem:$0x3FB7] =	sst s0  }
0x18: {  	s0 =	sld [smem:$0x3F9A];
	_ =	swait.ge [sflag:s4], $0x0  }
0x19: {  	s7 =	sld [smem:$0x3F9B]  }
0x1a: {  	s8 =	sadd.s32 $0xFFFFE003, lr  }
0x1b: {  	s9 =	sadd.s32 $0xFFFFFEF7, lr;
	s5 =	simm.s32 $0xFFFFFFFF;
	p2 =	slt.u32 s8, $0xFFFFF086  }
0x1c: {  	p1 =	slt.u32 s9, $0xF7A;
	s5 =	simm.s32 @!p2 $0x0  }
0x1d: {  	s5 =	simm.s32 @p1 $0x1;
	p0 =	seq.s32 s7, s2  }
0x1e: {  	s7 =	smul.u32 @!p0 $0xF7A, s2;
	p2 =	seq.s32 @!p0 s5, $0x0  }
0x1f: {  	s9 =	smul.u32 $0xF7A, s1;
	s8 =	simm.s32 @!p0 $0x1BF5;
	p2 =	por !p2, p0  }
0x20: {  	[sflag:s8] =	ssyncset.s32 @!p0 $0xFFFFF086;
	s6 =	sadd.s32 @!p0 s3, s7;
	s7 =	simm.s32 @!p0 $0x108  }
0x21: {  	s3 =	sadd.s32 s3, s9;
	s6 =	sadd.s32 @!p0 $0x88, s6;
	s7 =	simm.s32 @p2 $0x1082  }
0x22: {  	[simem:s7], [sflag:s8] =	dma.local @!p0 [hbm:s6], $0xF7A  }
0x23: {  	s9 =	sor.u32 $0xD0000000, s2;
	s6 =	simm.s32 $0x108;
	_ =	swait.ge @!p0 [sflag:s8], $0x0  }
0x24: {  	s3 =	sadd.s32 $0x88, s3;
	s6 =	simm.s32 @!p1 $0x1082;
	[sflag:s4] =	ssyncset.s32 $0xFFFFF086  }
0x25: {  	[simem:s6], [sflag:s4] =	dma.local [hbm:s3], $0xF7A  }
0x26: {  	[smem:$0x3F9B] =	sst s1;
	(tag) =	ssettag s2;
	_ =	strace s9  }
0x27: {  	s1 =	sld [smem:$0x3FAB]  }
0x28: {  	s2 =	sld [smem:$0x3FAC]  }
0x29: {  	s4 =	sld [smem:$0x3FAE]  }
0x2a: {  	p0 =	seq.s32 s5, $0x0;
	s5 =	sld [smem:$0x3FAF]  }
0x2b: {  	s6 =	sld [smem:$0x3FB0]  }
0x2c: {  	s7 =	sld [smem:$0x3FB1]  }
0x2d: {  	s3 =	simm.s32 $0x108;
	s8 =	sld [smem:$0x3FB2]  }
0x2e: {  	s3 =	simm.s32 @!p0 $0x1082;
	s9 =	sld [smem:$0x3FB3]  }
0x2f: {  	lr =	sadd.s32 s0, s3;
	s0 =	sld [smem:$0x3FAA]  }
0x30: {  	s3 =	sld [smem:$0x3FAD]  }
0x31: {  	[smem:$0x3FB6] =	sst s10  }
0x32: {  	s10 =	sld [smem:$0x3FB4];
	_ =	sdelay $0x3  }
0x33: {  	p0 =	seq.s32 s10, $0x1;
	s10 =	sld [smem:$0x3FB6];
	_ =	sdelay $0x3  }
0x34: {  	[smem:$0x3FB6] =	sst s10  }
0x35: {  	s10 =	sld [smem:$0x3FB5];
	_ =	sdelay $0x3  }
0x36: {  	p1 =	seq.s32 s10, $0x1;
	s10 =	sld [smem:$0x3FB6];
	_ =	sdelay $0x3  }
0x37: {  	[smem:$0x3FB6] =	sst s10  }
0x38: {  	s10 =	sld [smem:$0x3FB7]  }
0x39: {  	_ = 	snop;
	(pc) =	sbr.ind lr, $3  }
0x3a: {  	_ = 	snop  }
0x3b: {  	_ = 	snop  }
0x3c: {  	p2 =	seq.s32 s10, $0x1;
	s10 =	sld [smem:$0x3FB6]  }
0x3d: {  	_ =	shalt  }
0x3e: {  	_ =	shalt  }
0x3f: {  	_ =	shalt  }
0x40: {  	_ =	shalt  }
0x41: {  	_ =	shalt  }
0x42: {  	_ =	shalt  }
0x43: {  	_ =	shalt  }
0x44: {  	_ =	shalt  }
0x45: {  	_ =	shalt  }
0x46: {  	_ =	shalt  }
0x47: {  	_ =	shalt  }
0x48: {  	_ =	shalt  }
0x49: {  	_ =	shalt  }
0x4a: {  	_ =	shalt  }
0x4b: {  	_ =	shalt  }
0x4c: {  	_ =	shalt  }
0x4d: {  	_ =	shalt  }
0x4e: {  	_ =	shalt  }
0x4f: {  	_ =	shalt  }
0x50: {  	_ =	shalt  }
0x51: {  	_ =	shalt  }
0x52: {  	_ =	shalt  }
0x53: {  	_ =	shalt  }
0x54: {  	_ =	shalt  }
0x55: {  	_ =	shalt  }
0x56: {  	_ =	shalt  }
0x57: {  	_ =	shalt  }
0x58: {  	_ =	shalt  }
0x59: {  	_ =	shalt  }
0x5a: {  	_ =	shalt  }
0x5b: {  	_ =	shalt  }
0x5c: {  	_ =	shalt  }
0x5d: {  	_ =	shalt  }
0x5e: {  	_ =	shalt  }
0x5f: {  	_ =	shalt  }
0x60: {  	_ =	shalt  }
0x61: {  	_ =	shalt  }
0x62: {  	_ =	shalt  }
0x63: {  	_ =	shalt  }
0x64: {  	_ =	shalt  }
0x65: {  	_ =	shalt  }
0x66: {  	_ =	shalt  }
0x67: {  	_ =	shalt  }
0x68: {  	_ =	shalt  }
0x69: {  	_ =	shalt  }
0x6a: {  	_ =	shalt  }
0x6b: {  	_ =	shalt  }
0x6c: {  	_ =	shalt  }
0x6d: {  	_ =	shalt  }
0x6e: {  	_ =	shalt  }
0x6f: {  	_ =	shalt  }
0x70: {  	_ =	shalt  }
0x71: {  	_ =	shalt  }
0x72: {  	_ =	shalt  }
0x73: {  	_ =	shalt  }
0x74: {  	_ =	shalt  }
0x75: {  	_ =	shalt  }
0x76: {  	_ =	shalt  }
0x77: {  	_ =	shalt  }
0x78: {  	_ =	shalt  }
0x79: {  	_ =	shalt  }
0x7a: {  	_ =	shalt  }
0x7b: {  	_ =	shalt  }
0x7c: {  	_ =	shalt  }
0x7d: {  	_ =	shalt  }
0x7e: {  	_ =	shalt  }
0x7f: {  	_ =	shalt  }
0x80: {  	_ =	shalt  }
0x81: {  	_ =	shalt  }
0x82: {  	_ =	shalt  }
0x83: {  	_ =	shalt  }
0x84: {  	_ =	shalt  }
0x85: {  	_ =	shalt  }
0x86: {  	_ =	shalt  }
0x87: {  	_ =	shalt  }
.Lfunc_end0:
.L_simem_size_0:
called_computation_lowered:
.L_overlay_start_0:
0x88: {  	s2 =	sld [smem:$0x3FD9]  }
0x89: {  	s3 =	sld [smem:$0x3FFE];
	_ =	sdelay $0x1  }
0x8a: {  	s1 =	srdreg.scid  }
0x8b: {  	s0 =	sand.u32 $0x1, s1  }
0x8c: {  	s17 =	sshll.u32 s0, $0xA;
	s2 =	sadd.s32 s3, s2  }
0x8d: {  	s2 =	sadd.s32 s2, s17  }
0x8e: {  	[smem:$0x3FC2] =	sst s2  }
0x8f: {  	_ = 	snop  }
0x90: {  	s2 =	sld [smem:$0x3FD0];
	(tm) =	ssettm $0x1  }
0x91: {  	s18 =	sld [smem:$0x3FFB];
	_ =	sdelay $0x3  }
0x92: {  	_ =	strace s18  }
0x93: {  	s3 =	sld [smem:$0x3FFC];
	_ =	sdelay $0x3  }
0x94: {  	_ =	strace s3  }
0x95: {  	s3 =	sld [smem:$0x3FFD];
	_ =	sdelay $0x3  }
0x96: {  	_ =	strace s3  }
0x97: {  	_ =	strace $0x8FFFFFFF  }
0x98: {  	s19 =	sld [smem:$0x3FDB];
	_ =	sdelay $0x1  }
0x99: {  	s4 =	simm.s32 $_scs_section_size  }
0x9a: {  	s5 =	simm.s32 $_size__tile_overlayer_lowered;
	s6 =	simm.s32 $_tile_overlayer_lowered  }
0x9b: {  	s22 =	simm.s32 $0x1BFF;
	s21 =	sshll.u32 s6, $0x1;
	s3 =	sadd.s32 s4, s19  }
0x9c: {  	s7 =	simm.s32 $0x0;
	s20 =	sshll.u32 s5, $0x1;
	s5 =	sadd.s32 s21, s3  }
0x9d: {  	[timem:s7], [sflag:s22] =	dma.local [hbm:s5], s20  }
0x9e: {  	_ =	swait.ge [sflag:s22], s20  }
0x9f: {  	s4 =	ssub.s32 $0x0, s20;
	[sflag:s22] =	ssyncset.done $0x0  }
0xa0: {  	[sflag:s22] =	ssyncadd.s32 s4;
	_ =	sdelay $0x1  }
0xa1: {  	s23 =	simm.s32 $0x1B8B  }
0xa2: {  	_ =	swait.ge [sflag:s23], $0x1  }
0xa3: {  	[sflag:s23] =	ssyncset.done $0x0  }
0xa4: {  	s25 =	simm.s32 $0x1B8E;
	s24 =	sld [smem:$0x3FFE];
	[sflag:s23] =	ssyncadd.s32 $0xFFFFFFFF  }
0xa5: {  	s26 =	simm.s32 $execute0_lowered;
	[smem:$0x3FD2] =	sst s25  }
0xa6: {  	s5 =	sshll.u32 s26, $0x1;
	_ =	strace $0x80000046;
	[dreg:$0x1] =	wrdreg $0xFFFFFFFF  }
0xa7: {  	s28 =	simm.s32 $_size_execute0_lowered;
	s3 =	sadd.s32 s3, s5;
	[dreg:$0x0] =	wrdreg $0x0  }
0xa8: {  	s5 =	sshll.u32 s28, $0x1;
	[dreg:$0x2] =	wrdreg s3  }
0xa9: {  	[dreg:$0x3] =	wrdreg s5  }
0xaa: {  	[dreg:$0x4] =	wrdreg $0xC0  }
0xab: {  	_ =	task [dreg:s7], $0x5FFFF  }
0xac: {  	[dreg:$0x1] =	wrdreg $0xFFFFFFFF  }
0xad: {  	[dreg:$0x0] =	wrdreg $0x60  }
0xae: {  	[dreg:$0x2] =	wrdreg s2  }
0xaf: {  	[dreg:$0x3] =	wrdreg s24  }
0xb0: {  	[dreg:$0x4] =	wrdreg $0xA8800  }
0xb1: {  	[dreg:$0x5] =	wrdreg $0x1E1000  }
0xb2: {  	[dreg:$0x6] =	wrdreg $0x9  }
0xb3: {  	_ =	task.clear_ibuf [dreg:s7], $0x7FFFF;
	_ =	strace $0x90000046  }
0xb4: {  	s29 =	simm.s32 $0x9;
	_ =	strace $0x80000048  }
0xb5: {  	_ =	swait.ge [sflag:s29], $0x1  }
0xb6: {  	[sflag:s29] =	ssyncadd.s32 $0xFFFFFFFF  }
0xb7: {  	_ =	strace $0x90000048  }
0xb8: {  	_ =	sfence  }
0xb9: {  	s30 =	sld [smem:$0x0];
	_ =	sdelay $0x2  }
0xba: {  	s31 =	sshll.u32 s1, $0xD;
	s1 =	sshrl.u32 s1, $0x2  }
0xbb: {  	s3 =	sand.u32 $0x4000, s31;
	s1 =	sadd.s32 s1, s30  }
0xbc: {  	s0 =	sor.u32 s3, s0;
	s1 =	sshll.u32 s1, $0x11  }
0xbd: {  	s0 =	sor.u32 s1, s0  }
0xbe: {  	s0 =	sadd.s32 $0x8F2B, s0  }
0xbf: {  	[sflag:s0] =	ssyncadd.remote.s32 $0x1  }
0xc0: {  	_ =	sfence.sel $0xFFFF  }
0xc1: {  	[dreg:$0x0] =	wrdreg $0xFFFFFFFF;
	(pc) =	sbr.abs _section_cstart, $3  }
0xc2: {  	[dreg:$0x1] =	wrdreg $0xFFFFFFFF  }
0xc3: {  	_ =	task.clear_ibuf [dreg:s7], $0x2FFFF;
	_ =	strace $0x9FFFFFFF  }
0xc4: {  	(tm) =	ssettm $0x7FFFFFFF  }
0xc5: {  	_ =	shalt  }
tec
execute0_lowered:
.L_overlay_start_1:
0x0: {  	(tag) =	ssettag $0x1  }
0x1: {  	s1 =	rddreg [dreg:$0x0]  }
0x2: {  	s2 =	rddreg [dreg:$0x1]  }
0x3: {  	s3 =	rddreg [dreg:$0x2]  }
0x4: {  	s4 =	rddreg [dreg:$0x3];
	s5 =	simm.s32 $0x0  }
0x5: {  	[smem:$0x7FF] =	sst s5;
	s22 =	sadd.s32 $0x15200, s2  }
0x6: {  	s10 =	sadd.s32 $0x14800, s2;
	_ =	strace $0x80000047;
	[dreg:$0x5] =	wrdreg s22  }
0x7: {  	s25 =	sadd.s32 $0x2800, s3;
	[dreg:$0x6] =	wrdreg s10  }
0x8: {  	s26 =	sadd.s32 $0x5000, s3;
	[dreg:$0x7] =	wrdreg s25  }
0x9: {  	s12 =	sadd.s32 $0x7800, s3;
	[dreg:$0x8] =	wrdreg s26  }
0xa: {  	s14 =	sadd.s32 $0xC800, s3;
	[dreg:$0x9] =	wrdreg s12  }
0xb: {  	s15 =	sadd.s32 $0xF000, s3;
	[dreg:$0xb] =	wrdreg s14  }
0xc: {  	s16 =	sadd.s32 $0x11800, s3;
	[dreg:$0xc] =	wrdreg s15  }
0xd: {  	s17 =	sadd.s32 $0x14000, s3;
	[dreg:$0xd] =	wrdreg s16  }
0xe: {  	s18 =	sadd.s32 $0x16800, s3;
	[dreg:$0xe] =	wrdreg s17  }
0xf: {  	s20 =	sadd.s32 $0x19000, s3;
	[dreg:$0xf] =	wrdreg s18  }
0x10: {  	s12 =	sadd.s32 $0xA000, s3;
	[dreg:$0x10] =	wrdreg s20  }
0x11: {  	s25 =	sadd.s32 $0x1E000, s3;
	[dreg:$0xa] =	wrdreg s12  }
0x12: {  	s26 =	sadd.s32 $0x20800, s3;
	[dreg:$0x14] =	wrdreg s25  }
0x13: {  	s14 =	sadd.s32 $0x2A800, s3;
	[dreg:$0x15] =	wrdreg s26  }
0x14: {  	s15 =	sadd.s32 $0x2D000, s3;
	[dreg:$0x19] =	wrdreg s14  }
0x15: {  	s16 =	sadd.s32 $0x2F800, s3;
	[dreg:$0x1a] =	wrdreg s15  }
0x16: {  	s0 =	srdreg.scid;
	s17 =	sadd.s32 $0x32000, s3;
	[dreg:$0x1b] =	wrdreg s16  }
0x17: {  	s11 =	stileid.u32;
	s18 =	sadd.s32 $0x34800, s3;
	[dreg:$0x1c] =	wrdreg s17  }
0x18: {  	s9 =	sand.u32 $0x1, s0;
	s20 =	sadd.s32 $0x37000, s3;
	[dreg:$0x1d] =	wrdreg s18  }
0x19: {  	s13 =	sshll.u32 s9, $0x4;
	s12 =	sadd.s32 $0x25800, s3;
	[dreg:$0x1e] =	wrdreg s20  }
0x1a: {  	s10 =	sor.u32 s11, s13;
	s13 =	sadd.s32 $0x28000, s3;
	[dreg:$0x17] =	wrdreg s12  }
0x1b: {  	s25 =	sadd.s32 $0x43800, s3;
	[dreg:$0x18] =	wrdreg s13  }
0x1c: {  	s26 =	sadd.s32 $0x46000, s3;
	[smem:$0x793] =	sst s25  }
0x1d: {  	p1 =	seq.s32 s11, $0x0;
	s14 =	sadd.s32 $0x50000, s3;
	[smem:$0x794] =	sst s26  }
0x1e: {  	s23 =	ssub.s32 $0x2, s9;
	s15 =	sadd.s32 $0x52800, s3;
	[smem:$0x798] =	sst s14  }
0x1f: {  	p2 =	seq.s32 s9, $0x1;
	s16 =	sadd.s32 $0x55000, s3;
	[smem:$0x799] =	sst s15  }
0x20: {  	s9 =	sor.u32 s11, s9;
	s17 =	sadd.s32 $0x57800, s3;
	[smem:$0x79A] =	sst s16  }
0x21: {  	s24 =	sshrl.u32 s23, $0x1;
	s18 =	sadd.s32 $0x5A000, s3;
	[smem:$0x79B] =	sst s17  }
0x22: {  	p0 =	sne.s32 s9, $0x0;
	s20 =	sadd.s32 $0x5C800, s3;
	[smem:$0x79C] =	sst s18  }
0x23: {  	p1 =	por !p1, !p2;
	s9 =	sadd.s32 $0x127000, s3;
	[smem:$0x79D] =	sst s20  }
0x24: {  	p2 =	sne.s32 s11, $0x0;
	s11 =	sadd.s32 $0x12E800, s3;
	[smem:$0x7EE] =	sst s9  }
0x25: {  	s0 =	ssub.s32 s23, s24;
	s24 =	sadd.s32 $0x1B800, s3;
	[smem:$0x7F0] =	sst s11  }
0x26: {  	s19 =	smul.u32 $0x2710, s10;
	s10 =	sadd.s32 $0x23000, s3;
	[dreg:$0x13] =	wrdreg s24  }
0x27: {  	s12 =	sadd.s32 $0x4B000, s3;
	[dreg:$0x16] =	wrdreg s10  }
0x28: {  	s13 =	sadd.s32 $0x4D800, s3;
	[smem:$0x796] =	sst s12  }
0x29: {  	s25 =	sadd.s32 $0x69000, s3;
	[smem:$0x797] =	sst s13  }
0x2a: {  	s26 =	sadd.s32 $0x6B800, s3;
	[smem:$0x7A2] =	sst s25  }
0x2b: {  	s14 =	sadd.s32 $0x75800, s3;
	[smem:$0x7A3] =	sst s26  }
0x2c: {  	s15 =	sadd.s32 $0x78000, s3;
	[smem:$0x7A7] =	sst s14  }
0x2d: {  	s16 =	sadd.s32 $0x7A800, s3;
	[smem:$0x7A8] =	sst s15  }
0x2e: {  	s17 =	sadd.s32 $0x7D000, s3;
	[smem:$0x7A9] =	sst s16  }
0x2f: {  	s18 =	sadd.s32 $0x7F800, s3;
	[smem:$0x7AA] =	sst s17  }
0x30: {  	s20 =	sadd.s32 $0x82000, s3;
	[smem:$0x7AB] =	sst s18  }
0x31: {  	s24 =	sadd.s32 $0x41000, s3;
	[smem:$0x7AC] =	sst s20  }
0x32: {  	s10 =	sadd.s32 $0x48800, s3;
	[smem:$0x792] =	sst s24  }
0x33: {  	s12 =	sadd.s32 $0x70800, s3;
	[smem:$0x795] =	sst s10  }
0x34: {  	s13 =	sadd.s32 $0x73000, s3;
	[smem:$0x7A5] =	sst s12  }
0x35: {  	s25 =	sadd.s32 $0x8E800, s3;
	[smem:$0x7A6] =	sst s13  }
0x36: {  	s26 =	sadd.s32 $0x91000, s3;
	[smem:$0x7B1] =	sst s25  }
0x37: {  	s14 =	sadd.s32 $0x9B000, s3;
	[smem:$0x7B2] =	sst s26  }
0x38: {  	s15 =	sadd.s32 $0x9D800, s3;
	[smem:$0x7B6] =	sst s14  }
0x39: {  	s16 =	sadd.s32 $0xA0000, s3;
	[smem:$0x7B7] =	sst s15  }
0x3a: {  	s17 =	sadd.s32 $0xA2800, s3;
	[smem:$0x7B8] =	sst s16  }
0x3b: {  	s18 =	sadd.s32 $0xA5000, s3;
	[smem:$0x7B9] =	sst s17  }
0x3c: {  	s20 =	sadd.s32 $0xA7800, s3;
	[smem:$0x7BA] =	sst s18  }
0x3d: {  	s24 =	sadd.s32 $0x66800, s3;
	[smem:$0x7BB] =	sst s20  }
0x3e: {  	s10 =	sadd.s32 $0x6E000, s3;
	[smem:$0x7A1] =	sst s24  }
0x3f: {  	s12 =	sadd.s32 $0x96000, s3;
	[smem:$0x7A4] =	sst s10  }
0x40: {  	s13 =	sadd.s32 $0x98800, s3;
	[smem:$0x7B4] =	sst s12  }
0x41: {  	s25 =	sadd.s32 $0xB4000, s3;
	[smem:$0x7B5] =	sst s13  }
0x42: {  	s26 =	sadd.s32 $0xB6800, s3;
	[smem:$0x7C0] =	sst s25  }
0x43: {  	s14 =	sadd.s32 $0xC0800, s3;
	[smem:$0x7C1] =	sst s26  }
0x44: {  	s15 =	sadd.s32 $0xC3000, s3;
	[smem:$0x7C5] =	sst s14  }
0x45: {  	s16 =	sadd.s32 $0xC5800, s3;
	[smem:$0x7C6] =	sst s15  }
0x46: {  	s17 =	sadd.s32 $0xC8000, s3;
	[smem:$0x7C7] =	sst s16  }
0x47: {  	s8 =	sadd.s32 $0x9E00, s2;
	s18 =	sadd.s32 $0xCA800, s3;
	[smem:$0x7C8] =	sst s17  }
0x48: {  	s21 =	sshrl.u32 s19, $0x3;
	s20 =	sadd.s32 $0xCD000, s3;
	[smem:$0x7C9] =	sst s18  }
0x49: {  	s22 =	sadd.s32 s8, s21;
	[smem:$0x7CA] =	sst s20  }
0x4a: {  	s23 =	sadd.s32 s2, s21;
	[dreg:$0x11] =	wrdreg s22  }
0x4b: {  	s21 =	sadd.s32 $0x39800, s3;
	[dreg:$0x12] =	wrdreg s23  }
0x4c: {  	s24 =	sadd.s32 $0x8C000, s3;
	[dreg:$0x1f] =	wrdreg s21  }
0x4d: {  	s10 =	sadd.s32 $0x93800, s3;
	[smem:$0x7B0] =	sst s24  }
0x4e: {  	s12 =	sadd.s32 $0xBB800, s3;
	[smem:$0x7B3] =	sst s10  }
0x4f: {  	s13 =	sadd.s32 $0xBE000, s3;
	[smem:$0x7C3] =	sst s12  }
0x50: {  	s25 =	sadd.s32 $0xD9800, s3;
	[smem:$0x7C4] =	sst s13  }
0x51: {  	s26 =	sadd.s32 $0xDC000, s3;
	[smem:$0x7CF] =	sst s25  }
0x52: {  	s14 =	sadd.s32 $0xE6000, s3;
	[smem:$0x7D0] =	sst s26  }
0x53: {  	s15 =	sadd.s32 $0xE8800, s3;
	[smem:$0x7D4] =	sst s14  }
0x54: {  	s16 =	sadd.s32 $0xEB000, s3;
	[smem:$0x7D5] =	sst s15  }
0x55: {  	s17 =	sadd.s32 $0xED800, s3;
	[smem:$0x7D6] =	sst s16  }
0x56: {  	s18 =	sadd.s32 $0xF0000, s3;
	[smem:$0x7D7] =	sst s17  }
0x57: {  	s20 =	sadd.s32 $0xF2800, s3;
	[smem:$0x7D8] =	sst s18  }
0x58: {  	s22 =	sadd.s32 $0x3C000, s3;
	[smem:$0x7D9] =	sst s20  }
0x59: {  	s23 =	sadd.s32 $0x3E800, s3;
	[smem:$0x790] =	sst s22  }
0x5a: {  	s21 =	sadd.s32 $0x5F000, s3;
	[smem:$0x791] =	sst s23  }
0x5b: {  	s24 =	sadd.s32 $0xB1800, s3;
	[smem:$0x79E] =	sst s21  }
0x5c: {  	s10 =	sadd.s32 $0xB9000, s3;
	[smem:$0x7BF] =	sst s24  }
0x5d: {  	s12 =	sadd.s32 $0xE1000, s3;
	[smem:$0x7C2] =	sst s10  }
0x5e: {  	s13 =	sadd.s32 $0xE3800, s3;
	[smem:$0x7D2] =	sst s12  }
0x5f: {  	s25 =	sadd.s32 $0xFF000, s3;
	[smem:$0x7D3] =	sst s13  }
0x60: {  	s26 =	sadd.s32 $0x101800, s3;
	[smem:$0x7DE] =	sst s25  }
0x61: {  	s14 =	sadd.s32 $0x10B800, s3;
	[smem:$0x7DF] =	sst s26  }
0x62: {  	s15 =	sadd.s32 $0x10E000, s3;
	[smem:$0x7E3] =	sst s14  }
0x63: {  	s16 =	sadd.s32 $0x110800, s3;
	[smem:$0x7E4] =	sst s15  }
0x64: {  	s17 =	sadd.s32 $0x113000, s3;
	[smem:$0x7E5] =	sst s16  }
0x65: {  	s18 =	sadd.s32 $0x115800, s3;
	[smem:$0x7E6] =	sst s17  }
0x66: {  	s20 =	sadd.s32 $0x11A800, s3;
	[smem:$0x7E7] =	sst s18  }
0x67: {  	s22 =	sadd.s32 $0x61800, s3;
	[smem:$0x7E8] =	sst s20  }
0x68: {  	s23 =	sadd.s32 $0x64000, s3;
	[smem:$0x79F] =	sst s22  }
0x69: {  	s21 =	sadd.s32 $0x84800, s3;
	[smem:$0x7A0] =	sst s23  }
0x6a: {  	s24 =	sadd.s32 $0xD7000, s3;
	[smem:$0x7AD] =	sst s21  }
0x6b: {  	s10 =	sadd.s32 $0xDE800, s3;
	[smem:$0x7CE] =	sst s24  }
0x6c: {  	s12 =	sadd.s32 $0x104000, s3;
	[smem:$0x7D1] =	sst s10  }
0x6d: {  	s13 =	sadd.s32 $0x109000, s3;
	[smem:$0x7E1] =	sst s12  }
0x6e: {  	s25 =	sadd.s32 $0x122000, s3;
	[smem:$0x7E2] =	sst s13  }
0x6f: {  	s26 =	sadd.s32 $0x124800, s3;
	[smem:$0x7EC] =	sst s25  }
0x70: {  	s14 =	sadd.s32 $0x133800, s3;
	[smem:$0x7ED] =	sst s26  }
0x71: {  	s15 =	sadd.s32 $0x136000, s3;
	[smem:$0x7F3] =	sst s14  }
0x72: {  	s16 =	sadd.s32 $0x400, s4;
	[smem:$0x7F4] =	sst s15  }
0x73: {  	s17 =	sadd.s32 $0x800, s4;
	[smem:$0x7F5] =	sst s16  }
0x74: {  	s18 =	sadd.s32 $0xC00, s4;
	[smem:$0x7F6] =	sst s17  }
0x75: {  	s20 =	sadd.s32 $0x1000, s4;
	[smem:$0x7F7] =	sst s18  }
0x76: {  	s22 =	sadd.s32 $0x87000, s3;
	[smem:$0x7F8] =	sst s20  }
0x77: {  	s23 =	sadd.s32 $0x89800, s3;
	[smem:$0x7AE] =	sst s22  }
0x78: {  	s21 =	sadd.s32 $0xAA000, s3;
	[smem:$0x7AF] =	sst s23  }
0x79: {  	s24 =	sadd.s32 $0xFC800, s3;
	[smem:$0x7BC] =	sst s21  }
0x7a: {  	s10 =	sadd.s32 $0x106800, s3;
	[smem:$0x7DD] =	sst s24  }
0x7b: {  	s12 =	sadd.s32 $0x12C000, s3;
	[smem:$0x7E0] =	sst s10  }
0x7c: {  	s13 =	sadd.s32 $0x131000, s3;
	[smem:$0x7F1] =	sst s12  }
0x7d: {  	s28 =	simm.s32 $0x400;
	s25 =	sadd.s32 $0x2000, s4;
	[smem:$0x7F2] =	sst s13  }
0x7e: {  	s29 =	simm.s32 $0x4;
	s26 =	sadd.s32 $0x2400, s4;
	[smem:$0x7FC] =	sst s25  }
0x7f: {  	s30 =	simm.s32 $0x5480;
	s22 =	sadd.s32 $0xAC800, s3;
	[smem:$0x7FD] =	sst s26  }
0x80: {  	s31 =	simm.s32 $0x2;
	s23 =	sadd.s32 $0xAF000, s3;
	[smem:$0x7BD] =	sst s22  }
0x81: {  	s6 =	sadd.s32 $0x13C00, s2;
	s21 =	sadd.s32 $0xCF800, s3;
	[smem:$0x7BE] =	sst s23  }
0x82: {  	s7 =	sadd.s32 $0x14200, s2;
	s24 =	sadd.s32 $0x11F800, s3;
	[smem:$0x7CB] =	sst s21  }
0x83: {  	p1 =	por !p1, !p1;
	s10 =	sadd.s32 $0x129800, s3;
	[smem:$0x7EB] =	sst s24  }
0x84: {  	s11 =	simm.s32 $0x180;
	s22 =	sadd.s32 $0xD2000, s3;
	[smem:$0x7EF] =	sst s10  }
0x85: {  	s14 =	simm.s32 $0x7C80;
	s23 =	sadd.s32 $0xD4800, s3;
	[smem:$0x7CC] =	sst s22  }
0x86: {  	s15 =	simm.s32 $0x3;
	s21 =	sadd.s32 $0xF5000, s3;
	[smem:$0x7CD] =	sst s23  }
0x87: {  	s16 =	simm.s32 $0xA480;
	s24 =	sadd.s32 $0x1C00, s4;
	[smem:$0x7DA] =	sst s21  }
0x88: {  	s17 =	simm.s32 $0x100;
	s22 =	sadd.s32 $0xF7800, s3;
	[smem:$0x7FB] =	sst s24  }
0x89: {  	s18 =	simm.s32 $0x1;
	s23 =	sadd.s32 $0xFA000, s3;
	[smem:$0x7DB] =	sst s22  }
.Ltmp0:
0x8a: {  	[smem:$0x7DC] =	sst s23;
	s22 =	sadd.s32 $0x118000, s3;
	(pc) =	sbr.rel .LBB2_1-.Ltmp0, $4  }
0x8b: {  	s20 =	simm.s32 $0x50;
	s23 =	sadd.s32 $0x11D000, s3;
	[smem:$0x7E9] =	sst s22  }
0x8c: {  	s12 =	sadd.s32 $0x3C300, s2;
	[smem:$0x7EA] =	sst s23;
	s22 =	sadd.s32 $0x1400, s4  }
0x8d: {  	s13 =	sadd.s32 $0x14810, s2;
	s23 =	sadd.s32 $0x1800, s4;
	[smem:$0x7F9] =	sst s22  }
0x8e: {  	v0 =	vimm.f32 $0.0e+00;
	s21 =	smax.u32 s0, $0x1;
	s0 =	sadd.s32 $0xA0, s19;
	[smem:$0x7FA] =	sst s23  }
.LBB2_15:
0x8f: {  	s9 =	stileid.u32  }
0x90: {  	[bflag:$0x0] =	sbarrier.arrive $0xFFFF;
	s9 =	sshll.u32 @!p0 s9, $0x6  }
0x91: {  	s10 =	sshrl.u32 @!p0 s3, $0x3;
	s22 =	rddreg [dreg:$0x5];
	s9 =	sor.u32 @!p0 $0x1C03, s9  }
0x92: {  	[hbm:s22], [sflag:s9] =	dma.local @!p0 [spmem:s10], $0x27100  }
0x93: {  	s10 =	simm.s32 @!p0 $0x3  }
0x94: {  	s23 =	simm.s32 @!p0 $0x1;
	_ =	swait.ge @!p0 [sflag:s10], $0x27100  }
0x95: {  	s25 =	simm.s32 @!p0 $0x20;
	s26 =	simm.s32 @!p0 $0x10;
	[sflag:s10] =	ssyncset.done @!p0 $0x0  }
0x96: {  	s22 =	sshrl.u32 @!p0 s4, $0x3;
	s24 =	rddreg [dreg:$0x6];
	[sflag:s10] =	ssyncadd.s32 @!p0 $0xFFFD8F00  }
0x97: {  	[hbm:s24@s25], [sflag:s9] =	dma.strided @!p0 [spmem:s22@s26], $0x4F0, s23, $0x10   }
0x98: {  	_ =	swait.ge @!p0 [sflag:s10], $0x4F0  }
0x99: {  	[sflag:s10] =	ssyncset.done @!p0 $0x0  }
0x9a: {  	s9 =	sshrl.u32 @p1 s3, $0x3;
	[sflag:s10] =	ssyncadd.s32 @!p0 $0xFFFFFB10;
	s10 =	simm.s32 @p1 $0x1C03  }
0x9b: {  	[hbm:s12], [sflag:s10] =	dma.local @p1 [spmem:s9], $0x27100  }
0x9c: {  	s5 =	sadd.s32 $0x1, s5;
	s9 =	simm.s32 @p1 $0x3  }
0x9d: {  	p3 =	sne.s32 s5, s21;
	s22 =	sshrl.u32 @p1 s4, $0x3;
	_ =	swait.ge @p1 [sflag:s9], $0x27100  }
0x9e: {  	s23 =	simm.s32 @p1 $0x1;
	s25 =	simm.s32 @p1 $0x20;
	[sflag:s9] =	ssyncset.done @p1 $0x0  }
.Ltmp1:
0x9f: {  	s26 =	simm.s32 @p1 $0x10;
	[sflag:s9] =	ssyncadd.s32 @p1 $0xFFFD8F00;
	(pc) =	sbr.rel @!p3 .LBB2_16-.Ltmp1, $4  }
0xa0: {  	[hbm:s13@s25], [sflag:s10] =	dma.strided @p1 [spmem:s22@s26], $0x4F0, s23, $0x10   }
0xa1: {  	_ =	swait.ge @p1 [sflag:s9], $0x4F0  }
0xa2: {  	[sflag:s9] =	ssyncset.done @p1 $0x0  }
0xa3: {  	[sflag:s9] =	ssyncadd.s32 @p1 $0xFFFFFB10  }
.LBB2_1:
0xa4: {  	s9 =	simm.s32 $0x0;
	s10 =	simm.s32 $0x0  }
.LBB2_2:
0xa5: {  	p3 =	sne.s32 s10, $0x9FC0  }
.Ltmp2:
0xa6: {  	_ = 	snop;
	(pc) =	sbr.rel @p3 .LBB2_2-.Ltmp2, $4  }
0xa7: {  	s22 =	sand.u32 $0xFE00, s10  }
0xa8: {  	s25 =	sand.u32 $0x70, s9;
	s22 =	sshrl.u32 s22, $0x2  }
0xa9: {  	s22 =	sor.u32 s25, s22  }
0xaa: {  	s9 =	sadd.s32 $0x10, s9;
	s10 =	sadd.s32 $0x40, s10;
	[tilespmem:s22+$0x7C80] =	vst v0  }
0xab: {  	s9 =	simm.s32 $0x40;
	s10 =	simm.s32 $0x0  }
.LBB2_4:
0xac: {  	p3 =	sne.s32 s9, $0xFC0;
	[tilespmem:s10+$0xA480] =	vst v0;
	s10 =	smov.u32 s9;
	s9 =	sadd.s32 $0x40, s9  }
.Ltmp3:
0xad: {  	(pc) =	sbr.rel @p3 .LBB2_4-.Ltmp3, $2  }
0xae: {  	_ =	sdelay $0x2  }
0xaf: {  	s10 =	sshra.s32 s10, $0x2  }
.Ltmp4:
0xb0: {  	(pc) =	sbr.rel @p2 .LBB2_7-.Ltmp4, $2  }
0xb1: {  	_ =	sdelay $0x2  }
0xb2: {  	[tilespmem:s10+$0xA480] =	vst v0  }
0xb3: {  	[spmem:s3] =	stream.linear.scatter [tilespmem:s14], [sflag:$0x3], $0x2800, $0x38;
	[tilespmem:$0x1E378] =	vst v63  }
0xb4: {  	_ =	swait.ge [sflag:s15], $0x2800  }
0xb5: {  	[sflag:s15] =	ssyncset.done $0x0  }
0xb6: {  	s9 =	rddreg [dreg:$0x7];
	[sflag:s15] =	ssyncadd.s32 $0xFFFFD800  }
0xb7: {  	[spmem:s9] =	stream.linear.scatter [tilespmem:s14], [sflag:$0x3], $0x2800, $0x38;
	[tilespmem:$0x1E378] =	vst v63  }
0xb8: {  	_ =	swait.ge [sflag:s15], $0x2800  }
0xb9: {  	[sflag:s15] =	ssyncset.done $0x0  }
0xba: {  	s10 =	rddreg [dreg:$0x8];
	[sflag:s15] =	ssyncadd.s32 $0xFFFFD800  }
0xbb: {  	[spmem:s10] =	stream.linear.scatter [tilespmem:s14], [sflag:$0x3], $0x2800, $0x38;
	[tilespmem:$0x1E378] =	vst v63  }
0xbc: {  	_ =	swait.ge [sflag:s15], $0x2800  }
0xbd: {  	[sflag:s15] =	ssyncset.done $0x0  }
0xbe: {  	s22 =	rddreg [dreg:$0x9];
	[sflag:s15] =	ssyncadd.s32 $0xFFFFD800  }
0xbf: {  	[spmem:s22] =	stream.linear.scatter [tilespmem:s14], [sflag:$0x3], $0x2800, $0x38;
	[tilespmem:$0x1E378] =	vst v63  }
0xc0: {  	_ =	swait.ge [sflag:s15], $0x2800  }
0xc1: {  	[sflag:s15] =	ssyncset.done $0x0  }
0xc2: {  	s23 =	rddreg [dreg:$0xa];
	[sflag:s15] =	ssyncadd.s32 $0xFFFFD800  }
0xc3: {  	[spmem:s23] =	stream.linear.scatter [tilespmem:s14], [sflag:$0x3], $0x2800, $0x38;
	[tilespmem:$0x1E378] =	vst v63  }
0xc4: {  	_ =	swait.ge [sflag:s15], $0x2800  }
0xc5: {  	[sflag:s15] =	ssyncset.done $0x0  }
0xc6: {  	s24 =	rddreg [dreg:$0xb];
	[sflag:s15] =	ssyncadd.s32 $0xFFFFD800  }
0xc7: {  	[spmem:s24] =	stream.linear.scatter [tilespmem:s14], [sflag:$0x3], $0x2800, $0x38;
	[tilespmem:$0x1E378] =	vst v63  }
0xc8: {  	_ =	swait.ge [sflag:s15], $0x2800  }
0xc9: {  	[sflag:s15] =	ssyncset.done $0x0  }
0xca: {  	s25 =	rddreg [dreg:$0xc];
	[sflag:s15] =	ssyncadd.s32 $0xFFFFD800  }
0xcb: {  	[spmem:s25] =	stream.linear.scatter [tilespmem:s14], [sflag:$0x3], $0x2800, $0x38;
	[tilespmem:$0x1E378] =	vst v63  }
0xcc: {  	_ =	swait.ge [sflag:s15], $0x2800  }
0xcd: {  	[sflag:s15] =	ssyncset.done $0x0  }
0xce: {  	s26 =	rddreg [dreg:$0xd];
	[sflag:s15] =	ssyncadd.s32 $0xFFFFD800  }
0xcf: {  	[spmem:s26] =	stream.linear.scatter [tilespmem:s14], [sflag:$0x3], $0x2800, $0x38;
	[tilespmem:$0x1E378] =	vst v63  }
0xd0: {  	_ =	swait.ge [sflag:s15], $0x2800  }
0xd1: {  	[sflag:s15] =	ssyncset.done $0x0  }
0xd2: {  	s10 =	rddreg [dreg:$0xe];
	[sflag:s15] =	ssyncadd.s32 $0xFFFFD800  }
0xd3: {  	[spmem:s10] =	stream.linear.scatter [tilespmem:s14], [sflag:$0x3], $0x2800, $0x38;
	[tilespmem:$0x1E378] =	vst v63  }
0xd4: {  	_ =	swait.ge [sflag:s15], $0x2800  }
0xd5: {  	[sflag:s15] =	ssyncset.done $0x0  }
0xd6: {  	s22 =	rddreg [dreg:$0xf];
	[sflag:s15] =	ssyncadd.s32 $0xFFFFD800  }
0xd7: {  	[spmem:s22] =	stream.linear.scatter [tilespmem:s14], [sflag:$0x3], $0x2800, $0x38;
	[tilespmem:$0x1E378] =	vst v63  }
0xd8: {  	_ =	swait.ge [sflag:s15], $0x2800  }
0xd9: {  	[sflag:s15] =	ssyncset.done $0x0  }
0xda: {  	[sflag:s15] =	ssyncadd.s32 $0xFFFFD800  }
0xdb: {  	s23 =	rddreg [dreg:$0x10]  }
0xdc: {  	[spmem:s23] =	stream.linear.scatter [tilespmem:s14], [sflag:$0x3], $0x2800, $0x38;
	[tilespmem:$0x1E378] =	vst v63  }
0xdd: {  	_ =	swait.ge [sflag:s15], $0x2800  }
0xde: {  	[sflag:s15] =	ssyncset.done $0x0  }
0xdf: {  	s24 =	rddreg [dreg:$0x13];
	[sflag:s15] =	ssyncadd.s32 $0xFFFFD800  }
0xe0: {  	[spmem:s24] =	stream.linear.scatter [tilespmem:s14], [sflag:$0x3], $0x2800, $0x38;
	[tilespmem:$0x1E378] =	vst v63  }
0xe1: {  	_ =	swait.ge [sflag:s15], $0x2800  }
0xe2: {  	[sflag:s15] =	ssyncset.done $0x0  }
0xe3: {  	s25 =	rddreg [dreg:$0x14];
	[sflag:s15] =	ssyncadd.s32 $0xFFFFD800  }
0xe4: {  	[spmem:s25] =	stream.linear.scatter [tilespmem:s14], [sflag:$0x3], $0x2800, $0x38;
	[tilespmem:$0x1E378] =	vst v63  }
0xe5: {  	_ =	swait.ge [sflag:s15], $0x2800  }
0xe6: {  	[sflag:s15] =	ssyncset.done $0x0  }
0xe7: {  	s26 =	rddreg [dreg:$0x15];
	[sflag:s15] =	ssyncadd.s32 $0xFFFFD800  }
0xe8: {  	[spmem:s26] =	stream.linear.scatter [tilespmem:s14], [sflag:$0x3], $0x2800, $0x38;
	[tilespmem:$0x1E378] =	vst v63  }
0xe9: {  	_ =	swait.ge [sflag:s15], $0x2800  }
0xea: {  	[sflag:s15] =	ssyncset.done $0x0  }
0xeb: {  	s10 =	rddreg [dreg:$0x16];
	[sflag:s15] =	ssyncadd.s32 $0xFFFFD800  }
0xec: {  	[spmem:s10] =	stream.linear.scatter [tilespmem:s14], [sflag:$0x3], $0x2800, $0x38;
	[tilespmem:$0x1E378] =	vst v63  }
0xed: {  	_ =	swait.ge [sflag:s15], $0x2800  }
0xee: {  	[sflag:s15] =	ssyncset.done $0x0  }
0xef: {  	s22 =	rddreg [dreg:$0x17];
	[sflag:s15] =	ssyncadd.s32 $0xFFFFD800  }
0xf0: {  	[spmem:s22] =	stream.linear.scatter [tilespmem:s14], [sflag:$0x3], $0x2800, $0x38;
	[tilespmem:$0x1E378] =	vst v63  }
0xf1: {  	_ =	swait.ge [sflag:s15], $0x2800  }
0xf2: {  	[sflag:s15] =	ssyncset.done $0x0  }
0xf3: {  	s23 =	rddreg [dreg:$0x18];
	[sflag:s15] =	ssyncadd.s32 $0xFFFFD800  }
0xf4: {  	[spmem:s23] =	stream.linear.scatter [tilespmem:s14], [sflag:$0x3], $0x2800, $0x38;
	[tilespmem:$0x1E378] =	vst v63  }
0xf5: {  	_ =	swait.ge [sflag:s15], $0x2800  }
0xf6: {  	[sflag:s15] =	ssyncset.done $0x0  }
0xf7: {  	s24 =	rddreg [dreg:$0x19];
	[sflag:s15] =	ssyncadd.s32 $0xFFFFD800  }
0xf8: {  	[spmem:s24] =	stream.linear.scatter [tilespmem:s14], [sflag:$0x3], $0x2800, $0x38;
	[tilespmem:$0x1E378] =	vst v63  }
0xf9: {  	_ =	swait.ge [sflag:s15], $0x2800  }
0xfa: {  	[sflag:s15] =	ssyncset.done $0x0  }
0xfb: {  	s25 =	rddreg [dreg:$0x1a];
	[sflag:s15] =	ssyncadd.s32 $0xFFFFD800  }
0xfc: {  	[spmem:s25] =	stream.linear.scatter [tilespmem:s14], [sflag:$0x3], $0x2800, $0x38;
	[tilespmem:$0x1E378] =	vst v63  }
0xfd: {  	_ =	swait.ge [sflag:s15], $0x2800  }
0xfe: {  	[sflag:s15] =	ssyncset.done $0x0  }
0xff: {  	s26 =	rddreg [dreg:$0x1b];
	[sflag:s15] =	ssyncadd.s32 $0xFFFFD800  }
0x100: {  	[spmem:s26] =	stream.linear.scatter [tilespmem:s14], [sflag:$0x3], $0x2800, $0x38;
	[tilespmem:$0x1E378] =	vst v63  }
0x101: {  	_ =	swait.ge [sflag:s15], $0x2800  }
0x102: {  	[sflag:s15] =	ssyncset.done $0x0  }
0x103: {  	s10 =	rddreg [dreg:$0x1c];
	[sflag:s15] =	ssyncadd.s32 $0xFFFFD800  }
0x104: {  	[spmem:s10] =	stream.linear.scatter [tilespmem:s14], [sflag:$0x3], $0x2800, $0x38;
	[tilespmem:$0x1E378] =	vst v63  }
0x105: {  	_ =	swait.ge [sflag:s15], $0x2800  }
0x106: {  	[sflag:s15] =	ssyncset.done $0x0  }
0x107: {  	s22 =	rddreg [dreg:$0x1d];
	[sflag:s15] =	ssyncadd.s32 $0xFFFFD800  }
0x108: {  	[spmem:s22] =	stream.linear.scatter [tilespmem:s14], [sflag:$0x3], $0x2800, $0x38;
	[tilespmem:$0x1E378] =	vst v63  }
0x109: {  	_ =	swait.ge [sflag:s15], $0x2800  }
0x10a: {  	[sflag:s15] =	ssyncset.done $0x0  }
0x10b: {  	s23 =	rddreg [dreg:$0x1e];
	[sflag:s15] =	ssyncadd.s32 $0xFFFFD800  }
0x10c: {  	[spmem:s23] =	stream.linear.scatter [tilespmem:s14], [sflag:$0x3], $0x2800, $0x38;
	[tilespmem:$0x1E378] =	vst v63  }
0x10d: {  	_ =	swait.ge [sflag:s15], $0x2800  }
0x10e: {  	[sflag:s15] =	ssyncset.done $0x0  }
0x10f: {  	s24 =	rddreg [dreg:$0x1f];
	[sflag:s15] =	ssyncadd.s32 $0xFFFFD800  }
0x110: {  	[spmem:s24] =	stream.linear.scatter [tilespmem:s14], [sflag:$0x3], $0x2800, $0x38;
	[tilespmem:$0x1E378] =	vst v63  }
0x111: {  	_ =	swait.ge [sflag:s15], $0x2800  }
0x112: {  	s25 =	sld [smem:$0x790]  }
0x113: {  	[sflag:s15] =	ssyncset.done $0x0  }
0x114: {  	[sflag:s15] =	ssyncadd.s32 $0xFFFFD800  }
0x115: {  	[spmem:s25] =	stream.linear.scatter [tilespmem:s14], [sflag:$0x3], $0x2800, $0x38;
	[tilespmem:$0x1E378] =	vst v63  }
0x116: {  	_ =	swait.ge [sflag:s15], $0x2800  }
0x117: {  	s26 =	sld [smem:$0x791]  }
0x118: {  	[sflag:s15] =	ssyncset.done $0x0  }
0x119: {  	[sflag:s15] =	ssyncadd.s32 $0xFFFFD800  }
0x11a: {  	[spmem:s26] =	stream.linear.scatter [tilespmem:s14], [sflag:$0x3], $0x2800, $0x38;
	[tilespmem:$0x1E378] =	vst v63  }
0x11b: {  	_ =	swait.ge [sflag:s15], $0x2800  }
0x11c: {  	s10 =	sld [smem:$0x792]  }
0x11d: {  	[sflag:s15] =	ssyncset.done $0x0  }
0x11e: {  	[sflag:s15] =	ssyncadd.s32 $0xFFFFD800  }
0x11f: {  	[spmem:s10] =	stream.linear.scatter [tilespmem:s14], [sflag:$0x3], $0x2800, $0x38;
	[tilespmem:$0x1E378] =	vst v63  }
0x120: {  	_ =	swait.ge [sflag:s15], $0x2800  }
0x121: {  	s22 =	sld [smem:$0x793]  }
0x122: {  	[sflag:s15] =	ssyncset.done $0x0  }
0x123: {  	[sflag:s15] =	ssyncadd.s32 $0xFFFFD800  }
0x124: {  	[spmem:s22] =	stream.linear.scatter [tilespmem:s14], [sflag:$0x3], $0x2800, $0x38;
	[tilespmem:$0x1E378] =	vst v63  }
0x125: {  	_ =	swait.ge [sflag:s15], $0x2800  }
0x126: {  	s23 =	sld [smem:$0x794]  }
0x127: {  	[sflag:s15] =	ssyncset.done $0x0  }
0x128: {  	[sflag:s15] =	ssyncadd.s32 $0xFFFFD800  }
0x129: {  	[spmem:s23] =	stream.linear.scatter [tilespmem:s14], [sflag:$0x3], $0x2800, $0x38;
	[tilespmem:$0x1E378] =	vst v63  }
0x12a: {  	_ =	swait.ge [sflag:s15], $0x2800  }
0x12b: {  	s24 =	sld [smem:$0x795]  }
0x12c: {  	[sflag:s15] =	ssyncset.done $0x0  }
0x12d: {  	[sflag:s15] =	ssyncadd.s32 $0xFFFFD800  }
0x12e: {  	[spmem:s24] =	stream.linear.scatter [tilespmem:s14], [sflag:$0x3], $0x2800, $0x38;
	[tilespmem:$0x1E378] =	vst v63  }
0x12f: {  	_ =	swait.ge [sflag:s15], $0x2800  }
0x130: {  	s25 =	sld [smem:$0x796]  }
0x131: {  	[sflag:s15] =	ssyncset.done $0x0  }
0x132: {  	[sflag:s15] =	ssyncadd.s32 $0xFFFFD800  }
0x133: {  	[spmem:s25] =	stream.linear.scatter [tilespmem:s14], [sflag:$0x3], $0x2800, $0x38;
	[tilespmem:$0x1E378] =	vst v63  }
0x134: {  	_ =	swait.ge [sflag:s15], $0x2800  }
0x135: {  	s26 =	sld [smem:$0x797]  }
0x136: {  	[sflag:s15] =	ssyncset.done $0x0  }
0x137: {  	[sflag:s15] =	ssyncadd.s32 $0xFFFFD800  }
0x138: {  	[spmem:s26] =	stream.linear.scatter [tilespmem:s14], [sflag:$0x3], $0x2800, $0x38;
	[tilespmem:$0x1E378] =	vst v63  }
0x139: {  	_ =	swait.ge [sflag:s15], $0x2800  }
0x13a: {  	s10 =	sld [smem:$0x798]  }
0x13b: {  	[sflag:s15] =	ssyncset.done $0x0  }
0x13c: {  	[sflag:s15] =	ssyncadd.s32 $0xFFFFD800  }
0x13d: {  	[spmem:s10] =	stream.linear.scatter [tilespmem:s14], [sflag:$0x3], $0x2800, $0x38;
	[tilespmem:$0x1E378] =	vst v63  }
0x13e: {  	_ =	swait.ge [sflag:s15], $0x2800  }
0x13f: {  	s22 =	sld [smem:$0x799]  }
0x140: {  	[sflag:s15] =	ssyncset.done $0x0  }
0x141: {  	[sflag:s15] =	ssyncadd.s32 $0xFFFFD800  }
0x142: {  	[spmem:s22] =	stream.linear.scatter [tilespmem:s14], [sflag:$0x3], $0x2800, $0x38;
	[tilespmem:$0x1E378] =	vst v63  }
0x143: {  	_ =	swait.ge [sflag:s15], $0x2800  }
0x144: {  	s23 =	sld [smem:$0x79A]  }
0x145: {  	[sflag:s15] =	ssyncset.done $0x0  }
0x146: {  	[sflag:s15] =	ssyncadd.s32 $0xFFFFD800  }
0x147: {  	[spmem:s23] =	stream.linear.scatter [tilespmem:s14], [sflag:$0x3], $0x2800, $0x38;
	[tilespmem:$0x1E378] =	vst v63  }
0x148: {  	_ =	swait.ge [sflag:s15], $0x2800  }
0x149: {  	s24 =	sld [smem:$0x79B]  }
0x14a: {  	[sflag:s15] =	ssyncset.done $0x0  }
0x14b: {  	[sflag:s15] =	ssyncadd.s32 $0xFFFFD800  }
0x14c: {  	[spmem:s24] =	stream.linear.scatter [tilespmem:s14], [sflag:$0x3], $0x2800, $0x38;
	[tilespmem:$0x1E378] =	vst v63  }
0x14d: {  	_ =	swait.ge [sflag:s15], $0x2800  }
0x14e: {  	s25 =	sld [smem:$0x79C]  }
0x14f: {  	[sflag:s15] =	ssyncset.done $0x0  }
0x150: {  	[sflag:s15] =	ssyncadd.s32 $0xFFFFD800  }
0x151: {  	[spmem:s25] =	stream.linear.scatter [tilespmem:s14], [sflag:$0x3], $0x2800, $0x38;
	[tilespmem:$0x1E378] =	vst v63  }
0x152: {  	_ =	swait.ge [sflag:s15], $0x2800  }
0x153: {  	s26 =	sld [smem:$0x79D]  }
0x154: {  	[sflag:s15] =	ssyncset.done $0x0  }
0x155: {  	[sflag:s15] =	ssyncadd.s32 $0xFFFFD800  }
0x156: {  	[spmem:s26] =	stream.linear.scatter [tilespmem:s14], [sflag:$0x3], $0x2800, $0x38;
	[tilespmem:$0x1E378] =	vst v63  }
0x157: {  	_ =	swait.ge [sflag:s15], $0x2800  }
0x158: {  	s10 =	sld [smem:$0x79E]  }
0x159: {  	[sflag:s15] =	ssyncset.done $0x0  }
0x15a: {  	[sflag:s15] =	ssyncadd.s32 $0xFFFFD800  }
0x15b: {  	[spmem:s10] =	stream.linear.scatter [tilespmem:s14], [sflag:$0x3], $0x2800, $0x38;
	[tilespmem:$0x1E378] =	vst v63  }
0x15c: {  	_ =	swait.ge [sflag:s15], $0x2800  }
0x15d: {  	s22 =	sld [smem:$0x79F]  }
0x15e: {  	[sflag:s15] =	ssyncset.done $0x0  }
0x15f: {  	[sflag:s15] =	ssyncadd.s32 $0xFFFFD800  }
0x160: {  	[spmem:s22] =	stream.linear.scatter [tilespmem:s14], [sflag:$0x3], $0x2800, $0x38;
	[tilespmem:$0x1E378] =	vst v63  }
0x161: {  	_ =	swait.ge [sflag:s15], $0x2800  }
0x162: {  	s23 =	sld [smem:$0x7A0]  }
0x163: {  	[sflag:s15] =	ssyncset.done $0x0  }
0x164: {  	[sflag:s15] =	ssyncadd.s32 $0xFFFFD800  }
0x165: {  	[spmem:s23] =	stream.linear.scatter [tilespmem:s14], [sflag:$0x3], $0x2800, $0x38;
	[tilespmem:$0x1E378] =	vst v63  }
0x166: {  	_ =	swait.ge [sflag:s15], $0x2800  }
0x167: {  	s24 =	sld [smem:$0x7A1]  }
0x168: {  	[sflag:s15] =	ssyncset.done $0x0  }
0x169: {  	[sflag:s15] =	ssyncadd.s32 $0xFFFFD800  }
0x16a: {  	[spmem:s24] =	stream.linear.scatter [tilespmem:s14], [sflag:$0x3], $0x2800, $0x38;
	[tilespmem:$0x1E378] =	vst v63  }
0x16b: {  	_ =	swait.ge [sflag:s15], $0x2800  }
0x16c: {  	s25 =	sld [smem:$0x7A2]  }
0x16d: {  	[sflag:s15] =	ssyncset.done $0x0  }
0x16e: {  	[sflag:s15] =	ssyncadd.s32 $0xFFFFD800  }
0x16f: {  	[spmem:s25] =	stream.linear.scatter [tilespmem:s14], [sflag:$0x3], $0x2800, $0x38;
	[tilespmem:$0x1E378] =	vst v63  }
0x170: {  	_ =	swait.ge [sflag:s15], $0x2800  }
0x171: {  	s26 =	sld [smem:$0x7A3]  }
0x172: {  	[sflag:s15] =	ssyncset.done $0x0  }
0x173: {  	[sflag:s15] =	ssyncadd.s32 $0xFFFFD800  }
0x174: {  	[spmem:s26] =	stream.linear.scatter [tilespmem:s14], [sflag:$0x3], $0x2800, $0x38;
	[tilespmem:$0x1E378] =	vst v63  }
0x175: {  	_ =	swait.ge [sflag:s15], $0x2800  }
0x176: {  	s10 =	sld [smem:$0x7A4]  }
0x177: {  	[sflag:s15] =	ssyncset.done $0x0  }
0x178: {  	[sflag:s15] =	ssyncadd.s32 $0xFFFFD800  }
0x179: {  	[spmem:s10] =	stream.linear.scatter [tilespmem:s14], [sflag:$0x3], $0x2800, $0x38;
	[tilespmem:$0x1E378] =	vst v63  }
0x17a: {  	_ =	swait.ge [sflag:s15], $0x2800  }
0x17b: {  	s22 =	sld [smem:$0x7A5]  }
0x17c: {  	[sflag:s15] =	ssyncset.done $0x0  }
0x17d: {  	[sflag:s15] =	ssyncadd.s32 $0xFFFFD800  }
0x17e: {  	[spmem:s22] =	stream.linear.scatter [tilespmem:s14], [sflag:$0x3], $0x2800, $0x38;
	[tilespmem:$0x1E378] =	vst v63  }
0x17f: {  	_ =	swait.ge [sflag:s15], $0x2800  }
0x180: {  	s23 =	sld [smem:$0x7A6]  }
0x181: {  	[sflag:s15] =	ssyncset.done $0x0  }
0x182: {  	[sflag:s15] =	ssyncadd.s32 $0xFFFFD800  }
0x183: {  	[spmem:s23] =	stream.linear.scatter [tilespmem:s14], [sflag:$0x3], $0x2800, $0x38;
	[tilespmem:$0x1E378] =	vst v63  }
0x184: {  	_ =	swait.ge [sflag:s15], $0x2800  }
0x185: {  	s24 =	sld [smem:$0x7A7]  }
0x186: {  	[sflag:s15] =	ssyncset.done $0x0  }
0x187: {  	[sflag:s15] =	ssyncadd.s32 $0xFFFFD800  }
0x188: {  	[spmem:s24] =	stream.linear.scatter [tilespmem:s14], [sflag:$0x3], $0x2800, $0x38;
	[tilespmem:$0x1E378] =	vst v63  }
0x189: {  	_ =	swait.ge [sflag:s15], $0x2800  }
0x18a: {  	s25 =	sld [smem:$0x7A8]  }
0x18b: {  	[sflag:s15] =	ssyncset.done $0x0  }
0x18c: {  	[sflag:s15] =	ssyncadd.s32 $0xFFFFD800  }
0x18d: {  	[spmem:s25] =	stream.linear.scatter [tilespmem:s14], [sflag:$0x3], $0x2800, $0x38;
	[tilespmem:$0x1E378] =	vst v63  }
0x18e: {  	_ =	swait.ge [sflag:s15], $0x2800  }
0x18f: {  	s26 =	sld [smem:$0x7A9]  }
0x190: {  	[sflag:s15] =	ssyncset.done $0x0  }
0x191: {  	[sflag:s15] =	ssyncadd.s32 $0xFFFFD800  }
0x192: {  	[spmem:s26] =	stream.linear.scatter [tilespmem:s14], [sflag:$0x3], $0x2800, $0x38;
	[tilespmem:$0x1E378] =	vst v63  }
0x193: {  	_ =	swait.ge [sflag:s15], $0x2800  }
0x194: {  	s10 =	sld [smem:$0x7AA]  }
0x195: {  	[sflag:s15] =	ssyncset.done $0x0  }
0x196: {  	[sflag:s15] =	ssyncadd.s32 $0xFFFFD800  }
0x197: {  	[spmem:s10] =	stream.linear.scatter [tilespmem:s14], [sflag:$0x3], $0x2800, $0x38;
	[tilespmem:$0x1E378] =	vst v63  }
0x198: {  	_ =	swait.ge [sflag:s15], $0x2800  }
0x199: {  	s22 =	sld [smem:$0x7AB]  }
0x19a: {  	[sflag:s15] =	ssyncset.done $0x0  }
0x19b: {  	[sflag:s15] =	ssyncadd.s32 $0xFFFFD800  }
0x19c: {  	[spmem:s22] =	stream.linear.scatter [tilespmem:s14], [sflag:$0x3], $0x2800, $0x38;
	[tilespmem:$0x1E378] =	vst v63  }
0x19d: {  	_ =	swait.ge [sflag:s15], $0x2800  }
0x19e: {  	s23 =	sld [smem:$0x7AC]  }
0x19f: {  	[sflag:s15] =	ssyncset.done $0x0  }
0x1a0: {  	[sflag:s15] =	ssyncadd.s32 $0xFFFFD800  }
0x1a1: {  	[spmem:s23] =	stream.linear.scatter [tilespmem:s14], [sflag:$0x3], $0x2800, $0x38;
	[tilespmem:$0x1E378] =	vst v63  }
0x1a2: {  	_ =	swait.ge [sflag:s15], $0x2800  }
0x1a3: {  	s24 =	sld [smem:$0x7AD]  }
0x1a4: {  	[sflag:s15] =	ssyncset.done $0x0  }
0x1a5: {  	[sflag:s15] =	ssyncadd.s32 $0xFFFFD800  }
0x1a6: {  	[spmem:s24] =	stream.linear.scatter [tilespmem:s14], [sflag:$0x3], $0x2800, $0x38;
	[tilespmem:$0x1E378] =	vst v63  }
0x1a7: {  	_ =	swait.ge [sflag:s15], $0x2800  }
0x1a8: {  	s25 =	sld [smem:$0x7AE]  }
0x1a9: {  	[sflag:s15] =	ssyncset.done $0x0  }
0x1aa: {  	[sflag:s15] =	ssyncadd.s32 $0xFFFFD800  }
0x1ab: {  	[spmem:s25] =	stream.linear.scatter [tilespmem:s14], [sflag:$0x3], $0x2800, $0x38;
	[tilespmem:$0x1E378] =	vst v63  }
0x1ac: {  	_ =	swait.ge [sflag:s15], $0x2800  }
0x1ad: {  	s26 =	sld [smem:$0x7AF]  }
0x1ae: {  	[sflag:s15] =	ssyncset.done $0x0  }
0x1af: {  	[sflag:s15] =	ssyncadd.s32 $0xFFFFD800  }
0x1b0: {  	[spmem:s26] =	stream.linear.scatter [tilespmem:s14], [sflag:$0x3], $0x2800, $0x38;
	[tilespmem:$0x1E378] =	vst v63  }
0x1b1: {  	_ =	swait.ge [sflag:s15], $0x2800  }
0x1b2: {  	s10 =	sld [smem:$0x7B0]  }
0x1b3: {  	[sflag:s15] =	ssyncset.done $0x0  }
0x1b4: {  	[sflag:s15] =	ssyncadd.s32 $0xFFFFD800  }
0x1b5: {  	[spmem:s10] =	stream.linear.scatter [tilespmem:s14], [sflag:$0x3], $0x2800, $0x38;
	[tilespmem:$0x1E378] =	vst v63  }
0x1b6: {  	_ =	swait.ge [sflag:s15], $0x2800  }
0x1b7: {  	s22 =	sld [smem:$0x7B1]  }
0x1b8: {  	[sflag:s15] =	ssyncset.done $0x0  }
0x1b9: {  	[sflag:s15] =	ssyncadd.s32 $0xFFFFD800  }
0x1ba: {  	[spmem:s22] =	stream.linear.scatter [tilespmem:s14], [sflag:$0x3], $0x2800, $0x38;
	[tilespmem:$0x1E378] =	vst v63  }
0x1bb: {  	_ =	swait.ge [sflag:s15], $0x2800  }
0x1bc: {  	s23 =	sld [smem:$0x7B2]  }
0x1bd: {  	[sflag:s15] =	ssyncset.done $0x0  }
0x1be: {  	[sflag:s15] =	ssyncadd.s32 $0xFFFFD800  }
0x1bf: {  	[spmem:s23] =	stream.linear.scatter [tilespmem:s14], [sflag:$0x3], $0x2800, $0x38;
	[tilespmem:$0x1E378] =	vst v63  }
0x1c0: {  	_ =	swait.ge [sflag:s15], $0x2800  }
0x1c1: {  	s24 =	sld [smem:$0x7B3]  }
0x1c2: {  	[sflag:s15] =	ssyncset.done $0x0  }
0x1c3: {  	[sflag:s15] =	ssyncadd.s32 $0xFFFFD800  }
0x1c4: {  	[spmem:s24] =	stream.linear.scatter [tilespmem:s14], [sflag:$0x3], $0x2800, $0x38;
	[tilespmem:$0x1E378] =	vst v63  }
0x1c5: {  	_ =	swait.ge [sflag:s15], $0x2800  }
0x1c6: {  	s25 =	sld [smem:$0x7B4]  }
0x1c7: {  	[sflag:s15] =	ssyncset.done $0x0  }
0x1c8: {  	[sflag:s15] =	ssyncadd.s32 $0xFFFFD800  }
0x1c9: {  	[spmem:s25] =	stream.linear.scatter [tilespmem:s14], [sflag:$0x3], $0x2800, $0x38;
	[tilespmem:$0x1E378] =	vst v63  }
0x1ca: {  	_ =	swait.ge [sflag:s15], $0x2800  }
0x1cb: {  	s26 =	sld [smem:$0x7B5]  }
0x1cc: {  	[sflag:s15] =	ssyncset.done $0x0  }
0x1cd: {  	[sflag:s15] =	ssyncadd.s32 $0xFFFFD800  }
0x1ce: {  	[spmem:s26] =	stream.linear.scatter [tilespmem:s14], [sflag:$0x3], $0x2800, $0x38;
	[tilespmem:$0x1E378] =	vst v63  }
0x1cf: {  	_ =	swait.ge [sflag:s15], $0x2800  }
0x1d0: {  	s10 =	sld [smem:$0x7B6]  }
0x1d1: {  	[sflag:s15] =	ssyncset.done $0x0  }
0x1d2: {  	[sflag:s15] =	ssyncadd.s32 $0xFFFFD800  }
0x1d3: {  	[spmem:s10] =	stream.linear.scatter [tilespmem:s14], [sflag:$0x3], $0x2800, $0x38;
	[tilespmem:$0x1E378] =	vst v63  }
0x1d4: {  	_ =	swait.ge [sflag:s15], $0x2800  }
0x1d5: {  	s22 =	sld [smem:$0x7B7]  }
0x1d6: {  	[sflag:s15] =	ssyncset.done $0x0  }
0x1d7: {  	[sflag:s15] =	ssyncadd.s32 $0xFFFFD800  }
0x1d8: {  	[spmem:s22] =	stream.linear.scatter [tilespmem:s14], [sflag:$0x3], $0x2800, $0x38;
	[tilespmem:$0x1E378] =	vst v63  }
0x1d9: {  	_ =	swait.ge [sflag:s15], $0x2800  }
0x1da: {  	s23 =	sld [smem:$0x7B8]  }
0x1db: {  	[sflag:s15] =	ssyncset.done $0x0  }
0x1dc: {  	[sflag:s15] =	ssyncadd.s32 $0xFFFFD800  }
0x1dd: {  	[spmem:s23] =	stream.linear.scatter [tilespmem:s14], [sflag:$0x3], $0x2800, $0x38;
	[tilespmem:$0x1E378] =	vst v63  }
0x1de: {  	_ =	swait.ge [sflag:s15], $0x2800  }
0x1df: {  	s24 =	sld [smem:$0x7B9]  }
0x1e0: {  	[sflag:s15] =	ssyncset.done $0x0  }
0x1e1: {  	[sflag:s15] =	ssyncadd.s32 $0xFFFFD800  }
0x1e2: {  	[spmem:s24] =	stream.linear.scatter [tilespmem:s14], [sflag:$0x3], $0x2800, $0x38;
	[tilespmem:$0x1E378] =	vst v63  }
0x1e3: {  	_ =	swait.ge [sflag:s15], $0x2800  }
0x1e4: {  	s25 =	sld [smem:$0x7BA]  }
0x1e5: {  	[sflag:s15] =	ssyncset.done $0x0  }
0x1e6: {  	[sflag:s15] =	ssyncadd.s32 $0xFFFFD800  }
0x1e7: {  	[spmem:s25] =	stream.linear.scatter [tilespmem:s14], [sflag:$0x3], $0x2800, $0x38;
	[tilespmem:$0x1E378] =	vst v63  }
0x1e8: {  	_ =	swait.ge [sflag:s15], $0x2800  }
0x1e9: {  	s26 =	sld [smem:$0x7BB]  }
0x1ea: {  	[sflag:s15] =	ssyncset.done $0x0  }
0x1eb: {  	[sflag:s15] =	ssyncadd.s32 $0xFFFFD800  }
0x1ec: {  	[spmem:s26] =	stream.linear.scatter [tilespmem:s14], [sflag:$0x3], $0x2800, $0x38;
	[tilespmem:$0x1E378] =	vst v63  }
0x1ed: {  	_ =	swait.ge [sflag:s15], $0x2800  }
0x1ee: {  	s10 =	sld [smem:$0x7BC]  }
0x1ef: {  	[sflag:s15] =	ssyncset.done $0x0  }
0x1f0: {  	[sflag:s15] =	ssyncadd.s32 $0xFFFFD800  }
0x1f1: {  	[spmem:s10] =	stream.linear.scatter [tilespmem:s14], [sflag:$0x3], $0x2800, $0x38;
	[tilespmem:$0x1E378] =	vst v63  }
0x1f2: {  	_ =	swait.ge [sflag:s15], $0x2800  }
0x1f3: {  	s22 =	sld [smem:$0x7BD]  }
0x1f4: {  	[sflag:s15] =	ssyncset.done $0x0  }
0x1f5: {  	[sflag:s15] =	ssyncadd.s32 $0xFFFFD800  }
0x1f6: {  	[spmem:s22] =	stream.linear.scatter [tilespmem:s14], [sflag:$0x3], $0x2800, $0x38;
	[tilespmem:$0x1E378] =	vst v63  }
0x1f7: {  	_ =	swait.ge [sflag:s15], $0x2800  }
0x1f8: {  	s23 =	sld [smem:$0x7BE]  }
0x1f9: {  	[sflag:s15] =	ssyncset.done $0x0  }
0x1fa: {  	[sflag:s15] =	ssyncadd.s32 $0xFFFFD800  }
0x1fb: {  	[spmem:s23] =	stream.linear.scatter [tilespmem:s14], [sflag:$0x3], $0x2800, $0x38;
	[tilespmem:$0x1E378] =	vst v63  }
0x1fc: {  	_ =	swait.ge [sflag:s15], $0x2800  }
0x1fd: {  	s24 =	sld [smem:$0x7BF]  }
0x1fe: {  	[sflag:s15] =	ssyncset.done $0x0  }
0x1ff: {  	[sflag:s15] =	ssyncadd.s32 $0xFFFFD800  }
0x200: {  	[spmem:s24] =	stream.linear.scatter [tilespmem:s14], [sflag:$0x3], $0x2800, $0x38;
	[tilespmem:$0x1E378] =	vst v63  }
0x201: {  	_ =	swait.ge [sflag:s15], $0x2800  }
0x202: {  	s25 =	sld [smem:$0x7C0]  }
0x203: {  	[sflag:s15] =	ssyncset.done $0x0  }
0x204: {  	[sflag:s15] =	ssyncadd.s32 $0xFFFFD800  }
0x205: {  	[spmem:s25] =	stream.linear.scatter [tilespmem:s14], [sflag:$0x3], $0x2800, $0x38;
	[tilespmem:$0x1E378] =	vst v63  }
0x206: {  	_ =	swait.ge [sflag:s15], $0x2800  }
0x207: {  	s26 =	sld [smem:$0x7C1]  }
0x208: {  	[sflag:s15] =	ssyncset.done $0x0  }
0x209: {  	[sflag:s15] =	ssyncadd.s32 $0xFFFFD800  }
0x20a: {  	[spmem:s26] =	stream.linear.scatter [tilespmem:s14], [sflag:$0x3], $0x2800, $0x38;
	[tilespmem:$0x1E378] =	vst v63  }
0x20b: {  	_ =	swait.ge [sflag:s15], $0x2800  }
0x20c: {  	s10 =	sld [smem:$0x7C2]  }
0x20d: {  	[sflag:s15] =	ssyncset.done $0x0  }
0x20e: {  	[sflag:s15] =	ssyncadd.s32 $0xFFFFD800  }
0x20f: {  	[spmem:s10] =	stream.linear.scatter [tilespmem:s14], [sflag:$0x3], $0x2800, $0x38;
	[tilespmem:$0x1E378] =	vst v63  }
0x210: {  	_ =	swait.ge [sflag:s15], $0x2800  }
0x211: {  	s22 =	sld [smem:$0x7C3]  }
0x212: {  	[sflag:s15] =	ssyncset.done $0x0  }
0x213: {  	[sflag:s15] =	ssyncadd.s32 $0xFFFFD800  }
0x214: {  	[spmem:s22] =	stream.linear.scatter [tilespmem:s14], [sflag:$0x3], $0x2800, $0x38;
	[tilespmem:$0x1E378] =	vst v63  }
0x215: {  	_ =	swait.ge [sflag:s15], $0x2800  }
0x216: {  	s23 =	sld [smem:$0x7C4]  }
0x217: {  	[sflag:s15] =	ssyncset.done $0x0  }
0x218: {  	[sflag:s15] =	ssyncadd.s32 $0xFFFFD800  }
0x219: {  	[spmem:s23] =	stream.linear.scatter [tilespmem:s14], [sflag:$0x3], $0x2800, $0x38;
	[tilespmem:$0x1E378] =	vst v63  }
0x21a: {  	_ =	swait.ge [sflag:s15], $0x2800  }
0x21b: {  	s24 =	sld [smem:$0x7C5]  }
0x21c: {  	[sflag:s15] =	ssyncset.done $0x0  }
0x21d: {  	[sflag:s15] =	ssyncadd.s32 $0xFFFFD800  }
0x21e: {  	[spmem:s24] =	stream.linear.scatter [tilespmem:s14], [sflag:$0x3], $0x2800, $0x38;
	[tilespmem:$0x1E378] =	vst v63  }
0x21f: {  	_ =	swait.ge [sflag:s15], $0x2800  }
0x220: {  	s25 =	sld [smem:$0x7C6]  }
0x221: {  	[sflag:s15] =	ssyncset.done $0x0  }
0x222: {  	[sflag:s15] =	ssyncadd.s32 $0xFFFFD800  }
0x223: {  	[spmem:s25] =	stream.linear.scatter [tilespmem:s14], [sflag:$0x3], $0x2800, $0x38;
	[tilespmem:$0x1E378] =	vst v63  }
0x224: {  	_ =	swait.ge [sflag:s15], $0x2800  }
0x225: {  	s26 =	sld [smem:$0x7C7]  }
0x226: {  	[sflag:s15] =	ssyncset.done $0x0  }
0x227: {  	[sflag:s15] =	ssyncadd.s32 $0xFFFFD800  }
0x228: {  	[spmem:s26] =	stream.linear.scatter [tilespmem:s14], [sflag:$0x3], $0x2800, $0x38;
	[tilespmem:$0x1E378] =	vst v63  }
0x229: {  	_ =	swait.ge [sflag:s15], $0x2800  }
0x22a: {  	s10 =	sld [smem:$0x7C8]  }
0x22b: {  	[sflag:s15] =	ssyncset.done $0x0  }
0x22c: {  	[sflag:s15] =	ssyncadd.s32 $0xFFFFD800  }
0x22d: {  	[spmem:s10] =	stream.linear.scatter [tilespmem:s14], [sflag:$0x3], $0x2800, $0x38;
	[tilespmem:$0x1E378] =	vst v63  }
0x22e: {  	_ =	swait.ge [sflag:s15], $0x2800  }
0x22f: {  	s22 =	sld [smem:$0x7C9]  }
0x230: {  	[sflag:s15] =	ssyncset.done $0x0  }
0x231: {  	[sflag:s15] =	ssyncadd.s32 $0xFFFFD800  }
0x232: {  	[spmem:s22] =	stream.linear.scatter [tilespmem:s14], [sflag:$0x3], $0x2800, $0x38;
	[tilespmem:$0x1E378] =	vst v63  }
0x233: {  	_ =	swait.ge [sflag:s15], $0x2800  }
0x234: {  	s23 =	sld [smem:$0x7CA]  }
0x235: {  	[sflag:s15] =	ssyncset.done $0x0  }
0x236: {  	[sflag:s15] =	ssyncadd.s32 $0xFFFFD800  }
0x237: {  	[spmem:s23] =	stream.linear.scatter [tilespmem:s14], [sflag:$0x3], $0x2800, $0x38;
	[tilespmem:$0x1E378] =	vst v63  }
0x238: {  	_ =	swait.ge [sflag:s15], $0x2800  }
0x239: {  	s24 =	sld [smem:$0x7CB]  }
0x23a: {  	[sflag:s15] =	ssyncset.done $0x0  }
0x23b: {  	[sflag:s15] =	ssyncadd.s32 $0xFFFFD800  }
0x23c: {  	[spmem:s24] =	stream.linear.scatter [tilespmem:s14], [sflag:$0x3], $0x2800, $0x38;
	[tilespmem:$0x1E378] =	vst v63  }
0x23d: {  	_ =	swait.ge [sflag:s15], $0x2800  }
0x23e: {  	s25 =	sld [smem:$0x7CC]  }
0x23f: {  	[sflag:s15] =	ssyncset.done $0x0  }
0x240: {  	[sflag:s15] =	ssyncadd.s32 $0xFFFFD800  }
0x241: {  	[spmem:s25] =	stream.linear.scatter [tilespmem:s14], [sflag:$0x3], $0x2800, $0x38;
	[tilespmem:$0x1E378] =	vst v63  }
0x242: {  	_ =	swait.ge [sflag:s15], $0x2800  }
0x243: {  	s26 =	sld [smem:$0x7CD]  }
0x244: {  	[sflag:s15] =	ssyncset.done $0x0  }
0x245: {  	[sflag:s15] =	ssyncadd.s32 $0xFFFFD800  }
0x246: {  	[spmem:s26] =	stream.linear.scatter [tilespmem:s14], [sflag:$0x3], $0x2800, $0x38;
	[tilespmem:$0x1E378] =	vst v63  }
0x247: {  	_ =	swait.ge [sflag:s15], $0x2800  }
0x248: {  	s10 =	sld [smem:$0x7CE]  }
0x249: {  	[sflag:s15] =	ssyncset.done $0x0  }
0x24a: {  	[sflag:s15] =	ssyncadd.s32 $0xFFFFD800  }
0x24b: {  	[spmem:s10] =	stream.linear.scatter [tilespmem:s14], [sflag:$0x3], $0x2800, $0x38;
	[tilespmem:$0x1E378] =	vst v63  }
0x24c: {  	_ =	swait.ge [sflag:s15], $0x2800  }
0x24d: {  	s22 =	sld [smem:$0x7CF]  }
0x24e: {  	[sflag:s15] =	ssyncset.done $0x0  }
0x24f: {  	[sflag:s15] =	ssyncadd.s32 $0xFFFFD800  }
0x250: {  	[spmem:s22] =	stream.linear.scatter [tilespmem:s14], [sflag:$0x3], $0x2800, $0x38;
	[tilespmem:$0x1E378] =	vst v63  }
0x251: {  	_ =	swait.ge [sflag:s15], $0x2800  }
0x252: {  	s23 =	sld [smem:$0x7D0]  }
0x253: {  	[sflag:s15] =	ssyncset.done $0x0  }
0x254: {  	[sflag:s15] =	ssyncadd.s32 $0xFFFFD800  }
0x255: {  	[spmem:s23] =	stream.linear.scatter [tilespmem:s14], [sflag:$0x3], $0x2800, $0x38;
	[tilespmem:$0x1E378] =	vst v63  }
0x256: {  	_ =	swait.ge [sflag:s15], $0x2800  }
0x257: {  	s24 =	sld [smem:$0x7D1]  }
0x258: {  	[sflag:s15] =	ssyncset.done $0x0  }
0x259: {  	[sflag:s15] =	ssyncadd.s32 $0xFFFFD800  }
0x25a: {  	[spmem:s24] =	stream.linear.scatter [tilespmem:s14], [sflag:$0x3], $0x2800, $0x38;
	[tilespmem:$0x1E378] =	vst v63  }
0x25b: {  	_ =	swait.ge [sflag:s15], $0x2800  }
0x25c: {  	s25 =	sld [smem:$0x7D2]  }
0x25d: {  	[sflag:s15] =	ssyncset.done $0x0  }
0x25e: {  	[sflag:s15] =	ssyncadd.s32 $0xFFFFD800  }
0x25f: {  	[spmem:s25] =	stream.linear.scatter [tilespmem:s14], [sflag:$0x3], $0x2800, $0x38;
	[tilespmem:$0x1E378] =	vst v63  }
0x260: {  	_ =	swait.ge [sflag:s15], $0x2800  }
0x261: {  	s26 =	sld [smem:$0x7D3]  }
0x262: {  	[sflag:s15] =	ssyncset.done $0x0  }
0x263: {  	[sflag:s15] =	ssyncadd.s32 $0xFFFFD800  }
0x264: {  	[spmem:s26] =	stream.linear.scatter [tilespmem:s14], [sflag:$0x3], $0x2800, $0x38;
	[tilespmem:$0x1E378] =	vst v63  }
0x265: {  	_ =	swait.ge [sflag:s15], $0x2800  }
0x266: {  	s10 =	sld [smem:$0x7D4]  }
0x267: {  	[sflag:s15] =	ssyncset.done $0x0  }
0x268: {  	[sflag:s15] =	ssyncadd.s32 $0xFFFFD800  }
0x269: {  	[spmem:s10] =	stream.linear.scatter [tilespmem:s14], [sflag:$0x3], $0x2800, $0x38;
	[tilespmem:$0x1E378] =	vst v63  }
0x26a: {  	_ =	swait.ge [sflag:s15], $0x2800  }
0x26b: {  	s22 =	sld [smem:$0x7D5]  }
0x26c: {  	[sflag:s15] =	ssyncset.done $0x0  }
0x26d: {  	[sflag:s15] =	ssyncadd.s32 $0xFFFFD800  }
0x26e: {  	[spmem:s22] =	stream.linear.scatter [tilespmem:s14], [sflag:$0x3], $0x2800, $0x38;
	[tilespmem:$0x1E378] =	vst v63  }
0x26f: {  	_ =	swait.ge [sflag:s15], $0x2800  }
0x270: {  	s23 =	sld [smem:$0x7D6]  }
0x271: {  	[sflag:s15] =	ssyncset.done $0x0  }
0x272: {  	[sflag:s15] =	ssyncadd.s32 $0xFFFFD800  }
0x273: {  	[spmem:s23] =	stream.linear.scatter [tilespmem:s14], [sflag:$0x3], $0x2800, $0x38;
	[tilespmem:$0x1E378] =	vst v63  }
0x274: {  	_ =	swait.ge [sflag:s15], $0x2800  }
0x275: {  	s24 =	sld [smem:$0x7D7]  }
0x276: {  	[sflag:s15] =	ssyncset.done $0x0  }
0x277: {  	[sflag:s15] =	ssyncadd.s32 $0xFFFFD800  }
0x278: {  	[spmem:s24] =	stream.linear.scatter [tilespmem:s14], [sflag:$0x3], $0x2800, $0x38;
	[tilespmem:$0x1E378] =	vst v63  }
0x279: {  	_ =	swait.ge [sflag:s15], $0x2800  }
0x27a: {  	s25 =	sld [smem:$0x7D8]  }
0x27b: {  	[sflag:s15] =	ssyncset.done $0x0  }
0x27c: {  	[sflag:s15] =	ssyncadd.s32 $0xFFFFD800  }
0x27d: {  	[spmem:s25] =	stream.linear.scatter [tilespmem:s14], [sflag:$0x3], $0x2800, $0x38;
	[tilespmem:$0x1E378] =	vst v63  }
0x27e: {  	_ =	swait.ge [sflag:s15], $0x2800  }
0x27f: {  	s26 =	sld [smem:$0x7D9]  }
0x280: {  	[sflag:s15] =	ssyncset.done $0x0  }
0x281: {  	[sflag:s15] =	ssyncadd.s32 $0xFFFFD800  }
0x282: {  	[spmem:s26] =	stream.linear.scatter [tilespmem:s14], [sflag:$0x3], $0x2800, $0x38;
	[tilespmem:$0x1E378] =	vst v63  }
0x283: {  	_ =	swait.ge [sflag:s15], $0x2800  }
0x284: {  	s10 =	sld [smem:$0x7DA]  }
0x285: {  	[sflag:s15] =	ssyncset.done $0x0  }
0x286: {  	[sflag:s15] =	ssyncadd.s32 $0xFFFFD800  }
0x287: {  	[spmem:s10] =	stream.linear.scatter [tilespmem:s14], [sflag:$0x3], $0x2800, $0x38;
	[tilespmem:$0x1E378] =	vst v63  }
0x288: {  	_ =	swait.ge [sflag:s15], $0x2800  }
0x289: {  	s22 =	sld [smem:$0x7DB]  }
0x28a: {  	[sflag:s15] =	ssyncset.done $0x0  }
0x28b: {  	[sflag:s15] =	ssyncadd.s32 $0xFFFFD800  }
0x28c: {  	[spmem:s22] =	stream.linear.scatter [tilespmem:s14], [sflag:$0x3], $0x2800, $0x38;
	[tilespmem:$0x1E378] =	vst v63  }
0x28d: {  	_ =	swait.ge [sflag:s15], $0x2800  }
0x28e: {  	s23 =	sld [smem:$0x7DC]  }
0x28f: {  	[sflag:s15] =	ssyncset.done $0x0  }
0x290: {  	[sflag:s15] =	ssyncadd.s32 $0xFFFFD800  }
0x291: {  	[spmem:s23] =	stream.linear.scatter [tilespmem:s14], [sflag:$0x3], $0x2800, $0x38;
	[tilespmem:$0x1E378] =	vst v63  }
0x292: {  	_ =	swait.ge [sflag:s15], $0x2800  }
0x293: {  	s24 =	sld [smem:$0x7DD]  }
0x294: {  	[sflag:s15] =	ssyncset.done $0x0  }
0x295: {  	[sflag:s15] =	ssyncadd.s32 $0xFFFFD800  }
0x296: {  	[spmem:s24] =	stream.linear.scatter [tilespmem:s14], [sflag:$0x3], $0x2800, $0x38;
	[tilespmem:$0x1E378] =	vst v63  }
0x297: {  	_ =	swait.ge [sflag:s15], $0x2800  }
0x298: {  	s25 =	sld [smem:$0x7DE]  }
0x299: {  	[sflag:s15] =	ssyncset.done $0x0  }
0x29a: {  	[sflag:s15] =	ssyncadd.s32 $0xFFFFD800  }
0x29b: {  	[spmem:s25] =	stream.linear.scatter [tilespmem:s14], [sflag:$0x3], $0x2800, $0x38;
	[tilespmem:$0x1E378] =	vst v63  }
0x29c: {  	_ =	swait.ge [sflag:s15], $0x2800  }
0x29d: {  	s26 =	sld [smem:$0x7DF]  }
0x29e: {  	[sflag:s15] =	ssyncset.done $0x0  }
0x29f: {  	[sflag:s15] =	ssyncadd.s32 $0xFFFFD800  }
0x2a0: {  	[spmem:s26] =	stream.linear.scatter [tilespmem:s14], [sflag:$0x3], $0x2800, $0x38;
	[tilespmem:$0x1E378] =	vst v63  }
0x2a1: {  	_ =	swait.ge [sflag:s15], $0x2800  }
0x2a2: {  	s10 =	sld [smem:$0x7E1]  }
0x2a3: {  	[sflag:s15] =	ssyncset.done $0x0  }
0x2a4: {  	[sflag:s15] =	ssyncadd.s32 $0xFFFFD800  }
0x2a5: {  	[spmem:s10] =	stream.linear.scatter [tilespmem:s14], [sflag:$0x3], $0x2800, $0x38;
	[tilespmem:$0x1E378] =	vst v63  }
0x2a6: {  	_ =	swait.ge [sflag:s15], $0x2800  }
0x2a7: {  	s22 =	sld [smem:$0x7E0]  }
0x2a8: {  	[sflag:s15] =	ssyncset.done $0x0  }
0x2a9: {  	[sflag:s15] =	ssyncadd.s32 $0xFFFFD800  }
0x2aa: {  	[spmem:s22] =	stream.linear.scatter [tilespmem:s14], [sflag:$0x3], $0x2800, $0x38;
	[tilespmem:$0x1E378] =	vst v63  }
0x2ab: {  	_ =	swait.ge [sflag:s15], $0x2800  }
0x2ac: {  	s23 =	sld [smem:$0x7E2]  }
0x2ad: {  	[sflag:s15] =	ssyncset.done $0x0  }
0x2ae: {  	[sflag:s15] =	ssyncadd.s32 $0xFFFFD800  }
0x2af: {  	[spmem:s23] =	stream.linear.scatter [tilespmem:s14], [sflag:$0x3], $0x2800, $0x38;
	[tilespmem:$0x1E378] =	vst v63  }
0x2b0: {  	_ =	swait.ge [sflag:s15], $0x2800  }
0x2b1: {  	s24 =	sld [smem:$0x7E3]  }
0x2b2: {  	[sflag:s15] =	ssyncset.done $0x0  }
0x2b3: {  	[sflag:s15] =	ssyncadd.s32 $0xFFFFD800  }
0x2b4: {  	[spmem:s24] =	stream.linear.scatter [tilespmem:s14], [sflag:$0x3], $0x2800, $0x38;
	[tilespmem:$0x1E378] =	vst v63  }
0x2b5: {  	_ =	swait.ge [sflag:s15], $0x2800  }
0x2b6: {  	s25 =	sld [smem:$0x7E4]  }
0x2b7: {  	[sflag:s15] =	ssyncset.done $0x0  }
0x2b8: {  	[sflag:s15] =	ssyncadd.s32 $0xFFFFD800  }
0x2b9: {  	[spmem:s25] =	stream.linear.scatter [tilespmem:s14], [sflag:$0x3], $0x2800, $0x38;
	[tilespmem:$0x1E378] =	vst v63  }
0x2ba: {  	_ =	swait.ge [sflag:s15], $0x2800  }
0x2bb: {  	s26 =	sld [smem:$0x7E5]  }
0x2bc: {  	[sflag:s15] =	ssyncset.done $0x0  }
0x2bd: {  	[sflag:s15] =	ssyncadd.s32 $0xFFFFD800  }
0x2be: {  	[spmem:s26] =	stream.linear.scatter [tilespmem:s14], [sflag:$0x3], $0x2800, $0x38;
	[tilespmem:$0x1E378] =	vst v63  }
0x2bf: {  	_ =	swait.ge [sflag:s15], $0x2800  }
0x2c0: {  	s10 =	sld [smem:$0x7E6]  }
0x2c1: {  	[sflag:s15] =	ssyncset.done $0x0  }
0x2c2: {  	[sflag:s15] =	ssyncadd.s32 $0xFFFFD800  }
0x2c3: {  	[spmem:s10] =	stream.linear.scatter [tilespmem:s14], [sflag:$0x3], $0x2800, $0x38;
	[tilespmem:$0x1E378] =	vst v63  }
0x2c4: {  	_ =	swait.ge [sflag:s15], $0x2800  }
0x2c5: {  	s22 =	sld [smem:$0x7E7]  }
0x2c6: {  	[sflag:s15] =	ssyncset.done $0x0  }
0x2c7: {  	[sflag:s15] =	ssyncadd.s32 $0xFFFFD800  }
0x2c8: {  	[spmem:s22] =	stream.linear.scatter [tilespmem:s14], [sflag:$0x3], $0x2800, $0x38;
	[tilespmem:$0x1E378] =	vst v63  }
0x2c9: {  	_ =	swait.ge [sflag:s15], $0x2800  }
0x2ca: {  	s23 =	sld [smem:$0x7E9]  }
0x2cb: {  	[sflag:s15] =	ssyncset.done $0x0  }
0x2cc: {  	[sflag:s15] =	ssyncadd.s32 $0xFFFFD800  }
0x2cd: {  	[spmem:s23] =	stream.linear.scatter [tilespmem:s14], [sflag:$0x3], $0x2800, $0x38;
	[tilespmem:$0x1E378] =	vst v63  }
0x2ce: {  	_ =	swait.ge [sflag:s15], $0x2800  }
0x2cf: {  	s24 =	sld [smem:$0x7E8]  }
0x2d0: {  	[sflag:s15] =	ssyncset.done $0x0  }
0x2d1: {  	[sflag:s15] =	ssyncadd.s32 $0xFFFFD800  }
0x2d2: {  	[spmem:s24] =	stream.linear.scatter [tilespmem:s14], [sflag:$0x3], $0x2800, $0x38;
	[tilespmem:$0x1E378] =	vst v63  }
0x2d3: {  	_ =	swait.ge [sflag:s15], $0x2800  }
0x2d4: {  	s25 =	sld [smem:$0x7EA]  }
0x2d5: {  	[sflag:s15] =	ssyncset.done $0x0  }
0x2d6: {  	[sflag:s15] =	ssyncadd.s32 $0xFFFFD800  }
0x2d7: {  	[spmem:s25] =	stream.linear.scatter [tilespmem:s14], [sflag:$0x3], $0x2800, $0x38;
	[tilespmem:$0x1E378] =	vst v63  }
0x2d8: {  	_ =	swait.ge [sflag:s15], $0x2800  }
0x2d9: {  	s26 =	sld [smem:$0x7EB]  }
0x2da: {  	[sflag:s15] =	ssyncset.done $0x0  }
0x2db: {  	[sflag:s15] =	ssyncadd.s32 $0xFFFFD800  }
0x2dc: {  	[spmem:s26] =	stream.linear.scatter [tilespmem:s14], [sflag:$0x3], $0x2800, $0x38;
	[tilespmem:$0x1E378] =	vst v63  }
0x2dd: {  	_ =	swait.ge [sflag:s15], $0x2800  }
0x2de: {  	s10 =	sld [smem:$0x7EC]  }
0x2df: {  	[sflag:s15] =	ssyncset.done $0x0  }
0x2e0: {  	[sflag:s15] =	ssyncadd.s32 $0xFFFFD800  }
0x2e1: {  	[spmem:s10] =	stream.linear.scatter [tilespmem:s14], [sflag:$0x3], $0x2800, $0x38;
	[tilespmem:$0x1E378] =	vst v63  }
0x2e2: {  	_ =	swait.ge [sflag:s15], $0x2800  }
0x2e3: {  	s22 =	sld [smem:$0x7ED]  }
0x2e4: {  	[sflag:s15] =	ssyncset.done $0x0  }
0x2e5: {  	[sflag:s15] =	ssyncadd.s32 $0xFFFFD800  }
0x2e6: {  	[spmem:s22] =	stream.linear.scatter [tilespmem:s14], [sflag:$0x3], $0x2800, $0x38;
	[tilespmem:$0x1E378] =	vst v63  }
0x2e7: {  	_ =	swait.ge [sflag:s15], $0x2800  }
0x2e8: {  	s23 =	sld [smem:$0x7EE]  }
0x2e9: {  	[sflag:s15] =	ssyncset.done $0x0  }
0x2ea: {  	[sflag:s15] =	ssyncadd.s32 $0xFFFFD800  }
0x2eb: {  	[spmem:s23] =	stream.linear.scatter [tilespmem:s14], [sflag:$0x3], $0x2800, $0x38;
	[tilespmem:$0x1E378] =	vst v63  }
0x2ec: {  	_ =	swait.ge [sflag:s15], $0x2800  }
0x2ed: {  	s24 =	sld [smem:$0x7EF]  }
0x2ee: {  	[sflag:s15] =	ssyncset.done $0x0  }
0x2ef: {  	[sflag:s15] =	ssyncadd.s32 $0xFFFFD800  }
0x2f0: {  	[spmem:s24] =	stream.linear.scatter [tilespmem:s14], [sflag:$0x3], $0x2800, $0x38;
	[tilespmem:$0x1E378] =	vst v63  }
0x2f1: {  	_ =	swait.ge [sflag:s15], $0x2800  }
0x2f2: {  	s25 =	sld [smem:$0x7F1]  }
0x2f3: {  	[sflag:s15] =	ssyncset.done $0x0  }
0x2f4: {  	[sflag:s15] =	ssyncadd.s32 $0xFFFFD800  }
0x2f5: {  	[spmem:s25] =	stream.linear.scatter [tilespmem:s14], [sflag:$0x3], $0x2800, $0x38;
	[tilespmem:$0x1E378] =	vst v63  }
0x2f6: {  	_ =	swait.ge [sflag:s15], $0x2800  }
0x2f7: {  	s26 =	sld [smem:$0x7F0]  }
0x2f8: {  	[sflag:s15] =	ssyncset.done $0x0  }
0x2f9: {  	[sflag:s15] =	ssyncadd.s32 $0xFFFFD800  }
0x2fa: {  	[spmem:s26] =	stream.linear.scatter [tilespmem:s14], [sflag:$0x3], $0x2800, $0x38;
	[tilespmem:$0x1E378] =	vst v63  }
0x2fb: {  	_ =	swait.ge [sflag:s15], $0x2800  }
0x2fc: {  	s10 =	sld [smem:$0x7F2]  }
0x2fd: {  	[sflag:s15] =	ssyncset.done $0x0  }
0x2fe: {  	[sflag:s15] =	ssyncadd.s32 $0xFFFFD800  }
0x2ff: {  	[spmem:s10] =	stream.linear.scatter [tilespmem:s14], [sflag:$0x3], $0x2800, $0x38;
	[tilespmem:$0x1E378] =	vst v63  }
0x300: {  	_ =	swait.ge [sflag:s15], $0x2800  }
0x301: {  	s22 =	sld [smem:$0x7F3]  }
0x302: {  	[sflag:s15] =	ssyncset.done $0x0  }
0x303: {  	[sflag:s15] =	ssyncadd.s32 $0xFFFFD800  }
0x304: {  	[spmem:s22] =	stream.linear.scatter [tilespmem:s14], [sflag:$0x3], $0x2800, $0x38;
	[tilespmem:$0x1E378] =	vst v63  }
0x305: {  	_ =	swait.ge [sflag:s15], $0x2800  }
0x306: {  	s23 =	sld [smem:$0x7F4]  }
0x307: {  	[sflag:s15] =	ssyncset.done $0x0  }
0x308: {  	[sflag:s15] =	ssyncadd.s32 $0xFFFFD800  }
0x309: {  	[spmem:s23] =	stream.linear.scatter [tilespmem:s14], [sflag:$0x3], $0x2800, $0x38;
	[tilespmem:$0x1E378] =	vst v63  }
0x30a: {  	_ =	swait.ge [sflag:s15], $0x2800  }
0x30b: {  	[sflag:s15] =	ssyncset.done $0x0  }
0x30c: {  	[sflag:s15] =	ssyncadd.s32 $0xFFFFD800  }
0x30d: {  	[spmem:s4] =	stream.linear.scatter [tilespmem:s16], [sflag:$0x3], $0x400, $0x38;
	[tilespmem:$0x1E378] =	vst v63  }
0x30e: {  	_ =	swait.ge [sflag:s15], $0x400  }
0x30f: {  	s24 =	sld [smem:$0x7F5]  }
0x310: {  	[sflag:s15] =	ssyncset.done $0x0  }
0x311: {  	[sflag:s15] =	ssyncadd.s32 $0xFFFFFC00  }
0x312: {  	[spmem:s24] =	stream.linear.scatter [tilespmem:s16], [sflag:$0x3], $0x400, $0x38;
	[tilespmem:$0x1E378] =	vst v63  }
0x313: {  	_ =	swait.ge [sflag:s15], $0x400  }
0x314: {  	s25 =	sld [smem:$0x7F6]  }
0x315: {  	[sflag:s15] =	ssyncset.done $0x0  }
0x316: {  	[sflag:s15] =	ssyncadd.s32 $0xFFFFFC00  }
0x317: {  	[spmem:s25] =	stream.linear.scatter [tilespmem:s16], [sflag:$0x3], $0x400, $0x38;
	[tilespmem:$0x1E378] =	vst v63  }
0x318: {  	_ =	swait.ge [sflag:s15], $0x400  }
0x319: {  	s26 =	sld [smem:$0x7F7]  }
0x31a: {  	[sflag:s15] =	ssyncset.done $0x0  }
0x31b: {  	[sflag:s15] =	ssyncadd.s32 $0xFFFFFC00  }
0x31c: {  	[spmem:s26] =	stream.linear.scatter [tilespmem:s16], [sflag:$0x3], $0x400, $0x38;
	[tilespmem:$0x1E378] =	vst v63  }
0x31d: {  	_ =	swait.ge [sflag:s15], $0x400  }
0x31e: {  	s10 =	sld [smem:$0x7F8]  }
0x31f: {  	[sflag:s15] =	ssyncset.done $0x0  }
0x320: {  	[sflag:s15] =	ssyncadd.s32 $0xFFFFFC00  }
0x321: {  	[spmem:s10] =	stream.linear.scatter [tilespmem:s16], [sflag:$0x3], $0x400, $0x38;
	[tilespmem:$0x1E378] =	vst v63  }
0x322: {  	_ =	swait.ge [sflag:s15], $0x400  }
0x323: {  	s22 =	sld [smem:$0x7F9]  }
0x324: {  	[sflag:s15] =	ssyncset.done $0x0  }
0x325: {  	[sflag:s15] =	ssyncadd.s32 $0xFFFFFC00  }
0x326: {  	[spmem:s22] =	stream.linear.scatter [tilespmem:s16], [sflag:$0x3], $0x400, $0x38;
	[tilespmem:$0x1E378] =	vst v63  }
0x327: {  	_ =	swait.ge [sflag:s15], $0x400  }
0x328: {  	s23 =	sld [smem:$0x7FA]  }
0x329: {  	[sflag:s15] =	ssyncset.done $0x0  }
0x32a: {  	[sflag:s15] =	ssyncadd.s32 $0xFFFFFC00  }
0x32b: {  	[spmem:s23] =	stream.linear.scatter [tilespmem:s16], [sflag:$0x3], $0x400, $0x38;
	[tilespmem:$0x1E378] =	vst v63  }
0x32c: {  	_ =	swait.ge [sflag:s15], $0x400  }
0x32d: {  	s24 =	sld [smem:$0x7FB]  }
0x32e: {  	[sflag:s15] =	ssyncset.done $0x0  }
0x32f: {  	[sflag:s15] =	ssyncadd.s32 $0xFFFFFC00  }
0x330: {  	[spmem:s24] =	stream.linear.scatter [tilespmem:s16], [sflag:$0x3], $0x400, $0x38;
	[tilespmem:$0x1E378] =	vst v63  }
0x331: {  	_ =	swait.ge [sflag:s15], $0x400  }
0x332: {  	s25 =	sld [smem:$0x7FC]  }
0x333: {  	[sflag:s15] =	ssyncset.done $0x0  }
0x334: {  	[sflag:s15] =	ssyncadd.s32 $0xFFFFFC00  }
0x335: {  	[spmem:s25] =	stream.linear.scatter [tilespmem:s16], [sflag:$0x3], $0x400, $0x38;
	[tilespmem:$0x1E378] =	vst v63  }
0x336: {  	_ =	swait.ge [sflag:s15], $0x400  }
0x337: {  	s26 =	sld [smem:$0x7FD]  }
0x338: {  	[sflag:s15] =	ssyncset.done $0x0  }
0x339: {  	[sflag:s15] =	ssyncadd.s32 $0xFFFFFC00  }
0x33a: {  	[spmem:s26] =	stream.linear.scatter [tilespmem:s16], [sflag:$0x3], $0x310, $0x38;
	[tilespmem:$0x1E378] =	vst v63  }
0x33b: {  	_ =	swait.ge [sflag:s15], $0x310  }
0x33c: {  	[sflag:s15] =	ssyncset.done $0x0  }
0x33d: {  	[sflag:s15] =	ssyncadd.s32 $0xFFFFFCF0  }
.LBB2_7:
0x33e: {  	[bflag:$0x0] =	sbarrier.arrive $0xFFFF  }
0x33f: {  	s22 =	simm.s32 $0x0;
	s9 =	rddreg [dreg:$0x11]  }
0x340: {  	[tilespmem:s22], [sflag:$0x1] =	stream.linear.gather [hbm4b:s9+s22], $0x50, $0x38;
	[tilespmem:$0x1E378] =	vst v63  }
0x341: {  	s23 =	rddreg [dreg:$0x12]  }
0x342: {  	[tilespmem:s17], [sflag:$0x1] =	stream.linear.gather [hbm4b:s23+s22], $0x50, $0x38;
	[tilespmem:$0x1E378] =	vst v63  }
0x343: {  	_ =	swait.ge [sflag:s18], $0x50  }
0x344: {  	[sflag:s18] =	ssyncset.done $0x0  }
0x345: {  	[sflag:s18] =	ssyncadd.s32 $0xFFFFFFB0  }
0x346: {  	_ =	swait.ge [sflag:s18], $0x50  }
0x347: {  	[sflag:s18] =	ssyncset.done $0x0  }
0x348: {  	s24 =	simm.s32 $0x200;
	[sflag:s18] =	ssyncadd.s32 $0xFFFFFFB0  }
0x349: {  	[tilespmem:s24], [sflag:$0x1] =	stream.indirect.gather [hbm4b:s6+s20], $0x1, s22, s20, $0xb8;
	[tilespmem:$0x1E378] =	vst v63  }
.Ltmp5:
0x34a: {  	_ = 	snop;
	(pc) =	sbr.rel .LBB2_8-.Ltmp5, $4  }
0x34b: {  	s25 =	simm.s32 $0x300  }
0x34c: {  	[tilespmem:s25], [sflag:$0x1] =	stream.indirect.gather [hbm4b:s7+s20], $0x1, s17, s20, $0xb8;
	[tilespmem:$0x1E378] =	vst v63  }
0x34d: {  	s26 =	simm.s32 $0x480;
	s25 =	simm.s32 $0x0  }
0x34e: {  	[tilespmem:s26], [sflag:$0x1] =	stream.indirect.gather [hbm4b:s1+s20], $0x80, s22, s20, $0xb8;
	[tilespmem:$0x1E378] =	vst v63  }
.LBB2_14:
0x34f: {  	s25 =	sadd.s32 $0x1, s25  }
0x350: {  	p3 =	sne.s32 s25, $0x3F  }
.Ltmp6:
0x351: {  	_ = 	snop;
	(pc) =	sbr.rel @!p3 .LBB2_15-.Ltmp6, $1  }
0x352: {  	_ =	sdelay $0x3  }
.LBB2_8:
0x353: {  	s9 =	sshllo.u32 s25, $0x1  }
0x354: {  	p3 =	sgt.u32 s9, $0x7C  }
0x355: {  	s9 =	smul.u32 @!p3 $0x50, s9;
	_ =	sdelay $0x1  }
0x356: {  	s9 =	sadd.s32 @!p3 s19, s9  }
0x357: {  	s9 =	sshrl.u32 @!p3 s9, $0x3  }
0x358: {  	s26 =	simm.s32 @!p3 $0x0;
	s23 =	simm.s32 @!p3 $0x80;
	s10 =	sadd.s32 @!p3 s8, s9  }
0x359: {  	[tilespmem:s23], [sflag:$0x2] =	stream.linear.gather @!p3 [hbm4b:s10+s26], $0x50, $0x38;
	[tilespmem:$0x1E378] =	vst v63  }
0x35a: {  	s9 =	sadd.s32 @!p3 s2, s9;
	s10 =	simm.s32 @!p3 $0x180  }
0x35b: {  	[tilespmem:s10], [sflag:$0x2] =	stream.linear.gather @!p3 [hbm4b:s9+s26], $0x50, $0x38;
	[tilespmem:$0x1E378] =	vst v63  }
0x35c: {  	s9 =	simm.s32 @!p3 $0x2  }
0x35d: {  	_ =	swait.ge @!p3 [sflag:s9], $0x50  }
0x35e: {  	[sflag:s9] =	ssyncset.done @!p3 $0x0  }
0x35f: {  	[sflag:s9] =	ssyncadd.s32 @!p3 $0xFFFFFFB0  }
0x360: {  	_ =	swait.ge @!p3 [sflag:s9], $0x50  }
0x361: {  	[sflag:s9] =	ssyncset.done @!p3 $0x0  }
0x362: {  	s26 =	simm.s32 @!p3 $0x280;
	[sflag:s9] =	ssyncadd.s32 @!p3 $0xFFFFFFB0;
	s9 =	simm.s32 @!p3 $0x50  }
0x363: {  	[tilespmem:s26], [sflag:$0x2] =	stream.indirect.gather @!p3 [hbm4b:s6+s9], $0x1, s23, s9, $0xb8;
	[tilespmem:$0x1E378] =	vst v63  }
0x364: {  	s26 =	simm.s32 @!p3 $0x380  }
0x365: {  	[tilespmem:s26], [sflag:$0x2] =	stream.indirect.gather @!p3 [hbm4b:s7+s9], $0x1, s10, s9, $0xb8;
	[tilespmem:$0x1E378] =	vst v63  }
0x366: {  	s10 =	simm.s32 @!p3 $0x2C80  }
0x367: {  	[tilespmem:s10], [sflag:$0x2] =	stream.indirect.gather @!p3 [hbm4b:s1+s9], $0x80, s23, s9, $0xb8;
	[tilespmem:$0x1E378] =	vst v63  }
0x368: {  	_ =	swait.ge [sflag:s18], $0x50  }
0x369: {  	[sflag:s18] =	ssyncset.done $0x0  }
0x36a: {  	[sflag:s18] =	ssyncadd.s32 $0xFFFFFFB0  }
0x36b: {  	_ =	swait.ge [sflag:s18], $0x50  }
0x36c: {  	[sflag:s18] =	ssyncset.done $0x0  }
0x36d: {  	[sflag:s18] =	ssyncadd.s32 $0xFFFFFFB0  }
0x36e: {  	_ =	swait.ge [sflag:s18], $0x2800  }
0x36f: {  	[sflag:s18] =	ssyncset.done $0x0  }
0x370: {  	[sflag:s18] =	ssyncadd.s32 $0xFFFFD800  }
0x371: {  	v1 =	vld [tilespmem:$0x200]  }
0x372: {  	v2 =	vld [tilespmem:$0x300]  }
0x373: {  	v3 =	vld [tilespmem:$0x210]  }
0x374: {  	v4 =	vld [tilespmem:$0x310]  }
0x375: {  	v5 =	vld [tilespmem:$0x220]  }
0x376: {  	v6 =	vld [tilespmem:$0x320]  }
0x377: {  	v7 =	vld [tilespmem:$0x330];
	v1 =	vadd.f32 v2, v1  }
0x378: {  	v9 =	vld [tilespmem:$0x240]  }
0x379: {  	v2 =	vld [tilespmem:$0x230];
	v8 =	vmul.f32 $2.000000030e-01, v1  }
0x37a: {  	v10 =	vld [tilespmem:$0x340];
	vm0 =	vge.f32 v1, $0.0e+00  }
0x37b: {  	v3 =	vadd.f32 v4, v3;
	v1 =	vsel vm0, v1, v8  }
0x37c: {  	v1 =	vmul.f32 $1.442695020e+00, v1  }
0x37d: {  	v4 =	vadd.f32 v6, v5;
	v5 =	vmul.f32 $2.000000030e-01, v3  }
0x37e: {  	vm12 =	vge.f32 v3, $0.0e+00;
	(erf) = vpow2.f32 v1;
	v1 =	vadd.f32 v7, v2  }
0x37f: {  	v2 =	vsel vm12, v3, v5;
	v3 =	vmul.f32 $2.000000030e-01, v4;
	v5 =	vadd.f32 v10, v9  }
0x380: {  	vm13 =	vge.f32 v4, $0.0e+00;
	v2 =	vmul.f32 $1.442695020e+00, v2;
	v63 =	vmul.f32 $2.000000030e-01, v1  }
0x381: {  	v3 =	vsel vm13, v4, v3;
	vm14 =	vge.f32 v1, $0.0e+00;
	v4 =	vmul.f32 $2.000000030e-01, v5  }
0x382: {  	vm15 =	vge.f32 v5, $0.0e+00;
	v3 =	vmul.f32 $1.442695020e+00, v3;
	v1 =	vsel vm14, v1, v63  }
0x383: {  	(erf) = vpow2.f32 v2;
	v2 =	vsel vm15, v5, v4;
	v1 =	vmul.f32 $1.442695020e+00, v1  }
0x384: {  	(erf) = vpow2.f32 v3;
	v2 =	vmul.f32 $1.442695020e+00, v2  }
0x385: {  	(erf) = vpow2.f32 v1  }
0x386: {  	(erf) = vpow2.f32 v2;
	_ =	sdelay $0x4  }
0x387: {  	v1 =	vpop (erf)  }
0x388: {  	[tilespmem:$0x400] =	vst v1;
	v2 =	vpop (erf)  }
0x389: {  	[tilespmem:$0x410] =	vst v2;
	v1 =	vpop (erf)  }
0x38a: {  	[tilespmem:$0x420] =	vst v1;
	v2 =	vpop (erf)  }
0x38b: {  	[tilespmem:$0x430] =	vst v2;
	v1 =	vpop (erf)  }
0x38c: {  	[tilespmem:$0x440] =	vst v1;
	v1 =	vmov s22  }
0x38d: {  	[spmem:s4] =	stream.indirect.scatter.add.f32 [tilespmem:s28], [sflag:$0x4], $0x1, s17, s20, $0xb8;
	[tilespmem:$0x1E378] =	vst v63  }
0x38e: {  	_ =	swait.ge [sflag:s29], $0x50  }
0x38f: {  	[sflag:s29] =	ssyncset.done $0x0  }
0x390: {  	[sflag:s29] =	ssyncadd.s32 $0xFFFFFFB0  }
0x391: {  	s26 =	simm.s32 $0x4C0;
	v1 =	vld.idx.msk [tilespmem:v1+s28+$0x0], $0xffff  }
0x392: {  	v2 =	vld [tilespmem:s26+$0xFFFFFFC0];
	_ =	sdelay $0x4  }
0x393: {  	v2 =	vmul.f32 v2, v1  }
0x394: {  	s9 =	simm.s32 $0x54C0  }
0x395: {  	[tilespmem:s9+$0xFFFFFFC0] =	vst v2  }
0x396: {  	v2 =	vld [tilespmem:s26+$0xFFFFFFD0];
	_ =	sdelay $0x4  }
0x397: {  	v2 =	vmul.f32 v2, v1;
	_ =	sdelay $0x1  }
0x398: {  	[tilespmem:s9+$0xFFFFFFD0] =	vst v2  }
0x399: {  	v2 =	vld [tilespmem:s26+$0xFFFFFFE0];
	_ =	sdelay $0x4  }
0x39a: {  	v2 =	vmul.f32 v2, v1;
	_ =	sdelay $0x1  }
0x39b: {  	[tilespmem:s9+$0xFFFFFFE0] =	vst v2  }
0x39c: {  	v2 =	vld [tilespmem:s26+$0xFFFFFFF0];
	_ =	sdelay $0x4  }
0x39d: {  	v2 =	vmul.f32 v2, v1;
	_ =	sdelay $0x1  }
0x39e: {  	[tilespmem:s9+$0xFFFFFFF0] =	vst v2  }
0x39f: {  	v2 =	vld [tilespmem:s26+$0x0];
	_ =	sdelay $0x4  }
0x3a0: {  	v2 =	vmul.f32 v2, v1;
	_ =	sdelay $0x1  }
0x3a1: {  	[tilespmem:s9+$0x0] =	vst v2  }
0x3a2: {  	v2 =	vld [tilespmem:s26+$0x10];
	_ =	sdelay $0x4  }
0x3a3: {  	v2 =	vmul.f32 v2, v1;
	_ =	sdelay $0x1  }
0x3a4: {  	[tilespmem:s9+$0x10] =	vst v2  }
0x3a5: {  	v2 =	vld [tilespmem:s26+$0x20];
	_ =	sdelay $0x4  }
0x3a6: {  	v2 =	vmul.f32 v2, v1;
	_ =	sdelay $0x1  }
0x3a7: {  	[tilespmem:s9+$0x20] =	vst v2  }
0x3a8: {  	v3 =	vld [tilespmem:s26+$0x30];
	_ =	sdelay $0x1  }
0x3a9: {  	s24 =	simm.s32 $0x1  }
0x3aa: {  	s10 =	simm.s32 $0x2;
	v2 =	vmov s24  }
.LBB2_9:
0x3ab: {  	p4 =	sne.s32 s10, $0x4F  }
0x3ac: {  	v1 =	vmul.f32 v3, v1;
	_ =	sdelay $0x1  }
0x3ad: {  	[tilespmem:s9+$0x30] =	vst v1  }
0x3ae: {  	s26 =	sadd.s32 $0x80, s26;
	v1 =	vld.idx.msk [tilespmem:v2+s28+$0x0], $0xffff  }
0x3af: {  	v2 =	vld [tilespmem:s26+$0xFFFFFFC0];
	_ =	sdelay $0x4  }
0x3b0: {  	v2 =	vmul.f32 v2, v1  }
0x3b1: {  	s9 =	sadd.s32 $0x80, s9  }
0x3b2: {  	[tilespmem:s9+$0xFFFFFFC0] =	vst v2  }
0x3b3: {  	v2 =	vld [tilespmem:s26+$0xFFFFFFD0];
	_ =	sdelay $0x4  }
0x3b4: {  	v2 =	vmul.f32 v2, v1;
	_ =	sdelay $0x1  }
0x3b5: {  	[tilespmem:s9+$0xFFFFFFD0] =	vst v2  }
0x3b6: {  	v2 =	vld [tilespmem:s26+$0xFFFFFFE0];
	_ =	sdelay $0x4  }
0x3b7: {  	v2 =	vmul.f32 v2, v1;
	_ =	sdelay $0x1  }
0x3b8: {  	[tilespmem:s9+$0xFFFFFFE0] =	vst v2  }
0x3b9: {  	v2 =	vld [tilespmem:s26+$0xFFFFFFF0];
	_ =	sdelay $0x4  }
0x3ba: {  	v2 =	vmul.f32 v2, v1;
	_ =	sdelay $0x1  }
0x3bb: {  	[tilespmem:s9+$0xFFFFFFF0] =	vst v2  }
0x3bc: {  	v2 =	vld [tilespmem:s26+$0x0];
	_ =	sdelay $0x4  }
0x3bd: {  	v2 =	vmul.f32 v2, v1;
	_ =	sdelay $0x1  }
0x3be: {  	[tilespmem:s9+$0x0] =	vst v2  }
0x3bf: {  	v2 =	vld [tilespmem:s26+$0x10];
	_ =	sdelay $0x4  }
0x3c0: {  	v2 =	vmul.f32 v2, v1;
	_ =	sdelay $0x1  }
0x3c1: {  	[tilespmem:s9+$0x10] =	vst v2  }
0x3c2: {  	v2 =	vld [tilespmem:s26+$0x20];
	_ =	sdelay $0x4  }
0x3c3: {  	v2 =	vmul.f32 v2, v1;
	_ =	sdelay $0x1  }
.Ltmp7:
0x3c4: {  	[tilespmem:s9+$0x20] =	vst v2;
	(pc) =	sbr.rel @p4 .LBB2_9-.Ltmp7, $2  }
0x3c5: {  	v3 =	vld [tilespmem:s26+$0x30];
	_ =	sdelay $0x2  }
0x3c6: {  	v2 =	vmov s10;
	s10 =	sadd.s32 $0x1, s10  }
0x3c7: {  	_ = 	snop  }
0x3c8: {  	v1 =	vmul.f32 v3, v1;
	_ =	sdelay $0x1  }
0x3c9: {  	[tilespmem:s9+$0x30] =	vst v1  }
0x3ca: {  	s10 =	sadd.s32 $0x80, s26;
	v1 =	vld.idx.msk [tilespmem:v2+s28+$0x0], $0xffff  }
0x3cb: {  	v2 =	vld [tilespmem:s10+$0xFFFFFFC0];
	_ =	sdelay $0x4  }
0x3cc: {  	v2 =	vmul.f32 v2, v1  }
0x3cd: {  	s26 =	sadd.s32 $0x80, s9  }
0x3ce: {  	[tilespmem:s26+$0xFFFFFFC0] =	vst v2  }
0x3cf: {  	v2 =	vld [tilespmem:s10+$0xFFFFFFD0];
	_ =	sdelay $0x4  }
0x3d0: {  	v2 =	vmul.f32 v2, v1;
	_ =	sdelay $0x1  }
0x3d1: {  	[tilespmem:s26+$0xFFFFFFD0] =	vst v2  }
0x3d2: {  	v2 =	vld [tilespmem:s10+$0xFFFFFFE0];
	_ =	sdelay $0x4  }
0x3d3: {  	v2 =	vmul.f32 v2, v1;
	_ =	sdelay $0x1  }
0x3d4: {  	[tilespmem:s26+$0xFFFFFFE0] =	vst v2  }
0x3d5: {  	v2 =	vld [tilespmem:s10+$0xFFFFFFF0];
	_ =	sdelay $0x4  }
0x3d6: {  	v2 =	vmul.f32 v2, v1;
	_ =	sdelay $0x1  }
0x3d7: {  	[tilespmem:s26+$0xFFFFFFF0] =	vst v2  }
0x3d8: {  	v2 =	vld [tilespmem:s10+$0x0];
	_ =	sdelay $0x4  }
0x3d9: {  	v2 =	vmul.f32 v2, v1;
	_ =	sdelay $0x1  }
0x3da: {  	[tilespmem:s26+$0x0] =	vst v2  }
0x3db: {  	v2 =	vld [tilespmem:s10+$0x10];
	_ =	sdelay $0x4  }
0x3dc: {  	v2 =	vmul.f32 v2, v1;
	_ =	sdelay $0x1  }
0x3dd: {  	[tilespmem:s26+$0x10] =	vst v2  }
0x3de: {  	v2 =	vld [tilespmem:s10+$0x20];
	_ =	sdelay $0x4  }
0x3df: {  	v2 =	vmul.f32 v2, v1;
	_ =	sdelay $0x1  }
0x3e0: {  	[tilespmem:s26+$0x20] =	vst v2  }
0x3e1: {  	v2 =	vld [tilespmem:s10+$0x30];
	_ =	sdelay $0x4  }
0x3e2: {  	v1 =	vmul.f32 v2, v1  }
0x3e3: {  	p4 =	seq.s32 s25, $0x3E  }
0x3e4: {  	s9 =	smul.u32 @!p4 $0xA0, s25;
	[tilespmem:s26+$0x30] =	vst v1  }
0x3e5: {  	[spmem:s3] =	stream.indirect.scatter.add.f32 [tilespmem:s30], [sflag:$0x4], $0x80, s17, s20, $0xb8;
	[tilespmem:$0x1E378] =	vst v63  }
0x3e6: {  	s9 =	sadd.s32 @!p4 s9, s0;
	_ =	swait.ge [sflag:s29], $0x2800  }
0x3e7: {  	s9 =	sshrl.u32 @!p4 s9, $0x3;
	[sflag:s29] =	ssyncset.done $0x0  }
0x3e8: {  	s23 =	simm.s32 @!p4 $0x0;
	s10 =	sadd.s32 @!p4 s8, s9;
	[sflag:s29] =	ssyncadd.s32 $0xFFFFD800  }
0x3e9: {  	[tilespmem:s23], [sflag:$0x1] =	stream.linear.gather @!p4 [hbm4b:s10+s23], $0x50, $0x38;
	[tilespmem:$0x1E378] =	vst v63  }
0x3ea: {  	s9 =	sadd.s32 @!p4 s2, s9;
	s10 =	simm.s32 @!p4 $0x100  }
0x3eb: {  	[tilespmem:s10], [sflag:$0x1] =	stream.linear.gather @!p4 [hbm4b:s9+s23], $0x50, $0x38;
	[tilespmem:$0x1E378] =	vst v63  }
0x3ec: {  	s9 =	simm.s32 @!p4 $0x1  }
0x3ed: {  	_ =	swait.ge @!p4 [sflag:s9], $0x50  }
0x3ee: {  	[sflag:s9] =	ssyncset.done @!p4 $0x0  }
0x3ef: {  	[sflag:s9] =	ssyncadd.s32 @!p4 $0xFFFFFFB0  }
0x3f0: {  	_ =	swait.ge @!p4 [sflag:s9], $0x50  }
0x3f1: {  	[sflag:s9] =	ssyncset.done @!p4 $0x0  }
0x3f2: {  	s26 =	simm.s32 @!p4 $0x200;
	[sflag:s9] =	ssyncadd.s32 @!p4 $0xFFFFFFB0;
	s9 =	simm.s32 @!p4 $0x50  }
0x3f3: {  	[tilespmem:s26], [sflag:$0x1] =	stream.indirect.gather @!p4 [hbm4b:s6+s9], $0x1, s23, s9, $0xb8;
	[tilespmem:$0x1E378] =	vst v63  }
.Ltmp8:
0x3f4: {  	_ = 	snop;
	(pc) =	sbr.rel @p3 .LBB2_14-.Ltmp8, $4  }
0x3f5: {  	s26 =	simm.s32 @!p4 $0x300  }
0x3f6: {  	[tilespmem:s26], [sflag:$0x1] =	stream.indirect.gather @!p4 [hbm4b:s7+s9], $0x1, s10, s9, $0xb8;
	[tilespmem:$0x1E378] =	vst v63  }
0x3f7: {  	s10 =	simm.s32 @!p4 $0x480  }
0x3f8: {  	[tilespmem:s10], [sflag:$0x1] =	stream.indirect.gather @!p4 [hbm4b:s1+s9], $0x80, s23, s9, $0xb8;
	[tilespmem:$0x1E378] =	vst v63  }
0x3f9: {  	_ =	swait.ge [sflag:s31], $0x50  }
0x3fa: {  	[sflag:s31] =	ssyncset.done $0x0  }
0x3fb: {  	[sflag:s31] =	ssyncadd.s32 $0xFFFFFFB0  }
0x3fc: {  	_ =	swait.ge [sflag:s31], $0x50  }
0x3fd: {  	[sflag:s31] =	ssyncset.done $0x0  }
0x3fe: {  	[sflag:s31] =	ssyncadd.s32 $0xFFFFFFB0  }
0x3ff: {  	_ =	swait.ge [sflag:s31], $0x2800  }
0x400: {  	[sflag:s31] =	ssyncset.done $0x0  }
0x401: {  	[sflag:s31] =	ssyncadd.s32 $0xFFFFD800  }
0x402: {  	v1 =	vld [tilespmem:$0x280]  }
0x403: {  	v2 =	vld [tilespmem:$0x380]  }
0x404: {  	v3 =	vld [tilespmem:$0x290]  }
0x405: {  	v4 =	vld [tilespmem:$0x390]  }
0x406: {  	v5 =	vld [tilespmem:$0x2A0]  }
0x407: {  	v6 =	vld [tilespmem:$0x3A0]  }
0x408: {  	v7 =	vld [tilespmem:$0x3B0];
	v1 =	vadd.f32 v2, v1  }
0x409: {  	v9 =	vld [tilespmem:$0x2C0]  }
0x40a: {  	v2 =	vld [tilespmem:$0x2B0];
	v8 =	vmul.f32 $2.000000030e-01, v1  }
0x40b: {  	v10 =	vld [tilespmem:$0x3C0];
	vm0 =	vge.f32 v1, $0.0e+00  }
0x40c: {  	v3 =	vadd.f32 v4, v3;
	v1 =	vsel vm0, v1, v8  }
0x40d: {  	v1 =	vmul.f32 $1.442695020e+00, v1  }
0x40e: {  	v4 =	vadd.f32 v6, v5;
	v5 =	vmul.f32 $2.000000030e-01, v3  }
0x40f: {  	vm12 =	vge.f32 v3, $0.0e+00;
	(erf) = vpow2.f32 v1;
	v1 =	vadd.f32 v7, v2  }
0x410: {  	v2 =	vsel vm12, v3, v5;
	v3 =	vmul.f32 $2.000000030e-01, v4;
	v5 =	vadd.f32 v10, v9  }
0x411: {  	vm13 =	vge.f32 v4, $0.0e+00;
	v2 =	vmul.f32 $1.442695020e+00, v2;
	v63 =	vmul.f32 $2.000000030e-01, v1  }
0x412: {  	v3 =	vsel vm13, v4, v3;
	vm14 =	vge.f32 v1, $0.0e+00;
	v4 =	vmul.f32 $2.000000030e-01, v5  }
0x413: {  	vm15 =	vge.f32 v5, $0.0e+00;
	v3 =	vmul.f32 $1.442695020e+00, v3;
	v1 =	vsel vm14, v1, v63  }
0x414: {  	(erf) = vpow2.f32 v2;
	v2 =	vsel vm15, v5, v4;
	v1 =	vmul.f32 $1.442695020e+00, v1  }
0x415: {  	(erf) = vpow2.f32 v3;
	v2 =	vmul.f32 $1.442695020e+00, v2  }
0x416: {  	(erf) = vpow2.f32 v1  }
0x417: {  	(erf) = vpow2.f32 v2;
	_ =	sdelay $0x4  }
0x418: {  	v1 =	vpop (erf)  }
0x419: {  	[tilespmem:$0x400] =	vst v1;
	v2 =	vpop (erf)  }
0x41a: {  	[tilespmem:$0x410] =	vst v2;
	v1 =	vpop (erf)  }
0x41b: {  	[tilespmem:$0x420] =	vst v1;
	v2 =	vpop (erf)  }
0x41c: {  	s9 =	simm.s32 $0x0;
	[tilespmem:$0x430] =	vst v2;
	v1 =	vpop (erf)  }
0x41d: {  	[tilespmem:$0x440] =	vst v1;
	v1 =	vmov s9  }
0x41e: {  	[spmem:s4] =	stream.indirect.scatter.add.f32 [tilespmem:s28], [sflag:$0x4], $0x1, s11, s20, $0xb8;
	[tilespmem:$0x1E378] =	vst v63  }
0x41f: {  	_ =	swait.ge [sflag:s29], $0x50  }
0x420: {  	[sflag:s29] =	ssyncset.done $0x0  }
0x421: {  	[sflag:s29] =	ssyncadd.s32 $0xFFFFFFB0  }
0x422: {  	s26 =	simm.s32 $0x2CC0;
	v1 =	vld.idx.msk [tilespmem:v1+s28+$0x0], $0xffff  }
0x423: {  	v2 =	vld [tilespmem:s26+$0xFFFFFFC0];
	_ =	sdelay $0x4  }
0x424: {  	v2 =	vmul.f32 v2, v1  }
0x425: {  	s9 =	simm.s32 $0x54C0  }
0x426: {  	[tilespmem:s9+$0xFFFFFFC0] =	vst v2  }
0x427: {  	v2 =	vld [tilespmem:s26+$0xFFFFFFD0];
	_ =	sdelay $0x4  }
0x428: {  	v2 =	vmul.f32 v2, v1;
	_ =	sdelay $0x1  }
0x429: {  	[tilespmem:s9+$0xFFFFFFD0] =	vst v2  }
0x42a: {  	v2 =	vld [tilespmem:s26+$0xFFFFFFE0];
	_ =	sdelay $0x4  }
0x42b: {  	v2 =	vmul.f32 v2, v1;
	_ =	sdelay $0x1  }
0x42c: {  	[tilespmem:s9+$0xFFFFFFE0] =	vst v2  }
0x42d: {  	v2 =	vld [tilespmem:s26+$0xFFFFFFF0];
	_ =	sdelay $0x4  }
0x42e: {  	v2 =	vmul.f32 v2, v1;
	_ =	sdelay $0x1  }
0x42f: {  	[tilespmem:s9+$0xFFFFFFF0] =	vst v2  }
0x430: {  	v2 =	vld [tilespmem:s26+$0x0];
	_ =	sdelay $0x4  }
0x431: {  	v2 =	vmul.f32 v2, v1;
	_ =	sdelay $0x1  }
0x432: {  	[tilespmem:s9+$0x0] =	vst v2  }
0x433: {  	v2 =	vld [tilespmem:s26+$0x10];
	_ =	sdelay $0x4  }
0x434: {  	v2 =	vmul.f32 v2, v1;
	_ =	sdelay $0x1  }
0x435: {  	[tilespmem:s9+$0x10] =	vst v2  }
0x436: {  	v2 =	vld [tilespmem:s26+$0x20];
	_ =	sdelay $0x4  }
0x437: {  	v2 =	vmul.f32 v2, v1;
	_ =	sdelay $0x1  }
0x438: {  	[tilespmem:s9+$0x20] =	vst v2  }
0x439: {  	v3 =	vld [tilespmem:s26+$0x30];
	_ =	sdelay $0x1  }
0x43a: {  	s10 =	simm.s32 $0x1  }
0x43b: {  	v2 =	vmov s10;
	s10 =	simm.s32 $0x2  }
.LBB2_12:
0x43c: {  	p3 =	sne.s32 s10, $0x4F  }
0x43d: {  	v1 =	vmul.f32 v3, v1;
	_ =	sdelay $0x1  }
0x43e: {  	[tilespmem:s9+$0x30] =	vst v1  }
0x43f: {  	s26 =	sadd.s32 $0x80, s26;
	v1 =	vld.idx.msk [tilespmem:v2+s28+$0x0], $0xffff  }
0x440: {  	v2 =	vld [tilespmem:s26+$0xFFFFFFC0];
	_ =	sdelay $0x4  }
0x441: {  	v2 =	vmul.f32 v2, v1  }
0x442: {  	s9 =	sadd.s32 $0x80, s9  }
0x443: {  	[tilespmem:s9+$0xFFFFFFC0] =	vst v2  }
0x444: {  	v2 =	vld [tilespmem:s26+$0xFFFFFFD0];
	_ =	sdelay $0x4  }
0x445: {  	v2 =	vmul.f32 v2, v1;
	_ =	sdelay $0x1  }
0x446: {  	[tilespmem:s9+$0xFFFFFFD0] =	vst v2  }
0x447: {  	v2 =	vld [tilespmem:s26+$0xFFFFFFE0];
	_ =	sdelay $0x4  }
0x448: {  	v2 =	vmul.f32 v2, v1;
	_ =	sdelay $0x1  }
0x449: {  	[tilespmem:s9+$0xFFFFFFE0] =	vst v2  }
0x44a: {  	v2 =	vld [tilespmem:s26+$0xFFFFFFF0];
	_ =	sdelay $0x4  }
0x44b: {  	v2 =	vmul.f32 v2, v1;
	_ =	sdelay $0x1  }
0x44c: {  	[tilespmem:s9+$0xFFFFFFF0] =	vst v2  }
0x44d: {  	v2 =	vld [tilespmem:s26+$0x0];
	_ =	sdelay $0x4  }
0x44e: {  	v2 =	vmul.f32 v2, v1;
	_ =	sdelay $0x1  }
0x44f: {  	[tilespmem:s9+$0x0] =	vst v2  }
0x450: {  	v2 =	vld [tilespmem:s26+$0x10];
	_ =	sdelay $0x4  }
0x451: {  	v2 =	vmul.f32 v2, v1;
	_ =	sdelay $0x1  }
0x452: {  	[tilespmem:s9+$0x10] =	vst v2  }
0x453: {  	v2 =	vld [tilespmem:s26+$0x20];
	_ =	sdelay $0x4  }
0x454: {  	v2 =	vmul.f32 v2, v1;
	_ =	sdelay $0x1  }
.Ltmp9:
0x455: {  	[tilespmem:s9+$0x20] =	vst v2;
	(pc) =	sbr.rel @p3 .LBB2_12-.Ltmp9, $2  }
0x456: {  	v3 =	vld [tilespmem:s26+$0x30];
	_ =	sdelay $0x2  }
0x457: {  	v2 =	vmov s10;
	s10 =	sadd.s32 $0x1, s10  }
0x458: {  	_ = 	snop  }
0x459: {  	v1 =	vmul.f32 v3, v1;
	_ =	sdelay $0x1  }
0x45a: {  	[tilespmem:s9+$0x30] =	vst v1  }
0x45b: {  	s10 =	sadd.s32 $0x80, s26;
	v1 =	vld.idx.msk [tilespmem:v2+s28+$0x0], $0xffff  }
0x45c: {  	v2 =	vld [tilespmem:s10+$0xFFFFFFC0];
	_ =	sdelay $0x4  }
0x45d: {  	v2 =	vmul.f32 v2, v1  }
0x45e: {  	s26 =	sadd.s32 $0x80, s9  }
0x45f: {  	[tilespmem:s26+$0xFFFFFFC0] =	vst v2  }
0x460: {  	v2 =	vld [tilespmem:s10+$0xFFFFFFD0];
	_ =	sdelay $0x4  }
0x461: {  	v2 =	vmul.f32 v2, v1;
	_ =	sdelay $0x1  }
0x462: {  	[tilespmem:s26+$0xFFFFFFD0] =	vst v2  }
0x463: {  	v2 =	vld [tilespmem:s10+$0xFFFFFFE0];
	_ =	sdelay $0x4  }
0x464: {  	v2 =	vmul.f32 v2, v1;
	_ =	sdelay $0x1  }
0x465: {  	[tilespmem:s26+$0xFFFFFFE0] =	vst v2  }
0x466: {  	v2 =	vld [tilespmem:s10+$0xFFFFFFF0];
	_ =	sdelay $0x4  }
0x467: {  	v2 =	vmul.f32 v2, v1;
	_ =	sdelay $0x1  }
0x468: {  	[tilespmem:s26+$0xFFFFFFF0] =	vst v2  }
0x469: {  	v2 =	vld [tilespmem:s10+$0x0];
	_ =	sdelay $0x4  }
0x46a: {  	v2 =	vmul.f32 v2, v1;
	_ =	sdelay $0x1  }
0x46b: {  	[tilespmem:s26+$0x0] =	vst v2  }
0x46c: {  	v2 =	vld [tilespmem:s10+$0x10];
	_ =	sdelay $0x4  }
0x46d: {  	v2 =	vmul.f32 v2, v1;
	_ =	sdelay $0x1  }
0x46e: {  	[tilespmem:s26+$0x10] =	vst v2  }
0x46f: {  	v2 =	vld [tilespmem:s10+$0x20];
	_ =	sdelay $0x4  }
0x470: {  	v2 =	vmul.f32 v2, v1;
	_ =	sdelay $0x1  }
0x471: {  	[tilespmem:s26+$0x20] =	vst v2  }
0x472: {  	v2 =	vld [tilespmem:s10+$0x30];
	_ =	sdelay $0x4  }
0x473: {  	v1 =	vmul.f32 v2, v1;
	_ =	sdelay $0x1  }
.Ltmp10:
0x474: {  	[tilespmem:s26+$0x30] =	vst v1;
	(pc) =	sbr.rel .LBB2_14-.Ltmp10, $4  }
0x475: {  	[spmem:s3] =	stream.indirect.scatter.add.f32 [tilespmem:s30], [sflag:$0x3], $0x80, s11, s20, $0xb8;
	[tilespmem:$0x1E378] =	vst v63  }
0x476: {  	_ =	swait.ge [sflag:s15], $0x2800  }
0x477: {  	[sflag:s15] =	ssyncset.done $0x0  }
0x478: {  	[sflag:s15] =	ssyncadd.s32 $0xFFFFD800  }
.LBB2_16:
0x479: {  	_ =	sfence.sel $0x180000  }
0x47a: {  	[bflag:$0x0] =	sbarrier.arrive $0xFFFF  }
0x47b: {  	_ =	strace $0x90000047  }
0x47c: {  	[bflag:$0x2] =	sbarrier.arrive $0xFFFF  }
0x47d: {  	s0 =	rddreg [dreg:$0x4]  }
0x47e: {  	s0 =	sadd.s32 @!p2 $0x100000, s0  }
0x47f: {  	[sflag:s0] =	ssyncadd.tile.s32 @!p2 $0x1;
	_ =	shalt  }
.Lfunc_end2:
_tile_overlayer_lowered:
.L_overlay_start_2:
0x480: {  	(tag) =	ssettag $0x2  }
0x481: {  	s0 =	rddreg [dreg:$0x0];
	s2 =	stileid.u32  }
0x482: {  	s1 =	rddreg [dreg:$0x1];
	p0 =	sne.s32 s2, $0x0  }
0x483: {  	s3 =	rddreg [dreg:$0x2];
	[bflag:$0x3] =	sbarrier.arrive $0xFFFF;
	s2 =	simm.s32 @!p0 $0x1C03  }
0x484: {  	[timem:s3], [sflag:s2] =	dma.local @!p0 [hbm:s0], s1  }
0x485: {  	s0 =	simm.s32 @!p0 $0x3  }
0x486: {  	_ =	swait.ge @!p0 [sflag:s0], s1  }
0x487: {  	s1 =	ssub.s32 @!p0 $0x0, s1;
	[sflag:s0] =	ssyncset.done @!p0 $0x0  }
0x488: {  	[sflag:s0] =	ssyncadd.s32 @!p0 s1  }
0x489: {  	[bflag:$0x3] =	sbarrier.arrive $0xFFFF  }
0x48a: {  	_ =	shalt  }

</sc_bundles>
